<compile_context>
chip_gen: v7x
topology: tpu7x:2x2x1
jax: 0.10.2.dev20260603
libtpu: 0.0.44.dev20260713+nightly
codegen_flags: <defaults>
</compile_context>

<pallas_src>
import functools

import jax
import jax.numpy as jnp
from jax import lax
from jax.experimental import pallas as pl
from jax.experimental.pallas import tpu as pltpu
from jax.experimental.pallas import tpu_sc as plsc

H = 256
B = 16
M = 16
L = 64
A = 4
NW = 32
MPW = (B * M) // NW


def _dense_body(feat_ref, pos_ref, W_l_ref, b_l_ref, W_pos_ref, W_enc1_ref,
                W_enc2_ref, h_ref):
    hl = jnp.dot(feat_ref[...], W_l_ref[...],
                 preferred_element_type=jnp.float32)
    hl = hl + b_l_ref[...]
    hl = hl + jnp.dot(pos_ref[...], W_pos_ref[...],
                      preferred_element_type=jnp.float32)
    act = jnp.maximum(
        jnp.dot(hl, W_enc1_ref[...], preferred_element_type=jnp.float32), 0.0)
    h_ref[...] = hl + jnp.dot(act, W_enc2_ref[...],
                              preferred_element_type=jnp.float32)


_dense_call = pl.pallas_call(
    _dense_body,
    out_shape=jax.ShapeDtypeStruct((B * L, H), jnp.float32),
)


def _gather_body(h_hbm, emb_hbm, wids_hbm, ma_hbm, x1_hbm, x2_hbm,
                 ma_v, wid_v, hrows_v, erows_v, x2_v, sem1, sem2):
    c = lax.axis_index("c")
    s = lax.axis_index("s")
    w = s * 2 + c
    b = w // 2
    pltpu.sync_copy(ma_hbm.at[pl.ds(w * (MPW * A), MPW * A)], ma_v)
    pltpu.sync_copy(wids_hbm.at[pl.ds(w * MPW, MPW)], wid_v)
    for i in range(0, MPW * A, 16):
        ma_v[pl.ds(i, 16)] = ma_v[pl.ds(i, 16)] + b * L
    pltpu.async_copy(h_hbm.at[ma_v], hrows_v, sem1).wait()
    pltpu.async_copy(emb_hbm.at[wid_v], erows_v, sem2).wait()
    for m in range(MPW):
        for k in range(0, H, 16):
            acc = hrows_v[A * m, pl.ds(k, 16)]
            for a in range(1, A):
                acc = acc + hrows_v[A * m + a, pl.ds(k, 16)]
            x2_v[m, pl.ds(k, 16)] = acc
    pltpu.sync_copy(erows_v, x1_hbm.at[pl.ds(w * MPW, MPW)])
    pltpu.sync_copy(x2_v, x2_hbm.at[pl.ds(w * MPW, MPW)])


@functools.cache
def _gather_call():
    return functools.partial(
        pl.kernel,
        out_type=[
            jax.ShapeDtypeStruct((B * M, H), jnp.float32),
            jax.ShapeDtypeStruct((B * M, H), jnp.float32),
        ],
        mesh=plsc.VectorSubcoreMesh(core_axis_name="c", subcore_axis_name="s"),
        compiler_params=pltpu.CompilerParams(needs_layout_passes=False),
        scratch_types=[
            pltpu.VMEM((MPW * A,), jnp.int32),
            pltpu.VMEM((MPW,), jnp.int32),
            pltpu.VMEM((MPW * A, H), jnp.float32),
            pltpu.VMEM((MPW, H), jnp.float32),
            pltpu.VMEM((MPW, H), jnp.float32),
            pltpu.SemaphoreType.DMA,
            pltpu.SemaphoreType.DMA,
        ],
    )(_gather_body)


def _logit_body(x1_ref, x2_ref, w4_ref, w5_ref, t_ref):
    t_ref[...] = (
        jnp.dot(x1_ref[...], w4_ref[...], preferred_element_type=jnp.float32)
        + jnp.dot(x2_ref[...], w5_ref[...], preferred_element_type=jnp.float32))


_logit_call = pl.pallas_call(
    _logit_body,
    out_shape=jax.ShapeDtypeStruct((B * M, 1), jnp.float32),
)


def _order_body(t_ref, vals_ref, idx_ref):
    t = t_ref[...]
    mx = jnp.max(t, axis=1, keepdims=True)
    un = jnp.exp(t - mx)
    p = un / jnp.sum(un, axis=1, keepdims=True)
    lane = lax.broadcasted_iota(jnp.int32, (B, M), 1)
    rank = jnp.zeros((B, M), jnp.int32)
    for j in range(M):
        tj = t[:, j:j + 1]
        beats = (tj > t) | ((tj == t) & (j < lane))
        rank = rank + beats.astype(jnp.int32)
    for k in range(M):
        sel = rank == k
        vals_ref[:, k:k + 1] = jnp.sum(jnp.where(sel, p, 0.0), axis=1,
                                       keepdims=True)
        idx_ref[:, k:k + 1] = jnp.sum(jnp.where(sel, lane, 0), axis=1,
                                      keepdims=True)


_order_call = pl.pallas_call(
    _order_body,
    out_shape=[
        jax.ShapeDtypeStruct((B, M), jnp.float32),
        jax.ShapeDtypeStruct((B, M), jnp.int32),
    ],
)


def kernel(batch_size, protein_pos, protein_atom_feature, ligand_pos,
           ligand_atom_feature, batch_protein, batch_ligand, residue_pos,
           res_idx, amino_acid, amino_acid_batch, atom2residue, ligand_wids,
           ligand_wids_batch, motif_atoms, motif_atom_index, motif_atoms_batch,
           W_p, b_p, W_l, b_l, W_pos, emb_table, W_enc1, W_enc2, W_res, emb_R,
           W_x, W_mlp, b_mlp):
    h = _dense_call(ligand_atom_feature, ligand_pos, W_l, b_l.reshape(1, H),
                    W_pos, W_enc1, W_enc2)
    x1, x2 = _gather_call()(h, emb_table, ligand_wids, motif_atoms)
    t = _logit_call(x1, x2, W_mlp[3 * H:4 * H], W_mlp[4 * H:5 * H])
    values, indices = _order_call(t.reshape(B, M))
    return (values.reshape(B, M, 1), indices.reshape(B, M, 1))

# --- scband reference (transcript-rebuilt; emitter-appended) ---
"""Pipeline reference for scband-ordering-generator-9028021256848 (READ-ONLY COPY).

The authoritative reference and input builder live on the scoring server;
editing this copy changes nothing except your own understanding.
"""

import jax, jax.numpy as jnp
import numpy as np

H = 256

def setup_inputs(seed: int = 0) -> dict:
    key = jax.random.key(seed)
    ks = jax.random.split(key, 24)
    B = 16
    NP, NL, NR, NM, NMA = 16384, 1024, 2048, 256, 1024
    inp = {}
    inp['batch_size'] = B
    inp['protein_pos'] = jax.random.normal(ks[0], (NP, 3), jnp.float32)
    inp['protein_atom_feature'] = jax.random.normal(ks[1], (NP, 27), jnp.float32)
    inp['ligand_pos'] = jax.random.normal(ks[2], (NL, 3), jnp.float32)
    inp['ligand_atom_feature'] = jax.random.normal(ks[3], (NL, 16), jnp.float32)
    inp['batch_protein'] = jnp.repeat(jnp.arange(B, dtype=jnp.int32), NP // B)
    inp['batch_ligand'] = jnp.repeat(jnp.arange(B, dtype=jnp.int32), NL // B)
    inp['residue_pos'] = jax.random.normal(ks[4], (NR, 3), jnp.float32)
    inp['res_idx'] = jax.random.randint(ks[5], (NR,), 0, 128, jnp.int32)
    inp['amino_acid'] = jax.random.randint(ks[6], (NR,), 0, 20, jnp.int32)
    inp['amino_acid_batch'] = jnp.repeat(jnp.arange(B, dtype=jnp.int32), NR // B)
    inp['atom2residue'] = jnp.repeat(jnp.arange(NR, dtype=jnp.int32), NP // NR)
    inp['ligand_wids'] = jax.random.randint(ks[7], (NM,), 0, 500, jnp.int32)
    inp['ligand_wids_batch'] = jnp.repeat(jnp.arange(B, dtype=jnp.int32), NM // B)
    inp['motif_atoms'] = jax.random.randint(ks[8], (NMA,), 0, NL // B, jnp.int32)
    M = NM // B
    A = NMA // NM
    inp['motif_atom_index'] = jnp.tile(jnp.repeat(jnp.arange(M, dtype=jnp.int32), A), B)
    inp['motif_atoms_batch'] = jnp.repeat(jnp.arange(B, dtype=jnp.int32), M * A)
    s = 0.05
    inp['W_p'] = jax.random.normal(ks[9], (27, H), jnp.float32) * s
    inp['b_p'] = jnp.zeros((H,), jnp.float32)
    inp['W_l'] = jax.random.normal(ks[10], (16, H), jnp.float32) * s
    inp['b_l'] = jnp.zeros((H,), jnp.float32)
    inp['W_pos'] = jax.random.normal(ks[11], (3, H), jnp.float32) * s
    inp['emb_table'] = jax.random.normal(ks[12], (501, H), jnp.float32) * s
    inp['W_enc1'] = jax.random.normal(ks[13], (H, H), jnp.float32) * s
    inp['W_enc2'] = jax.random.normal(ks[14], (H, H), jnp.float32) * s
    inp['W_res'] = jax.random.normal(ks[15], (H, H), jnp.float32) * s
    inp['emb_R'] = jax.random.normal(ks[16], (20, H), jnp.float32) * s
    inp['W_x'] = jax.random.normal(ks[17], (3, H), jnp.float32) * s
    inp['W_mlp'] = jax.random.normal(ks[18], (5 * H, 1), jnp.float32) * s
    inp['b_mlp'] = jnp.zeros((1,), jnp.float32)
    return inp


def reference(batch_size, protein_pos, protein_atom_feature, ligand_pos, ligand_atom_feature,
              batch_protein, batch_ligand, residue_pos, res_idx, amino_acid, amino_acid_batch,
              atom2residue, ligand_wids, ligand_wids_batch, motif_atoms, motif_atom_index,
              motif_atoms_batch, W_p, b_p, W_l, b_l, W_pos, emb_table, W_enc1, W_enc2,
              W_res, emb_R, W_x, W_mlp, b_mlp):
    B_static = 16
    b_mlp = b_mlp + jnp.asarray(batch_size, jnp.float32) * 0.0
    # atom embeddings
    h_protein = protein_atom_feature @ W_p + b_p
    h_ligand = ligand_atom_feature @ W_l + b_l
    # compose_context_stable: stable sort so protein precedes ligand within each graph
    h_all = jnp.concatenate([h_protein, h_ligand], axis=0)
    pos_all = jnp.concatenate([protein_pos, ligand_pos], axis=0)
    batch_all = jnp.concatenate([batch_protein, batch_ligand], axis=0)
    is_ligand = jnp.concatenate([jnp.zeros(h_protein.shape[0], jnp.int32),
                                 jnp.ones(h_ligand.shape[0], jnp.int32)], axis=0)
    sort_keys = batch_all * 2 + is_ligand
    order = jnp.argsort(sort_keys)  # stable by default in jax
    h_ctx = h_all[order]
    pos_ctx = pos_all[order]
    is_ligand_ctx = is_ligand[order]
    # encoder (context MLP with position injection + residue pooling)
    h = h_ctx + pos_ctx @ W_pos
    h_ctx = h + jax.nn.relu(h @ W_enc1) @ W_enc2
    n_prot = protein_pos.shape[0]
    part = jnp.argsort(is_ligand_ctx)  # stable: protein indices first, in order
    h_prot_nodes = h_ctx[part[:n_prot]]
    n_res = residue_pos.shape[0]
    h_residue = (jax.ops.segment_sum(h_prot_nodes, atom2residue, num_segments=n_res) @ W_res
                 + emb_R[amino_acid] + residue_pos @ W_x)
    h_ctx_ligand = h_ctx[part[n_prot:]]
    # per-graph scatter_add pooling
    ligand_rep = jax.ops.segment_sum(h_ctx_ligand, batch_ligand, num_segments=B_static)
    protein_rep = jax.ops.segment_sum(h_prot_nodes, batch_protein, num_segments=B_static)
    residue_rep = jax.ops.segment_sum(h_residue, amino_acid_batch, num_segments=B_static)
    motif_hiddens = emb_table[ligand_wids]
    L = h_ctx_ligand.shape[0] // B_static
    M = ligand_wids.shape[0] // B_static
    # motif token atom gather + per-motif sum (vectorized form of the per-sample loops)
    g_atom = motif_atoms_batch * L + motif_atoms
    gathered = h_ctx_ligand[g_atom]
    g_motif = motif_atoms_batch * M + motif_atom_index
    token_reps = jax.ops.segment_sum(gathered, g_motif, num_segments=B_static * M)
    pred_vecs = jnp.concatenate([protein_rep[ligand_wids_batch],
                                 residue_rep[ligand_wids_batch],
                                 ligand_rep[ligand_wids_batch],
                                 motif_hiddens, token_reps], axis=-1)
    pred_logits = (pred_vecs @ W_mlp + b_mlp).reshape(B_static, M, 1)
    pred_scores = jax.nn.softmax(pred_logits, axis=1)
    values = -jnp.sort(-pred_scores, axis=1)
    indices = jnp.argsort(-pred_scores, axis=1)
    return (values, indices)

if __name__ == "__main__":
    import jax
    _d = setup_inputs()
    print(jax.jit(kernel)(*tuple(_d.values())))

</pallas_src>

<mosaic_0001>
#map = affine_map<(d0, d1) -> (0, 0)>
#map1 = affine_map<(d0, d1) -> (0)>
module attributes {stable_mosaic.version = 14 : i64} {
  func.func @_gather_body(%arg0: i32, %arg1: i32, %arg2: memref<1024x256xf32, #tpu.memory_space<hbm>>, %arg3: memref<501x256xf32, #tpu.memory_space<hbm>>, %arg4: memref<256xi32, #tpu.memory_space<hbm>>, %arg5: memref<1024xi32, #tpu.memory_space<hbm>>, %arg6: memref<256x256xf32, #tpu.memory_space<hbm>>, %arg7: memref<256x256xf32, #tpu.memory_space<hbm>>, %arg8: memref<32xi32, #tpu.memory_space<vmem>>, %arg9: memref<8xi32, #tpu.memory_space<vmem>>, %arg10: memref<32x256xf32, #tpu.memory_space<vmem>>, %arg11: memref<8x256xf32, #tpu.memory_space<vmem>>, %arg12: memref<8x256xf32, #tpu.memory_space<vmem>>, %arg13: memref<!tpu.dma_semaphore, #tpu.memory_space<semaphore_mem>>, %arg14: memref<!tpu.dma_semaphore, #tpu.memory_space<semaphore_mem>>) attributes {dimension_semantics = [#tpu.dimension_semantics<core_parallel>, #tpu.dimension_semantics<subcore_parallel>], iteration_bounds = array<i64: 2, 16>, scalar_prefetch = 0 : i64, scratch_operands = 7 : i64, tpu.core_type = #tpu.core_type<sc_vector_subcore>, window_params = [{transform_indices = #map}, {transform_indices = #map}, {transform_indices = #map1}, {transform_indices = #map1}, {transform_indices = #map}, {transform_indices = #map}]} {
    %mul3A = arith.constant 2 : i32
    %mul3A_0 = arith.muli %arg1, %mul3A : i32
    %add3A = arith.addi %mul3A_0, %arg0 : i32
    %jit3A = arith.constant 2 : i32
    %div3A = arith.divsi %add3A, %jit3A : i32
    %sign3A = arith.constant 0 : i32
    %sign3A_1 = arith.cmpi sgt, %add3A, %sign3A : i32
    %sign3A_2 = arith.extui %sign3A_1 : i1 to i32
    %sign3A_3 = arith.constant 0 : i32
    %sign3A_4 = arith.cmpi slt, %add3A, %sign3A_3 : i32
    %sign3A_5 = arith.extui %sign3A_4 : i1 to i32
    %sign3A_6 = arith.subi %sign3A_2, %sign3A_5 : i32
    %sign3A_7 = arith.constant 0 : i32
    %sign3A_8 = arith.cmpi sgt, %jit3A, %sign3A_7 : i32
    %sign3A_9 = arith.extui %sign3A_8 : i1 to i32
    %sign3A_10 = arith.constant 0 : i32
    %sign3A_11 = arith.cmpi slt, %jit3A, %sign3A_10 : i32
    %sign3A_12 = arith.extui %sign3A_11 : i1 to i32
    %sign3A_13 = arith.subi %sign3A_9, %sign3A_12 : i32
    %ne3A = arith.cmpi ne, %sign3A_6, %sign3A_13 : i32
    %rem3A = arith.remsi %add3A, %jit3A : i32
    %ne3A_14 = arith.constant 0 : i32
    %ne3A_15 = arith.cmpi ne, %rem3A, %ne3A_14 : i32
    %and3A = arith.andi %ne3A, %ne3A_15 : i1
    %sub3A = arith.constant 1 : i32
    %sub3A_16 = arith.subi %div3A, %sub3A : i32
    %select_n3A = arith.select %and3A, %sub3A_16, %div3A : i32
    %mul3A_17 = arith.constant 32 : i32
    %mul3A_18 = arith.muli %add3A, %mul3A_17 : i32
    "tpu.region"() ({
      %run_scoped3A = tpu.sem_alloc : memref<!tpu.dma_semaphore, #tpu.memory_space<semaphore_mem>>
      %dma_start3A_2993 = tpu.memref_slice %arg5[%mul3A_18] : memref<1024xi32, #tpu.memory_space<hbm>> -> memref<32xi32, #tpu.memory_space<hbm>>
      %dma_start3A_2994 = tpu.memref_slice %arg5[%mul3A_18] : memref<1024xi32, #tpu.memory_space<hbm>> -> memref<32xi32, #tpu.memory_space<hbm>>
      tpu.enqueue_dma source(%dma_start3A_2994 : memref<32xi32, #tpu.memory_space<hbm>>) target(%arg8 : memref<32xi32, #tpu.memory_space<vmem>>) target_semaphore(%run_scoped3A : memref<!tpu.dma_semaphore, #tpu.memory_space<semaphore_mem>>)
      %dma_wait3A_2995 = tpu.memref_slice %arg5[%mul3A_18] : memref<1024xi32, #tpu.memory_space<hbm>> -> memref<32xi32, #tpu.memory_space<hbm>>
      %dma_wait3A_2996 = tpu.memref_slice %arg5[%mul3A_18] : memref<1024xi32, #tpu.memory_space<hbm>> -> memref<32xi32, #tpu.memory_space<hbm>>
      tpu.wait_dma2 semaphore(%run_scoped3A : memref<!tpu.dma_semaphore, #tpu.memory_space<semaphore_mem>>) src(%dma_wait3A_2996 : memref<32xi32, #tpu.memory_space<hbm>>) dst(%arg8 : memref<32xi32, #tpu.memory_space<vmem>>)
      tpu.yield
    }) : () -> ()
    %mul3A_19 = arith.constant 8 : i32
    %mul3A_20 = arith.muli %add3A, %mul3A_19 : i32
    "tpu.region"() ({
      %run_scoped3A = tpu.sem_alloc : memref<!tpu.dma_semaphore, #tpu.memory_space<semaphore_mem>>
      %dma_start3A_2993 = tpu.memref_slice %arg4[%mul3A_20] : memref<256xi32, #tpu.memory_space<hbm>> -> memref<8xi32, #tpu.memory_space<hbm>>
      %dma_start3A_2994 = tpu.memref_slice %arg4[%mul3A_20] : memref<256xi32, #tpu.memory_space<hbm>> -> memref<8xi32, #tpu.memory_space<hbm>>
      tpu.enqueue_dma source(%dma_start3A_2994 : memref<8xi32, #tpu.memory_space<hbm>>) target(%arg9 : memref<8xi32, #tpu.memory_space<vmem>>) target_semaphore(%run_scoped3A : memref<!tpu.dma_semaphore, #tpu.memory_space<semaphore_mem>>)
      %dma_wait3A_2995 = tpu.memref_slice %arg4[%mul3A_20] : memref<256xi32, #tpu.memory_space<hbm>> -> memref<8xi32, #tpu.memory_space<hbm>>
      %dma_wait3A_2996 = tpu.memref_slice %arg4[%mul3A_20] : memref<256xi32, #tpu.memory_space<hbm>> -> memref<8xi32, #tpu.memory_space<hbm>>
      tpu.wait_dma2 semaphore(%run_scoped3A : memref<!tpu.dma_semaphore, #tpu.memory_space<semaphore_mem>>) src(%dma_wait3A_2996 : memref<8xi32, #tpu.memory_space<hbm>>) dst(%arg9 : memref<8xi32, #tpu.memory_space<vmem>>)
      tpu.yield
    }) : () -> ()
    %get3A = arith.constant 0 : index
    %get3A_21 = tpu.vector_load %arg8[%get3A] {strides = array<i32>} : memref<32xi32, #tpu.memory_space<vmem>>, vector<16xi32>,
    %mul3A_22 = arith.constant 64 : i32
    %mul3A_23 = arith.muli %select_n3A, %mul3A_22 : i32
    %add3A_24 = vector.broadcast %mul3A_23 : i32 to vector<16xi32>
    %add3A_25 = arith.addi %get3A_21, %add3A_24 : vector<16xi32>
    %swap3A = arith.constant 0 : index
    %swap3A_26 = tpu.vector_load %arg8[%swap3A] {strides = array<i32>} : memref<32xi32, #tpu.memory_space<vmem>>, vector<16xi32>,
    tpu.vector_store %arg8[%swap3A], %add3A_25 {strides = array<i32>} : memref<32xi32, #tpu.memory_space<vmem>>, vector<16xi32>,
    %get3A_27 = arith.constant 16 : index
    %get3A_28 = tpu.vector_load %arg8[%get3A_27] {strides = array<i32>} : memref<32xi32, #tpu.memory_space<vmem>>, vector<16xi32>,
    %mul3A_29 = arith.constant 64 : i32
    %mul3A_30 = arith.muli %select_n3A, %mul3A_29 : i32
    %add3A_31 = vector.broadcast %mul3A_30 : i32 to vector<16xi32>
    %add3A_32 = arith.addi %get3A_28, %add3A_31 : vector<16xi32>
    %swap3A_33 = arith.constant 16 : index
    %swap3A_34 = tpu.vector_load %arg8[%swap3A_33] {strides = array<i32>} : memref<32xi32, #tpu.memory_space<vmem>>, vector<16xi32>,
    tpu.vector_store %arg8[%swap3A_33], %add3A_32 {strides = array<i32>} : memref<32xi32, #tpu.memory_space<vmem>>, vector<16xi32>,
    %dma_start3A = arith.constant 0 : i32
    %dma_start3A_35 = arith.constant 0 : i32
    %dma_start3A_36 = tpu.memref_slice %arg2[%dma_start3A, %dma_start3A_35] : memref<1024x256xf32, #tpu.memory_space<hbm>> -> memref<1024x256xf32, #tpu.memory_space<hbm>>
    tpu.enqueue_indirect_dma source(%dma_start3A_36 : memref<1024x256xf32, #tpu.memory_space<hbm>>) target(%arg10 : memref<32x256xf32, #tpu.memory_space<vmem>>) offsets(%arg8 : memref<32xi32, #tpu.memory_space<vmem>>) semaphore(%arg13 : memref<!tpu.dma_semaphore, #tpu.memory_space<semaphore_mem>>)
    %dma_wait3A = arith.constant 0 : i32
    %dma_wait3A_37 = arith.constant 0 : i32
    %dma_wait3A_38 = tpu.memref_slice %arg2[%dma_wait3A, %dma_wait3A_37] : memref<1024x256xf32, #tpu.memory_space<hbm>> -> memref<1024x256xf32, #tpu.memory_space<hbm>>
    tpu.wait_indirect_dma semaphore(%arg13 : memref<!tpu.dma_semaphore, #tpu.memory_space<semaphore_mem>>) src(%dma_wait3A_38 : memref<1024x256xf32, #tpu.memory_space<hbm>>) dst(%arg10 : memref<32x256xf32, #tpu.memory_space<vmem>>)
    %dma_start3A_39 = arith.constant 0 : i32
    %dma_start3A_40 = arith.constant 0 : i32
    %dma_start3A_41 = tpu.memref_slice %arg3[%dma_start3A_39, %dma_start3A_40] : memref<501x256xf32, #tpu.memory_space<hbm>> -> memref<501x256xf32, #tpu.memory_space<hbm>>
    tpu.enqueue_indirect_dma source(%dma_start3A_41 : memref<501x256xf32, #tpu.memory_space<hbm>>) target(%arg11 : memref<8x256xf32, #tpu.memory_space<vmem>>) offsets(%arg9 : memref<8xi32, #tpu.memory_space<vmem>>) semaphore(%arg14 : memref<!tpu.dma_semaphore, #tpu.memory_space<semaphore_mem>>)
    %dma_wait3A_42 = arith.constant 0 : i32
    %dma_wait3A_43 = arith.constant 0 : i32
    %dma_wait3A_44 = tpu.memref_slice %arg3[%dma_wait3A_42, %dma_wait3A_43] : memref<501x256xf32, #tpu.memory_space<hbm>> -> memref<501x256xf32, #tpu.memory_space<hbm>>
    tpu.wait_indirect_dma semaphore(%arg14 : memref<!tpu.dma_semaphore, #tpu.memory_space<semaphore_mem>>) src(%dma_wait3A_44 : memref<501x256xf32, #tpu.memory_space<hbm>>) dst(%arg11 : memref<8x256xf32, #tpu.memory_space<vmem>>)
    %get3A_45 = arith.constant 0 : i32
    %get3A_46 = arith.index_cast %get3A_45 : i32 to index
    %get3A_47 = arith.constant 0 : index
    %get3A_48 = tpu.vector_load %arg10[%get3A_46, %get3A_47] {strides = array<i32>} : memref<32x256xf32, #tpu.memory_space<vmem>>, vector<16xf32>,
    %get3A_49 = arith.constant 1 : i32
    %get3A_50 = arith.index_cast %get3A_49 : i32 to index
    %get3A_51 = arith.constant 0 : index
    %get3A_52 = tpu.vector_load %arg10[%get3A_50, %get3A_51] {strides = array<i32>} : memref<32x256xf32, #tpu.memory_space<vmem>>, vector<16xf32>,
    %add3A_53 = arith.addf %get3A_48, %get3A_52 : vector<16xf32>
    %get3A_54 = arith.constant 2 : i32
    %get3A_55 = arith.index_cast %get3A_54 : i32 to index
    %get3A_56 = arith.constant 0 : index
    %get3A_57 = tpu.vector_load %arg10[%get3A_55, %get3A_56] {strides = array<i32>} : memref<32x256xf32, #tpu.memory_space<vmem>>, vector<16xf32>,
    %add3A_58 = arith.addf %add3A_53, %get3A_57 : vector<16xf32>
    %get3A_59 = arith.constant 3 : i32
    %get3A_60 = arith.index_cast %get3A_59 : i32 to index
    %get3A_61 = arith.constant 0 : index
    %get3A_62 = tpu.vector_load %arg10[%get3A_60, %get3A_61] {strides = array<i32>} : memref<32x256xf32, #tpu.memory_space<vmem>>, vector<16xf32>,
    %add3A_63 = arith.addf %add3A_58, %get3A_62 : vector<16xf32>
    %swap3A_64 = arith.constant 0 : i32
    %swap3A_65 = arith.index_cast %swap3A_64 : i32 to index
    %swap3A_66 = arith.constant 0 : index
    %swap3A_67 = tpu.vector_load %arg12[%swap3A_65, %swap3A_66] {strides = array<i32>} : memref<8x256xf32, #tpu.memory_space<vmem>>, vector<16xf32>,
    tpu.vector_store %arg12[%swap3A_65, %swap3A_66], %add3A_63 {strides = array<i32>} : memref<8x256xf32, #tpu.memory_space<vmem>>, vector<16xf32>,
    %get3A_68 = arith.constant 0 : i32
    %get3A_69 = arith.index_cast %get3A_68 : i32 to index
    %get3A_70 = arith.constant 16 : index
    %get3A_71 = tpu.vector_load %arg10[%get3A_69, %get3A_70] {strides = array<i32>} : memref<32x256xf32, #tpu.memory_space<vmem>>, vector<16xf32>,
    %get3A_72 = arith.constant 1 : i32
    %get3A_73 = arith.index_cast %get3A_72 : i32 to index
    %get3A_74 = arith.constant 16 : index
    %get3A_75 = tpu.vector_load %arg10[%get3A_73, %get3A_74] {strides = array<i32>} : memref<32x256xf32, #tpu.memory_space<vmem>>, vector<16xf32>,
    %add3A_76 = arith.addf %get3A_71, %get3A_75 : vector<16xf32>
    %get3A_77 = arith.constant 2 : i32
    %get3A_78 = arith.index_cast %get3A_77 : i32 to index
    %get3A_79 = arith.constant 16 : index
    %get3A_80 = tpu.vector_load %arg10[%get3A_78, %get3A_79] {strides = array<i32>} : memref<32x256xf32, #tpu.memory_space<vmem>>, vector<16xf32>,
    %add3A_81 = arith.addf %add3A_76, %get3A_80 : vector<16xf32>
    %get3A_82 = arith.constant 3 : i32
    %get3A_83 = arith.index_cast %get3A_82 : i32 to index
    %get3A_84 = arith.constant 16 : index
    %get3A_85 = tpu.vector_load %arg10[%get3A_83, %get3A_84] {strides = array<i32>} : memref<32x256xf32, #tpu.memory_space<vmem>>, vector<16xf32>,
    %add3A_86 = arith.addf %add3A_81, %get3A_85 : vector<16xf32>
    %swap3A_87 = arith.constant 0 : i32
    %swap3A_88 = arith.index_cast %swap3A_87 : i32 to index
    %swap3A_89 = arith.constant 16 : index
    %swap3A_90 = tpu.vector_load %arg12[%swap3A_88, %swap3A_89] {strides = array<i32>} : memref<8x256xf32, #tpu.memory_space<vmem>>, vector<16xf32>,
    tpu.vector_store %arg12[%swap3A_88, %swap3A_89], %add3A_86 {strides = array<i32>} : memref<8x256xf32, #tpu.memory_space<vmem>>, vector<16xf32>,
    %get3A_91 = arith.constant 0 : i32
    %get3A_92 = arith.index_cast %get3A_91 : i32 to index
    %get3A_93 = arith.constant 32 : index
    %get3A_94 = tpu.vector_load %arg10[%get3A_92, %get3A_93] {strides = array<i32>} : memref<32x256xf32, #tpu.memory_space<vmem>>, vector<16xf32>,
    %get3A_95 = arith.constant 1 : i32
    %get3A_96 = arith.index_cast %get3A_95 : i32 to index
    %get3A_97 = arith.constant 32 : index
    %get3A_98 = tpu.vector_load %arg10[%get3A_96, %get3A_97] {strides = array<i32>} : memref<32x256xf32, #tpu.memory_space<vmem>>, vector<16xf32>,
    %add3A_99 = arith.addf %get3A_94, %get3A_98 : vector<16xf32>
    %get3A_100 = arith.constant 2 : i32
    %get3A_101 = arith.index_cast %get3A_100 : i32 to index
    %get3A_102 = arith.constant 32 : index
    %get3A_103 = tpu.vector_load %arg10[%get3A_101, %get3A_102] {strides = array<i32>} : memref<32x256xf32, #tpu.memory_space<vmem>>, vector<16xf32>,
    %add3A_104 = arith.addf %add3A_99, %get3A_103 : vector<16xf32>
    %get3A_105 = arith.constant 3 : i32
    %get3A_106 = arith.index_cast %get3A_105 : i32 to index
    %get3A_107 = arith.constant 32 : index
    %get3A_108 = tpu.vector_load %arg10[%get3A_106, %get3A_107] {strides = array<i32>} : memref<32x256xf32, #tpu.memory_space<vmem>>, vector<16xf32>,
    %add3A_109 = arith.addf %add3A_104, %get3A_108 : vector<16xf32>
    %swap3A_110 = arith.constant 0 : i32
    %swap3A_111 = arith.index_cast %swap3A_110 : i32 to index
    %swap3A_112 = arith.constant 32 : index
    %swap3A_113 = tpu.vector_load %arg12[%swap3A_111, %swap3A_112] {strides = array<i32>} : memref<8x256xf32, #tpu.memory_space<vmem>>, vector<16xf32>,
    tpu.vector_store %arg12[%swap3A_111, %swap3A_112], %add3A_109 {strides = array<i32>} : memref<8x256xf32, #tpu.memory_space<vmem>>, vector<16xf32>,
    %get3A_114 = arith.constant 0 : i32
    %get3A_115 = arith.index_cast %get3A_114 : i32 to index
    %get3A_116 = arith.constant 48 : index
    %get3A_117 = tpu.vector_load %arg10[%get3A_115, %get3A_116] {strides = array<i32>} : memref<32x256xf32, #tpu.memory_space<vmem>>, vector<16xf32>,
    %get3A_118 = arith.constant 1 : i32
    %get3A_119 = arith.index_cast %get3A_118 : i32 to index
    %get3A_120 = arith.constant 48 : index
    %get3A_121 = tpu.vector_load %arg10[%get3A_119, %get3A_120] {strides = array<i32>} : memref<32x256xf32, #tpu.memory_space<vmem>>, vector<16xf32>,
    %add3A_122 = arith.addf %get3A_117, %get3A_121 : vector<16xf32>
    %get3A_123 = arith.constant 2 : i32
    %get3A_124 = arith.index_cast %get3A_123 : i32 to index
    %get3A_125 = arith.constant 48 : index
    %get3A_126 = tpu.vector_load %arg10[%get3A_124, %get3A_125] {strides = array<i32>} : memref<32x256xf32, #tpu.memory_space<vmem>>, vector<16xf32>,
    %add3A_127 = arith.addf %add3A_122, %get3A_126 : vector<16xf32>
    %get3A_128 = arith.constant 3 : i32
    %get3A_129 = arith.index_cast %get3A_128 : i32 to index
    %get3A_130 = arith.constant 48 : index
    %get3A_131 = tpu.vector_load %arg10[%get3A_129, %get3A_130] {strides = array<i32>} : memref<32x256xf32, #tpu.memory_space<vmem>>, vector<16xf32>,
    %add3A_132 = arith.addf %add3A_127, %get3A_131 : vector<16xf32>
    %swap3A_133 = arith.constant 0 : i32
    %swap3A_134 = arith.index_cast %swap3A_133 : i32 to index
    %swap3A_135 = arith.constant 48 : index
    %swap3A_136 = tpu.vector_load %arg12[%swap3A_134, %swap3A_135] {strides = array<i32>} : memref<8x256xf32, #tpu.memory_space<vmem>>, vector<16xf32>,
    tpu.vector_store %arg12[%swap3A_134, %swap3A_135], %add3A_132 {strides = array<i32>} : memref<8x256xf32, #tpu.memory_space<vmem>>, vector<16xf32>,
    %get3A_137 = arith.constant 0 : i32
    %get3A_138 = arith.index_cast %get3A_137 : i32 to index
    %get3A_139 = arith.constant 64 : index
    %get3A_140 = tpu.vector_load %arg10[%get3A_138, %get3A_139] {strides = array<i32>} : memref<32x256xf32, #tpu.memory_space<vmem>>, vector<16xf32>,
    %get3A_141 = arith.constant 1 : i32
    %get3A_142 = arith.index_cast %get3A_141 : i32 to index
    %get3A_143 = arith.constant 64 : index
    %get3A_144 = tpu.vector_load %arg10[%get3A_142, %get3A_143] {strides = array<i32>} : memref<32x256xf32, #tpu.memory_space<vmem>>, vector<16xf32>,
    %add3A_145 = arith.addf %get3A_140, %get3A_144 : vector<16xf32>
    %get3A_146 = arith.constant 2 : i32
    %get3A_147 = arith.index_cast %get3A_146 : i32 to index
    %get3A_148 = arith.constant 64 : index
    %get3A_149 = tpu.vector_load %arg10[%get3A_147, %get3A_148] {strides = array<i32>} : memref<32x256xf32, #tpu.memory_space<vmem>>, vector<16xf32>,
    %add3A_150 = arith.addf %add3A_145, %get3A_149 : vector<16xf32>
    %get3A_151 = arith.constant 3 : i32
    %get3A_152 = arith.index_cast %get3A_151 : i32 to index
    %get3A_153 = arith.constant 64 : index
    %get3A_154 = tpu.vector_load %arg10[%get3A_152, %get3A_153] {strides = array<i32>} : memref<32x256xf32, #tpu.memory_space<vmem>>, vector<16xf32>,
    %add3A_155 = arith.addf %add3A_150, %get3A_154 : vector<16xf32>
    %swap3A_156 = arith.constant 0 : i32
    %swap3A_157 = arith.index_cast %swap3A_156 : i32 to index
    %swap3A_158 = arith.constant 64 : index
    %swap3A_159 = tpu.vector_load %arg12[%swap3A_157, %swap3A_158] {strides = array<i32>} : memref<8x256xf32, #tpu.memory_space<vmem>>, vector<16xf32>,
    tpu.vector_store %arg12[%swap3A_157, %swap3A_158], %add3A_155 {strides = array<i32>} : memref<8x256xf32, #tpu.memory_space<vmem>>, vector<16xf32>,
    %get3A_160 = arith.constant 0 : i32
    %get3A_161 = arith.index_cast %get3A_160 : i32 to index
    %get3A_162 = arith.constant 80 : index
    %get3A_163 = tpu.vector_load %arg10[%get3A_161, %get3A_162] {strides = array<i32>} : memref<32x256xf32, #tpu.memory_space<vmem>>, vector<16xf32>,
    %get3A_164 = arith.constant 1 : i32
    %get3A_165 = arith.index_cast %get3A_164 : i32 to index
    %get3A_166 = arith.constant 80 : index
    %get3A_167 = tpu.vector_load %arg10[%get3A_165, %get3A_166] {strides = array<i32>} : memref<32x256xf32, #tpu.memory_space<vmem>>, vector<16xf32>,
    %add3A_168 = arith.addf %get3A_163, %get3A_167 : vector<16xf32>
    %get3A_169 = arith.constant 2 : i32
    %get3A_170 = arith.index_cast %get3A_169 : i32 to index
    %get3A_171 = arith.constant 80 : index
    %get3A_172 = tpu.vector_load %arg10[%get3A_170, %get3A_171] {strides = array<i32>} : memref<32x256xf32, #tpu.memory_space<vmem>>, vector<16xf32>,
    %add3A_173 = arith.addf %add3A_168, %get3A_172 : vector<16xf32>
    %get3A_174 = arith.constant 3 : i32
    %get3A_175 = arith.index_cast %get3A_174 : i32 to index
    %get3A_176 = arith.constant 80 : index
    %get3A_177 = tpu.vector_load %arg10[%get3A_175, %get3A_176] {strides = array<i32>} : memref<32x256xf32, #tpu.memory_space<vmem>>, vector<16xf32>,
    %add3A_178 = arith.addf %add3A_173, %get3A_177 : vector<16xf32>
    %swap3A_179 = arith.constant 0 : i32
    %swap3A_180 = arith.index_cast %swap3A_179 : i32 to index
    %swap3A_181 = arith.constant 80 : index
    %swap3A_182 = tpu.vector_load %arg12[%swap3A_180, %swap3A_181] {strides = array<i32>} : memref<8x256xf32, #tpu.memory_space<vmem>>, vector<16xf32>,
    tpu.vector_store %arg12[%swap3A_180, %swap3A_181], %add3A_178 {strides = array<i32>} : memref<8x256xf32, #tpu.memory_space<vmem>>, vector<16xf32>,
    %get3A_183 = arith.constant 0 : i32
    %get3A_184 = arith.index_cast %get3A_183 : i32 to index
    %get3A_185 = arith.constant 96 : index
    %get3A_186 = tpu.vector_load %arg10[%get3A_184, %get3A_185] {strides = array<i32>} : memref<32x256xf32, #tpu.memory_space<vmem>>, vector<16xf32>,
    %get3A_187 = arith.constant 1 : i32
    %get3A_188 = arith.index_cast %get3A_187 : i32 to index
    %get3A_189 = arith.constant 96 : index
    %get3A_190 = tpu.vector_load %arg10[%get3A_188, %get3A_189] {strides = array<i32>} : memref<32x256xf32, #tpu.memory_space<vmem>>, vector<16xf32>,
    %add3A_191 = arith.addf %get3A_186, %get3A_190 : vector<16xf32>
    %get3A_192 = arith.constant 2 : i32
    %get3A_193 = arith.index_cast %get3A_192 : i32 to index
    %get3A_194 = arith.constant 96 : index
    %get3A_195 = tpu.vector_load %arg10[%get3A_193, %get3A_194] {strides = array<i32>} : memref<32x256xf32, #tpu.memory_space<vmem>>, vector<16xf32>,
    %add3A_196 = arith.addf %add3A_191, %get3A_195 : vector<16xf32>
    %get3A_197 = arith.constant 3 : i32
    %get3A_198 = arith.index_cast %get3A_197 : i32 to index
    %get3A_199 = arith.constant 96 : index
    %get3A_200 = tpu.vector_load %arg10[%get3A_198, %get3A_199] {strides = array<i32>} : memref<32x256xf32, #tpu.memory_space<vmem>>, vector<16xf32>,
    %add3A_201 = arith.addf %add3A_196, %get3A_200 : vector<16xf32>
    %swap3A_202 = arith.constant 0 : i32
    %swap3A_203 = arith.index_cast %swap3A_202 : i32 to index
    %swap3A_204 = arith.constant 96 : index
    %swap3A_205 = tpu.vector_load %arg12[%swap3A_203, %swap3A_204] {strides = array<i32>} : memref<8x256xf32, #tpu.memory_space<vmem>>, vector<16xf32>,
    tpu.vector_store %arg12[%swap3A_203, %swap3A_204], %add3A_201 {strides = array<i32>} : memref<8x256xf32, #tpu.memory_space<vmem>>, vector<16xf32>,
    %get3A_206 = arith.constant 0 : i32
    %get3A_207 = arith.index_cast %get3A_206 : i32 to index
    %get3A_208 = arith.constant 112 : index
    %get3A_209 = tpu.vector_load %arg10[%get3A_207, %get3A_208] {strides = array<i32>} : memref<32x256xf32, #tpu.memory_space<vmem>>, vector<16xf32>,
    %get3A_210 = arith.constant 1 : i32
    %get3A_211 = arith.index_cast %get3A_210 : i32 to index
    %get3A_212 = arith.constant 112 : index
    %get3A_213 = tpu.vector_load %arg10[%get3A_211, %get3A_212] {strides = array<i32>} : memref<32x256xf32, #tpu.memory_space<vmem>>, vector<16xf32>,
    %add3A_214 = arith.addf %get3A_209, %get3A_213 : vector<16xf32>
    %get3A_215 = arith.constant 2 : i32
    %get3A_216 = arith.index_cast %get3A_215 : i32 to index
    %get3A_217 = arith.constant 112 : index
    %get3A_218 = tpu.vector_load %arg10[%get3A_216, %get3A_217] {strides = array<i32>} : memref<32x256xf32, #tpu.memory_space<vmem>>, vector<16xf32>,
    %add3A_219 = arith.addf %add3A_214, %get3A_218 : vector<16xf32>
    %get3A_220 = arith.constant 3 : i32
    %get3A_221 = arith.index_cast %get3A_220 : i32 to index
    %get3A_222 = arith.constant 112 : index
    %get3A_223 = tpu.vector_load %arg10[%get3A_221, %get3A_222] {strides = array<i32>} : memref<32x256xf32, #tpu.memory_space<vmem>>, vector<16xf32>,
    %add3A_224 = arith.addf %add3A_219, %get3A_223 : vector<16xf32>
    %swap3A_225 = arith.constant 0 : i32
    %swap3A_226 = arith.index_cast %swap3A_225 : i32 to index
    %swap3A_227 = arith.constant 112 : index
    %swap3A_228 = tpu.vector_load %arg12[%swap3A_226, %swap3A_227] {strides = array<i32>} : memref<8x256xf32, #tpu.memory_space<vmem>>, vector<16xf32>,
    tpu.vector_store %arg12[%swap3A_226, %swap3A_227], %add3A_224 {strides = array<i32>} : memref<8x256xf32, #tpu.memory_space<vmem>>, vector<16xf32>,
    %get3A_229 = arith.constant 0 : i32
    %get3A_230 = arith.index_cast %get3A_229 : i32 to index
    %get3A_231 = arith.constant 128 : index
    %get3A_232 = tpu.vector_load %arg10[%get3A_230, %get3A_231] {strides = array<i32>} : memref<32x256xf32, #tpu.memory_space<vmem>>, vector<16xf32>,
    %get3A_233 = arith.constant 1 : i32
    %get3A_234 = arith.index_cast %get3A_233 : i32 to index
    %get3A_235 = arith.constant 128 : index
    %get3A_236 = tpu.vector_load %arg10[%get3A_234, %get3A_235] {strides = array<i32>} : memref<32x256xf32, #tpu.memory_space<vmem>>, vector<16xf32>,
    %add3A_237 = arith.addf %get3A_232, %get3A_236 : vector<16xf32>
    %get3A_238 = arith.constant 2 : i32
    %get3A_239 = arith.index_cast %get3A_238 : i32 to index
    %get3A_240 = arith.constant 128 : index
    %get3A_241 = tpu.vector_load %arg10[%get3A_239, %get3A_240] {strides = array<i32>} : memref<32x256xf32, #tpu.memory_space<vmem>>, vector<16xf32>,
    %add3A_242 = arith.addf %add3A_237, %get3A_241 : vector<16xf32>
    %get3A_243 = arith.constant 3 : i32
    %get3A_244 = arith.index_cast %get3A_243 : i32 to index
    %get3A_245 = arith.constant 128 : index
    %get3A_246 = tpu.vector_load %arg10[%get3A_244, %get3A_245] {strides = array<i32>} : memref<32x256xf32, #tpu.memory_space<vmem>>, vector<16xf32>,
    %add3A_247 = arith.addf %add3A_242, %get3A_246 : vector<16xf32>
    %swap3A_248 = arith.constant 0 : i32
    %swap3A_249 = arith.index_cast %swap3A_248 : i32 to index
    %swap3A_250 = arith.constant 128 : index
    %swap3A_251 = tpu.vector_load %arg12[%swap3A_249, %swap3A_250] {strides = array<i32>} : memref<8x256xf32, #tpu.memory_space<vmem>>, vector<16xf32>,
    tpu.vector_store %arg12[%swap3A_249, %swap3A_250], %add3A_247 {strides = array<i32>} : memref<8x256xf32, #tpu.memory_space<vmem>>, vector<16xf32>,
    %get3A_252 = arith.constant 0 : i32
    %get3A_253 = arith.index_cast %get3A_252 : i32 to index
    %get3A_254 = arith.constant 144 : index
    %get3A_255 = tpu.vector_load %arg10[%get3A_253, %get3A_254] {strides = array<i32>} : memref<32x256xf32, #tpu.memory_space<vmem>>, vector<16xf32>,
    %get3A_256 = arith.constant 1 : i32
    %get3A_257 = arith.index_cast %get3A_256 : i32 to index
    %get3A_258 = arith.constant 144 : index
    %get3A_259 = tpu.vector_load %arg10[%get3A_257, %get3A_258] {strides = array<i32>} : memref<32x256xf32, #tpu.memory_space<vmem>>, vector<16xf32>,
    %add3A_260 = arith.addf %get3A_255, %get3A_259 : vector<16xf32>
    %get3A_261 = arith.constant 2 : i32
    %get3A_262 = arith.index_cast %get3A_261 : i32 to index
    %get3A_263 = arith.constant 144 : index
    %get3A_264 = tpu.vector_load %arg10[%get3A_262, %get3A_263] {strides = array<i32>} : memref<32x256xf32, #tpu.memory_space<vmem>>, vector<16xf32>,
    %add3A_265 = arith.addf %add3A_260, %get3A_264 : vector<16xf32>
    %get3A_266 = arith.constant 3 : i32
    %get3A_267 = arith.index_cast %get3A_266 : i32 to index
    %get3A_268 = arith.constant 144 : index
    %get3A_269 = tpu.vector_load %arg10[%get3A_267, %get3A_268] {strides = array<i32>} : memref<32x256xf32, #tpu.memory_space<vmem>>, vector<16xf32>,
    %add3A_270 = arith.addf %add3A_265, %get3A_269 : vector<16xf32>
    %swap3A_271 = arith.constant 0 : i32
    %swap3A_272 = arith.index_cast %swap3A_271 : i32 to index
    %swap3A_273 = arith.constant 144 : index
    %swap3A_274 = tpu.vector_load %arg12[%swap3A_272, %swap3A_273] {strides = array<i32>} : memref<8x256xf32, #tpu.memory_space<vmem>>, vector<16xf32>,
    tpu.vector_store %arg12[%swap3A_272, %swap3A_273], %add3A_270 {strides = array<i32>} : memref<8x256xf32, #tpu.memory_space<vmem>>, vector<16xf32>,
    %get3A_275 = arith.constant 0 : i32
    %get3A_276 = arith.index_cast %get3A_275 : i32 to index
    %get3A_277 = arith.constant 160 : index
    %get3A_278 = tpu.vector_load %arg10[%get3A_276, %get3A_277] {strides = array<i32>} : memref<32x256xf32, #tpu.memory_space<vmem>>, vector<16xf32>,
    %get3A_279 = arith.constant 1 : i32
    %get3A_280 = arith.index_cast %get3A_279 : i32 to index
    %get3A_281 = arith.constant 160 : index
    %get3A_282 = tpu.vector_load %arg10[%get3A_280, %get3A_281] {strides = array<i32>} : memref<32x256xf32, #tpu.memory_space<vmem>>, vector<16xf32>,
    %add3A_283 = arith.addf %get3A_278, %get3A_282 : vector<16xf32>
    %get3A_284 = arith.constant 2 : i32
    %get3A_285 = arith.index_cast %get3A_284 : i32 to index
    %get3A_286 = arith.constant 160 : index
    %get3A_287 = tpu.vector_load %arg10[%get3A_285, %get3A_286] {strides = array<i32>} : memref<32x256xf32, #tpu.memory_space<vmem>>, vector<16xf32>,
    %add3A_288 = arith.addf %add3A_283, %get3A_287 : vector<16xf32>
    %get3A_289 = arith.constant 3 : i32
    %get3A_290 = arith.index_cast %get3A_289 : i32 to index
    %get3A_291 = arith.constant 160 : index
    %get3A_292 = tpu.vector_load %arg10[%get3A_290, %get3A_291] {strides = array<i32>} : memref<32x256xf32, #tpu.memory_space<vmem>>, vector<16xf32>,
    %add3A_293 = arith.addf %add3A_288, %get3A_292 : vector<16xf32>
    %swap3A_294 = arith.constant 0 : i32
    %swap3A_295 = arith.index_cast %swap3A_294 : i32 to index
    %swap3A_296 = arith.constant 160 : index
    %swap3A_297 = tpu.vector_load %arg12[%swap3A_295, %swap3A_296] {strides = array<i32>} : memref<8x256xf32, #tpu.memory_space<vmem>>, vector<16xf32>,
    tpu.vector_store %arg12[%swap3A_295, %swap3A_296], %add3A_293 {strides = array<i32>} : memref<8x256xf32, #tpu.memory_space<vmem>>, vector<16xf32>,
    %get3A_298 = arith.constant 0 : i32
    %get3A_299 = arith.index_cast %get3A_298 : i32 to index
    %get3A_300 = arith.constant 176 : index
    %get3A_301 = tpu.vector_load %arg10[%get3A_299, %get3A_300] {strides = array<i32>} : memref<32x256xf32, #tpu.memory_space<vmem>>, vector<16xf32>,
    %get3A_302 = arith.constant 1 : i32
    %get3A_303 = arith.index_cast %get3A_302 : i32 to index
    %get3A_304 = arith.constant 176 : index
    %get3A_305 = tpu.vector_load %arg10[%get3A_303, %get3A_304] {strides = array<i32>} : memref<32x256xf32, #tpu.memory_space<vmem>>, vector<16xf32>,
    %add3A_306 = arith.addf %get3A_301, %get3A_305 : vector<16xf32>
    %get3A_307 = arith.constant 2 : i32
    %get3A_308 = arith.index_cast %get3A_307 : i32 to index
    %get3A_309 = arith.constant 176 : index
    %get3A_310 = tpu.vector_load %arg10[%get3A_308, %get3A_309] {strides = array<i32>} : memref<32x256xf32, #tpu.memory_space<vmem>>, vector<16xf32>,
    %add3A_311 = arith.addf %add3A_306, %get3A_310 : vector<16xf32>
    %get3A_312 = arith.constant 3 : i32
    %get3A_313 = arith.index_cast %get3A_312 : i32 to index
    %get3A_314 = arith.constant 176 : index
    %get3A_315 = tpu.vector_load %arg10[%get3A_313, %get3A_314] {strides = array<i32>} : memref<32x256xf32, #tpu.memory_space<vmem>>, vector<16xf32>,
    %add3A_316 = arith.addf %add3A_311, %get3A_315 : vector<16xf32>
    %swap3A_317 = arith.constant 0 : i32
    %swap3A_318 = arith.index_cast %swap3A_317 : i32 to index
    %swap3A_319 = arith.constant 176 : index
    %swap3A_320 = tpu.vector_load %arg12[%swap3A_318, %swap3A_319] {strides = array<i32>} : memref<8x256xf32, #tpu.memory_space<vmem>>, vector<16xf32>,
    tpu.vector_store %arg12[%swap3A_318, %swap3A_319], %add3A_316 {strides = array<i32>} : memref<8x256xf32, #tpu.memory_space<vmem>>, vector<16xf32>,
    %get3A_321 = arith.constant 0 : i32
    %get3A_322 = arith.index_cast %get3A_321 : i32 to index
    %get3A_323 = arith.constant 192 : index
    %get3A_324 = tpu.vector_load %arg10[%get3A_322, %get3A_323] {strides = array<i32>} : memref<32x256xf32, #tpu.memory_space<vmem>>, vector<16xf32>,
    %get3A_325 = arith.constant 1 : i32
    %get3A_326 = arith.index_cast %get3A_325 : i32 to index
    %get3A_327 = arith.constant 192 : index
    %get3A_328 = tpu.vector_load %arg10[%get3A_326, %get3A_327] {strides = array<i32>} : memref<32x256xf32, #tpu.memory_space<vmem>>, vector<16xf32>,
    %add3A_329 = arith.addf %get3A_324, %get3A_328 : vector<16xf32>
    %get3A_330 = arith.constant 2 : i32
    %get3A_331 = arith.index_cast %get3A_330 : i32 to index
    %get3A_332 = arith.constant 192 : index
    %get3A_333 = tpu.vector_load %arg10[%get3A_331, %get3A_332] {strides = array<i32>} : memref<32x256xf32, #tpu.memory_space<vmem>>, vector<16xf32>,
    %add3A_334 = arith.addf %add3A_329, %get3A_333 : vector<16xf32>
    %get3A_335 = arith.constant 3 : i32
    %get3A_336 = arith.index_cast %get3A_335 : i32 to index
    %get3A_337 = arith.constant 192 : index
    %get3A_338 = tpu.vector_load %arg10[%get3A_336, %get3A_337] {strides = array<i32>} : memref<32x256xf32, #tpu.memory_space<vmem>>, vector<16xf32>,
    %add3A_339 = arith.addf %add3A_334, %get3A_338 : vector<16xf32>
    %swap3A_340 = arith.constant 0 : i32
    %swap3A_341 = arith.index_cast %swap3A_340 : i32 to index
    %swap3A_342 = arith.constant 192 : index
    %swap3A_343 = tpu.vector_load %arg12[%swap3A_341, %swap3A_342] {strides = array<i32>} : memref<8x256xf32, #tpu.memory_space<vmem>>, vector<16xf32>,
    tpu.vector_store %arg12[%swap3A_341, %swap3A_342], %add3A_339 {strides = array<i32>} : memref<8x256xf32, #tpu.memory_space<vmem>>, vector<16xf32>,
    %get3A_344 = arith.constant 0 : i32
    %get3A_345 = arith.index_cast %get3A_344 : i32 to index
    %get3A_346 = arith.constant 208 : index
    %get3A_347 = tpu.vector_load %arg10[%get3A_345, %get3A_346] {strides = array<i32>} : memref<32x256xf32, #tpu.memory_space<vmem>>, vector<16xf32>,
    %get3A_348 = arith.constant 1 : i32
    %get3A_349 = arith.index_cast %get3A_348 : i32 to index
    %get3A_350 = arith.constant 208 : index
    %get3A_351 = tpu.vector_load %arg10[%get3A_349, %get3A_350] {strides = array<i32>} : memref<32x256xf32, #tpu.memory_space<vmem>>, vector<16xf32>,
    %add3A_352 = arith.addf %get3A_347, %get3A_351 : vector<16xf32>
    %get3A_353 = arith.constant 2 : i32
    %get3A_354 = arith.index_cast %get3A_353 : i32 to index
    %get3A_355 = arith.constant 208 : index
    %get3A_356 = tpu.vector_load %arg10[%get3A_354, %get3A_355] {strides = array<i32>} : memref<32x256xf32, #tpu.memory_space<vmem>>, vector<16xf32>,
    %add3A_357 = arith.addf %add3A_352, %get3A_356 : vector<16xf32>
    %get3A_358 = arith.constant 3 : i32
    %get3A_359 = arith.index_cast %get3A_358 : i32 to index
    %get3A_360 = arith.constant 208 : index
    %get3A_361 = tpu.vector_load %arg10[%get3A_359, %get3A_360] {strides = array<i32>} : memref<32x256xf32, #tpu.memory_space<vmem>>, vector<16xf32>,
    %add3A_362 = arith.addf %add3A_357, %get3A_361 : vector<16xf32>
    %swap3A_363 = arith.constant 0 : i32
    %swap3A_364 = arith.index_cast %swap3A_363 : i32 to index
    %swap3A_365 = arith.constant 208 : index
    %swap3A_366 = tpu.vector_load %arg12[%swap3A_364, %swap3A_365] {strides = array<i32>} : memref<8x256xf32, #tpu.memory_space<vmem>>, vector<16xf32>,
    tpu.vector_store %arg12[%swap3A_364, %swap3A_365], %add3A_362 {strides = array<i32>} : memref<8x256xf32, #tpu.memory_space<vmem>>, vector<16xf32>,
    %get3A_367 = arith.constant 0 : i32
    %get3A_368 = arith.index_cast %get3A_367 : i32 to index
    %get3A_369 = arith.constant 224 : index
    %get3A_370 = tpu.vector_load %arg10[%get3A_368, %get3A_369] {strides = array<i32>} : memref<32x256xf32, #tpu.memory_space<vmem>>, vector<16xf32>,
    %get3A_371 = arith.constant 1 : i32
    %get3A_372 = arith.index_cast %get3A_371 : i32 to index
    %get3A_373 = arith.constant 224 : index
    %get3A_374 = tpu.vector_load %arg10[%get3A_372, %get3A_373] {strides = array<i32>} : memref<32x256xf32, #tpu.memory_space<vmem>>, vector<16xf32>,
    %add3A_375 = arith.addf %get3A_370, %get3A_374 : vector<16xf32>
    %get3A_376 = arith.constant 2 : i32
    %get3A_377 = arith.index_cast %get3A_376 : i32 to index
    %get3A_378 = arith.constant 224 : index
    %get3A_379 = tpu.vector_load %arg10[%get3A_377, %get3A_378] {strides = array<i32>} : memref<32x256xf32, #tpu.memory_space<vmem>>, vector<16xf32>,
    %add3A_380 = arith.addf %add3A_375, %get3A_379 : vector<16xf32>
    %get3A_381 = arith.constant 3 : i32
    %get3A_382 = arith.index_cast %get3A_381 : i32 to index
    %get3A_383 = arith.constant 224 : index
    %get3A_384 = tpu.vector_load %arg10[%get3A_382, %get3A_383] {strides = array<i32>} : memref<32x256xf32, #tpu.memory_space<vmem>>, vector<16xf32>,
    %add3A_385 = arith.addf %add3A_380, %get3A_384 : vector<16xf32>
    %swap3A_386 = arith.constant 0 : i32
    %swap3A_387 = arith.index_cast %swap3A_386 : i32 to index
    %swap3A_388 = arith.constant 224 : index
    %swap3A_389 = tpu.vector_load %arg12[%swap3A_387, %swap3A_388] {strides = array<i32>} : memref<8x256xf32, #tpu.memory_space<vmem>>, vector<16xf32>,
    tpu.vector_store %arg12[%swap3A_387, %swap3A_388], %add3A_385 {strides = array<i32>} : memref<8x256xf32, #tpu.memory_space<vmem>>, vector<16xf32>,
    %get3A_390 = arith.constant 0 : i32
    %get3A_391 = arith.index_cast %get3A_390 : i32 to index
    %get3A_392 = arith.constant 240 : index
    %get3A_393 = tpu.vector_load %arg10[%get3A_391, %get3A_392] {strides = array<i32>} : memref<32x256xf32, #tpu.memory_space<vmem>>, vector<16xf32>,
    %get3A_394 = arith.constant 1 : i32
    %get3A_395 = arith.index_cast %get3A_394 : i32 to index
    %get3A_396 = arith.constant 240 : index
    %get3A_397 = tpu.vector_load %arg10[%get3A_395, %get3A_396] {strides = array<i32>} : memref<32x256xf32, #tpu.memory_space<vmem>>, vector<16xf32>,
    %add3A_398 = arith.addf %get3A_393, %get3A_397 : vector<16xf32>
    %get3A_399 = arith.constant 2 : i32
    %get3A_400 = arith.index_cast %get3A_399 : i32 to index
    %get3A_401 = arith.constant 240 : index
    %get3A_402 = tpu.vector_load %arg10[%get3A_400, %get3A_401] {strides = array<i32>} : memref<32x256xf32, #tpu.memory_space<vmem>>, vector<16xf32>,
    %add3A_403 = arith.addf %add3A_398, %get3A_402 : vector<16xf32>
    %get3A_404 = arith.constant 3 : i32
    %get3A_405 = arith.index_cast %get3A_404 : i32 to index
    %get3A_406 = arith.constant 240 : index
    %get3A_407 = tpu.vector_load %arg10[%get3A_405, %get3A_406] {strides = array<i32>} : memref<32x256xf32, #tpu.memory_space<vmem>>, vector<16xf32>,
    %add3A_408 = arith.addf %add3A_403, %get3A_407 : vector<16xf32>
    %swap3A_409 = arith.constant 0 : i32
    %swap3A_410 = arith.index_cast %swap3A_409 : i32 to index
    %swap3A_411 = arith.constant 240 : index
    %swap3A_412 = tpu.vector_load %arg12[%swap3A_410, %swap3A_411] {strides = array<i32>} : memref<8x256xf32, #tpu.memory_space<vmem>>, vector<16xf32>,
    tpu.vector_store %arg12[%swap3A_410, %swap3A_411], %add3A_408 {strides = array<i32>} : memref<8x256xf32, #tpu.memory_space<vmem>>, vector<16xf32>,
    %get3A_413 = arith.constant 4 : i32
    %get3A_414 = arith.index_cast %get3A_413 : i32 to index
    %get3A_415 = arith.constant 0 : index
    %get3A_416 = tpu.vector_load %arg10[%get3A_414, %get3A_415] {strides = array<i32>} : memref<32x256xf32, #tpu.memory_space<vmem>>, vector<16xf32>,
    %get3A_417 = arith.constant 5 : i32
    %get3A_418 = arith.index_cast %get3A_417 : i32 to index
    %get3A_419 = arith.constant 0 : index
    %get3A_420 = tpu.vector_load %arg10[%get3A_418, %get3A_419] {strides = array<i32>} : memref<32x256xf32, #tpu.memory_space<vmem>>, vector<16xf32>,
    %add3A_421 = arith.addf %get3A_416, %get3A_420 : vector<16xf32>
    %get3A_422 = arith.constant 6 : i32
    %get3A_423 = arith.index_cast %get3A_422 : i32 to index
    %get3A_424 = arith.constant 0 : index
    %get3A_425 = tpu.vector_load %arg10[%get3A_423, %get3A_424] {strides = array<i32>} : memref<32x256xf32, #tpu.memory_space<vmem>>, vector<16xf32>,
    %add3A_426 = arith.addf %add3A_421, %get3A_425 : vector<16xf32>
    %get3A_427 = arith.constant 7 : i32
    %get3A_428 = arith.index_cast %get3A_427 : i32 to index
    %get3A_429 = arith.constant 0 : index
    %get3A_430 = tpu.vector_load %arg10[%get3A_428, %get3A_429] {strides = array<i32>} : memref<32x256xf32, #tpu.memory_space<vmem>>, vector<16xf32>,
    %add3A_431 = arith.addf %add3A_426, %get3A_430 : vector<16xf32>
    %swap3A_432 = arith.constant 1 : i32
    %swap3A_433 = arith.index_cast %swap3A_432 : i32 to index
    %swap3A_434 = arith.constant 0 : index
    %swap3A_435 = tpu.vector_load %arg12[%swap3A_433, %swap3A_434] {strides = array<i32>} : memref<8x256xf32, #tpu.memory_space<vmem>>, vector<16xf32>,
    tpu.vector_store %arg12[%swap3A_433, %swap3A_434], %add3A_431 {strides = array<i32>} : memref<8x256xf32, #tpu.memory_space<vmem>>, vector<16xf32>,
    %get3A_436 = arith.constant 4 : i32
    %get3A_437 = arith.index_cast %get3A_436 : i32 to index
    %get3A_438 = arith.constant 16 : index
    %get3A_439 = tpu.vector_load %arg10[%get3A_437, %get3A_438] {strides = array<i32>} : memref<32x256xf32, #tpu.memory_space<vmem>>, vector<16xf32>,
    %get3A_440 = arith.constant 5 : i32
    %get3A_441 = arith.index_cast %get3A_440 : i32 to index
    %get3A_442 = arith.constant 16 : index
    %get3A_443 = tpu.vector_load %arg10[%get3A_441, %get3A_442] {strides = array<i32>} : memref<32x256xf32, #tpu.memory_space<vmem>>, vector<16xf32>,
    %add3A_444 = arith.addf %get3A_439, %get3A_443 : vector<16xf32>
    %get3A_445 = arith.constant 6 : i32
    %get3A_446 = arith.index_cast %get3A_445 : i32 to index
    %get3A_447 = arith.constant 16 : index
    %get3A_448 = tpu.vector_load %arg10[%get3A_446, %get3A_447] {strides = array<i32>} : memref<32x256xf32, #tpu.memory_space<vmem>>, vector<16xf32>,
    %add3A_449 = arith.addf %add3A_444, %get3A_448 : vector<16xf32>
    %get3A_450 = arith.constant 7 : i32
    %get3A_451 = arith.index_cast %get3A_450 : i32 to index
    %get3A_452 = arith.constant 16 : index
    %get3A_453 = tpu.vector_load %arg10[%get3A_451, %get3A_452] {strides = array<i32>} : memref<32x256xf32, #tpu.memory_space<vmem>>, vector<16xf32>,
    %add3A_454 = arith.addf %add3A_449, %get3A_453 : vector<16xf32>
    %swap3A_455 = arith.constant 1 : i32
    %swap3A_456 = arith.index_cast %swap3A_455 : i32 to index
    %swap3A_457 = arith.constant 16 : index
    %swap3A_458 = tpu.vector_load %arg12[%swap3A_456, %swap3A_457] {strides = array<i32>} : memref<8x256xf32, #tpu.memory_space<vmem>>, vector<16xf32>,
    tpu.vector_store %arg12[%swap3A_456, %swap3A_457], %add3A_454 {strides = array<i32>} : memref<8x256xf32, #tpu.memory_space<vmem>>, vector<16xf32>,
    %get3A_459 = arith.constant 4 : i32
    %get3A_460 = arith.index_cast %get3A_459 : i32 to index
    %get3A_461 = arith.constant 32 : index
    %get3A_462 = tpu.vector_load %arg10[%get3A_460, %get3A_461] {strides = array<i32>} : memref<32x256xf32, #tpu.memory_space<vmem>>, vector<16xf32>,
    %get3A_463 = arith.constant 5 : i32
    %get3A_464 = arith.index_cast %get3A_463 : i32 to index
    %get3A_465 = arith.constant 32 : index
    %get3A_466 = tpu.vector_load %arg10[%get3A_464, %get3A_465] {strides = array<i32>} : memref<32x256xf32, #tpu.memory_space<vmem>>, vector<16xf32>,
    %add3A_467 = arith.addf %get3A_462, %get3A_466 : vector<16xf32>
    %get3A_468 = arith.constant 6 : i32
    %get3A_469 = arith.index_cast %get3A_468 : i32 to index
    %get3A_470 = arith.constant 32 : index
    %get3A_471 = tpu.vector_load %arg10[%get3A_469, %get3A_470] {strides = array<i32>} : memref<32x256xf32, #tpu.memory_space<vmem>>, vector<16xf32>,
    %add3A_472 = arith.addf %add3A_467, %get3A_471 : vector<16xf32>
    %get3A_473 = arith.constant 7 : i32
    %get3A_474 = arith.index_cast %get3A_473 : i32 to index
    %get3A_475 = arith.constant 32 : index
    %get3A_476 = tpu.vector_load %arg10[%get3A_474, %get3A_475] {strides = array<i32>} : memref<32x256xf32, #tpu.memory_space<vmem>>, vector<16xf32>,
    %add3A_477 = arith.addf %add3A_472, %get3A_476 : vector<16xf32>
    %swap3A_478 = arith.constant 1 : i32
    %swap3A_479 = arith.index_cast %swap3A_478 : i32 to index
    %swap3A_480 = arith.constant 32 : index
    %swap3A_481 = tpu.vector_load %arg12[%swap3A_479, %swap3A_480] {strides = array<i32>} : memref<8x256xf32, #tpu.memory_space<vmem>>, vector<16xf32>,
    tpu.vector_store %arg12[%swap3A_479, %swap3A_480], %add3A_477 {strides = array<i32>} : memref<8x256xf32, #tpu.memory_space<vmem>>, vector<16xf32>,
    %get3A_482 = arith.constant 4 : i32
    %get3A_483 = arith.index_cast %get3A_482 : i32 to index
    %get3A_484 = arith.constant 48 : index
    %get3A_485 = tpu.vector_load %arg10[%get3A_483, %get3A_484] {strides = array<i32>} : memref<32x256xf32, #tpu.memory_space<vmem>>, vector<16xf32>,
    %get3A_486 = arith.constant 5 : i32
    %get3A_487 = arith.index_cast %get3A_486 : i32 to index
    %get3A_488 = arith.constant 48 : index
    %get3A_489 = tpu.vector_load %arg10[%get3A_487, %get3A_488] {strides = array<i32>} : memref<32x256xf32, #tpu.memory_space<vmem>>, vector<16xf32>,
    %add3A_490 = arith.addf %get3A_485, %get3A_489 : vector<16xf32>
    %get3A_491 = arith.constant 6 : i32
    %get3A_492 = arith.index_cast %get3A_491 : i32 to index
    %get3A_493 = arith.constant 48 : index
    %get3A_494 = tpu.vector_load %arg10[%get3A_492, %get3A_493] {strides = array<i32>} : memref<32x256xf32, #tpu.memory_space<vmem>>, vector<16xf32>,
    %add3A_495 = arith.addf %add3A_490, %get3A_494 : vector<16xf32>
    %get3A_496 = arith.constant 7 : i32
    %get3A_497 = arith.index_cast %get3A_496 : i32 to index
    %get3A_498 = arith.constant 48 : index
    %get3A_499 = tpu.vector_load %arg10[%get3A_497, %get3A_498] {strides = array<i32>} : memref<32x256xf32, #tpu.memory_space<vmem>>, vector<16xf32>,
    %add3A_500 = arith.addf %add3A_495, %get3A_499 : vector<16xf32>
    %swap3A_501 = arith.constant 1 : i32
    %swap3A_502 = arith.index_cast %swap3A_501 : i32 to index
    %swap3A_503 = arith.constant 48 : index
    %swap3A_504 = tpu.vector_load %arg12[%swap3A_502, %swap3A_503] {strides = array<i32>} : memref<8x256xf32, #tpu.memory_space<vmem>>, vector<16xf32>,
    tpu.vector_store %arg12[%swap3A_502, %swap3A_503], %add3A_500 {strides = array<i32>} : memref<8x256xf32, #tpu.memory_space<vmem>>, vector<16xf32>,
    %get3A_505 = arith.constant 4 : i32
    %get3A_506 = arith.index_cast %get3A_505 : i32 to index
    %get3A_507 = arith.constant 64 : index
    %get3A_508 = tpu.vector_load %arg10[%get3A_506, %get3A_507] {strides = array<i32>} : memref<32x256xf32, #tpu.memory_space<vmem>>, vector<16xf32>,
    %get3A_509 = arith.constant 5 : i32
    %get3A_510 = arith.index_cast %get3A_509 : i32 to index
    %get3A_511 = arith.constant 64 : index
    %get3A_512 = tpu.vector_load %arg10[%get3A_510, %get3A_511] {strides = array<i32>} : memref<32x256xf32, #tpu.memory_space<vmem>>, vector<16xf32>,
    %add3A_513 = arith.addf %get3A_508, %get3A_512 : vector<16xf32>
    %get3A_514 = arith.constant 6 : i32
    %get3A_515 = arith.index_cast %get3A_514 : i32 to index
    %get3A_516 = arith.constant 64 : index
    %get3A_517 = tpu.vector_load %arg10[%get3A_515, %get3A_516] {strides = array<i32>} : memref<32x256xf32, #tpu.memory_space<vmem>>, vector<16xf32>,
    %add3A_518 = arith.addf %add3A_513, %get3A_517 : vector<16xf32>
    %get3A_519 = arith.constant 7 : i32
    %get3A_520 = arith.index_cast %get3A_519 : i32 to index
    %get3A_521 = arith.constant 64 : index
    %get3A_522 = tpu.vector_load %arg10[%get3A_520, %get3A_521] {strides = array<i32>} : memref<32x256xf32, #tpu.memory_space<vmem>>, vector<16xf32>,
    %add3A_523 = arith.addf %add3A_518, %get3A_522 : vector<16xf32>
    %swap3A_524 = arith.constant 1 : i32
    %swap3A_525 = arith.index_cast %swap3A_524 : i32 to index
    %swap3A_526 = arith.constant 64 : index
    %swap3A_527 = tpu.vector_load %arg12[%swap3A_525, %swap3A_526] {strides = array<i32>} : memref<8x256xf32, #tpu.memory_space<vmem>>, vector<16xf32>,
    tpu.vector_store %arg12[%swap3A_525, %swap3A_526], %add3A_523 {strides = array<i32>} : memref<8x256xf32, #tpu.memory_space<vmem>>, vector<16xf32>,
    %get3A_528 = arith.constant 4 : i32
    %get3A_529 = arith.index_cast %get3A_528 : i32 to index
    %get3A_530 = arith.constant 80 : index
    %get3A_531 = tpu.vector_load %arg10[%get3A_529, %get3A_530] {strides = array<i32>} : memref<32x256xf32, #tpu.memory_space<vmem>>, vector<16xf32>,
    %get3A_532 = arith.constant 5 : i32
    %get3A_533 = arith.index_cast %get3A_532 : i32 to index
    %get3A_534 = arith.constant 80 : index
    %get3A_535 = tpu.vector_load %arg10[%get3A_533, %get3A_534] {strides = array<i32>} : memref<32x256xf32, #tpu.memory_space<vmem>>, vector<16xf32>,
    %add3A_536 = arith.addf %get3A_531, %get3A_535 : vector<16xf32>
    %get3A_537 = arith.constant 6 : i32
    %get3A_538 = arith.index_cast %get3A_537 : i32 to index
    %get3A_539 = arith.constant 80 : index
    %get3A_540 = tpu.vector_load %arg10[%get3A_538, %get3A_539] {strides = array<i32>} : memref<32x256xf32, #tpu.memory_space<vmem>>, vector<16xf32>,
    %add3A_541 = arith.addf %add3A_536, %get3A_540 : vector<16xf32>
    %get3A_542 = arith.constant 7 : i32
    %get3A_543 = arith.index_cast %get3A_542 : i32 to index
    %get3A_544 = arith.constant 80 : index
    %get3A_545 = tpu.vector_load %arg10[%get3A_543, %get3A_544] {strides = array<i32>} : memref<32x256xf32, #tpu.memory_space<vmem>>, vector<16xf32>,
    %add3A_546 = arith.addf %add3A_541, %get3A_545 : vector<16xf32>
    %swap3A_547 = arith.constant 1 : i32
    %swap3A_548 = arith.index_cast %swap3A_547 : i32 to index
    %swap3A_549 = arith.constant 80 : index
    %swap3A_550 = tpu.vector_load %arg12[%swap3A_548, %swap3A_549] {strides = array<i32>} : memref<8x256xf32, #tpu.memory_space<vmem>>, vector<16xf32>,
    tpu.vector_store %arg12[%swap3A_548, %swap3A_549], %add3A_546 {strides = array<i32>} : memref<8x256xf32, #tpu.memory_space<vmem>>, vector<16xf32>,
    %get3A_551 = arith.constant 4 : i32
    %get3A_552 = arith.index_cast %get3A_551 : i32 to index
    %get3A_553 = arith.constant 96 : index
    %get3A_554 = tpu.vector_load %arg10[%get3A_552, %get3A_553] {strides = array<i32>} : memref<32x256xf32, #tpu.memory_space<vmem>>, vector<16xf32>,
    %get3A_555 = arith.constant 5 : i32
    %get3A_556 = arith.index_cast %get3A_555 : i32 to index
    %get3A_557 = arith.constant 96 : index
    %get3A_558 = tpu.vector_load %arg10[%get3A_556, %get3A_557] {strides = array<i32>} : memref<32x256xf32, #tpu.memory_space<vmem>>, vector<16xf32>,
    %add3A_559 = arith.addf %get3A_554, %get3A_558 : vector<16xf32>
    %get3A_560 = arith.constant 6 : i32
    %get3A_561 = arith.index_cast %get3A_560 : i32 to index
    %get3A_562 = arith.constant 96 : index
    %get3A_563 = tpu.vector_load %arg10[%get3A_561, %get3A_562] {strides = array<i32>} : memref<32x256xf32, #tpu.memory_space<vmem>>, vector<16xf32>,
    %add3A_564 = arith.addf %add3A_559, %get3A_563 : vector<16xf32>
    %get3A_565 = arith.constant 7 : i32
    %get3A_566 = arith.index_cast %get3A_565 : i32 to index
    %get3A_567 = arith.constant 96 : index
    %get3A_568 = tpu.vector_load %arg10[%get3A_566, %get3A_567] {strides = array<i32>} : memref<32x256xf32, #tpu.memory_space<vmem>>, vector<16xf32>,
    %add3A_569 = arith.addf %add3A_564, %get3A_568 : vector<16xf32>
    %swap3A_570 = arith.constant 1 : i32
    %swap3A_571 = arith.index_cast %swap3A_570 : i32 to index
    %swap3A_572 = arith.constant 96 : index
    %swap3A_573 = tpu.vector_load %arg12[%swap3A_571, %swap3A_572] {strides = array<i32>} : memref<8x256xf32, #tpu.memory_space<vmem>>, vector<16xf32>,
    tpu.vector_store %arg12[%swap3A_571, %swap3A_572], %add3A_569 {strides = array<i32>} : memref<8x256xf32, #tpu.memory_space<vmem>>, vector<16xf32>,
    %get3A_574 = arith.constant 4 : i32
    %get3A_575 = arith.index_cast %get3A_574 : i32 to index
    %get3A_576 = arith.constant 112 : index
    %get3A_577 = tpu.vector_load %arg10[%get3A_575, %get3A_576] {strides = array<i32>} : memref<32x256xf32, #tpu.memory_space<vmem>>, vector<16xf32>,
    %get3A_578 = arith.constant 5 : i32
    %get3A_579 = arith.index_cast %get3A_578 : i32 to index
    %get3A_580 = arith.constant 112 : index
    %get3A_581 = tpu.vector_load %arg10[%get3A_579, %get3A_580] {strides = array<i32>} : memref<32x256xf32, #tpu.memory_space<vmem>>, vector<16xf32>,
    %add3A_582 = arith.addf %get3A_577, %get3A_581 : vector<16xf32>
    %get3A_583 = arith.constant 6 : i32
    %get3A_584 = arith.index_cast %get3A_583 : i32 to index
    %get3A_585 = arith.constant 112 : index
    %get3A_586 = tpu.vector_load %arg10[%get3A_584, %get3A_585] {strides = array<i32>} : memref<32x256xf32, #tpu.memory_space<vmem>>, vector<16xf32>,
    %add3A_587 = arith.addf %add3A_582, %get3A_586 : vector<16xf32>
    %get3A_588 = arith.constant 7 : i32
    %get3A_589 = arith.index_cast %get3A_588 : i32 to index
    %get3A_590 = arith.constant 112 : index
    %get3A_591 = tpu.vector_load %arg10[%get3A_589, %get3A_590] {strides = array<i32>} : memref<32x256xf32, #tpu.memory_space<vmem>>, vector<16xf32>,
    %add3A_592 = arith.addf %add3A_587, %get3A_591 : vector<16xf32>
    %swap3A_593 = arith.constant 1 : i32
    %swap3A_594 = arith.index_cast %swap3A_593 : i32 to index
    %swap3A_595 = arith.constant 112 : index
    %swap3A_596 = tpu.vector_load %arg12[%swap3A_594, %swap3A_595] {strides = array<i32>} : memref<8x256xf32, #tpu.memory_space<vmem>>, vector<16xf32>,
    tpu.vector_store %arg12[%swap3A_594, %swap3A_595], %add3A_592 {strides = array<i32>} : memref<8x256xf32, #tpu.memory_space<vmem>>, vector<16xf32>,
    %get3A_597 = arith.constant 4 : i32
    %get3A_598 = arith.index_cast %get3A_597 : i32 to index
    %get3A_599 = arith.constant 128 : index
    %get3A_600 = tpu.vector_load %arg10[%get3A_598, %get3A_599] {strides = array<i32>} : memref<32x256xf32, #tpu.memory_space<vmem>>, vector<16xf32>,
    %get3A_601 = arith.constant 5 : i32
    %get3A_602 = arith.index_cast %get3A_601 : i32 to index
    %get3A_603 = arith.constant 128 : index
    %get3A_604 = tpu.vector_load %arg10[%get3A_602, %get3A_603] {strides = array<i32>} : memref<32x256xf32, #tpu.memory_space<vmem>>, vector<16xf32>,
    %add3A_605 = arith.addf %get3A_600, %get3A_604 : vector<16xf32>
    %get3A_606 = arith.constant 6 : i32
    %get3A_607 = arith.index_cast %get3A_606 : i32 to index
    %get3A_608 = arith.constant 128 : index
    %get3A_609 = tpu.vector_load %arg10[%get3A_607, %get3A_608] {strides = array<i32>} : memref<32x256xf32, #tpu.memory_space<vmem>>, vector<16xf32>,
    %add3A_610 = arith.addf %add3A_605, %get3A_609 : vector<16xf32>
    %get3A_611 = arith.constant 7 : i32
    %get3A_612 = arith.index_cast %get3A_611 : i32 to index
    %get3A_613 = arith.constant 128 : index
    %get3A_614 = tpu.vector_load %arg10[%get3A_612, %get3A_613] {strides = array<i32>} : memref<32x256xf32, #tpu.memory_space<vmem>>, vector<16xf32>,
    %add3A_615 = arith.addf %add3A_610, %get3A_614 : vector<16xf32>
    %swap3A_616 = arith.constant 1 : i32
    %swap3A_617 = arith.index_cast %swap3A_616 : i32 to index
    %swap3A_618 = arith.constant 128 : index
    %swap3A_619 = tpu.vector_load %arg12[%swap3A_617, %swap3A_618] {strides = array<i32>} : memref<8x256xf32, #tpu.memory_space<vmem>>, vector<16xf32>,
    tpu.vector_store %arg12[%swap3A_617, %swap3A_618], %add3A_615 {strides = array<i32>} : memref<8x256xf32, #tpu.memory_space<vmem>>, vector<16xf32>,
    %get3A_620 = arith.constant 4 : i32
    %get3A_621 = arith.index_cast %get3A_620 : i32 to index
    %get3A_622 = arith.constant 144 : index
    %get3A_623 = tpu.vector_load %arg10[%get3A_621, %get3A_622] {strides = array<i32>} : memref<32x256xf32, #tpu.memory_space<vmem>>, vector<16xf32>,
    %get3A_624 = arith.constant 5 : i32
    %get3A_625 = arith.index_cast %get3A_624 : i32 to index
    %get3A_626 = arith.constant 144 : index
    %get3A_627 = tpu.vector_load %arg10[%get3A_625, %get3A_626] {strides = array<i32>} : memref<32x256xf32, #tpu.memory_space<vmem>>, vector<16xf32>,
    %add3A_628 = arith.addf %get3A_623, %get3A_627 : vector<16xf32>
    %get3A_629 = arith.constant 6 : i32
    %get3A_630 = arith.index_cast %get3A_629 : i32 to index
    %get3A_631 = arith.constant 144 : index
    %get3A_632 = tpu.vector_load %arg10[%get3A_630, %get3A_631] {strides = array<i32>} : memref<32x256xf32, #tpu.memory_space<vmem>>, vector<16xf32>,
    %add3A_633 = arith.addf %add3A_628, %get3A_632 : vector<16xf32>
    %get3A_634 = arith.constant 7 : i32
    %get3A_635 = arith.index_cast %get3A_634 : i32 to index
    %get3A_636 = arith.constant 144 : index
    %get3A_637 = tpu.vector_load %arg10[%get3A_635, %get3A_636] {strides = array<i32>} : memref<32x256xf32, #tpu.memory_space<vmem>>, vector<16xf32>,
    %add3A_638 = arith.addf %add3A_633, %get3A_637 : vector<16xf32>
    %swap3A_639 = arith.constant 1 : i32
    %swap3A_640 = arith.index_cast %swap3A_639 : i32 to index
    %swap3A_641 = arith.constant 144 : index
    %swap3A_642 = tpu.vector_load %arg12[%swap3A_640, %swap3A_641] {strides = array<i32>} : memref<8x256xf32, #tpu.memory_space<vmem>>, vector<16xf32>,
    tpu.vector_store %arg12[%swap3A_640, %swap3A_641], %add3A_638 {strides = array<i32>} : memref<8x256xf32, #tpu.memory_space<vmem>>, vector<16xf32>,
    %get3A_643 = arith.constant 4 : i32
    %get3A_644 = arith.index_cast %get3A_643 : i32 to index
    %get3A_645 = arith.constant 160 : index
    %get3A_646 = tpu.vector_load %arg10[%get3A_644, %get3A_645] {strides = array<i32>} : memref<32x256xf32, #tpu.memory_space<vmem>>, vector<16xf32>,
    %get3A_647 = arith.constant 5 : i32
    %get3A_648 = arith.index_cast %get3A_647 : i32 to index
    %get3A_649 = arith.constant 160 : index
    %get3A_650 = tpu.vector_load %arg10[%get3A_648, %get3A_649] {strides = array<i32>} : memref<32x256xf32, #tpu.memory_space<vmem>>, vector<16xf32>,
    %add3A_651 = arith.addf %get3A_646, %get3A_650 : vector<16xf32>
    %get3A_652 = arith.constant 6 : i32
    %get3A_653 = arith.index_cast %get3A_652 : i32 to index
    %get3A_654 = arith.constant 160 : index
    %get3A_655 = tpu.vector_load %arg10[%get3A_653, %get3A_654] {strides = array<i32>} : memref<32x256xf32, #tpu.memory_space<vmem>>, vector<16xf32>,
    %add3A_656 = arith.addf %add3A_651, %get3A_655 : vector<16xf32>
    %get3A_657 = arith.constant 7 : i32
    %get3A_658 = arith.index_cast %get3A_657 : i32 to index
    %get3A_659 = arith.constant 160 : index
    %get3A_660 = tpu.vector_load %arg10[%get3A_658, %get3A_659] {strides = array<i32>} : memref<32x256xf32, #tpu.memory_space<vmem>>, vector<16xf32>,
    %add3A_661 = arith.addf %add3A_656, %get3A_660 : vector<16xf32>
    %swap3A_662 = arith.constant 1 : i32
    %swap3A_663 = arith.index_cast %swap3A_662 : i32 to index
    %swap3A_664 = arith.constant 160 : index
    %swap3A_665 = tpu.vector_load %arg12[%swap3A_663, %swap3A_664] {strides = array<i32>} : memref<8x256xf32, #tpu.memory_space<vmem>>, vector<16xf32>,
    tpu.vector_store %arg12[%swap3A_663, %swap3A_664], %add3A_661 {strides = array<i32>} : memref<8x256xf32, #tpu.memory_space<vmem>>, vector<16xf32>,
    %get3A_666 = arith.constant 4 : i32
    %get3A_667 = arith.index_cast %get3A_666 : i32 to index
    %get3A_668 = arith.constant 176 : index
    %get3A_669 = tpu.vector_load %arg10[%get3A_667, %get3A_668] {strides = array<i32>} : memref<32x256xf32, #tpu.memory_space<vmem>>, vector<16xf32>,
    %get3A_670 = arith.constant 5 : i32
    %get3A_671 = arith.index_cast %get3A_670 : i32 to index
    %get3A_672 = arith.constant 176 : index
    %get3A_673 = tpu.vector_load %arg10[%get3A_671, %get3A_672] {strides = array<i32>} : memref<32x256xf32, #tpu.memory_space<vmem>>, vector<16xf32>,
    %add3A_674 = arith.addf %get3A_669, %get3A_673 : vector<16xf32>
    %get3A_675 = arith.constant 6 : i32
    %get3A_676 = arith.index_cast %get3A_675 : i32 to index
    %get3A_677 = arith.constant 176 : index
    %get3A_678 = tpu.vector_load %arg10[%get3A_676, %get3A_677] {strides = array<i32>} : memref<32x256xf32, #tpu.memory_space<vmem>>, vector<16xf32>,
    %add3A_679 = arith.addf %add3A_674, %get3A_678 : vector<16xf32>
    %get3A_680 = arith.constant 7 : i32
    %get3A_681 = arith.index_cast %get3A_680 : i32 to index
    %get3A_682 = arith.constant 176 : index
    %get3A_683 = tpu.vector_load %arg10[%get3A_681, %get3A_682] {strides = array<i32>} : memref<32x256xf32, #tpu.memory_space<vmem>>, vector<16xf32>,
    %add3A_684 = arith.addf %add3A_679, %get3A_683 : vector<16xf32>
    %swap3A_685 = arith.constant 1 : i32
    %swap3A_686 = arith.index_cast %swap3A_685 : i32 to index
    %swap3A_687 = arith.constant 176 : index
    %swap3A_688 = tpu.vector_load %arg12[%swap3A_686, %swap3A_687] {strides = array<i32>} : memref<8x256xf32, #tpu.memory_space<vmem>>, vector<16xf32>,
    tpu.vector_store %arg12[%swap3A_686, %swap3A_687], %add3A_684 {strides = array<i32>} : memref<8x256xf32, #tpu.memory_space<vmem>>, vector<16xf32>,
    %get3A_689 = arith.constant 4 : i32
    %get3A_690 = arith.index_cast %get3A_689 : i32 to index
    %get3A_691 = arith.constant 192 : index
    %get3A_692 = tpu.vector_load %arg10[%get3A_690, %get3A_691] {strides = array<i32>} : memref<32x256xf32, #tpu.memory_space<vmem>>, vector<16xf32>,
    %get3A_693 = arith.constant 5 : i32
    %get3A_694 = arith.index_cast %get3A_693 : i32 to index
    %get3A_695 = arith.constant 192 : index
    %get3A_696 = tpu.vector_load %arg10[%get3A_694, %get3A_695] {strides = array<i32>} : memref<32x256xf32, #tpu.memory_space<vmem>>, vector<16xf32>,
    %add3A_697 = arith.addf %get3A_692, %get3A_696 : vector<16xf32>
    %get3A_698 = arith.constant 6 : i32
    %get3A_699 = arith.index_cast %get3A_698 : i32 to index
    %get3A_700 = arith.constant 192 : index
    %get3A_701 = tpu.vector_load %arg10[%get3A_699, %get3A_700] {strides = array<i32>} : memref<32x256xf32, #tpu.memory_space<vmem>>, vector<16xf32>,
    %add3A_702 = arith.addf %add3A_697, %get3A_701 : vector<16xf32>
    %get3A_703 = arith.constant 7 : i32
    %get3A_704 = arith.index_cast %get3A_703 : i32 to index
    %get3A_705 = arith.constant 192 : index
    %get3A_706 = tpu.vector_load %arg10[%get3A_704, %get3A_705] {strides = array<i32>} : memref<32x256xf32, #tpu.memory_space<vmem>>, vector<16xf32>,
    %add3A_707 = arith.addf %add3A_702, %get3A_706 : vector<16xf32>
    %swap3A_708 = arith.constant 1 : i32
    %swap3A_709 = arith.index_cast %swap3A_708 : i32 to index
    %swap3A_710 = arith.constant 192 : index
    %swap3A_711 = tpu.vector_load %arg12[%swap3A_709, %swap3A_710] {strides = array<i32>} : memref<8x256xf32, #tpu.memory_space<vmem>>, vector<16xf32>,
    tpu.vector_store %arg12[%swap3A_709, %swap3A_710], %add3A_707 {strides = array<i32>} : memref<8x256xf32, #tpu.memory_space<vmem>>, vector<16xf32>,
    %get3A_712 = arith.constant 4 : i32
    %get3A_713 = arith.index_cast %get3A_712 : i32 to index
    %get3A_714 = arith.constant 208 : index
    %get3A_715 = tpu.vector_load %arg10[%get3A_713, %get3A_714] {strides = array<i32>} : memref<32x256xf32, #tpu.memory_space<vmem>>, vector<16xf32>,
    %get3A_716 = arith.constant 5 : i32
    %get3A_717 = arith.index_cast %get3A_716 : i32 to index
    %get3A_718 = arith.constant 208 : index
    %get3A_719 = tpu.vector_load %arg10[%get3A_717, %get3A_718] {strides = array<i32>} : memref<32x256xf32, #tpu.memory_space<vmem>>, vector<16xf32>,
    %add3A_720 = arith.addf %get3A_715, %get3A_719 : vector<16xf32>
    %get3A_721 = arith.constant 6 : i32
    %get3A_722 = arith.index_cast %get3A_721 : i32 to index
    %get3A_723 = arith.constant 208 : index
    %get3A_724 = tpu.vector_load %arg10[%get3A_722, %get3A_723] {strides = array<i32>} : memref<32x256xf32, #tpu.memory_space<vmem>>, vector<16xf32>,
    %add3A_725 = arith.addf %add3A_720, %get3A_724 : vector<16xf32>
    %get3A_726 = arith.constant 7 : i32
    %get3A_727 = arith.index_cast %get3A_726 : i32 to index
    %get3A_728 = arith.constant 208 : index
    %get3A_729 = tpu.vector_load %arg10[%get3A_727, %get3A_728] {strides = array<i32>} : memref<32x256xf32, #tpu.memory_space<vmem>>, vector<16xf32>,
    %add3A_730 = arith.addf %add3A_725, %get3A_729 : vector<16xf32>
    %swap3A_731 = arith.constant 1 : i32
    %swap3A_732 = arith.index_cast %swap3A_731 : i32 to index
    %swap3A_733 = arith.constant 208 : index
    %swap3A_734 = tpu.vector_load %arg12[%swap3A_732, %swap3A_733] {strides = array<i32>} : memref<8x256xf32, #tpu.memory_space<vmem>>, vector<16xf32>,
    tpu.vector_store %arg12[%swap3A_732, %swap3A_733], %add3A_730 {strides = array<i32>} : memref<8x256xf32, #tpu.memory_space<vmem>>, vector<16xf32>,
    %get3A_735 = arith.constant 4 : i32
    %get3A_736 = arith.index_cast %get3A_735 : i32 to index
    %get3A_737 = arith.constant 224 : index
    %get3A_738 = tpu.vector_load %arg10[%get3A_736, %get3A_737] {strides = array<i32>} : memref<32x256xf32, #tpu.memory_space<vmem>>, vector<16xf32>,
    %get3A_739 = arith.constant 5 : i32
    %get3A_740 = arith.index_cast %get3A_739 : i32 to index
    %get3A_741 = arith.constant 224 : index
    %get3A_742 = tpu.vector_load %arg10[%get3A_740, %get3A_741] {strides = array<i32>} : memref<32x256xf32, #tpu.memory_space<vmem>>, vector<16xf32>,
    %add3A_743 = arith.addf %get3A_738, %get3A_742 : vector<16xf32>
    %get3A_744 = arith.constant 6 : i32
    %get3A_745 = arith.index_cast %get3A_744 : i32 to index
    %get3A_746 = arith.constant 224 : index
    %get3A_747 = tpu.vector_load %arg10[%get3A_745, %get3A_746] {strides = array<i32>} : memref<32x256xf32, #tpu.memory_space<vmem>>, vector<16xf32>,
    %add3A_748 = arith.addf %add3A_743, %get3A_747 : vector<16xf32>
    %get3A_749 = arith.constant 7 : i32
    %get3A_750 = arith.index_cast %get3A_749 : i32 to index
    %get3A_751 = arith.constant 224 : index
    %get3A_752 = tpu.vector_load %arg10[%get3A_750, %get3A_751] {strides = array<i32>} : memref<32x256xf32, #tpu.memory_space<vmem>>, vector<16xf32>,
    %add3A_753 = arith.addf %add3A_748, %get3A_752 : vector<16xf32>
    %swap3A_754 = arith.constant 1 : i32
    %swap3A_755 = arith.index_cast %swap3A_754 : i32 to index
    %swap3A_756 = arith.constant 224 : index
    %swap3A_757 = tpu.vector_load %arg12[%swap3A_755, %swap3A_756] {strides = array<i32>} : memref<8x256xf32, #tpu.memory_space<vmem>>, vector<16xf32>,
    tpu.vector_store %arg12[%swap3A_755, %swap3A_756], %add3A_753 {strides = array<i32>} : memref<8x256xf32, #tpu.memory_space<vmem>>, vector<16xf32>,
    %get3A_758 = arith.constant 4 : i32
    %get3A_759 = arith.index_cast %get3A_758 : i32 to index
    %get3A_760 = arith.constant 240 : index
    %get3A_761 = tpu.vector_load %arg10[%get3A_759, %get3A_760] {strides = array<i32>} : memref<32x256xf32, #tpu.memory_space<vmem>>, vector<16xf32>,
    %get3A_762 = arith.constant 5 : i32
    %get3A_763 = arith.index_cast %get3A_762 : i32 to index
    %get3A_764 = arith.constant 240 : index
    %get3A_765 = tpu.vector_load %arg10[%get3A_763, %get3A_764] {strides = array<i32>} : memref<32x256xf32, #tpu.memory_space<vmem>>, vector<16xf32>,
    %add3A_766 = arith.addf %get3A_761, %get3A_765 : vector<16xf32>
    %get3A_767 = arith.constant 6 : i32
    %get3A_768 = arith.index_cast %get3A_767 : i32 to index
    %get3A_769 = arith.constant 240 : index
    %get3A_770 = tpu.vector_load %arg10[%get3A_768, %get3A_769] {strides = array<i32>} : memref<32x256xf32, #tpu.memory_space<vmem>>, vector<16xf32>,
    %add3A_771 = arith.addf %add3A_766, %get3A_770 : vector<16xf32>
    %get3A_772 = arith.constant 7 : i32
    %get3A_773 = arith.index_cast %get3A_772 : i32 to index
    %get3A_774 = arith.constant 240 : index
    %get3A_775 = tpu.vector_load %arg10[%get3A_773, %get3A_774] {strides = array<i32>} : memref<32x256xf32, #tpu.memory_space<vmem>>, vector<16xf32>,
    %add3A_776 = arith.addf %add3A_771, %get3A_775 : vector<16xf32>
    %swap3A_777 = arith.constant 1 : i32
    %swap3A_778 = arith.index_cast %swap3A_777 : i32 to index
    %swap3A_779 = arith.constant 240 : index
    %swap3A_780 = tpu.vector_load %arg12[%swap3A_778, %swap3A_779] {strides = array<i32>} : memref<8x256xf32, #tpu.memory_space<vmem>>, vector<16xf32>,
    tpu.vector_store %arg12[%swap3A_778, %swap3A_779], %add3A_776 {strides = array<i32>} : memref<8x256xf32, #tpu.memory_space<vmem>>, vector<16xf32>,
    %get3A_781 = arith.constant 8 : i32
    %get3A_782 = arith.index_cast %get3A_781 : i32 to index
    %get3A_783 = arith.constant 0 : index
    %get3A_784 = tpu.vector_load %arg10[%get3A_782, %get3A_783] {strides = array<i32>} : memref<32x256xf32, #tpu.memory_space<vmem>>, vector<16xf32>,
    %get3A_785 = arith.constant 9 : i32
    %get3A_786 = arith.index_cast %get3A_785 : i32 to index
    %get3A_787 = arith.constant 0 : index
    %get3A_788 = tpu.vector_load %arg10[%get3A_786, %get3A_787] {strides = array<i32>} : memref<32x256xf32, #tpu.memory_space<vmem>>, vector<16xf32>,
    %add3A_789 = arith.addf %get3A_784, %get3A_788 : vector<16xf32>
    %get3A_790 = arith.constant 10 : i32
    %get3A_791 = arith.index_cast %get3A_790 : i32 to index
    %get3A_792 = arith.constant 0 : index
    %get3A_793 = tpu.vector_load %arg10[%get3A_791, %get3A_792] {strides = array<i32>} : memref<32x256xf32, #tpu.memory_space<vmem>>, vector<16xf32>,
    %add3A_794 = arith.addf %add3A_789, %get3A_793 : vector<16xf32>
    %get3A_795 = arith.constant 11 : i32
    %get3A_796 = arith.index_cast %get3A_795 : i32 to index
    %get3A_797 = arith.constant 0 : index
    %get3A_798 = tpu.vector_load %arg10[%get3A_796, %get3A_797] {strides = array<i32>} : memref<32x256xf32, #tpu.memory_space<vmem>>, vector<16xf32>,
    %add3A_799 = arith.addf %add3A_794, %get3A_798 : vector<16xf32>
    %swap3A_800 = arith.constant 2 : i32
    %swap3A_801 = arith.index_cast %swap3A_800 : i32 to index
    %swap3A_802 = arith.constant 0 : index
    %swap3A_803 = tpu.vector_load %arg12[%swap3A_801, %swap3A_802] {strides = array<i32>} : memref<8x256xf32, #tpu.memory_space<vmem>>, vector<16xf32>,
    tpu.vector_store %arg12[%swap3A_801, %swap3A_802], %add3A_799 {strides = array<i32>} : memref<8x256xf32, #tpu.memory_space<vmem>>, vector<16xf32>,
    %get3A_804 = arith.constant 8 : i32
    %get3A_805 = arith.index_cast %get3A_804 : i32 to index
    %get3A_806 = arith.constant 16 : index
    %get3A_807 = tpu.vector_load %arg10[%get3A_805, %get3A_806] {strides = array<i32>} : memref<32x256xf32, #tpu.memory_space<vmem>>, vector<16xf32>,
    %get3A_808 = arith.constant 9 : i32
    %get3A_809 = arith.index_cast %get3A_808 : i32 to index
    %get3A_810 = arith.constant 16 : index
    %get3A_811 = tpu.vector_load %arg10[%get3A_809, %get3A_810] {strides = array<i32>} : memref<32x256xf32, #tpu.memory_space<vmem>>, vector<16xf32>,
    %add3A_812 = arith.addf %get3A_807, %get3A_811 : vector<16xf32>
    %get3A_813 = arith.constant 10 : i32
    %get3A_814 = arith.index_cast %get3A_813 : i32 to index
    %get3A_815 = arith.constant 16 : index
    %get3A_816 = tpu.vector_load %arg10[%get3A_814, %get3A_815] {strides = array<i32>} : memref<32x256xf32, #tpu.memory_space<vmem>>, vector<16xf32>,
    %add3A_817 = arith.addf %add3A_812, %get3A_816 : vector<16xf32>
    %get3A_818 = arith.constant 11 : i32
    %get3A_819 = arith.index_cast %get3A_818 : i32 to index
    %get3A_820 = arith.constant 16 : index
    %get3A_821 = tpu.vector_load %arg10[%get3A_819, %get3A_820] {strides = array<i32>} : memref<32x256xf32, #tpu.memory_space<vmem>>, vector<16xf32>,
    %add3A_822 = arith.addf %add3A_817, %get3A_821 : vector<16xf32>
    %swap3A_823 = arith.constant 2 : i32
    %swap3A_824 = arith.index_cast %swap3A_823 : i32 to index
    %swap3A_825 = arith.constant 16 : index
    %swap3A_826 = tpu.vector_load %arg12[%swap3A_824, %swap3A_825] {strides = array<i32>} : memref<8x256xf32, #tpu.memory_space<vmem>>, vector<16xf32>,
    tpu.vector_store %arg12[%swap3A_824, %swap3A_825], %add3A_822 {strides = array<i32>} : memref<8x256xf32, #tpu.memory_space<vmem>>, vector<16xf32>,
    %get3A_827 = arith.constant 8 : i32
    %get3A_828 = arith.index_cast %get3A_827 : i32 to index
    %get3A_829 = arith.constant 32 : index
    %get3A_830 = tpu.vector_load %arg10[%get3A_828, %get3A_829] {strides = array<i32>} : memref<32x256xf32, #tpu.memory_space<vmem>>, vector<16xf32>,
    %get3A_831 = arith.constant 9 : i32
    %get3A_832 = arith.index_cast %get3A_831 : i32 to index
    %get3A_833 = arith.constant 32 : index
    %get3A_834 = tpu.vector_load %arg10[%get3A_832, %get3A_833] {strides = array<i32>} : memref<32x256xf32, #tpu.memory_space<vmem>>, vector<16xf32>,
    %add3A_835 = arith.addf %get3A_830, %get3A_834 : vector<16xf32>
    %get3A_836 = arith.constant 10 : i32
    %get3A_837 = arith.index_cast %get3A_836 : i32 to index
    %get3A_838 = arith.constant 32 : index
    %get3A_839 = tpu.vector_load %arg10[%get3A_837, %get3A_838] {strides = array<i32>} : memref<32x256xf32, #tpu.memory_space<vmem>>, vector<16xf32>,
    %add3A_840 = arith.addf %add3A_835, %get3A_839 : vector<16xf32>
    %get3A_841 = arith.constant 11 : i32
    %get3A_842 = arith.index_cast %get3A_841 : i32 to index
    %get3A_843 = arith.constant 32 : index
    %get3A_844 = tpu.vector_load %arg10[%get3A_842, %get3A_843] {strides = array<i32>} : memref<32x256xf32, #tpu.memory_space<vmem>>, vector<16xf32>,
    %add3A_845 = arith.addf %add3A_840, %get3A_844 : vector<16xf32>
    %swap3A_846 = arith.constant 2 : i32
    %swap3A_847 = arith.index_cast %swap3A_846 : i32 to index
    %swap3A_848 = arith.constant 32 : index
    %swap3A_849 = tpu.vector_load %arg12[%swap3A_847, %swap3A_848] {strides = array<i32>} : memref<8x256xf32, #tpu.memory_space<vmem>>, vector<16xf32>,
    tpu.vector_store %arg12[%swap3A_847, %swap3A_848], %add3A_845 {strides = array<i32>} : memref<8x256xf32, #tpu.memory_space<vmem>>, vector<16xf32>,
    %get3A_850 = arith.constant 8 : i32
    %get3A_851 = arith.index_cast %get3A_850 : i32 to index
    %get3A_852 = arith.constant 48 : index
    %get3A_853 = tpu.vector_load %arg10[%get3A_851, %get3A_852] {strides = array<i32>} : memref<32x256xf32, #tpu.memory_space<vmem>>, vector<16xf32>,
    %get3A_854 = arith.constant 9 : i32
    %get3A_855 = arith.index_cast %get3A_854 : i32 to index
    %get3A_856 = arith.constant 48 : index
    %get3A_857 = tpu.vector_load %arg10[%get3A_855, %get3A_856] {strides = array<i32>} : memref<32x256xf32, #tpu.memory_space<vmem>>, vector<16xf32>,
    %add3A_858 = arith.addf %get3A_853, %get3A_857 : vector<16xf32>
    %get3A_859 = arith.constant 10 : i32
    %get3A_860 = arith.index_cast %get3A_859 : i32 to index
    %get3A_861 = arith.constant 48 : index
    %get3A_862 = tpu.vector_load %arg10[%get3A_860, %get3A_861] {strides = array<i32>} : memref<32x256xf32, #tpu.memory_space<vmem>>, vector<16xf32>,
    %add3A_863 = arith.addf %add3A_858, %get3A_862 : vector<16xf32>
    %get3A_864 = arith.constant 11 : i32
    %get3A_865 = arith.index_cast %get3A_864 : i32 to index
    %get3A_866 = arith.constant 48 : index
    %get3A_867 = tpu.vector_load %arg10[%get3A_865, %get3A_866] {strides = array<i32>} : memref<32x256xf32, #tpu.memory_space<vmem>>, vector<16xf32>,
    %add3A_868 = arith.addf %add3A_863, %get3A_867 : vector<16xf32>
    %swap3A_869 = arith.constant 2 : i32
    %swap3A_870 = arith.index_cast %swap3A_869 : i32 to index
    %swap3A_871 = arith.constant 48 : index
    %swap3A_872 = tpu.vector_load %arg12[%swap3A_870, %swap3A_871] {strides = array<i32>} : memref<8x256xf32, #tpu.memory_space<vmem>>, vector<16xf32>,
    tpu.vector_store %arg12[%swap3A_870, %swap3A_871], %add3A_868 {strides = array<i32>} : memref<8x256xf32, #tpu.memory_space<vmem>>, vector<16xf32>,
    %get3A_873 = arith.constant 8 : i32
    %get3A_874 = arith.index_cast %get3A_873 : i32 to index
    %get3A_875 = arith.constant 64 : index
    %get3A_876 = tpu.vector_load %arg10[%get3A_874, %get3A_875] {strides = array<i32>} : memref<32x256xf32, #tpu.memory_space<vmem>>, vector<16xf32>,
    %get3A_877 = arith.constant 9 : i32
    %get3A_878 = arith.index_cast %get3A_877 : i32 to index
    %get3A_879 = arith.constant 64 : index
    %get3A_880 = tpu.vector_load %arg10[%get3A_878, %get3A_879] {strides = array<i32>} : memref<32x256xf32, #tpu.memory_space<vmem>>, vector<16xf32>,
    %add3A_881 = arith.addf %get3A_876, %get3A_880 : vector<16xf32>
    %get3A_882 = arith.constant 10 : i32
    %get3A_883 = arith.index_cast %get3A_882 : i32 to index
    %get3A_884 = arith.constant 64 : index
    %get3A_885 = tpu.vector_load %arg10[%get3A_883, %get3A_884] {strides = array<i32>} : memref<32x256xf32, #tpu.memory_space<vmem>>, vector<16xf32>,
    %add3A_886 = arith.addf %add3A_881, %get3A_885 : vector<16xf32>
    %get3A_887 = arith.constant 11 : i32
    %get3A_888 = arith.index_cast %get3A_887 : i32 to index
    %get3A_889 = arith.constant 64 : index
    %get3A_890 = tpu.vector_load %arg10[%get3A_888, %get3A_889] {strides = array<i32>} : memref<32x256xf32, #tpu.memory_space<vmem>>, vector<16xf32>,
    %add3A_891 = arith.addf %add3A_886, %get3A_890 : vector<16xf32>
    %swap3A_892 = arith.constant 2 : i32
    %swap3A_893 = arith.index_cast %swap3A_892 : i32 to index
    %swap3A_894 = arith.constant 64 : index
    %swap3A_895 = tpu.vector_load %arg12[%swap3A_893, %swap3A_894] {strides = array<i32>} : memref<8x256xf32, #tpu.memory_space<vmem>>, vector<16xf32>,
    tpu.vector_store %arg12[%swap3A_893, %swap3A_894], %add3A_891 {strides = array<i32>} : memref<8x256xf32, #tpu.memory_space<vmem>>, vector<16xf32>,
    %get3A_896 = arith.constant 8 : i32
    %get3A_897 = arith.index_cast %get3A_896 : i32 to index
    %get3A_898 = arith.constant 80 : index
    %get3A_899 = tpu.vector_load %arg10[%get3A_897, %get3A_898] {strides = array<i32>} : memref<32x256xf32, #tpu.memory_space<vmem>>, vector<16xf32>,
    %get3A_900 = arith.constant 9 : i32
    %get3A_901 = arith.index_cast %get3A_900 : i32 to index
    %get3A_902 = arith.constant 80 : index
    %get3A_903 = tpu.vector_load %arg10[%get3A_901, %get3A_902] {strides = array<i32>} : memref<32x256xf32, #tpu.memory_space<vmem>>, vector<16xf32>,
    %add3A_904 = arith.addf %get3A_899, %get3A_903 : vector<16xf32>
    %get3A_905 = arith.constant 10 : i32
    %get3A_906 = arith.index_cast %get3A_905 : i32 to index
    %get3A_907 = arith.constant 80 : index
    %get3A_908 = tpu.vector_load %arg10[%get3A_906, %get3A_907] {strides = array<i32>} : memref<32x256xf32, #tpu.memory_space<vmem>>, vector<16xf32>,
    %add3A_909 = arith.addf %add3A_904, %get3A_908 : vector<16xf32>
    %get3A_910 = arith.constant 11 : i32
    %get3A_911 = arith.index_cast %get3A_910 : i32 to index
    %get3A_912 = arith.constant 80 : index
    %get3A_913 = tpu.vector_load %arg10[%get3A_911, %get3A_912] {strides = array<i32>} : memref<32x256xf32, #tpu.memory_space<vmem>>, vector<16xf32>,
    %add3A_914 = arith.addf %add3A_909, %get3A_913 : vector<16xf32>
    %swap3A_915 = arith.constant 2 : i32
    %swap3A_916 = arith.index_cast %swap3A_915 : i32 to index
    %swap3A_917 = arith.constant 80 : index
    %swap3A_918 = tpu.vector_load %arg12[%swap3A_916, %swap3A_917] {strides = array<i32>} : memref<8x256xf32, #tpu.memory_space<vmem>>, vector<16xf32>,
    tpu.vector_store %arg12[%swap3A_916, %swap3A_917], %add3A_914 {strides = array<i32>} : memref<8x256xf32, #tpu.memory_space<vmem>>, vector<16xf32>,
    %get3A_919 = arith.constant 8 : i32
    %get3A_920 = arith.index_cast %get3A_919 : i32 to index
    %get3A_921 = arith.constant 96 : index
    %get3A_922 = tpu.vector_load %arg10[%get3A_920, %get3A_921] {strides = array<i32>} : memref<32x256xf32, #tpu.memory_space<vmem>>, vector<16xf32>,
    %get3A_923 = arith.constant 9 : i32
    %get3A_924 = arith.index_cast %get3A_923 : i32 to index
    %get3A_925 = arith.constant 96 : index
    %get3A_926 = tpu.vector_load %arg10[%get3A_924, %get3A_925] {strides = array<i32>} : memref<32x256xf32, #tpu.memory_space<vmem>>, vector<16xf32>,
    %add3A_927 = arith.addf %get3A_922, %get3A_926 : vector<16xf32>
    %get3A_928 = arith.constant 10 : i32
    %get3A_929 = arith.index_cast %get3A_928 : i32 to index
    %get3A_930 = arith.constant 96 : index
    %get3A_931 = tpu.vector_load %arg10[%get3A_929, %get3A_930] {strides = array<i32>} : memref<32x256xf32, #tpu.memory_space<vmem>>, vector<16xf32>,
    %add3A_932 = arith.addf %add3A_927, %get3A_931 : vector<16xf32>
    %get3A_933 = arith.constant 11 : i32
    %get3A_934 = arith.index_cast %get3A_933 : i32 to index
    %get3A_935 = arith.constant 96 : index
    %get3A_936 = tpu.vector_load %arg10[%get3A_934, %get3A_935] {strides = array<i32>} : memref<32x256xf32, #tpu.memory_space<vmem>>, vector<16xf32>,
    %add3A_937 = arith.addf %add3A_932, %get3A_936 : vector<16xf32>
    %swap3A_938 = arith.constant 2 : i32
    %swap3A_939 = arith.index_cast %swap3A_938 : i32 to index
    %swap3A_940 = arith.constant 96 : index
    %swap3A_941 = tpu.vector_load %arg12[%swap3A_939, %swap3A_940] {strides = array<i32>} : memref<8x256xf32, #tpu.memory_space<vmem>>, vector<16xf32>,
    tpu.vector_store %arg12[%swap3A_939, %swap3A_940], %add3A_937 {strides = array<i32>} : memref<8x256xf32, #tpu.memory_space<vmem>>, vector<16xf32>,
    %get3A_942 = arith.constant 8 : i32
    %get3A_943 = arith.index_cast %get3A_942 : i32 to index
    %get3A_944 = arith.constant 112 : index
    %get3A_945 = tpu.vector_load %arg10[%get3A_943, %get3A_944] {strides = array<i32>} : memref<32x256xf32, #tpu.memory_space<vmem>>, vector<16xf32>,
    %get3A_946 = arith.constant 9 : i32
    %get3A_947 = arith.index_cast %get3A_946 : i32 to index
    %get3A_948 = arith.constant 112 : index
    %get3A_949 = tpu.vector_load %arg10[%get3A_947, %get3A_948] {strides = array<i32>} : memref<32x256xf32, #tpu.memory_space<vmem>>, vector<16xf32>,
    %add3A_950 = arith.addf %get3A_945, %get3A_949 : vector<16xf32>
    %get3A_951 = arith.constant 10 : i32
    %get3A_952 = arith.index_cast %get3A_951 : i32 to index
    %get3A_953 = arith.constant 112 : index
    %get3A_954 = tpu.vector_load %arg10[%get3A_952, %get3A_953] {strides = array<i32>} : memref<32x256xf32, #tpu.memory_space<vmem>>, vector<16xf32>,
    %add3A_955 = arith.addf %add3A_950, %get3A_954 : vector<16xf32>
    %get3A_956 = arith.constant 11 : i32
    %get3A_957 = arith.index_cast %get3A_956 : i32 to index
    %get3A_958 = arith.constant 112 : index
    %get3A_959 = tpu.vector_load %arg10[%get3A_957, %get3A_958] {strides = array<i32>} : memref<32x256xf32, #tpu.memory_space<vmem>>, vector<16xf32>,
    %add3A_960 = arith.addf %add3A_955, %get3A_959 : vector<16xf32>
    %swap3A_961 = arith.constant 2 : i32
    %swap3A_962 = arith.index_cast %swap3A_961 : i32 to index
    %swap3A_963 = arith.constant 112 : index
    %swap3A_964 = tpu.vector_load %arg12[%swap3A_962, %swap3A_963] {strides = array<i32>} : memref<8x256xf32, #tpu.memory_space<vmem>>, vector<16xf32>,
    tpu.vector_store %arg12[%swap3A_962, %swap3A_963], %add3A_960 {strides = array<i32>} : memref<8x256xf32, #tpu.memory_space<vmem>>, vector<16xf32>,
    %get3A_965 = arith.constant 8 : i32
    %get3A_966 = arith.index_cast %get3A_965 : i32 to index
    %get3A_967 = arith.constant 128 : index
    %get3A_968 = tpu.vector_load %arg10[%get3A_966, %get3A_967] {strides = array<i32>} : memref<32x256xf32, #tpu.memory_space<vmem>>, vector<16xf32>,
    %get3A_969 = arith.constant 9 : i32
    %get3A_970 = arith.index_cast %get3A_969 : i32 to index
    %get3A_971 = arith.constant 128 : index
    %get3A_972 = tpu.vector_load %arg10[%get3A_970, %get3A_971] {strides = array<i32>} : memref<32x256xf32, #tpu.memory_space<vmem>>, vector<16xf32>,
    %add3A_973 = arith.addf %get3A_968, %get3A_972 : vector<16xf32>
    %get3A_974 = arith.constant 10 : i32
    %get3A_975 = arith.index_cast %get3A_974 : i32 to index
    %get3A_976 = arith.constant 128 : index
    %get3A_977 = tpu.vector_load %arg10[%get3A_975, %get3A_976] {strides = array<i32>} : memref<32x256xf32, #tpu.memory_space<vmem>>, vector<16xf32>,
    %add3A_978 = arith.addf %add3A_973, %get3A_977 : vector<16xf32>
    %get3A_979 = arith.constant 11 : i32
    %get3A_980 = arith.index_cast %get3A_979 : i32 to index
    %get3A_981 = arith.constant 128 : index
    %get3A_982 = tpu.vector_load %arg10[%get3A_980, %get3A_981] {strides = array<i32>} : memref<32x256xf32, #tpu.memory_space<vmem>>, vector<16xf32>,
    %add3A_983 = arith.addf %add3A_978, %get3A_982 : vector<16xf32>
    %swap3A_984 = arith.constant 2 : i32
    %swap3A_985 = arith.index_cast %swap3A_984 : i32 to index
    %swap3A_986 = arith.constant 128 : index
    %swap3A_987 = tpu.vector_load %arg12[%swap3A_985, %swap3A_986] {strides = array<i32>} : memref<8x256xf32, #tpu.memory_space<vmem>>, vector<16xf32>,
    tpu.vector_store %arg12[%swap3A_985, %swap3A_986], %add3A_983 {strides = array<i32>} : memref<8x256xf32, #tpu.memory_space<vmem>>, vector<16xf32>,
    %get3A_988 = arith.constant 8 : i32
    %get3A_989 = arith.index_cast %get3A_988 : i32 to index
    %get3A_990 = arith.constant 144 : index
    %get3A_991 = tpu.vector_load %arg10[%get3A_989, %get3A_990] {strides = array<i32>} : memref<32x256xf32, #tpu.memory_space<vmem>>, vector<16xf32>,
    %get3A_992 = arith.constant 9 : i32
    %get3A_993 = arith.index_cast %get3A_992 : i32 to index
    %get3A_994 = arith.constant 144 : index
    %get3A_995 = tpu.vector_load %arg10[%get3A_993, %get3A_994] {strides = array<i32>} : memref<32x256xf32, #tpu.memory_space<vmem>>, vector<16xf32>,
    %add3A_996 = arith.addf %get3A_991, %get3A_995 : vector<16xf32>
    %get3A_997 = arith.constant 10 : i32
    %get3A_998 = arith.index_cast %get3A_997 : i32 to index
    %get3A_999 = arith.constant 144 : index
    %get3A_1000 = tpu.vector_load %arg10[%get3A_998, %get3A_999] {strides = array<i32>} : memref<32x256xf32, #tpu.memory_space<vmem>>, vector<16xf32>,
    %add3A_1001 = arith.addf %add3A_996, %get3A_1000 : vector<16xf32>
    %get3A_1002 = arith.constant 11 : i32
    %get3A_1003 = arith.index_cast %get3A_1002 : i32 to index
    %get3A_1004 = arith.constant 144 : index
    %get3A_1005 = tpu.vector_load %arg10[%get3A_1003, %get3A_1004] {strides = array<i32>} : memref<32x256xf32, #tpu.memory_space<vmem>>, vector<16xf32>,
    %add3A_1006 = arith.addf %add3A_1001, %get3A_1005 : vector<16xf32>
    %swap3A_1007 = arith.constant 2 : i32
    %swap3A_1008 = arith.index_cast %swap3A_1007 : i32 to index
    %swap3A_1009 = arith.constant 144 : index
    %swap3A_1010 = tpu.vector_load %arg12[%swap3A_1008, %swap3A_1009] {strides = array<i32>} : memref<8x256xf32, #tpu.memory_space<vmem>>, vector<16xf32>,
    tpu.vector_store %arg12[%swap3A_1008, %swap3A_1009], %add3A_1006 {strides = array<i32>} : memref<8x256xf32, #tpu.memory_space<vmem>>, vector<16xf32>,
    %get3A_1011 = arith.constant 8 : i32
    %get3A_1012 = arith.index_cast %get3A_1011 : i32 to index
    %get3A_1013 = arith.constant 160 : index
    %get3A_1014 = tpu.vector_load %arg10[%get3A_1012, %get3A_1013] {strides = array<i32>} : memref<32x256xf32, #tpu.memory_space<vmem>>, vector<16xf32>,
    %get3A_1015 = arith.constant 9 : i32
    %get3A_1016 = arith.index_cast %get3A_1015 : i32 to index
    %get3A_1017 = arith.constant 160 : index
    %get3A_1018 = tpu.vector_load %arg10[%get3A_1016, %get3A_1017] {strides = array<i32>} : memref<32x256xf32, #tpu.memory_space<vmem>>, vector<16xf32>,
    %add3A_1019 = arith.addf %get3A_1014, %get3A_1018 : vector<16xf32>
    %get3A_1020 = arith.constant 10 : i32
    %get3A_1021 = arith.index_cast %get3A_1020 : i32 to index
    %get3A_1022 = arith.constant 160 : index
    %get3A_1023 = tpu.vector_load %arg10[%get3A_1021, %get3A_1022] {strides = array<i32>} : memref<32x256xf32, #tpu.memory_space<vmem>>, vector<16xf32>,
    %add3A_1024 = arith.addf %add3A_1019, %get3A_1023 : vector<16xf32>
    %get3A_1025 = arith.constant 11 : i32
    %get3A_1026 = arith.index_cast %get3A_1025 : i32 to index
    %get3A_1027 = arith.constant 160 : index
    %get3A_1028 = tpu.vector_load %arg10[%get3A_1026, %get3A_1027] {strides = array<i32>} : memref<32x256xf32, #tpu.memory_space<vmem>>, vector<16xf32>,
    %add3A_1029 = arith.addf %add3A_1024, %get3A_1028 : vector<16xf32>
    %swap3A_1030 = arith.constant 2 : i32
    %swap3A_1031 = arith.index_cast %swap3A_1030 : i32 to index
    %swap3A_1032 = arith.constant 160 : index
    %swap3A_1033 = tpu.vector_load %arg12[%swap3A_1031, %swap3A_1032] {strides = array<i32>} : memref<8x256xf32, #tpu.memory_space<vmem>>, vector<16xf32>,
    tpu.vector_store %arg12[%swap3A_1031, %swap3A_1032], %add3A_1029 {strides = array<i32>} : memref<8x256xf32, #tpu.memory_space<vmem>>, vector<16xf32>,
    %get3A_1034 = arith.constant 8 : i32
    %get3A_1035 = arith.index_cast %get3A_1034 : i32 to index
    %get3A_1036 = arith.constant 176 : index
    %get3A_1037 = tpu.vector_load %arg10[%get3A_1035, %get3A_1036] {strides = array<i32>} : memref<32x256xf32, #tpu.memory_space<vmem>>, vector<16xf32>,
    %get3A_1038 = arith.constant 9 : i32
    %get3A_1039 = arith.index_cast %get3A_1038 : i32 to index
    %get3A_1040 = arith.constant 176 : index
    %get3A_1041 = tpu.vector_load %arg10[%get3A_1039, %get3A_1040] {strides = array<i32>} : memref<32x256xf32, #tpu.memory_space<vmem>>, vector<16xf32>,
    %add3A_1042 = arith.addf %get3A_1037, %get3A_1041 : vector<16xf32>
    %get3A_1043 = arith.constant 10 : i32
    %get3A_1044 = arith.index_cast %get3A_1043 : i32 to index
    %get3A_1045 = arith.constant 176 : index
    %get3A_1046 = tpu.vector_load %arg10[%get3A_1044, %get3A_1045] {strides = array<i32>} : memref<32x256xf32, #tpu.memory_space<vmem>>, vector<16xf32>,
    %add3A_1047 = arith.addf %add3A_1042, %get3A_1046 : vector<16xf32>
    %get3A_1048 = arith.constant 11 : i32
    %get3A_1049 = arith.index_cast %get3A_1048 : i32 to index
    %get3A_1050 = arith.constant 176 : index
    %get3A_1051 = tpu.vector_load %arg10[%get3A_1049, %get3A_1050] {strides = array<i32>} : memref<32x256xf32, #tpu.memory_space<vmem>>, vector<16xf32>,
    %add3A_1052 = arith.addf %add3A_1047, %get3A_1051 : vector<16xf32>
    %swap3A_1053 = arith.constant 2 : i32
    %swap3A_1054 = arith.index_cast %swap3A_1053 : i32 to index
    %swap3A_1055 = arith.constant 176 : index
    %swap3A_1056 = tpu.vector_load %arg12[%swap3A_1054, %swap3A_1055] {strides = array<i32>} : memref<8x256xf32, #tpu.memory_space<vmem>>, vector<16xf32>,
    tpu.vector_store %arg12[%swap3A_1054, %swap3A_1055], %add3A_1052 {strides = array<i32>} : memref<8x256xf32, #tpu.memory_space<vmem>>, vector<16xf32>,
    %get3A_1057 = arith.constant 8 : i32
    %get3A_1058 = arith.index_cast %get3A_1057 : i32 to index
    %get3A_1059 = arith.constant 192 : index
    %get3A_1060 = tpu.vector_load %arg10[%get3A_1058, %get3A_1059] {strides = array<i32>} : memref<32x256xf32, #tpu.memory_space<vmem>>, vector<16xf32>,
    %get3A_1061 = arith.constant 9 : i32
    %get3A_1062 = arith.index_cast %get3A_1061 : i32 to index
    %get3A_1063 = arith.constant 192 : index
    %get3A_1064 = tpu.vector_load %arg10[%get3A_1062, %get3A_1063] {strides = array<i32>} : memref<32x256xf32, #tpu.memory_space<vmem>>, vector<16xf32>,
    %add3A_1065 = arith.addf %get3A_1060, %get3A_1064 : vector<16xf32>
    %get3A_1066 = arith.constant 10 : i32
    %get3A_1067 = arith.index_cast %get3A_1066 : i32 to index
    %get3A_1068 = arith.constant 192 : index
    %get3A_1069 = tpu.vector_load %arg10[%get3A_1067, %get3A_1068] {strides = array<i32>} : memref<32x256xf32, #tpu.memory_space<vmem>>, vector<16xf32>,
    %add3A_1070 = arith.addf %add3A_1065, %get3A_1069 : vector<16xf32>
    %get3A_1071 = arith.constant 11 : i32
    %get3A_1072 = arith.index_cast %get3A_1071 : i32 to index
    %get3A_1073 = arith.constant 192 : index
    %get3A_1074 = tpu.vector_load %arg10[%get3A_1072, %get3A_1073] {strides = array<i32>} : memref<32x256xf32, #tpu.memory_space<vmem>>, vector<16xf32>,
    %add3A_1075 = arith.addf %add3A_1070, %get3A_1074 : vector<16xf32>
    %swap3A_1076 = arith.constant 2 : i32
    %swap3A_1077 = arith.index_cast %swap3A_1076 : i32 to index
    %swap3A_1078 = arith.constant 192 : index
    %swap3A_1079 = tpu.vector_load %arg12[%swap3A_1077, %swap3A_1078] {strides = array<i32>} : memref<8x256xf32, #tpu.memory_space<vmem>>, vector<16xf32>,
    tpu.vector_store %arg12[%swap3A_1077, %swap3A_1078], %add3A_1075 {strides = array<i32>} : memref<8x256xf32, #tpu.memory_space<vmem>>, vector<16xf32>,
    %get3A_1080 = arith.constant 8 : i32
    %get3A_1081 = arith.index_cast %get3A_1080 : i32 to index
    %get3A_1082 = arith.constant 208 : index
    %get3A_1083 = tpu.vector_load %arg10[%get3A_1081, %get3A_1082] {strides = array<i32>} : memref<32x256xf32, #tpu.memory_space<vmem>>, vector<16xf32>,
    %get3A_1084 = arith.constant 9 : i32
    %get3A_1085 = arith.index_cast %get3A_1084 : i32 to index
    %get3A_1086 = arith.constant 208 : index
    %get3A_1087 = tpu.vector_load %arg10[%get3A_1085, %get3A_1086] {strides = array<i32>} : memref<32x256xf32, #tpu.memory_space<vmem>>, vector<16xf32>,
    %add3A_1088 = arith.addf %get3A_1083, %get3A_1087 : vector<16xf32>
    %get3A_1089 = arith.constant 10 : i32
    %get3A_1090 = arith.index_cast %get3A_1089 : i32 to index
    %get3A_1091 = arith.constant 208 : index
    %get3A_1092 = tpu.vector_load %arg10[%get3A_1090, %get3A_1091] {strides = array<i32>} : memref<32x256xf32, #tpu.memory_space<vmem>>, vector<16xf32>,
    %add3A_1093 = arith.addf %add3A_1088, %get3A_1092 : vector<16xf32>
    %get3A_1094 = arith.constant 11 : i32
    %get3A_1095 = arith.index_cast %get3A_1094 : i32 to index
    %get3A_1096 = arith.constant 208 : index
    %get3A_1097 = tpu.vector_load %arg10[%get3A_1095, %get3A_1096] {strides = array<i32>} : memref<32x256xf32, #tpu.memory_space<vmem>>, vector<16xf32>,
    %add3A_1098 = arith.addf %add3A_1093, %get3A_1097 : vector<16xf32>
    %swap3A_1099 = arith.constant 2 : i32
    %swap3A_1100 = arith.index_cast %swap3A_1099 : i32 to index
    %swap3A_1101 = arith.constant 208 : index
    %swap3A_1102 = tpu.vector_load %arg12[%swap3A_1100, %swap3A_1101] {strides = array<i32>} : memref<8x256xf32, #tpu.memory_space<vmem>>, vector<16xf32>,
    tpu.vector_store %arg12[%swap3A_1100, %swap3A_1101], %add3A_1098 {strides = array<i32>} : memref<8x256xf32, #tpu.memory_space<vmem>>, vector<16xf32>,
    %get3A_1103 = arith.constant 8 : i32
    %get3A_1104 = arith.index_cast %get3A_1103 : i32 to index
    %get3A_1105 = arith.constant 224 : index
    %get3A_1106 = tpu.vector_load %arg10[%get3A_1104, %get3A_1105] {strides = array<i32>} : memref<32x256xf32, #tpu.memory_space<vmem>>, vector<16xf32>,
    %get3A_1107 = arith.constant 9 : i32
    %get3A_1108 = arith.index_cast %get3A_1107 : i32 to index
    %get3A_1109 = arith.constant 224 : index
    %get3A_1110 = tpu.vector_load %arg10[%get3A_1108, %get3A_1109] {strides = array<i32>} : memref<32x256xf32, #tpu.memory_space<vmem>>, vector<16xf32>,
    %add3A_1111 = arith.addf %get3A_1106, %get3A_1110 : vector<16xf32>
    %get3A_1112 = arith.constant 10 : i32
    %get3A_1113 = arith.index_cast %get3A_1112 : i32 to index
    %get3A_1114 = arith.constant 224 : index
    %get3A_1115 = tpu.vector_load %arg10[%get3A_1113, %get3A_1114] {strides = array<i32>} : memref<32x256xf32, #tpu.memory_space<vmem>>, vector<16xf32>,
    %add3A_1116 = arith.addf %add3A_1111, %get3A_1115 : vector<16xf32>
    %get3A_1117 = arith.constant 11 : i32
    %get3A_1118 = arith.index_cast %get3A_1117 : i32 to index
    %get3A_1119 = arith.constant 224 : index
    %get3A_1120 = tpu.vector_load %arg10[%get3A_1118, %get3A_1119] {strides = array<i32>} : memref<32x256xf32, #tpu.memory_space<vmem>>, vector<16xf32>,
    %add3A_1121 = arith.addf %add3A_1116, %get3A_1120 : vector<16xf32>
    %swap3A_1122 = arith.constant 2 : i32
    %swap3A_1123 = arith.index_cast %swap3A_1122 : i32 to index
    %swap3A_1124 = arith.constant 224 : index
    %swap3A_1125 = tpu.vector_load %arg12[%swap3A_1123, %swap3A_1124] {strides = array<i32>} : memref<8x256xf32, #tpu.memory_space<vmem>>, vector<16xf32>,
    tpu.vector_store %arg12[%swap3A_1123, %swap3A_1124], %add3A_1121 {strides = array<i32>} : memref<8x256xf32, #tpu.memory_space<vmem>>, vector<16xf32>,
    %get3A_1126 = arith.constant 8 : i32
    %get3A_1127 = arith.index_cast %get3A_1126 : i32 to index
    %get3A_1128 = arith.constant 240 : index
    %get3A_1129 = tpu.vector_load %arg10[%get3A_1127, %get3A_1128] {strides = array<i32>} : memref<32x256xf32, #tpu.memory_space<vmem>>, vector<16xf32>,
    %get3A_1130 = arith.constant 9 : i32
    %get3A_1131 = arith.index_cast %get3A_1130 : i32 to index
    %get3A_1132 = arith.constant 240 : index
    %get3A_1133 = tpu.vector_load %arg10[%get3A_1131, %get3A_1132] {strides = array<i32>} : memref<32x256xf32, #tpu.memory_space<vmem>>, vector<16xf32>,
    %add3A_1134 = arith.addf %get3A_1129, %get3A_1133 : vector<16xf32>
    %get3A_1135 = arith.constant 10 : i32
    %get3A_1136 = arith.index_cast %get3A_1135 : i32 to index
    %get3A_1137 = arith.constant 240 : index
    %get3A_1138 = tpu.vector_load %arg10[%get3A_1136, %get3A_1137] {strides = array<i32>} : memref<32x256xf32, #tpu.memory_space<vmem>>, vector<16xf32>,
    %add3A_1139 = arith.addf %add3A_1134, %get3A_1138 : vector<16xf32>
    %get3A_1140 = arith.constant 11 : i32
    %get3A_1141 = arith.index_cast %get3A_1140 : i32 to index
    %get3A_1142 = arith.constant 240 : index
    %get3A_1143 = tpu.vector_load %arg10[%get3A_1141, %get3A_1142] {strides = array<i32>} : memref<32x256xf32, #tpu.memory_space<vmem>>, vector<16xf32>,
    %add3A_1144 = arith.addf %add3A_1139, %get3A_1143 : vector<16xf32>
    %swap3A_1145 = arith.constant 2 : i32
    %swap3A_1146 = arith.index_cast %swap3A_1145 : i32 to index
    %swap3A_1147 = arith.constant 240 : index
    %swap3A_1148 = tpu.vector_load %arg12[%swap3A_1146, %swap3A_1147] {strides = array<i32>} : memref<8x256xf32, #tpu.memory_space<vmem>>, vector<16xf32>,
    tpu.vector_store %arg12[%swap3A_1146, %swap3A_1147], %add3A_1144 {strides = array<i32>} : memref<8x256xf32, #tpu.memory_space<vmem>>, vector<16xf32>,
    %get3A_1149 = arith.constant 12 : i32
    %get3A_1150 = arith.index_cast %get3A_1149 : i32 to index
    %get3A_1151 = arith.constant 0 : index
    %get3A_1152 = tpu.vector_load %arg10[%get3A_1150, %get3A_1151] {strides = array<i32>} : memref<32x256xf32, #tpu.memory_space<vmem>>, vector<16xf32>,
    %get3A_1153 = arith.constant 13 : i32
    %get3A_1154 = arith.index_cast %get3A_1153 : i32 to index
    %get3A_1155 = arith.constant 0 : index
    %get3A_1156 = tpu.vector_load %arg10[%get3A_1154, %get3A_1155] {strides = array<i32>} : memref<32x256xf32, #tpu.memory_space<vmem>>, vector<16xf32>,
    %add3A_1157 = arith.addf %get3A_1152, %get3A_1156 : vector<16xf32>
    %get3A_1158 = arith.constant 14 : i32
    %get3A_1159 = arith.index_cast %get3A_1158 : i32 to index
    %get3A_1160 = arith.constant 0 : index
    %get3A_1161 = tpu.vector_load %arg10[%get3A_1159, %get3A_1160] {strides = array<i32>} : memref<32x256xf32, #tpu.memory_space<vmem>>, vector<16xf32>,
    %add3A_1162 = arith.addf %add3A_1157, %get3A_1161 : vector<16xf32>
    %get3A_1163 = arith.constant 15 : i32
    %get3A_1164 = arith.index_cast %get3A_1163 : i32 to index
    %get3A_1165 = arith.constant 0 : index
    %get3A_1166 = tpu.vector_load %arg10[%get3A_1164, %get3A_1165] {strides = array<i32>} : memref<32x256xf32, #tpu.memory_space<vmem>>, vector<16xf32>,
    %add3A_1167 = arith.addf %add3A_1162, %get3A_1166 : vector<16xf32>
    %swap3A_1168 = arith.constant 3 : i32
    %swap3A_1169 = arith.index_cast %swap3A_1168 : i32 to index
    %swap3A_1170 = arith.constant 0 : index
    %swap3A_1171 = tpu.vector_load %arg12[%swap3A_1169, %swap3A_1170] {strides = array<i32>} : memref<8x256xf32, #tpu.memory_space<vmem>>, vector<16xf32>,
    tpu.vector_store %arg12[%swap3A_1169, %swap3A_1170], %add3A_1167 {strides = array<i32>} : memref<8x256xf32, #tpu.memory_space<vmem>>, vector<16xf32>,
    %get3A_1172 = arith.constant 12 : i32
    %get3A_1173 = arith.index_cast %get3A_1172 : i32 to index
    %get3A_1174 = arith.constant 16 : index
    %get3A_1175 = tpu.vector_load %arg10[%get3A_1173, %get3A_1174] {strides = array<i32>} : memref<32x256xf32, #tpu.memory_space<vmem>>, vector<16xf32>,
    %get3A_1176 = arith.constant 13 : i32
    %get3A_1177 = arith.index_cast %get3A_1176 : i32 to index
    %get3A_1178 = arith.constant 16 : index
    %get3A_1179 = tpu.vector_load %arg10[%get3A_1177, %get3A_1178] {strides = array<i32>} : memref<32x256xf32, #tpu.memory_space<vmem>>, vector<16xf32>,
    %add3A_1180 = arith.addf %get3A_1175, %get3A_1179 : vector<16xf32>
    %get3A_1181 = arith.constant 14 : i32
    %get3A_1182 = arith.index_cast %get3A_1181 : i32 to index
    %get3A_1183 = arith.constant 16 : index
    %get3A_1184 = tpu.vector_load %arg10[%get3A_1182, %get3A_1183] {strides = array<i32>} : memref<32x256xf32, #tpu.memory_space<vmem>>, vector<16xf32>,
    %add3A_1185 = arith.addf %add3A_1180, %get3A_1184 : vector<16xf32>
    %get3A_1186 = arith.constant 15 : i32
    %get3A_1187 = arith.index_cast %get3A_1186 : i32 to index
    %get3A_1188 = arith.constant 16 : index
    %get3A_1189 = tpu.vector_load %arg10[%get3A_1187, %get3A_1188] {strides = array<i32>} : memref<32x256xf32, #tpu.memory_space<vmem>>, vector<16xf32>,
    %add3A_1190 = arith.addf %add3A_1185, %get3A_1189 : vector<16xf32>
    %swap3A_1191 = arith.constant 3 : i32
    %swap3A_1192 = arith.index_cast %swap3A_1191 : i32 to index
    %swap3A_1193 = arith.constant 16 : index
    %swap3A_1194 = tpu.vector_load %arg12[%swap3A_1192, %swap3A_1193] {strides = array<i32>} : memref<8x256xf32, #tpu.memory_space<vmem>>, vector<16xf32>,
    tpu.vector_store %arg12[%swap3A_1192, %swap3A_1193], %add3A_1190 {strides = array<i32>} : memref<8x256xf32, #tpu.memory_space<vmem>>, vector<16xf32>,
    %get3A_1195 = arith.constant 12 : i32
    %get3A_1196 = arith.index_cast %get3A_1195 : i32 to index
    %get3A_1197 = arith.constant 32 : index
    %get3A_1198 = tpu.vector_load %arg10[%get3A_1196, %get3A_1197] {strides = array<i32>} : memref<32x256xf32, #tpu.memory_space<vmem>>, vector<16xf32>,
    %get3A_1199 = arith.constant 13 : i32
    %get3A_1200 = arith.index_cast %get3A_1199 : i32 to index
    %get3A_1201 = arith.constant 32 : index
    %get3A_1202 = tpu.vector_load %arg10[%get3A_1200, %get3A_1201] {strides = array<i32>} : memref<32x256xf32, #tpu.memory_space<vmem>>, vector<16xf32>,
    %add3A_1203 = arith.addf %get3A_1198, %get3A_1202 : vector<16xf32>
    %get3A_1204 = arith.constant 14 : i32
    %get3A_1205 = arith.index_cast %get3A_1204 : i32 to index
    %get3A_1206 = arith.constant 32 : index
    %get3A_1207 = tpu.vector_load %arg10[%get3A_1205, %get3A_1206] {strides = array<i32>} : memref<32x256xf32, #tpu.memory_space<vmem>>, vector<16xf32>,
    %add3A_1208 = arith.addf %add3A_1203, %get3A_1207 : vector<16xf32>
    %get3A_1209 = arith.constant 15 : i32
    %get3A_1210 = arith.index_cast %get3A_1209 : i32 to index
    %get3A_1211 = arith.constant 32 : index
    %get3A_1212 = tpu.vector_load %arg10[%get3A_1210, %get3A_1211] {strides = array<i32>} : memref<32x256xf32, #tpu.memory_space<vmem>>, vector<16xf32>,
    %add3A_1213 = arith.addf %add3A_1208, %get3A_1212 : vector<16xf32>
    %swap3A_1214 = arith.constant 3 : i32
    %swap3A_1215 = arith.index_cast %swap3A_1214 : i32 to index
    %swap3A_1216 = arith.constant 32 : index
    %swap3A_1217 = tpu.vector_load %arg12[%swap3A_1215, %swap3A_1216] {strides = array<i32>} : memref<8x256xf32, #tpu.memory_space<vmem>>, vector<16xf32>,
    tpu.vector_store %arg12[%swap3A_1215, %swap3A_1216], %add3A_1213 {strides = array<i32>} : memref<8x256xf32, #tpu.memory_space<vmem>>, vector<16xf32>,
    %get3A_1218 = arith.constant 12 : i32
    %get3A_1219 = arith.index_cast %get3A_1218 : i32 to index
    %get3A_1220 = arith.constant 48 : index
    %get3A_1221 = tpu.vector_load %arg10[%get3A_1219, %get3A_1220] {strides = array<i32>} : memref<32x256xf32, #tpu.memory_space<vmem>>, vector<16xf32>,
    %get3A_1222 = arith.constant 13 : i32
    %get3A_1223 = arith.index_cast %get3A_1222 : i32 to index
    %get3A_1224 = arith.constant 48 : index
    %get3A_1225 = tpu.vector_load %arg10[%get3A_1223, %get3A_1224] {strides = array<i32>} : memref<32x256xf32, #tpu.memory_space<vmem>>, vector<16xf32>,
    %add3A_1226 = arith.addf %get3A_1221, %get3A_1225 : vector<16xf32>
    %get3A_1227 = arith.constant 14 : i32
    %get3A_1228 = arith.index_cast %get3A_1227 : i32 to index
    %get3A_1229 = arith.constant 48 : index
    %get3A_1230 = tpu.vector_load %arg10[%get3A_1228, %get3A_1229] {strides = array<i32>} : memref<32x256xf32, #tpu.memory_space<vmem>>, vector<16xf32>,
    %add3A_1231 = arith.addf %add3A_1226, %get3A_1230 : vector<16xf32>
    %get3A_1232 = arith.constant 15 : i32
    %get3A_1233 = arith.index_cast %get3A_1232 : i32 to index
    %get3A_1234 = arith.constant 48 : index
    %get3A_1235 = tpu.vector_load %arg10[%get3A_1233, %get3A_1234] {strides = array<i32>} : memref<32x256xf32, #tpu.memory_space<vmem>>, vector<16xf32>,
    %add3A_1236 = arith.addf %add3A_1231, %get3A_1235 : vector<16xf32>
    %swap3A_1237 = arith.constant 3 : i32
    %swap3A_1238 = arith.index_cast %swap3A_1237 : i32 to index
    %swap3A_1239 = arith.constant 48 : index
    %swap3A_1240 = tpu.vector_load %arg12[%swap3A_1238, %swap3A_1239] {strides = array<i32>} : memref<8x256xf32, #tpu.memory_space<vmem>>, vector<16xf32>,
    tpu.vector_store %arg12[%swap3A_1238, %swap3A_1239], %add3A_1236 {strides = array<i32>} : memref<8x256xf32, #tpu.memory_space<vmem>>, vector<16xf32>,
    %get3A_1241 = arith.constant 12 : i32
    %get3A_1242 = arith.index_cast %get3A_1241 : i32 to index
    %get3A_1243 = arith.constant 64 : index
    %get3A_1244 = tpu.vector_load %arg10[%get3A_1242, %get3A_1243] {strides = array<i32>} : memref<32x256xf32, #tpu.memory_space<vmem>>, vector<16xf32>,
    %get3A_1245 = arith.constant 13 : i32
    %get3A_1246 = arith.index_cast %get3A_1245 : i32 to index
    %get3A_1247 = arith.constant 64 : index
    %get3A_1248 = tpu.vector_load %arg10[%get3A_1246, %get3A_1247] {strides = array<i32>} : memref<32x256xf32, #tpu.memory_space<vmem>>, vector<16xf32>,
    %add3A_1249 = arith.addf %get3A_1244, %get3A_1248 : vector<16xf32>
    %get3A_1250 = arith.constant 14 : i32
    %get3A_1251 = arith.index_cast %get3A_1250 : i32 to index
    %get3A_1252 = arith.constant 64 : index
    %get3A_1253 = tpu.vector_load %arg10[%get3A_1251, %get3A_1252] {strides = array<i32>} : memref<32x256xf32, #tpu.memory_space<vmem>>, vector<16xf32>,
    %add3A_1254 = arith.addf %add3A_1249, %get3A_1253 : vector<16xf32>
    %get3A_1255 = arith.constant 15 : i32
    %get3A_1256 = arith.index_cast %get3A_1255 : i32 to index
    %get3A_1257 = arith.constant 64 : index
    %get3A_1258 = tpu.vector_load %arg10[%get3A_1256, %get3A_1257] {strides = array<i32>} : memref<32x256xf32, #tpu.memory_space<vmem>>, vector<16xf32>,
    %add3A_1259 = arith.addf %add3A_1254, %get3A_1258 : vector<16xf32>
    %swap3A_1260 = arith.constant 3 : i32
    %swap3A_1261 = arith.index_cast %swap3A_1260 : i32 to index
    %swap3A_1262 = arith.constant 64 : index
    %swap3A_1263 = tpu.vector_load %arg12[%swap3A_1261, %swap3A_1262] {strides = array<i32>} : memref<8x256xf32, #tpu.memory_space<vmem>>, vector<16xf32>,
    tpu.vector_store %arg12[%swap3A_1261, %swap3A_1262], %add3A_1259 {strides = array<i32>} : memref<8x256xf32, #tpu.memory_space<vmem>>, vector<16xf32>,
    %get3A_1264 = arith.constant 12 : i32
    %get3A_1265 = arith.index_cast %get3A_1264 : i32 to index
    %get3A_1266 = arith.constant 80 : index
    %get3A_1267 = tpu.vector_load %arg10[%get3A_1265, %get3A_1266] {strides = array<i32>} : memref<32x256xf32, #tpu.memory_space<vmem>>, vector<16xf32>,
    %get3A_1268 = arith.constant 13 : i32
    %get3A_1269 = arith.index_cast %get3A_1268 : i32 to index
    %get3A_1270 = arith.constant 80 : index
    %get3A_1271 = tpu.vector_load %arg10[%get3A_1269, %get3A_1270] {strides = array<i32>} : memref<32x256xf32, #tpu.memory_space<vmem>>, vector<16xf32>,
    %add3A_1272 = arith.addf %get3A_1267, %get3A_1271 : vector<16xf32>
    %get3A_1273 = arith.constant 14 : i32
    %get3A_1274 = arith.index_cast %get3A_1273 : i32 to index
    %get3A_1275 = arith.constant 80 : index
    %get3A_1276 = tpu.vector_load %arg10[%get3A_1274, %get3A_1275] {strides = array<i32>} : memref<32x256xf32, #tpu.memory_space<vmem>>, vector<16xf32>,
    %add3A_1277 = arith.addf %add3A_1272, %get3A_1276 : vector<16xf32>
    %get3A_1278 = arith.constant 15 : i32
    %get3A_1279 = arith.index_cast %get3A_1278 : i32 to index
    %get3A_1280 = arith.constant 80 : index
    %get3A_1281 = tpu.vector_load %arg10[%get3A_1279, %get3A_1280] {strides = array<i32>} : memref<32x256xf32, #tpu.memory_space<vmem>>, vector<16xf32>,
    %add3A_1282 = arith.addf %add3A_1277, %get3A_1281 : vector<16xf32>
    %swap3A_1283 = arith.constant 3 : i32
    %swap3A_1284 = arith.index_cast %swap3A_1283 : i32 to index
    %swap3A_1285 = arith.constant 80 : index
    %swap3A_1286 = tpu.vector_load %arg12[%swap3A_1284, %swap3A_1285] {strides = array<i32>} : memref<8x256xf32, #tpu.memory_space<vmem>>, vector<16xf32>,
    tpu.vector_store %arg12[%swap3A_1284, %swap3A_1285], %add3A_1282 {strides = array<i32>} : memref<8x256xf32, #tpu.memory_space<vmem>>, vector<16xf32>,
    %get3A_1287 = arith.constant 12 : i32
    %get3A_1288 = arith.index_cast %get3A_1287 : i32 to index
    %get3A_1289 = arith.constant 96 : index
    %get3A_1290 = tpu.vector_load %arg10[%get3A_1288, %get3A_1289] {strides = array<i32>} : memref<32x256xf32, #tpu.memory_space<vmem>>, vector<16xf32>,
    %get3A_1291 = arith.constant 13 : i32
    %get3A_1292 = arith.index_cast %get3A_1291 : i32 to index
    %get3A_1293 = arith.constant 96 : index
    %get3A_1294 = tpu.vector_load %arg10[%get3A_1292, %get3A_1293] {strides = array<i32>} : memref<32x256xf32, #tpu.memory_space<vmem>>, vector<16xf32>,
    %add3A_1295 = arith.addf %get3A_1290, %get3A_1294 : vector<16xf32>
    %get3A_1296 = arith.constant 14 : i32
    %get3A_1297 = arith.index_cast %get3A_1296 : i32 to index
    %get3A_1298 = arith.constant 96 : index
    %get3A_1299 = tpu.vector_load %arg10[%get3A_1297, %get3A_1298] {strides = array<i32>} : memref<32x256xf32, #tpu.memory_space<vmem>>, vector<16xf32>,
    %add3A_1300 = arith.addf %add3A_1295, %get3A_1299 : vector<16xf32>
    %get3A_1301 = arith.constant 15 : i32
    %get3A_1302 = arith.index_cast %get3A_1301 : i32 to index
    %get3A_1303 = arith.constant 96 : index
    %get3A_1304 = tpu.vector_load %arg10[%get3A_1302, %get3A_1303] {strides = array<i32>} : memref<32x256xf32, #tpu.memory_space<vmem>>, vector<16xf32>,
    %add3A_1305 = arith.addf %add3A_1300, %get3A_1304 : vector<16xf32>
    %swap3A_1306 = arith.constant 3 : i32
    %swap3A_1307 = arith.index_cast %swap3A_1306 : i32 to index
    %swap3A_1308 = arith.constant 96 : index
    %swap3A_1309 = tpu.vector_load %arg12[%swap3A_1307, %swap3A_1308] {strides = array<i32>} : memref<8x256xf32, #tpu.memory_space<vmem>>, vector<16xf32>,
    tpu.vector_store %arg12[%swap3A_1307, %swap3A_1308], %add3A_1305 {strides = array<i32>} : memref<8x256xf32, #tpu.memory_space<vmem>>, vector<16xf32>,
    %get3A_1310 = arith.constant 12 : i32
    %get3A_1311 = arith.index_cast %get3A_1310 : i32 to index
    %get3A_1312 = arith.constant 112 : index
    %get3A_1313 = tpu.vector_load %arg10[%get3A_1311, %get3A_1312] {strides = array<i32>} : memref<32x256xf32, #tpu.memory_space<vmem>>, vector<16xf32>,
    %get3A_1314 = arith.constant 13 : i32
    %get3A_1315 = arith.index_cast %get3A_1314 : i32 to index
    %get3A_1316 = arith.constant 112 : index
    %get3A_1317 = tpu.vector_load %arg10[%get3A_1315, %get3A_1316] {strides = array<i32>} : memref<32x256xf32, #tpu.memory_space<vmem>>, vector<16xf32>,
    %add3A_1318 = arith.addf %get3A_1313, %get3A_1317 : vector<16xf32>
    %get3A_1319 = arith.constant 14 : i32
    %get3A_1320 = arith.index_cast %get3A_1319 : i32 to index
    %get3A_1321 = arith.constant 112 : index
    %get3A_1322 = tpu.vector_load %arg10[%get3A_1320, %get3A_1321] {strides = array<i32>} : memref<32x256xf32, #tpu.memory_space<vmem>>, vector<16xf32>,
    %add3A_1323 = arith.addf %add3A_1318, %get3A_1322 : vector<16xf32>
    %get3A_1324 = arith.constant 15 : i32
    %get3A_1325 = arith.index_cast %get3A_1324 : i32 to index
    %get3A_1326 = arith.constant 112 : index
    %get3A_1327 = tpu.vector_load %arg10[%get3A_1325, %get3A_1326] {strides = array<i32>} : memref<32x256xf32, #tpu.memory_space<vmem>>, vector<16xf32>,
    %add3A_1328 = arith.addf %add3A_1323, %get3A_1327 : vector<16xf32>
    %swap3A_1329 = arith.constant 3 : i32
    %swap3A_1330 = arith.index_cast %swap3A_1329 : i32 to index
    %swap3A_1331 = arith.constant 112 : index
    %swap3A_1332 = tpu.vector_load %arg12[%swap3A_1330, %swap3A_1331] {strides = array<i32>} : memref<8x256xf32, #tpu.memory_space<vmem>>, vector<16xf32>,
    tpu.vector_store %arg12[%swap3A_1330, %swap3A_1331], %add3A_1328 {strides = array<i32>} : memref<8x256xf32, #tpu.memory_space<vmem>>, vector<16xf32>,
    %get3A_1333 = arith.constant 12 : i32
    %get3A_1334 = arith.index_cast %get3A_1333 : i32 to index
    %get3A_1335 = arith.constant 128 : index
    %get3A_1336 = tpu.vector_load %arg10[%get3A_1334, %get3A_1335] {strides = array<i32>} : memref<32x256xf32, #tpu.memory_space<vmem>>, vector<16xf32>,
    %get3A_1337 = arith.constant 13 : i32
    %get3A_1338 = arith.index_cast %get3A_1337 : i32 to index
    %get3A_1339 = arith.constant 128 : index
    %get3A_1340 = tpu.vector_load %arg10[%get3A_1338, %get3A_1339] {strides = array<i32>} : memref<32x256xf32, #tpu.memory_space<vmem>>, vector<16xf32>,
    %add3A_1341 = arith.addf %get3A_1336, %get3A_1340 : vector<16xf32>
    %get3A_1342 = arith.constant 14 : i32
    %get3A_1343 = arith.index_cast %get3A_1342 : i32 to index
    %get3A_1344 = arith.constant 128 : index
    %get3A_1345 = tpu.vector_load %arg10[%get3A_1343, %get3A_1344] {strides = array<i32>} : memref<32x256xf32, #tpu.memory_space<vmem>>, vector<16xf32>,
    %add3A_1346 = arith.addf %add3A_1341, %get3A_1345 : vector<16xf32>
    %get3A_1347 = arith.constant 15 : i32
    %get3A_1348 = arith.index_cast %get3A_1347 : i32 to index
    %get3A_1349 = arith.constant 128 : index
    %get3A_1350 = tpu.vector_load %arg10[%get3A_1348, %get3A_1349] {strides = array<i32>} : memref<32x256xf32, #tpu.memory_space<vmem>>, vector<16xf32>,
    %add3A_1351 = arith.addf %add3A_1346, %get3A_1350 : vector<16xf32>
    %swap3A_1352 = arith.constant 3 : i32
    %swap3A_1353 = arith.index_cast %swap3A_1352 : i32 to index
    %swap3A_1354 = arith.constant 128 : index
    %swap3A_1355 = tpu.vector_load %arg12[%swap3A_1353, %swap3A_1354] {strides = array<i32>} : memref<8x256xf32, #tpu.memory_space<vmem>>, vector<16xf32>,
    tpu.vector_store %arg12[%swap3A_1353, %swap3A_1354], %add3A_1351 {strides = array<i32>} : memref<8x256xf32, #tpu.memory_space<vmem>>, vector<16xf32>,
    %get3A_1356 = arith.constant 12 : i32
    %get3A_1357 = arith.index_cast %get3A_1356 : i32 to index
    %get3A_1358 = arith.constant 144 : index
    %get3A_1359 = tpu.vector_load %arg10[%get3A_1357, %get3A_1358] {strides = array<i32>} : memref<32x256xf32, #tpu.memory_space<vmem>>, vector<16xf32>,
    %get3A_1360 = arith.constant 13 : i32
    %get3A_1361 = arith.index_cast %get3A_1360 : i32 to index
    %get3A_1362 = arith.constant 144 : index
    %get3A_1363 = tpu.vector_load %arg10[%get3A_1361, %get3A_1362] {strides = array<i32>} : memref<32x256xf32, #tpu.memory_space<vmem>>, vector<16xf32>,
    %add3A_1364 = arith.addf %get3A_1359, %get3A_1363 : vector<16xf32>
    %get3A_1365 = arith.constant 14 : i32
    %get3A_1366 = arith.index_cast %get3A_1365 : i32 to index
    %get3A_1367 = arith.constant 144 : index
    %get3A_1368 = tpu.vector_load %arg10[%get3A_1366, %get3A_1367] {strides = array<i32>} : memref<32x256xf32, #tpu.memory_space<vmem>>, vector<16xf32>,
    %add3A_1369 = arith.addf %add3A_1364, %get3A_1368 : vector<16xf32>
    %get3A_1370 = arith.constant 15 : i32
    %get3A_1371 = arith.index_cast %get3A_1370 : i32 to index
    %get3A_1372 = arith.constant 144 : index
    %get3A_1373 = tpu.vector_load %arg10[%get3A_1371, %get3A_1372] {strides = array<i32>} : memref<32x256xf32, #tpu.memory_space<vmem>>, vector<16xf32>,
    %add3A_1374 = arith.addf %add3A_1369, %get3A_1373 : vector<16xf32>
    %swap3A_1375 = arith.constant 3 : i32
    %swap3A_1376 = arith.index_cast %swap3A_1375 : i32 to index
    %swap3A_1377 = arith.constant 144 : index
    %swap3A_1378 = tpu.vector_load %arg12[%swap3A_1376, %swap3A_1377] {strides = array<i32>} : memref<8x256xf32, #tpu.memory_space<vmem>>, vector<16xf32>,
    tpu.vector_store %arg12[%swap3A_1376, %swap3A_1377], %add3A_1374 {strides = array<i32>} : memref<8x256xf32, #tpu.memory_space<vmem>>, vector<16xf32>,
    %get3A_1379 = arith.constant 12 : i32
    %get3A_1380 = arith.index_cast %get3A_1379 : i32 to index
    %get3A_1381 = arith.constant 160 : index
    %get3A_1382 = tpu.vector_load %arg10[%get3A_1380, %get3A_1381] {strides = array<i32>} : memref<32x256xf32, #tpu.memory_space<vmem>>, vector<16xf32>,
    %get3A_1383 = arith.constant 13 : i32
    %get3A_1384 = arith.index_cast %get3A_1383 : i32 to index
    %get3A_1385 = arith.constant 160 : index
    %get3A_1386 = tpu.vector_load %arg10[%get3A_1384, %get3A_1385] {strides = array<i32>} : memref<32x256xf32, #tpu.memory_space<vmem>>, vector<16xf32>,
    %add3A_1387 = arith.addf %get3A_1382, %get3A_1386 : vector<16xf32>
    %get3A_1388 = arith.constant 14 : i32
    %get3A_1389 = arith.index_cast %get3A_1388 : i32 to index
    %get3A_1390 = arith.constant 160 : index
    %get3A_1391 = tpu.vector_load %arg10[%get3A_1389, %get3A_1390] {strides = array<i32>} : memref<32x256xf32, #tpu.memory_space<vmem>>, vector<16xf32>,
    %add3A_1392 = arith.addf %add3A_1387, %get3A_1391 : vector<16xf32>
    %get3A_1393 = arith.constant 15 : i32
    %get3A_1394 = arith.index_cast %get3A_1393 : i32 to index
    %get3A_1395 = arith.constant 160 : index
    %get3A_1396 = tpu.vector_load %arg10[%get3A_1394, %get3A_1395] {strides = array<i32>} : memref<32x256xf32, #tpu.memory_space<vmem>>, vector<16xf32>,
    %add3A_1397 = arith.addf %add3A_1392, %get3A_1396 : vector<16xf32>
    %swap3A_1398 = arith.constant 3 : i32
    %swap3A_1399 = arith.index_cast %swap3A_1398 : i32 to index
    %swap3A_1400 = arith.constant 160 : index
    %swap3A_1401 = tpu.vector_load %arg12[%swap3A_1399, %swap3A_1400] {strides = array<i32>} : memref<8x256xf32, #tpu.memory_space<vmem>>, vector<16xf32>,
    tpu.vector_store %arg12[%swap3A_1399, %swap3A_1400], %add3A_1397 {strides = array<i32>} : memref<8x256xf32, #tpu.memory_space<vmem>>, vector<16xf32>,
    %get3A_1402 = arith.constant 12 : i32
    %get3A_1403 = arith.index_cast %get3A_1402 : i32 to index
    %get3A_1404 = arith.constant 176 : index
    %get3A_1405 = tpu.vector_load %arg10[%get3A_1403, %get3A_1404] {strides = array<i32>} : memref<32x256xf32, #tpu.memory_space<vmem>>, vector<16xf32>,
    %get3A_1406 = arith.constant 13 : i32
    %get3A_1407 = arith.index_cast %get3A_1406 : i32 to index
    %get3A_1408 = arith.constant 176 : index
    %get3A_1409 = tpu.vector_load %arg10[%get3A_1407, %get3A_1408] {strides = array<i32>} : memref<32x256xf32, #tpu.memory_space<vmem>>, vector<16xf32>,
    %add3A_1410 = arith.addf %get3A_1405, %get3A_1409 : vector<16xf32>
    %get3A_1411 = arith.constant 14 : i32
    %get3A_1412 = arith.index_cast %get3A_1411 : i32 to index
    %get3A_1413 = arith.constant 176 : index
    %get3A_1414 = tpu.vector_load %arg10[%get3A_1412, %get3A_1413] {strides = array<i32>} : memref<32x256xf32, #tpu.memory_space<vmem>>, vector<16xf32>,
    %add3A_1415 = arith.addf %add3A_1410, %get3A_1414 : vector<16xf32>
    %get3A_1416 = arith.constant 15 : i32
    %get3A_1417 = arith.index_cast %get3A_1416 : i32 to index
    %get3A_1418 = arith.constant 176 : index
    %get3A_1419 = tpu.vector_load %arg10[%get3A_1417, %get3A_1418] {strides = array<i32>} : memref<32x256xf32, #tpu.memory_space<vmem>>, vector<16xf32>,
    %add3A_1420 = arith.addf %add3A_1415, %get3A_1419 : vector<16xf32>
    %swap3A_1421 = arith.constant 3 : i32
    %swap3A_1422 = arith.index_cast %swap3A_1421 : i32 to index
    %swap3A_1423 = arith.constant 176 : index
    %swap3A_1424 = tpu.vector_load %arg12[%swap3A_1422, %swap3A_1423] {strides = array<i32>} : memref<8x256xf32, #tpu.memory_space<vmem>>, vector<16xf32>,
    tpu.vector_store %arg12[%swap3A_1422, %swap3A_1423], %add3A_1420 {strides = array<i32>} : memref<8x256xf32, #tpu.memory_space<vmem>>, vector<16xf32>,
    %get3A_1425 = arith.constant 12 : i32
    %get3A_1426 = arith.index_cast %get3A_1425 : i32 to index
    %get3A_1427 = arith.constant 192 : index
    %get3A_1428 = tpu.vector_load %arg10[%get3A_1426, %get3A_1427] {strides = array<i32>} : memref<32x256xf32, #tpu.memory_space<vmem>>, vector<16xf32>,
    %get3A_1429 = arith.constant 13 : i32
    %get3A_1430 = arith.index_cast %get3A_1429 : i32 to index
    %get3A_1431 = arith.constant 192 : index
    %get3A_1432 = tpu.vector_load %arg10[%get3A_1430, %get3A_1431] {strides = array<i32>} : memref<32x256xf32, #tpu.memory_space<vmem>>, vector<16xf32>,
    %add3A_1433 = arith.addf %get3A_1428, %get3A_1432 : vector<16xf32>
    %get3A_1434 = arith.constant 14 : i32
    %get3A_1435 = arith.index_cast %get3A_1434 : i32 to index
    %get3A_1436 = arith.constant 192 : index
    %get3A_1437 = tpu.vector_load %arg10[%get3A_1435, %get3A_1436] {strides = array<i32>} : memref<32x256xf32, #tpu.memory_space<vmem>>, vector<16xf32>,
    %add3A_1438 = arith.addf %add3A_1433, %get3A_1437 : vector<16xf32>
    %get3A_1439 = arith.constant 15 : i32
    %get3A_1440 = arith.index_cast %get3A_1439 : i32 to index
    %get3A_1441 = arith.constant 192 : index
    %get3A_1442 = tpu.vector_load %arg10[%get3A_1440, %get3A_1441] {strides = array<i32>} : memref<32x256xf32, #tpu.memory_space<vmem>>, vector<16xf32>,
    %add3A_1443 = arith.addf %add3A_1438, %get3A_1442 : vector<16xf32>
    %swap3A_1444 = arith.constant 3 : i32
    %swap3A_1445 = arith.index_cast %swap3A_1444 : i32 to index
    %swap3A_1446 = arith.constant 192 : index
    %swap3A_1447 = tpu.vector_load %arg12[%swap3A_1445, %swap3A_1446] {strides = array<i32>} : memref<8x256xf32, #tpu.memory_space<vmem>>, vector<16xf32>,
    tpu.vector_store %arg12[%swap3A_1445, %swap3A_1446], %add3A_1443 {strides = array<i32>} : memref<8x256xf32, #tpu.memory_space<vmem>>, vector<16xf32>,
    %get3A_1448 = arith.constant 12 : i32
    %get3A_1449 = arith.index_cast %get3A_1448 : i32 to index
    %get3A_1450 = arith.constant 208 : index
    %get3A_1451 = tpu.vector_load %arg10[%get3A_1449, %get3A_1450] {strides = array<i32>} : memref<32x256xf32, #tpu.memory_space<vmem>>, vector<16xf32>,
    %get3A_1452 = arith.constant 13 : i32
    %get3A_1453 = arith.index_cast %get3A_1452 : i32 to index
    %get3A_1454 = arith.constant 208 : index
    %get3A_1455 = tpu.vector_load %arg10[%get3A_1453, %get3A_1454] {strides = array<i32>} : memref<32x256xf32, #tpu.memory_space<vmem>>, vector<16xf32>,
    %add3A_1456 = arith.addf %get3A_1451, %get3A_1455 : vector<16xf32>
    %get3A_1457 = arith.constant 14 : i32
    %get3A_1458 = arith.index_cast %get3A_1457 : i32 to index
    %get3A_1459 = arith.constant 208 : index
    %get3A_1460 = tpu.vector_load %arg10[%get3A_1458, %get3A_1459] {strides = array<i32>} : memref<32x256xf32, #tpu.memory_space<vmem>>, vector<16xf32>,
    %add3A_1461 = arith.addf %add3A_1456, %get3A_1460 : vector<16xf32>
    %get3A_1462 = arith.constant 15 : i32
    %get3A_1463 = arith.index_cast %get3A_1462 : i32 to index
    %get3A_1464 = arith.constant 208 : index
    %get3A_1465 = tpu.vector_load %arg10[%get3A_1463, %get3A_1464] {strides = array<i32>} : memref<32x256xf32, #tpu.memory_space<vmem>>, vector<16xf32>,
    %add3A_1466 = arith.addf %add3A_1461, %get3A_1465 : vector<16xf32>
    %swap3A_1467 = arith.constant 3 : i32
    %swap3A_1468 = arith.index_cast %swap3A_1467 : i32 to index
    %swap3A_1469 = arith.constant 208 : index
    %swap3A_1470 = tpu.vector_load %arg12[%swap3A_1468, %swap3A_1469] {strides = array<i32>} : memref<8x256xf32, #tpu.memory_space<vmem>>, vector<16xf32>,
    tpu.vector_store %arg12[%swap3A_1468, %swap3A_1469], %add3A_1466 {strides = array<i32>} : memref<8x256xf32, #tpu.memory_space<vmem>>, vector<16xf32>,
    %get3A_1471 = arith.constant 12 : i32
    %get3A_1472 = arith.index_cast %get3A_1471 : i32 to index
    %get3A_1473 = arith.constant 224 : index
    %get3A_1474 = tpu.vector_load %arg10[%get3A_1472, %get3A_1473] {strides = array<i32>} : memref<32x256xf32, #tpu.memory_space<vmem>>, vector<16xf32>,
    %get3A_1475 = arith.constant 13 : i32
    %get3A_1476 = arith.index_cast %get3A_1475 : i32 to index
    %get3A_1477 = arith.constant 224 : index
    %get3A_1478 = tpu.vector_load %arg10[%get3A_1476, %get3A_1477] {strides = array<i32>} : memref<32x256xf32, #tpu.memory_space<vmem>>, vector<16xf32>,
    %add3A_1479 = arith.addf %get3A_1474, %get3A_1478 : vector<16xf32>
    %get3A_1480 = arith.constant 14 : i32
    %get3A_1481 = arith.index_cast %get3A_1480 : i32 to index
    %get3A_1482 = arith.constant 224 : index
    %get3A_1483 = tpu.vector_load %arg10[%get3A_1481, %get3A_1482] {strides = array<i32>} : memref<32x256xf32, #tpu.memory_space<vmem>>, vector<16xf32>,
    %add3A_1484 = arith.addf %add3A_1479, %get3A_1483 : vector<16xf32>
    %get3A_1485 = arith.constant 15 : i32
    %get3A_1486 = arith.index_cast %get3A_1485 : i32 to index
    %get3A_1487 = arith.constant 224 : index
    %get3A_1488 = tpu.vector_load %arg10[%get3A_1486, %get3A_1487] {strides = array<i32>} : memref<32x256xf32, #tpu.memory_space<vmem>>, vector<16xf32>,
    %add3A_1489 = arith.addf %add3A_1484, %get3A_1488 : vector<16xf32>
    %swap3A_1490 = arith.constant 3 : i32
    %swap3A_1491 = arith.index_cast %swap3A_1490 : i32 to index
    %swap3A_1492 = arith.constant 224 : index
    %swap3A_1493 = tpu.vector_load %arg12[%swap3A_1491, %swap3A_1492] {strides = array<i32>} : memref<8x256xf32, #tpu.memory_space<vmem>>, vector<16xf32>,
    tpu.vector_store %arg12[%swap3A_1491, %swap3A_1492], %add3A_1489 {strides = array<i32>} : memref<8x256xf32, #tpu.memory_space<vmem>>, vector<16xf32>,
    %get3A_1494 = arith.constant 12 : i32
    %get3A_1495 = arith.index_cast %get3A_1494 : i32 to index
    %get3A_1496 = arith.constant 240 : index
    %get3A_1497 = tpu.vector_load %arg10[%get3A_1495, %get3A_1496] {strides = array<i32>} : memref<32x256xf32, #tpu.memory_space<vmem>>, vector<16xf32>,
    %get3A_1498 = arith.constant 13 : i32
    %get3A_1499 = arith.index_cast %get3A_1498 : i32 to index
    %get3A_1500 = arith.constant 240 : index
    %get3A_1501 = tpu.vector_load %arg10[%get3A_1499, %get3A_1500] {strides = array<i32>} : memref<32x256xf32, #tpu.memory_space<vmem>>, vector<16xf32>,
    %add3A_1502 = arith.addf %get3A_1497, %get3A_1501 : vector<16xf32>
    %get3A_1503 = arith.constant 14 : i32
    %get3A_1504 = arith.index_cast %get3A_1503 : i32 to index
    %get3A_1505 = arith.constant 240 : index
    %get3A_1506 = tpu.vector_load %arg10[%get3A_1504, %get3A_1505] {strides = array<i32>} : memref<32x256xf32, #tpu.memory_space<vmem>>, vector<16xf32>,
    %add3A_1507 = arith.addf %add3A_1502, %get3A_1506 : vector<16xf32>
    %get3A_1508 = arith.constant 15 : i32
    %get3A_1509 = arith.index_cast %get3A_1508 : i32 to index
    %get3A_1510 = arith.constant 240 : index
    %get3A_1511 = tpu.vector_load %arg10[%get3A_1509, %get3A_1510] {strides = array<i32>} : memref<32x256xf32, #tpu.memory_space<vmem>>, vector<16xf32>,
    %add3A_1512 = arith.addf %add3A_1507, %get3A_1511 : vector<16xf32>
    %swap3A_1513 = arith.constant 3 : i32
    %swap3A_1514 = arith.index_cast %swap3A_1513 : i32 to index
    %swap3A_1515 = arith.constant 240 : index
    %swap3A_1516 = tpu.vector_load %arg12[%swap3A_1514, %swap3A_1515] {strides = array<i32>} : memref<8x256xf32, #tpu.memory_space<vmem>>, vector<16xf32>,
    tpu.vector_store %arg12[%swap3A_1514, %swap3A_1515], %add3A_1512 {strides = array<i32>} : memref<8x256xf32, #tpu.memory_space<vmem>>, vector<16xf32>,
    %get3A_1517 = arith.constant 16 : i32
    %get3A_1518 = arith.index_cast %get3A_1517 : i32 to index
    %get3A_1519 = arith.constant 0 : index
    %get3A_1520 = tpu.vector_load %arg10[%get3A_1518, %get3A_1519] {strides = array<i32>} : memref<32x256xf32, #tpu.memory_space<vmem>>, vector<16xf32>,
    %get3A_1521 = arith.constant 17 : i32
    %get3A_1522 = arith.index_cast %get3A_1521 : i32 to index
    %get3A_1523 = arith.constant 0 : index
    %get3A_1524 = tpu.vector_load %arg10[%get3A_1522, %get3A_1523] {strides = array<i32>} : memref<32x256xf32, #tpu.memory_space<vmem>>, vector<16xf32>,
    %add3A_1525 = arith.addf %get3A_1520, %get3A_1524 : vector<16xf32>
    %get3A_1526 = arith.constant 18 : i32
    %get3A_1527 = arith.index_cast %get3A_1526 : i32 to index
    %get3A_1528 = arith.constant 0 : index
    %get3A_1529 = tpu.vector_load %arg10[%get3A_1527, %get3A_1528] {strides = array<i32>} : memref<32x256xf32, #tpu.memory_space<vmem>>, vector<16xf32>,
    %add3A_1530 = arith.addf %add3A_1525, %get3A_1529 : vector<16xf32>
    %get3A_1531 = arith.constant 19 : i32
    %get3A_1532 = arith.index_cast %get3A_1531 : i32 to index
    %get3A_1533 = arith.constant 0 : index
    %get3A_1534 = tpu.vector_load %arg10[%get3A_1532, %get3A_1533] {strides = array<i32>} : memref<32x256xf32, #tpu.memory_space<vmem>>, vector<16xf32>,
    %add3A_1535 = arith.addf %add3A_1530, %get3A_1534 : vector<16xf32>
    %swap3A_1536 = arith.constant 4 : i32
    %swap3A_1537 = arith.index_cast %swap3A_1536 : i32 to index
    %swap3A_1538 = arith.constant 0 : index
    %swap3A_1539 = tpu.vector_load %arg12[%swap3A_1537, %swap3A_1538] {strides = array<i32>} : memref<8x256xf32, #tpu.memory_space<vmem>>, vector<16xf32>,
    tpu.vector_store %arg12[%swap3A_1537, %swap3A_1538], %add3A_1535 {strides = array<i32>} : memref<8x256xf32, #tpu.memory_space<vmem>>, vector<16xf32>,
    %get3A_1540 = arith.constant 16 : i32
    %get3A_1541 = arith.index_cast %get3A_1540 : i32 to index
    %get3A_1542 = arith.constant 16 : index
    %get3A_1543 = tpu.vector_load %arg10[%get3A_1541, %get3A_1542] {strides = array<i32>} : memref<32x256xf32, #tpu.memory_space<vmem>>, vector<16xf32>,
    %get3A_1544 = arith.constant 17 : i32
    %get3A_1545 = arith.index_cast %get3A_1544 : i32 to index
    %get3A_1546 = arith.constant 16 : index
    %get3A_1547 = tpu.vector_load %arg10[%get3A_1545, %get3A_1546] {strides = array<i32>} : memref<32x256xf32, #tpu.memory_space<vmem>>, vector<16xf32>,
    %add3A_1548 = arith.addf %get3A_1543, %get3A_1547 : vector<16xf32>
    %get3A_1549 = arith.constant 18 : i32
    %get3A_1550 = arith.index_cast %get3A_1549 : i32 to index
    %get3A_1551 = arith.constant 16 : index
    %get3A_1552 = tpu.vector_load %arg10[%get3A_1550, %get3A_1551] {strides = array<i32>} : memref<32x256xf32, #tpu.memory_space<vmem>>, vector<16xf32>,
    %add3A_1553 = arith.addf %add3A_1548, %get3A_1552 : vector<16xf32>
    %get3A_1554 = arith.constant 19 : i32
    %get3A_1555 = arith.index_cast %get3A_1554 : i32 to index
    %get3A_1556 = arith.constant 16 : index
    %get3A_1557 = tpu.vector_load %arg10[%get3A_1555, %get3A_1556] {strides = array<i32>} : memref<32x256xf32, #tpu.memory_space<vmem>>, vector<16xf32>,
    %add3A_1558 = arith.addf %add3A_1553, %get3A_1557 : vector<16xf32>
    %swap3A_1559 = arith.constant 4 : i32
    %swap3A_1560 = arith.index_cast %swap3A_1559 : i32 to index
    %swap3A_1561 = arith.constant 16 : index
    %swap3A_1562 = tpu.vector_load %arg12[%swap3A_1560, %swap3A_1561] {strides = array<i32>} : memref<8x256xf32, #tpu.memory_space<vmem>>, vector<16xf32>,
    tpu.vector_store %arg12[%swap3A_1560, %swap3A_1561], %add3A_1558 {strides = array<i32>} : memref<8x256xf32, #tpu.memory_space<vmem>>, vector<16xf32>,
    %get3A_1563 = arith.constant 16 : i32
    %get3A_1564 = arith.index_cast %get3A_1563 : i32 to index
    %get3A_1565 = arith.constant 32 : index
    %get3A_1566 = tpu.vector_load %arg10[%get3A_1564, %get3A_1565] {strides = array<i32>} : memref<32x256xf32, #tpu.memory_space<vmem>>, vector<16xf32>,
    %get3A_1567 = arith.constant 17 : i32
    %get3A_1568 = arith.index_cast %get3A_1567 : i32 to index
    %get3A_1569 = arith.constant 32 : index
    %get3A_1570 = tpu.vector_load %arg10[%get3A_1568, %get3A_1569] {strides = array<i32>} : memref<32x256xf32, #tpu.memory_space<vmem>>, vector<16xf32>,
    %add3A_1571 = arith.addf %get3A_1566, %get3A_1570 : vector<16xf32>
    %get3A_1572 = arith.constant 18 : i32
    %get3A_1573 = arith.index_cast %get3A_1572 : i32 to index
    %get3A_1574 = arith.constant 32 : index
    %get3A_1575 = tpu.vector_load %arg10[%get3A_1573, %get3A_1574] {strides = array<i32>} : memref<32x256xf32, #tpu.memory_space<vmem>>, vector<16xf32>,
    %add3A_1576 = arith.addf %add3A_1571, %get3A_1575 : vector<16xf32>
    %get3A_1577 = arith.constant 19 : i32
    %get3A_1578 = arith.index_cast %get3A_1577 : i32 to index
    %get3A_1579 = arith.constant 32 : index
    %get3A_1580 = tpu.vector_load %arg10[%get3A_1578, %get3A_1579] {strides = array<i32>} : memref<32x256xf32, #tpu.memory_space<vmem>>, vector<16xf32>,
    %add3A_1581 = arith.addf %add3A_1576, %get3A_1580 : vector<16xf32>
    %swap3A_1582 = arith.constant 4 : i32
    %swap3A_1583 = arith.index_cast %swap3A_1582 : i32 to index
    %swap3A_1584 = arith.constant 32 : index
    %swap3A_1585 = tpu.vector_load %arg12[%swap3A_1583, %swap3A_1584] {strides = array<i32>} : memref<8x256xf32, #tpu.memory_space<vmem>>, vector<16xf32>,
    tpu.vector_store %arg12[%swap3A_1583, %swap3A_1584], %add3A_1581 {strides = array<i32>} : memref<8x256xf32, #tpu.memory_space<vmem>>, vector<16xf32>,
    %get3A_1586 = arith.constant 16 : i32
    %get3A_1587 = arith.index_cast %get3A_1586 : i32 to index
    %get3A_1588 = arith.constant 48 : index
    %get3A_1589 = tpu.vector_load %arg10[%get3A_1587, %get3A_1588] {strides = array<i32>} : memref<32x256xf32, #tpu.memory_space<vmem>>, vector<16xf32>,
    %get3A_1590 = arith.constant 17 : i32
    %get3A_1591 = arith.index_cast %get3A_1590 : i32 to index
    %get3A_1592 = arith.constant 48 : index
    %get3A_1593 = tpu.vector_load %arg10[%get3A_1591, %get3A_1592] {strides = array<i32>} : memref<32x256xf32, #tpu.memory_space<vmem>>, vector<16xf32>,
    %add3A_1594 = arith.addf %get3A_1589, %get3A_1593 : vector<16xf32>
    %get3A_1595 = arith.constant 18 : i32
    %get3A_1596 = arith.index_cast %get3A_1595 : i32 to index
    %get3A_1597 = arith.constant 48 : index
    %get3A_1598 = tpu.vector_load %arg10[%get3A_1596, %get3A_1597] {strides = array<i32>} : memref<32x256xf32, #tpu.memory_space<vmem>>, vector<16xf32>,
    %add3A_1599 = arith.addf %add3A_1594, %get3A_1598 : vector<16xf32>
    %get3A_1600 = arith.constant 19 : i32
    %get3A_1601 = arith.index_cast %get3A_1600 : i32 to index
    %get3A_1602 = arith.constant 48 : index
    %get3A_1603 = tpu.vector_load %arg10[%get3A_1601, %get3A_1602] {strides = array<i32>} : memref<32x256xf32, #tpu.memory_space<vmem>>, vector<16xf32>,
    %add3A_1604 = arith.addf %add3A_1599, %get3A_1603 : vector<16xf32>
    %swap3A_1605 = arith.constant 4 : i32
    %swap3A_1606 = arith.index_cast %swap3A_1605 : i32 to index
    %swap3A_1607 = arith.constant 48 : index
    %swap3A_1608 = tpu.vector_load %arg12[%swap3A_1606, %swap3A_1607] {strides = array<i32>} : memref<8x256xf32, #tpu.memory_space<vmem>>, vector<16xf32>,
    tpu.vector_store %arg12[%swap3A_1606, %swap3A_1607], %add3A_1604 {strides = array<i32>} : memref<8x256xf32, #tpu.memory_space<vmem>>, vector<16xf32>,
    %get3A_1609 = arith.constant 16 : i32
    %get3A_1610 = arith.index_cast %get3A_1609 : i32 to index
    %get3A_1611 = arith.constant 64 : index
    %get3A_1612 = tpu.vector_load %arg10[%get3A_1610, %get3A_1611] {strides = array<i32>} : memref<32x256xf32, #tpu.memory_space<vmem>>, vector<16xf32>,
    %get3A_1613 = arith.constant 17 : i32
    %get3A_1614 = arith.index_cast %get3A_1613 : i32 to index
    %get3A_1615 = arith.constant 64 : index
    %get3A_1616 = tpu.vector_load %arg10[%get3A_1614, %get3A_1615] {strides = array<i32>} : memref<32x256xf32, #tpu.memory_space<vmem>>, vector<16xf32>,
    %add3A_1617 = arith.addf %get3A_1612, %get3A_1616 : vector<16xf32>
    %get3A_1618 = arith.constant 18 : i32
    %get3A_1619 = arith.index_cast %get3A_1618 : i32 to index
    %get3A_1620 = arith.constant 64 : index
    %get3A_1621 = tpu.vector_load %arg10[%get3A_1619, %get3A_1620] {strides = array<i32>} : memref<32x256xf32, #tpu.memory_space<vmem>>, vector<16xf32>,
    %add3A_1622 = arith.addf %add3A_1617, %get3A_1621 : vector<16xf32>
    %get3A_1623 = arith.constant 19 : i32
    %get3A_1624 = arith.index_cast %get3A_1623 : i32 to index
    %get3A_1625 = arith.constant 64 : index
    %get3A_1626 = tpu.vector_load %arg10[%get3A_1624, %get3A_1625] {strides = array<i32>} : memref<32x256xf32, #tpu.memory_space<vmem>>, vector<16xf32>,
    %add3A_1627 = arith.addf %add3A_1622, %get3A_1626 : vector<16xf32>
    %swap3A_1628 = arith.constant 4 : i32
    %swap3A_1629 = arith.index_cast %swap3A_1628 : i32 to index
    %swap3A_1630 = arith.constant 64 : index
    %swap3A_1631 = tpu.vector_load %arg12[%swap3A_1629, %swap3A_1630] {strides = array<i32>} : memref<8x256xf32, #tpu.memory_space<vmem>>, vector<16xf32>,
    tpu.vector_store %arg12[%swap3A_1629, %swap3A_1630], %add3A_1627 {strides = array<i32>} : memref<8x256xf32, #tpu.memory_space<vmem>>, vector<16xf32>,
    %get3A_1632 = arith.constant 16 : i32
    %get3A_1633 = arith.index_cast %get3A_1632 : i32 to index
    %get3A_1634 = arith.constant 80 : index
    %get3A_1635 = tpu.vector_load %arg10[%get3A_1633, %get3A_1634] {strides = array<i32>} : memref<32x256xf32, #tpu.memory_space<vmem>>, vector<16xf32>,
    %get3A_1636 = arith.constant 17 : i32
    %get3A_1637 = arith.index_cast %get3A_1636 : i32 to index
    %get3A_1638 = arith.constant 80 : index
    %get3A_1639 = tpu.vector_load %arg10[%get3A_1637, %get3A_1638] {strides = array<i32>} : memref<32x256xf32, #tpu.memory_space<vmem>>, vector<16xf32>,
    %add3A_1640 = arith.addf %get3A_1635, %get3A_1639 : vector<16xf32>
    %get3A_1641 = arith.constant 18 : i32
    %get3A_1642 = arith.index_cast %get3A_1641 : i32 to index
    %get3A_1643 = arith.constant 80 : index
    %get3A_1644 = tpu.vector_load %arg10[%get3A_1642, %get3A_1643] {strides = array<i32>} : memref<32x256xf32, #tpu.memory_space<vmem>>, vector<16xf32>,
    %add3A_1645 = arith.addf %add3A_1640, %get3A_1644 : vector<16xf32>
    %get3A_1646 = arith.constant 19 : i32
    %get3A_1647 = arith.index_cast %get3A_1646 : i32 to index
    %get3A_1648 = arith.constant 80 : index
    %get3A_1649 = tpu.vector_load %arg10[%get3A_1647, %get3A_1648] {strides = array<i32>} : memref<32x256xf32, #tpu.memory_space<vmem>>, vector<16xf32>,
    %add3A_1650 = arith.addf %add3A_1645, %get3A_1649 : vector<16xf32>
    %swap3A_1651 = arith.constant 4 : i32
    %swap3A_1652 = arith.index_cast %swap3A_1651 : i32 to index
    %swap3A_1653 = arith.constant 80 : index
    %swap3A_1654 = tpu.vector_load %arg12[%swap3A_1652, %swap3A_1653] {strides = array<i32>} : memref<8x256xf32, #tpu.memory_space<vmem>>, vector<16xf32>,
    tpu.vector_store %arg12[%swap3A_1652, %swap3A_1653], %add3A_1650 {strides = array<i32>} : memref<8x256xf32, #tpu.memory_space<vmem>>, vector<16xf32>,
    %get3A_1655 = arith.constant 16 : i32
    %get3A_1656 = arith.index_cast %get3A_1655 : i32 to index
    %get3A_1657 = arith.constant 96 : index
    %get3A_1658 = tpu.vector_load %arg10[%get3A_1656, %get3A_1657] {strides = array<i32>} : memref<32x256xf32, #tpu.memory_space<vmem>>, vector<16xf32>,
    %get3A_1659 = arith.constant 17 : i32
    %get3A_1660 = arith.index_cast %get3A_1659 : i32 to index
    %get3A_1661 = arith.constant 96 : index
    %get3A_1662 = tpu.vector_load %arg10[%get3A_1660, %get3A_1661] {strides = array<i32>} : memref<32x256xf32, #tpu.memory_space<vmem>>, vector<16xf32>,
    %add3A_1663 = arith.addf %get3A_1658, %get3A_1662 : vector<16xf32>
    %get3A_1664 = arith.constant 18 : i32
    %get3A_1665 = arith.index_cast %get3A_1664 : i32 to index
    %get3A_1666 = arith.constant 96 : index
    %get3A_1667 = tpu.vector_load %arg10[%get3A_1665, %get3A_1666] {strides = array<i32>} : memref<32x256xf32, #tpu.memory_space<vmem>>, vector<16xf32>,
    %add3A_1668 = arith.addf %add3A_1663, %get3A_1667 : vector<16xf32>
    %get3A_1669 = arith.constant 19 : i32
    %get3A_1670 = arith.index_cast %get3A_1669 : i32 to index
    %get3A_1671 = arith.constant 96 : index
    %get3A_1672 = tpu.vector_load %arg10[%get3A_1670, %get3A_1671] {strides = array<i32>} : memref<32x256xf32, #tpu.memory_space<vmem>>, vector<16xf32>,
    %add3A_1673 = arith.addf %add3A_1668, %get3A_1672 : vector<16xf32>
    %swap3A_1674 = arith.constant 4 : i32
    %swap3A_1675 = arith.index_cast %swap3A_1674 : i32 to index
    %swap3A_1676 = arith.constant 96 : index
    %swap3A_1677 = tpu.vector_load %arg12[%swap3A_1675, %swap3A_1676] {strides = array<i32>} : memref<8x256xf32, #tpu.memory_space<vmem>>, vector<16xf32>,
    tpu.vector_store %arg12[%swap3A_1675, %swap3A_1676], %add3A_1673 {strides = array<i32>} : memref<8x256xf32, #tpu.memory_space<vmem>>, vector<16xf32>,
    %get3A_1678 = arith.constant 16 : i32
    %get3A_1679 = arith.index_cast %get3A_1678 : i32 to index
    %get3A_1680 = arith.constant 112 : index
    %get3A_1681 = tpu.vector_load %arg10[%get3A_1679, %get3A_1680] {strides = array<i32>} : memref<32x256xf32, #tpu.memory_space<vmem>>, vector<16xf32>,
    %get3A_1682 = arith.constant 17 : i32
    %get3A_1683 = arith.index_cast %get3A_1682 : i32 to index
    %get3A_1684 = arith.constant 112 : index
    %get3A_1685 = tpu.vector_load %arg10[%get3A_1683, %get3A_1684] {strides = array<i32>} : memref<32x256xf32, #tpu.memory_space<vmem>>, vector<16xf32>,
    %add3A_1686 = arith.addf %get3A_1681, %get3A_1685 : vector<16xf32>
    %get3A_1687 = arith.constant 18 : i32
    %get3A_1688 = arith.index_cast %get3A_1687 : i32 to index
    %get3A_1689 = arith.constant 112 : index
    %get3A_1690 = tpu.vector_load %arg10[%get3A_1688, %get3A_1689] {strides = array<i32>} : memref<32x256xf32, #tpu.memory_space<vmem>>, vector<16xf32>,
    %add3A_1691 = arith.addf %add3A_1686, %get3A_1690 : vector<16xf32>
    %get3A_1692 = arith.constant 19 : i32
    %get3A_1693 = arith.index_cast %get3A_1692 : i32 to index
    %get3A_1694 = arith.constant 112 : index
    %get3A_1695 = tpu.vector_load %arg10[%get3A_1693, %get3A_1694] {strides = array<i32>} : memref<32x256xf32, #tpu.memory_space<vmem>>, vector<16xf32>,
    %add3A_1696 = arith.addf %add3A_1691, %get3A_1695 : vector<16xf32>
    %swap3A_1697 = arith.constant 4 : i32
    %swap3A_1698 = arith.index_cast %swap3A_1697 : i32 to index
    %swap3A_1699 = arith.constant 112 : index
    %swap3A_1700 = tpu.vector_load %arg12[%swap3A_1698, %swap3A_1699] {strides = array<i32>} : memref<8x256xf32, #tpu.memory_space<vmem>>, vector<16xf32>,
    tpu.vector_store %arg12[%swap3A_1698, %swap3A_1699], %add3A_1696 {strides = array<i32>} : memref<8x256xf32, #tpu.memory_space<vmem>>, vector<16xf32>,
    %get3A_1701 = arith.constant 16 : i32
    %get3A_1702 = arith.index_cast %get3A_1701 : i32 to index
    %get3A_1703 = arith.constant 128 : index
    %get3A_1704 = tpu.vector_load %arg10[%get3A_1702, %get3A_1703] {strides = array<i32>} : memref<32x256xf32, #tpu.memory_space<vmem>>, vector<16xf32>,
    %get3A_1705 = arith.constant 17 : i32
    %get3A_1706 = arith.index_cast %get3A_1705 : i32 to index
    %get3A_1707 = arith.constant 128 : index
    %get3A_1708 = tpu.vector_load %arg10[%get3A_1706, %get3A_1707] {strides = array<i32>} : memref<32x256xf32, #tpu.memory_space<vmem>>, vector<16xf32>,
    %add3A_1709 = arith.addf %get3A_1704, %get3A_1708 : vector<16xf32>
    %get3A_1710 = arith.constant 18 : i32
    %get3A_1711 = arith.index_cast %get3A_1710 : i32 to index
    %get3A_1712 = arith.constant 128 : index
    %get3A_1713 = tpu.vector_load %arg10[%get3A_1711, %get3A_1712] {strides = array<i32>} : memref<32x256xf32, #tpu.memory_space<vmem>>, vector<16xf32>,
    %add3A_1714 = arith.addf %add3A_1709, %get3A_1713 : vector<16xf32>
    %get3A_1715 = arith.constant 19 : i32
    %get3A_1716 = arith.index_cast %get3A_1715 : i32 to index
    %get3A_1717 = arith.constant 128 : index
    %get3A_1718 = tpu.vector_load %arg10[%get3A_1716, %get3A_1717] {strides = array<i32>} : memref<32x256xf32, #tpu.memory_space<vmem>>, vector<16xf32>,
    %add3A_1719 = arith.addf %add3A_1714, %get3A_1718 : vector<16xf32>
    %swap3A_1720 = arith.constant 4 : i32
    %swap3A_1721 = arith.index_cast %swap3A_1720 : i32 to index
    %swap3A_1722 = arith.constant 128 : index
    %swap3A_1723 = tpu.vector_load %arg12[%swap3A_1721, %swap3A_1722] {strides = array<i32>} : memref<8x256xf32, #tpu.memory_space<vmem>>, vector<16xf32>,
    tpu.vector_store %arg12[%swap3A_1721, %swap3A_1722], %add3A_1719 {strides = array<i32>} : memref<8x256xf32, #tpu.memory_space<vmem>>, vector<16xf32>,
    %get3A_1724 = arith.constant 16 : i32
    %get3A_1725 = arith.index_cast %get3A_1724 : i32 to index
    %get3A_1726 = arith.constant 144 : index
    %get3A_1727 = tpu.vector_load %arg10[%get3A_1725, %get3A_1726] {strides = array<i32>} : memref<32x256xf32, #tpu.memory_space<vmem>>, vector<16xf32>,
    %get3A_1728 = arith.constant 17 : i32
    %get3A_1729 = arith.index_cast %get3A_1728 : i32 to index
    %get3A_1730 = arith.constant 144 : index
    %get3A_1731 = tpu.vector_load %arg10[%get3A_1729, %get3A_1730] {strides = array<i32>} : memref<32x256xf32, #tpu.memory_space<vmem>>, vector<16xf32>,
    %add3A_1732 = arith.addf %get3A_1727, %get3A_1731 : vector<16xf32>
    %get3A_1733 = arith.constant 18 : i32
    %get3A_1734 = arith.index_cast %get3A_1733 : i32 to index
    %get3A_1735 = arith.constant 144 : index
    %get3A_1736 = tpu.vector_load %arg10[%get3A_1734, %get3A_1735] {strides = array<i32>} : memref<32x256xf32, #tpu.memory_space<vmem>>, vector<16xf32>,
    %add3A_1737 = arith.addf %add3A_1732, %get3A_1736 : vector<16xf32>
    %get3A_1738 = arith.constant 19 : i32
    %get3A_1739 = arith.index_cast %get3A_1738 : i32 to index
    %get3A_1740 = arith.constant 144 : index
    %get3A_1741 = tpu.vector_load %arg10[%get3A_1739, %get3A_1740] {strides = array<i32>} : memref<32x256xf32, #tpu.memory_space<vmem>>, vector<16xf32>,
    %add3A_1742 = arith.addf %add3A_1737, %get3A_1741 : vector<16xf32>
    %swap3A_1743 = arith.constant 4 : i32
    %swap3A_1744 = arith.index_cast %swap3A_1743 : i32 to index
    %swap3A_1745 = arith.constant 144 : index
    %swap3A_1746 = tpu.vector_load %arg12[%swap3A_1744, %swap3A_1745] {strides = array<i32>} : memref<8x256xf32, #tpu.memory_space<vmem>>, vector<16xf32>,
    tpu.vector_store %arg12[%swap3A_1744, %swap3A_1745], %add3A_1742 {strides = array<i32>} : memref<8x256xf32, #tpu.memory_space<vmem>>, vector<16xf32>,
    %get3A_1747 = arith.constant 16 : i32
    %get3A_1748 = arith.index_cast %get3A_1747 : i32 to index
    %get3A_1749 = arith.constant 160 : index
    %get3A_1750 = tpu.vector_load %arg10[%get3A_1748, %get3A_1749] {strides = array<i32>} : memref<32x256xf32, #tpu.memory_space<vmem>>, vector<16xf32>,
    %get3A_1751 = arith.constant 17 : i32
    %get3A_1752 = arith.index_cast %get3A_1751 : i32 to index
    %get3A_1753 = arith.constant 160 : index
    %get3A_1754 = tpu.vector_load %arg10[%get3A_1752, %get3A_1753] {strides = array<i32>} : memref<32x256xf32, #tpu.memory_space<vmem>>, vector<16xf32>,
    %add3A_1755 = arith.addf %get3A_1750, %get3A_1754 : vector<16xf32>
    %get3A_1756 = arith.constant 18 : i32
    %get3A_1757 = arith.index_cast %get3A_1756 : i32 to index
    %get3A_1758 = arith.constant 160 : index
    %get3A_1759 = tpu.vector_load %arg10[%get3A_1757, %get3A_1758] {strides = array<i32>} : memref<32x256xf32, #tpu.memory_space<vmem>>, vector<16xf32>,
    %add3A_1760 = arith.addf %add3A_1755, %get3A_1759 : vector<16xf32>
    %get3A_1761 = arith.constant 19 : i32
    %get3A_1762 = arith.index_cast %get3A_1761 : i32 to index
    %get3A_1763 = arith.constant 160 : index
    %get3A_1764 = tpu.vector_load %arg10[%get3A_1762, %get3A_1763] {strides = array<i32>} : memref<32x256xf32, #tpu.memory_space<vmem>>, vector<16xf32>,
    %add3A_1765 = arith.addf %add3A_1760, %get3A_1764 : vector<16xf32>
    %swap3A_1766 = arith.constant 4 : i32
    %swap3A_1767 = arith.index_cast %swap3A_1766 : i32 to index
    %swap3A_1768 = arith.constant 160 : index
    %swap3A_1769 = tpu.vector_load %arg12[%swap3A_1767, %swap3A_1768] {strides = array<i32>} : memref<8x256xf32, #tpu.memory_space<vmem>>, vector<16xf32>,
    tpu.vector_store %arg12[%swap3A_1767, %swap3A_1768], %add3A_1765 {strides = array<i32>} : memref<8x256xf32, #tpu.memory_space<vmem>>, vector<16xf32>,
    %get3A_1770 = arith.constant 16 : i32
    %get3A_1771 = arith.index_cast %get3A_1770 : i32 to index
    %get3A_1772 = arith.constant 176 : index
    %get3A_1773 = tpu.vector_load %arg10[%get3A_1771, %get3A_1772] {strides = array<i32>} : memref<32x256xf32, #tpu.memory_space<vmem>>, vector<16xf32>,
    %get3A_1774 = arith.constant 17 : i32
    %get3A_1775 = arith.index_cast %get3A_1774 : i32 to index
    %get3A_1776 = arith.constant 176 : index
    %get3A_1777 = tpu.vector_load %arg10[%get3A_1775, %get3A_1776] {strides = array<i32>} : memref<32x256xf32, #tpu.memory_space<vmem>>, vector<16xf32>,
    %add3A_1778 = arith.addf %get3A_1773, %get3A_1777 : vector<16xf32>
    %get3A_1779 = arith.constant 18 : i32
    %get3A_1780 = arith.index_cast %get3A_1779 : i32 to index
    %get3A_1781 = arith.constant 176 : index
    %get3A_1782 = tpu.vector_load %arg10[%get3A_1780, %get3A_1781] {strides = array<i32>} : memref<32x256xf32, #tpu.memory_space<vmem>>, vector<16xf32>,
    %add3A_1783 = arith.addf %add3A_1778, %get3A_1782 : vector<16xf32>
    %get3A_1784 = arith.constant 19 : i32
    %get3A_1785 = arith.index_cast %get3A_1784 : i32 to index
    %get3A_1786 = arith.constant 176 : index
    %get3A_1787 = tpu.vector_load %arg10[%get3A_1785, %get3A_1786] {strides = array<i32>} : memref<32x256xf32, #tpu.memory_space<vmem>>, vector<16xf32>,
    %add3A_1788 = arith.addf %add3A_1783, %get3A_1787 : vector<16xf32>
    %swap3A_1789 = arith.constant 4 : i32
    %swap3A_1790 = arith.index_cast %swap3A_1789 : i32 to index
    %swap3A_1791 = arith.constant 176 : index
    %swap3A_1792 = tpu.vector_load %arg12[%swap3A_1790, %swap3A_1791] {strides = array<i32>} : memref<8x256xf32, #tpu.memory_space<vmem>>, vector<16xf32>,
    tpu.vector_store %arg12[%swap3A_1790, %swap3A_1791], %add3A_1788 {strides = array<i32>} : memref<8x256xf32, #tpu.memory_space<vmem>>, vector<16xf32>,
    %get3A_1793 = arith.constant 16 : i32
    %get3A_1794 = arith.index_cast %get3A_1793 : i32 to index
    %get3A_1795 = arith.constant 192 : index
    %get3A_1796 = tpu.vector_load %arg10[%get3A_1794, %get3A_1795] {strides = array<i32>} : memref<32x256xf32, #tpu.memory_space<vmem>>, vector<16xf32>,
    %get3A_1797 = arith.constant 17 : i32
    %get3A_1798 = arith.index_cast %get3A_1797 : i32 to index
    %get3A_1799 = arith.constant 192 : index
    %get3A_1800 = tpu.vector_load %arg10[%get3A_1798, %get3A_1799] {strides = array<i32>} : memref<32x256xf32, #tpu.memory_space<vmem>>, vector<16xf32>,
    %add3A_1801 = arith.addf %get3A_1796, %get3A_1800 : vector<16xf32>
    %get3A_1802 = arith.constant 18 : i32
    %get3A_1803 = arith.index_cast %get3A_1802 : i32 to index
    %get3A_1804 = arith.constant 192 : index
    %get3A_1805 = tpu.vector_load %arg10[%get3A_1803, %get3A_1804] {strides = array<i32>} : memref<32x256xf32, #tpu.memory_space<vmem>>, vector<16xf32>,
    %add3A_1806 = arith.addf %add3A_1801, %get3A_1805 : vector<16xf32>
    %get3A_1807 = arith.constant 19 : i32
    %get3A_1808 = arith.index_cast %get3A_1807 : i32 to index
    %get3A_1809 = arith.constant 192 : index
    %get3A_1810 = tpu.vector_load %arg10[%get3A_1808, %get3A_1809] {strides = array<i32>} : memref<32x256xf32, #tpu.memory_space<vmem>>, vector<16xf32>,
    %add3A_1811 = arith.addf %add3A_1806, %get3A_1810 : vector<16xf32>
    %swap3A_1812 = arith.constant 4 : i32
    %swap3A_1813 = arith.index_cast %swap3A_1812 : i32 to index
    %swap3A_1814 = arith.constant 192 : index
    %swap3A_1815 = tpu.vector_load %arg12[%swap3A_1813, %swap3A_1814] {strides = array<i32>} : memref<8x256xf32, #tpu.memory_space<vmem>>, vector<16xf32>,
    tpu.vector_store %arg12[%swap3A_1813, %swap3A_1814], %add3A_1811 {strides = array<i32>} : memref<8x256xf32, #tpu.memory_space<vmem>>, vector<16xf32>,
    %get3A_1816 = arith.constant 16 : i32
    %get3A_1817 = arith.index_cast %get3A_1816 : i32 to index
    %get3A_1818 = arith.constant 208 : index
    %get3A_1819 = tpu.vector_load %arg10[%get3A_1817, %get3A_1818] {strides = array<i32>} : memref<32x256xf32, #tpu.memory_space<vmem>>, vector<16xf32>,
    %get3A_1820 = arith.constant 17 : i32
    %get3A_1821 = arith.index_cast %get3A_1820 : i32 to index
    %get3A_1822 = arith.constant 208 : index
    %get3A_1823 = tpu.vector_load %arg10[%get3A_1821, %get3A_1822] {strides = array<i32>} : memref<32x256xf32, #tpu.memory_space<vmem>>, vector<16xf32>,
    %add3A_1824 = arith.addf %get3A_1819, %get3A_1823 : vector<16xf32>
    %get3A_1825 = arith.constant 18 : i32
    %get3A_1826 = arith.index_cast %get3A_1825 : i32 to index
    %get3A_1827 = arith.constant 208 : index
    %get3A_1828 = tpu.vector_load %arg10[%get3A_1826, %get3A_1827] {strides = array<i32>} : memref<32x256xf32, #tpu.memory_space<vmem>>, vector<16xf32>,
    %add3A_1829 = arith.addf %add3A_1824, %get3A_1828 : vector<16xf32>
    %get3A_1830 = arith.constant 19 : i32
    %get3A_1831 = arith.index_cast %get3A_1830 : i32 to index
    %get3A_1832 = arith.constant 208 : index
    %get3A_1833 = tpu.vector_load %arg10[%get3A_1831, %get3A_1832] {strides = array<i32>} : memref<32x256xf32, #tpu.memory_space<vmem>>, vector<16xf32>,
    %add3A_1834 = arith.addf %add3A_1829, %get3A_1833 : vector<16xf32>
    %swap3A_1835 = arith.constant 4 : i32
    %swap3A_1836 = arith.index_cast %swap3A_1835 : i32 to index
    %swap3A_1837 = arith.constant 208 : index
    %swap3A_1838 = tpu.vector_load %arg12[%swap3A_1836, %swap3A_1837] {strides = array<i32>} : memref<8x256xf32, #tpu.memory_space<vmem>>, vector<16xf32>,
    tpu.vector_store %arg12[%swap3A_1836, %swap3A_1837], %add3A_1834 {strides = array<i32>} : memref<8x256xf32, #tpu.memory_space<vmem>>, vector<16xf32>,
    %get3A_1839 = arith.constant 16 : i32
    %get3A_1840 = arith.index_cast %get3A_1839 : i32 to index
    %get3A_1841 = arith.constant 224 : index
    %get3A_1842 = tpu.vector_load %arg10[%get3A_1840, %get3A_1841] {strides = array<i32>} : memref<32x256xf32, #tpu.memory_space<vmem>>, vector<16xf32>,
    %get3A_1843 = arith.constant 17 : i32
    %get3A_1844 = arith.index_cast %get3A_1843 : i32 to index
    %get3A_1845 = arith.constant 224 : index
    %get3A_1846 = tpu.vector_load %arg10[%get3A_1844, %get3A_1845] {strides = array<i32>} : memref<32x256xf32, #tpu.memory_space<vmem>>, vector<16xf32>,
    %add3A_1847 = arith.addf %get3A_1842, %get3A_1846 : vector<16xf32>
    %get3A_1848 = arith.constant 18 : i32
    %get3A_1849 = arith.index_cast %get3A_1848 : i32 to index
    %get3A_1850 = arith.constant 224 : index
    %get3A_1851 = tpu.vector_load %arg10[%get3A_1849, %get3A_1850] {strides = array<i32>} : memref<32x256xf32, #tpu.memory_space<vmem>>, vector<16xf32>,
    %add3A_1852 = arith.addf %add3A_1847, %get3A_1851 : vector<16xf32>
    %get3A_1853 = arith.constant 19 : i32
    %get3A_1854 = arith.index_cast %get3A_1853 : i32 to index
    %get3A_1855 = arith.constant 224 : index
    %get3A_1856 = tpu.vector_load %arg10[%get3A_1854, %get3A_1855] {strides = array<i32>} : memref<32x256xf32, #tpu.memory_space<vmem>>, vector<16xf32>,
    %add3A_1857 = arith.addf %add3A_1852, %get3A_1856 : vector<16xf32>
    %swap3A_1858 = arith.constant 4 : i32
    %swap3A_1859 = arith.index_cast %swap3A_1858 : i32 to index
    %swap3A_1860 = arith.constant 224 : index
    %swap3A_1861 = tpu.vector_load %arg12[%swap3A_1859, %swap3A_1860] {strides = array<i32>} : memref<8x256xf32, #tpu.memory_space<vmem>>, vector<16xf32>,
    tpu.vector_store %arg12[%swap3A_1859, %swap3A_1860], %add3A_1857 {strides = array<i32>} : memref<8x256xf32, #tpu.memory_space<vmem>>, vector<16xf32>,
    %get3A_1862 = arith.constant 16 : i32
    %get3A_1863 = arith.index_cast %get3A_1862 : i32 to index
    %get3A_1864 = arith.constant 240 : index
    %get3A_1865 = tpu.vector_load %arg10[%get3A_1863, %get3A_1864] {strides = array<i32>} : memref<32x256xf32, #tpu.memory_space<vmem>>, vector<16xf32>,
    %get3A_1866 = arith.constant 17 : i32
    %get3A_1867 = arith.index_cast %get3A_1866 : i32 to index
    %get3A_1868 = arith.constant 240 : index
    %get3A_1869 = tpu.vector_load %arg10[%get3A_1867, %get3A_1868] {strides = array<i32>} : memref<32x256xf32, #tpu.memory_space<vmem>>, vector<16xf32>,
    %add3A_1870 = arith.addf %get3A_1865, %get3A_1869 : vector<16xf32>
    %get3A_1871 = arith.constant 18 : i32
    %get3A_1872 = arith.index_cast %get3A_1871 : i32 to index
    %get3A_1873 = arith.constant 240 : index
    %get3A_1874 = tpu.vector_load %arg10[%get3A_1872, %get3A_1873] {strides = array<i32>} : memref<32x256xf32, #tpu.memory_space<vmem>>, vector<16xf32>,
    %add3A_1875 = arith.addf %add3A_1870, %get3A_1874 : vector<16xf32>
    %get3A_1876 = arith.constant 19 : i32
    %get3A_1877 = arith.index_cast %get3A_1876 : i32 to index
    %get3A_1878 = arith.constant 240 : index
    %get3A_1879 = tpu.vector_load %arg10[%get3A_1877, %get3A_1878] {strides = array<i32>} : memref<32x256xf32, #tpu.memory_space<vmem>>, vector<16xf32>,
    %add3A_1880 = arith.addf %add3A_1875, %get3A_1879 : vector<16xf32>
    %swap3A_1881 = arith.constant 4 : i32
    %swap3A_1882 = arith.index_cast %swap3A_1881 : i32 to index
    %swap3A_1883 = arith.constant 240 : index
    %swap3A_1884 = tpu.vector_load %arg12[%swap3A_1882, %swap3A_1883] {strides = array<i32>} : memref<8x256xf32, #tpu.memory_space<vmem>>, vector<16xf32>,
    tpu.vector_store %arg12[%swap3A_1882, %swap3A_1883], %add3A_1880 {strides = array<i32>} : memref<8x256xf32, #tpu.memory_space<vmem>>, vector<16xf32>,
    %get3A_1885 = arith.constant 20 : i32
    %get3A_1886 = arith.index_cast %get3A_1885 : i32 to index
    %get3A_1887 = arith.constant 0 : index
    %get3A_1888 = tpu.vector_load %arg10[%get3A_1886, %get3A_1887] {strides = array<i32>} : memref<32x256xf32, #tpu.memory_space<vmem>>, vector<16xf32>,
    %get3A_1889 = arith.constant 21 : i32
    %get3A_1890 = arith.index_cast %get3A_1889 : i32 to index
    %get3A_1891 = arith.constant 0 : index
    %get3A_1892 = tpu.vector_load %arg10[%get3A_1890, %get3A_1891] {strides = array<i32>} : memref<32x256xf32, #tpu.memory_space<vmem>>, vector<16xf32>,
    %add3A_1893 = arith.addf %get3A_1888, %get3A_1892 : vector<16xf32>
    %get3A_1894 = arith.constant 22 : i32
    %get3A_1895 = arith.index_cast %get3A_1894 : i32 to index
    %get3A_1896 = arith.constant 0 : index
    %get3A_1897 = tpu.vector_load %arg10[%get3A_1895, %get3A_1896] {strides = array<i32>} : memref<32x256xf32, #tpu.memory_space<vmem>>, vector<16xf32>,
    %add3A_1898 = arith.addf %add3A_1893, %get3A_1897 : vector<16xf32>
    %get3A_1899 = arith.constant 23 : i32
    %get3A_1900 = arith.index_cast %get3A_1899 : i32 to index
    %get3A_1901 = arith.constant 0 : index
    %get3A_1902 = tpu.vector_load %arg10[%get3A_1900, %get3A_1901] {strides = array<i32>} : memref<32x256xf32, #tpu.memory_space<vmem>>, vector<16xf32>,
    %add3A_1903 = arith.addf %add3A_1898, %get3A_1902 : vector<16xf32>
    %swap3A_1904 = arith.constant 5 : i32
    %swap3A_1905 = arith.index_cast %swap3A_1904 : i32 to index
    %swap3A_1906 = arith.constant 0 : index
    %swap3A_1907 = tpu.vector_load %arg12[%swap3A_1905, %swap3A_1906] {strides = array<i32>} : memref<8x256xf32, #tpu.memory_space<vmem>>, vector<16xf32>,
    tpu.vector_store %arg12[%swap3A_1905, %swap3A_1906], %add3A_1903 {strides = array<i32>} : memref<8x256xf32, #tpu.memory_space<vmem>>, vector<16xf32>,
    %get3A_1908 = arith.constant 20 : i32
    %get3A_1909 = arith.index_cast %get3A_1908 : i32 to index
    %get3A_1910 = arith.constant 16 : index
    %get3A_1911 = tpu.vector_load %arg10[%get3A_1909, %get3A_1910] {strides = array<i32>} : memref<32x256xf32, #tpu.memory_space<vmem>>, vector<16xf32>,
    %get3A_1912 = arith.constant 21 : i32
    %get3A_1913 = arith.index_cast %get3A_1912 : i32 to index
    %get3A_1914 = arith.constant 16 : index
    %get3A_1915 = tpu.vector_load %arg10[%get3A_1913, %get3A_1914] {strides = array<i32>} : memref<32x256xf32, #tpu.memory_space<vmem>>, vector<16xf32>,
    %add3A_1916 = arith.addf %get3A_1911, %get3A_1915 : vector<16xf32>
    %get3A_1917 = arith.constant 22 : i32
    %get3A_1918 = arith.index_cast %get3A_1917 : i32 to index
    %get3A_1919 = arith.constant 16 : index
    %get3A_1920 = tpu.vector_load %arg10[%get3A_1918, %get3A_1919] {strides = array<i32>} : memref<32x256xf32, #tpu.memory_space<vmem>>, vector<16xf32>,
    %add3A_1921 = arith.addf %add3A_1916, %get3A_1920 : vector<16xf32>
    %get3A_1922 = arith.constant 23 : i32
    %get3A_1923 = arith.index_cast %get3A_1922 : i32 to index
    %get3A_1924 = arith.constant 16 : index
    %get3A_1925 = tpu.vector_load %arg10[%get3A_1923, %get3A_1924] {strides = array<i32>} : memref<32x256xf32, #tpu.memory_space<vmem>>, vector<16xf32>,
    %add3A_1926 = arith.addf %add3A_1921, %get3A_1925 : vector<16xf32>
    %swap3A_1927 = arith.constant 5 : i32
    %swap3A_1928 = arith.index_cast %swap3A_1927 : i32 to index
    %swap3A_1929 = arith.constant 16 : index
    %swap3A_1930 = tpu.vector_load %arg12[%swap3A_1928, %swap3A_1929] {strides = array<i32>} : memref<8x256xf32, #tpu.memory_space<vmem>>, vector<16xf32>,
    tpu.vector_store %arg12[%swap3A_1928, %swap3A_1929], %add3A_1926 {strides = array<i32>} : memref<8x256xf32, #tpu.memory_space<vmem>>, vector<16xf32>,
    %get3A_1931 = arith.constant 20 : i32
    %get3A_1932 = arith.index_cast %get3A_1931 : i32 to index
    %get3A_1933 = arith.constant 32 : index
    %get3A_1934 = tpu.vector_load %arg10[%get3A_1932, %get3A_1933] {strides = array<i32>} : memref<32x256xf32, #tpu.memory_space<vmem>>, vector<16xf32>,
    %get3A_1935 = arith.constant 21 : i32
    %get3A_1936 = arith.index_cast %get3A_1935 : i32 to index
    %get3A_1937 = arith.constant 32 : index
    %get3A_1938 = tpu.vector_load %arg10[%get3A_1936, %get3A_1937] {strides = array<i32>} : memref<32x256xf32, #tpu.memory_space<vmem>>, vector<16xf32>,
    %add3A_1939 = arith.addf %get3A_1934, %get3A_1938 : vector<16xf32>
    %get3A_1940 = arith.constant 22 : i32
    %get3A_1941 = arith.index_cast %get3A_1940 : i32 to index
    %get3A_1942 = arith.constant 32 : index
    %get3A_1943 = tpu.vector_load %arg10[%get3A_1941, %get3A_1942] {strides = array<i32>} : memref<32x256xf32, #tpu.memory_space<vmem>>, vector<16xf32>,
    %add3A_1944 = arith.addf %add3A_1939, %get3A_1943 : vector<16xf32>
    %get3A_1945 = arith.constant 23 : i32
    %get3A_1946 = arith.index_cast %get3A_1945 : i32 to index
    %get3A_1947 = arith.constant 32 : index
    %get3A_1948 = tpu.vector_load %arg10[%get3A_1946, %get3A_1947] {strides = array<i32>} : memref<32x256xf32, #tpu.memory_space<vmem>>, vector<16xf32>,
    %add3A_1949 = arith.addf %add3A_1944, %get3A_1948 : vector<16xf32>
    %swap3A_1950 = arith.constant 5 : i32
    %swap3A_1951 = arith.index_cast %swap3A_1950 : i32 to index
    %swap3A_1952 = arith.constant 32 : index
    %swap3A_1953 = tpu.vector_load %arg12[%swap3A_1951, %swap3A_1952] {strides = array<i32>} : memref<8x256xf32, #tpu.memory_space<vmem>>, vector<16xf32>,
    tpu.vector_store %arg12[%swap3A_1951, %swap3A_1952], %add3A_1949 {strides = array<i32>} : memref<8x256xf32, #tpu.memory_space<vmem>>, vector<16xf32>,
    %get3A_1954 = arith.constant 20 : i32
    %get3A_1955 = arith.index_cast %get3A_1954 : i32 to index
    %get3A_1956 = arith.constant 48 : index
    %get3A_1957 = tpu.vector_load %arg10[%get3A_1955, %get3A_1956] {strides = array<i32>} : memref<32x256xf32, #tpu.memory_space<vmem>>, vector<16xf32>,
    %get3A_1958 = arith.constant 21 : i32
    %get3A_1959 = arith.index_cast %get3A_1958 : i32 to index
    %get3A_1960 = arith.constant 48 : index
    %get3A_1961 = tpu.vector_load %arg10[%get3A_1959, %get3A_1960] {strides = array<i32>} : memref<32x256xf32, #tpu.memory_space<vmem>>, vector<16xf32>,
    %add3A_1962 = arith.addf %get3A_1957, %get3A_1961 : vector<16xf32>
    %get3A_1963 = arith.constant 22 : i32
    %get3A_1964 = arith.index_cast %get3A_1963 : i32 to index
    %get3A_1965 = arith.constant 48 : index
    %get3A_1966 = tpu.vector_load %arg10[%get3A_1964, %get3A_1965] {strides = array<i32>} : memref<32x256xf32, #tpu.memory_space<vmem>>, vector<16xf32>,
    %add3A_1967 = arith.addf %add3A_1962, %get3A_1966 : vector<16xf32>
    %get3A_1968 = arith.constant 23 : i32
    %get3A_1969 = arith.index_cast %get3A_1968 : i32 to index
    %get3A_1970 = arith.constant 48 : index
    %get3A_1971 = tpu.vector_load %arg10[%get3A_1969, %get3A_1970] {strides = array<i32>} : memref<32x256xf32, #tpu.memory_space<vmem>>, vector<16xf32>,
    %add3A_1972 = arith.addf %add3A_1967, %get3A_1971 : vector<16xf32>
    %swap3A_1973 = arith.constant 5 : i32
    %swap3A_1974 = arith.index_cast %swap3A_1973 : i32 to index
    %swap3A_1975 = arith.constant 48 : index
    %swap3A_1976 = tpu.vector_load %arg12[%swap3A_1974, %swap3A_1975] {strides = array<i32>} : memref<8x256xf32, #tpu.memory_space<vmem>>, vector<16xf32>,
    tpu.vector_store %arg12[%swap3A_1974, %swap3A_1975], %add3A_1972 {strides = array<i32>} : memref<8x256xf32, #tpu.memory_space<vmem>>, vector<16xf32>,
    %get3A_1977 = arith.constant 20 : i32
    %get3A_1978 = arith.index_cast %get3A_1977 : i32 to index
    %get3A_1979 = arith.constant 64 : index
    %get3A_1980 = tpu.vector_load %arg10[%get3A_1978, %get3A_1979] {strides = array<i32>} : memref<32x256xf32, #tpu.memory_space<vmem>>, vector<16xf32>,
    %get3A_1981 = arith.constant 21 : i32
    %get3A_1982 = arith.index_cast %get3A_1981 : i32 to index
    %get3A_1983 = arith.constant 64 : index
    %get3A_1984 = tpu.vector_load %arg10[%get3A_1982, %get3A_1983] {strides = array<i32>} : memref<32x256xf32, #tpu.memory_space<vmem>>, vector<16xf32>,
    %add3A_1985 = arith.addf %get3A_1980, %get3A_1984 : vector<16xf32>
    %get3A_1986 = arith.constant 22 : i32
    %get3A_1987 = arith.index_cast %get3A_1986 : i32 to index
    %get3A_1988 = arith.constant 64 : index
    %get3A_1989 = tpu.vector_load %arg10[%get3A_1987, %get3A_1988] {strides = array<i32>} : memref<32x256xf32, #tpu.memory_space<vmem>>, vector<16xf32>,
    %add3A_1990 = arith.addf %add3A_1985, %get3A_1989 : vector<16xf32>
    %get3A_1991 = arith.constant 23 : i32
    %get3A_1992 = arith.index_cast %get3A_1991 : i32 to index
    %get3A_1993 = arith.constant 64 : index
    %get3A_1994 = tpu.vector_load %arg10[%get3A_1992, %get3A_1993] {strides = array<i32>} : memref<32x256xf32, #tpu.memory_space<vmem>>, vector<16xf32>,
    %add3A_1995 = arith.addf %add3A_1990, %get3A_1994 : vector<16xf32>
    %swap3A_1996 = arith.constant 5 : i32
    %swap3A_1997 = arith.index_cast %swap3A_1996 : i32 to index
    %swap3A_1998 = arith.constant 64 : index
    %swap3A_1999 = tpu.vector_load %arg12[%swap3A_1997, %swap3A_1998] {strides = array<i32>} : memref<8x256xf32, #tpu.memory_space<vmem>>, vector<16xf32>,
    tpu.vector_store %arg12[%swap3A_1997, %swap3A_1998], %add3A_1995 {strides = array<i32>} : memref<8x256xf32, #tpu.memory_space<vmem>>, vector<16xf32>,
    %get3A_2000 = arith.constant 20 : i32
    %get3A_2001 = arith.index_cast %get3A_2000 : i32 to index
    %get3A_2002 = arith.constant 80 : index
    %get3A_2003 = tpu.vector_load %arg10[%get3A_2001, %get3A_2002] {strides = array<i32>} : memref<32x256xf32, #tpu.memory_space<vmem>>, vector<16xf32>,
    %get3A_2004 = arith.constant 21 : i32
    %get3A_2005 = arith.index_cast %get3A_2004 : i32 to index
    %get3A_2006 = arith.constant 80 : index
    %get3A_2007 = tpu.vector_load %arg10[%get3A_2005, %get3A_2006] {strides = array<i32>} : memref<32x256xf32, #tpu.memory_space<vmem>>, vector<16xf32>,
    %add3A_2008 = arith.addf %get3A_2003, %get3A_2007 : vector<16xf32>
    %get3A_2009 = arith.constant 22 : i32
    %get3A_2010 = arith.index_cast %get3A_2009 : i32 to index
    %get3A_2011 = arith.constant 80 : index
    %get3A_2012 = tpu.vector_load %arg10[%get3A_2010, %get3A_2011] {strides = array<i32>} : memref<32x256xf32, #tpu.memory_space<vmem>>, vector<16xf32>,
    %add3A_2013 = arith.addf %add3A_2008, %get3A_2012 : vector<16xf32>
    %get3A_2014 = arith.constant 23 : i32
    %get3A_2015 = arith.index_cast %get3A_2014 : i32 to index
    %get3A_2016 = arith.constant 80 : index
    %get3A_2017 = tpu.vector_load %arg10[%get3A_2015, %get3A_2016] {strides = array<i32>} : memref<32x256xf32, #tpu.memory_space<vmem>>, vector<16xf32>,
    %add3A_2018 = arith.addf %add3A_2013, %get3A_2017 : vector<16xf32>
    %swap3A_2019 = arith.constant 5 : i32
    %swap3A_2020 = arith.index_cast %swap3A_2019 : i32 to index
    %swap3A_2021 = arith.constant 80 : index
    %swap3A_2022 = tpu.vector_load %arg12[%swap3A_2020, %swap3A_2021] {strides = array<i32>} : memref<8x256xf32, #tpu.memory_space<vmem>>, vector<16xf32>,
    tpu.vector_store %arg12[%swap3A_2020, %swap3A_2021], %add3A_2018 {strides = array<i32>} : memref<8x256xf32, #tpu.memory_space<vmem>>, vector<16xf32>,
    %get3A_2023 = arith.constant 20 : i32
    %get3A_2024 = arith.index_cast %get3A_2023 : i32 to index
    %get3A_2025 = arith.constant 96 : index
    %get3A_2026 = tpu.vector_load %arg10[%get3A_2024, %get3A_2025] {strides = array<i32>} : memref<32x256xf32, #tpu.memory_space<vmem>>, vector<16xf32>,
    %get3A_2027 = arith.constant 21 : i32
    %get3A_2028 = arith.index_cast %get3A_2027 : i32 to index
    %get3A_2029 = arith.constant 96 : index
    %get3A_2030 = tpu.vector_load %arg10[%get3A_2028, %get3A_2029] {strides = array<i32>} : memref<32x256xf32, #tpu.memory_space<vmem>>, vector<16xf32>,
    %add3A_2031 = arith.addf %get3A_2026, %get3A_2030 : vector<16xf32>
    %get3A_2032 = arith.constant 22 : i32
    %get3A_2033 = arith.index_cast %get3A_2032 : i32 to index
    %get3A_2034 = arith.constant 96 : index
    %get3A_2035 = tpu.vector_load %arg10[%get3A_2033, %get3A_2034] {strides = array<i32>} : memref<32x256xf32, #tpu.memory_space<vmem>>, vector<16xf32>,
    %add3A_2036 = arith.addf %add3A_2031, %get3A_2035 : vector<16xf32>
    %get3A_2037 = arith.constant 23 : i32
    %get3A_2038 = arith.index_cast %get3A_2037 : i32 to index
    %get3A_2039 = arith.constant 96 : index
    %get3A_2040 = tpu.vector_load %arg10[%get3A_2038, %get3A_2039] {strides = array<i32>} : memref<32x256xf32, #tpu.memory_space<vmem>>, vector<16xf32>,
    %add3A_2041 = arith.addf %add3A_2036, %get3A_2040 : vector<16xf32>
    %swap3A_2042 = arith.constant 5 : i32
    %swap3A_2043 = arith.index_cast %swap3A_2042 : i32 to index
    %swap3A_2044 = arith.constant 96 : index
    %swap3A_2045 = tpu.vector_load %arg12[%swap3A_2043, %swap3A_2044] {strides = array<i32>} : memref<8x256xf32, #tpu.memory_space<vmem>>, vector<16xf32>,
    tpu.vector_store %arg12[%swap3A_2043, %swap3A_2044], %add3A_2041 {strides = array<i32>} : memref<8x256xf32, #tpu.memory_space<vmem>>, vector<16xf32>,
    %get3A_2046 = arith.constant 20 : i32
    %get3A_2047 = arith.index_cast %get3A_2046 : i32 to index
    %get3A_2048 = arith.constant 112 : index
    %get3A_2049 = tpu.vector_load %arg10[%get3A_2047, %get3A_2048] {strides = array<i32>} : memref<32x256xf32, #tpu.memory_space<vmem>>, vector<16xf32>,
    %get3A_2050 = arith.constant 21 : i32
    %get3A_2051 = arith.index_cast %get3A_2050 : i32 to index
    %get3A_2052 = arith.constant 112 : index
    %get3A_2053 = tpu.vector_load %arg10[%get3A_2051, %get3A_2052] {strides = array<i32>} : memref<32x256xf32, #tpu.memory_space<vmem>>, vector<16xf32>,
    %add3A_2054 = arith.addf %get3A_2049, %get3A_2053 : vector<16xf32>
    %get3A_2055 = arith.constant 22 : i32
    %get3A_2056 = arith.index_cast %get3A_2055 : i32 to index
    %get3A_2057 = arith.constant 112 : index
    %get3A_2058 = tpu.vector_load %arg10[%get3A_2056, %get3A_2057] {strides = array<i32>} : memref<32x256xf32, #tpu.memory_space<vmem>>, vector<16xf32>,
    %add3A_2059 = arith.addf %add3A_2054, %get3A_2058 : vector<16xf32>
    %get3A_2060 = arith.constant 23 : i32
    %get3A_2061 = arith.index_cast %get3A_2060 : i32 to index
    %get3A_2062 = arith.constant 112 : index
    %get3A_2063 = tpu.vector_load %arg10[%get3A_2061, %get3A_2062] {strides = array<i32>} : memref<32x256xf32, #tpu.memory_space<vmem>>, vector<16xf32>,
    %add3A_2064 = arith.addf %add3A_2059, %get3A_2063 : vector<16xf32>
    %swap3A_2065 = arith.constant 5 : i32
    %swap3A_2066 = arith.index_cast %swap3A_2065 : i32 to index
    %swap3A_2067 = arith.constant 112 : index
    %swap3A_2068 = tpu.vector_load %arg12[%swap3A_2066, %swap3A_2067] {strides = array<i32>} : memref<8x256xf32, #tpu.memory_space<vmem>>, vector<16xf32>,
    tpu.vector_store %arg12[%swap3A_2066, %swap3A_2067], %add3A_2064 {strides = array<i32>} : memref<8x256xf32, #tpu.memory_space<vmem>>, vector<16xf32>,
    %get3A_2069 = arith.constant 20 : i32
    %get3A_2070 = arith.index_cast %get3A_2069 : i32 to index
    %get3A_2071 = arith.constant 128 : index
    %get3A_2072 = tpu.vector_load %arg10[%get3A_2070, %get3A_2071] {strides = array<i32>} : memref<32x256xf32, #tpu.memory_space<vmem>>, vector<16xf32>,
    %get3A_2073 = arith.constant 21 : i32
    %get3A_2074 = arith.index_cast %get3A_2073 : i32 to index
    %get3A_2075 = arith.constant 128 : index
    %get3A_2076 = tpu.vector_load %arg10[%get3A_2074, %get3A_2075] {strides = array<i32>} : memref<32x256xf32, #tpu.memory_space<vmem>>, vector<16xf32>,
    %add3A_2077 = arith.addf %get3A_2072, %get3A_2076 : vector<16xf32>
    %get3A_2078 = arith.constant 22 : i32
    %get3A_2079 = arith.index_cast %get3A_2078 : i32 to index
    %get3A_2080 = arith.constant 128 : index
    %get3A_2081 = tpu.vector_load %arg10[%get3A_2079, %get3A_2080] {strides = array<i32>} : memref<32x256xf32, #tpu.memory_space<vmem>>, vector<16xf32>,
    %add3A_2082 = arith.addf %add3A_2077, %get3A_2081 : vector<16xf32>
    %get3A_2083 = arith.constant 23 : i32
    %get3A_2084 = arith.index_cast %get3A_2083 : i32 to index
    %get3A_2085 = arith.constant 128 : index
    %get3A_2086 = tpu.vector_load %arg10[%get3A_2084, %get3A_2085] {strides = array<i32>} : memref<32x256xf32, #tpu.memory_space<vmem>>, vector<16xf32>,
    %add3A_2087 = arith.addf %add3A_2082, %get3A_2086 : vector<16xf32>
    %swap3A_2088 = arith.constant 5 : i32
    %swap3A_2089 = arith.index_cast %swap3A_2088 : i32 to index
    %swap3A_2090 = arith.constant 128 : index
    %swap3A_2091 = tpu.vector_load %arg12[%swap3A_2089, %swap3A_2090] {strides = array<i32>} : memref<8x256xf32, #tpu.memory_space<vmem>>, vector<16xf32>,
    tpu.vector_store %arg12[%swap3A_2089, %swap3A_2090], %add3A_2087 {strides = array<i32>} : memref<8x256xf32, #tpu.memory_space<vmem>>, vector<16xf32>,
    %get3A_2092 = arith.constant 20 : i32
    %get3A_2093 = arith.index_cast %get3A_2092 : i32 to index
    %get3A_2094 = arith.constant 144 : index
    %get3A_2095 = tpu.vector_load %arg10[%get3A_2093, %get3A_2094] {strides = array<i32>} : memref<32x256xf32, #tpu.memory_space<vmem>>, vector<16xf32>,
    %get3A_2096 = arith.constant 21 : i32
    %get3A_2097 = arith.index_cast %get3A_2096 : i32 to index
    %get3A_2098 = arith.constant 144 : index
    %get3A_2099 = tpu.vector_load %arg10[%get3A_2097, %get3A_2098] {strides = array<i32>} : memref<32x256xf32, #tpu.memory_space<vmem>>, vector<16xf32>,
    %add3A_2100 = arith.addf %get3A_2095, %get3A_2099 : vector<16xf32>
    %get3A_2101 = arith.constant 22 : i32
    %get3A_2102 = arith.index_cast %get3A_2101 : i32 to index
    %get3A_2103 = arith.constant 144 : index
    %get3A_2104 = tpu.vector_load %arg10[%get3A_2102, %get3A_2103] {strides = array<i32>} : memref<32x256xf32, #tpu.memory_space<vmem>>, vector<16xf32>,
    %add3A_2105 = arith.addf %add3A_2100, %get3A_2104 : vector<16xf32>
    %get3A_2106 = arith.constant 23 : i32
    %get3A_2107 = arith.index_cast %get3A_2106 : i32 to index
    %get3A_2108 = arith.constant 144 : index
    %get3A_2109 = tpu.vector_load %arg10[%get3A_2107, %get3A_2108] {strides = array<i32>} : memref<32x256xf32, #tpu.memory_space<vmem>>, vector<16xf32>,
    %add3A_2110 = arith.addf %add3A_2105, %get3A_2109 : vector<16xf32>
    %swap3A_2111 = arith.constant 5 : i32
    %swap3A_2112 = arith.index_cast %swap3A_2111 : i32 to index
    %swap3A_2113 = arith.constant 144 : index
    %swap3A_2114 = tpu.vector_load %arg12[%swap3A_2112, %swap3A_2113] {strides = array<i32>} : memref<8x256xf32, #tpu.memory_space<vmem>>, vector<16xf32>,
    tpu.vector_store %arg12[%swap3A_2112, %swap3A_2113], %add3A_2110 {strides = array<i32>} : memref<8x256xf32, #tpu.memory_space<vmem>>, vector<16xf32>,
    %get3A_2115 = arith.constant 20 : i32
    %get3A_2116 = arith.index_cast %get3A_2115 : i32 to index
    %get3A_2117 = arith.constant 160 : index
    %get3A_2118 = tpu.vector_load %arg10[%get3A_2116, %get3A_2117] {strides = array<i32>} : memref<32x256xf32, #tpu.memory_space<vmem>>, vector<16xf32>,
    %get3A_2119 = arith.constant 21 : i32
    %get3A_2120 = arith.index_cast %get3A_2119 : i32 to index
    %get3A_2121 = arith.constant 160 : index
    %get3A_2122 = tpu.vector_load %arg10[%get3A_2120, %get3A_2121] {strides = array<i32>} : memref<32x256xf32, #tpu.memory_space<vmem>>, vector<16xf32>,
    %add3A_2123 = arith.addf %get3A_2118, %get3A_2122 : vector<16xf32>
    %get3A_2124 = arith.constant 22 : i32
    %get3A_2125 = arith.index_cast %get3A_2124 : i32 to index
    %get3A_2126 = arith.constant 160 : index
    %get3A_2127 = tpu.vector_load %arg10[%get3A_2125, %get3A_2126] {strides = array<i32>} : memref<32x256xf32, #tpu.memory_space<vmem>>, vector<16xf32>,
    %add3A_2128 = arith.addf %add3A_2123, %get3A_2127 : vector<16xf32>
    %get3A_2129 = arith.constant 23 : i32
    %get3A_2130 = arith.index_cast %get3A_2129 : i32 to index
    %get3A_2131 = arith.constant 160 : index
    %get3A_2132 = tpu.vector_load %arg10[%get3A_2130, %get3A_2131] {strides = array<i32>} : memref<32x256xf32, #tpu.memory_space<vmem>>, vector<16xf32>,
    %add3A_2133 = arith.addf %add3A_2128, %get3A_2132 : vector<16xf32>
    %swap3A_2134 = arith.constant 5 : i32
    %swap3A_2135 = arith.index_cast %swap3A_2134 : i32 to index
    %swap3A_2136 = arith.constant 160 : index
    %swap3A_2137 = tpu.vector_load %arg12[%swap3A_2135, %swap3A_2136] {strides = array<i32>} : memref<8x256xf32, #tpu.memory_space<vmem>>, vector<16xf32>,
    tpu.vector_store %arg12[%swap3A_2135, %swap3A_2136], %add3A_2133 {strides = array<i32>} : memref<8x256xf32, #tpu.memory_space<vmem>>, vector<16xf32>,
    %get3A_2138 = arith.constant 20 : i32
    %get3A_2139 = arith.index_cast %get3A_2138 : i32 to index
    %get3A_2140 = arith.constant 176 : index
    %get3A_2141 = tpu.vector_load %arg10[%get3A_2139, %get3A_2140] {strides = array<i32>} : memref<32x256xf32, #tpu.memory_space<vmem>>, vector<16xf32>,
    %get3A_2142 = arith.constant 21 : i32
    %get3A_2143 = arith.index_cast %get3A_2142 : i32 to index
    %get3A_2144 = arith.constant 176 : index
    %get3A_2145 = tpu.vector_load %arg10[%get3A_2143, %get3A_2144] {strides = array<i32>} : memref<32x256xf32, #tpu.memory_space<vmem>>, vector<16xf32>,
    %add3A_2146 = arith.addf %get3A_2141, %get3A_2145 : vector<16xf32>
    %get3A_2147 = arith.constant 22 : i32
    %get3A_2148 = arith.index_cast %get3A_2147 : i32 to index
    %get3A_2149 = arith.constant 176 : index
    %get3A_2150 = tpu.vector_load %arg10[%get3A_2148, %get3A_2149] {strides = array<i32>} : memref<32x256xf32, #tpu.memory_space<vmem>>, vector<16xf32>,
    %add3A_2151 = arith.addf %add3A_2146, %get3A_2150 : vector<16xf32>
    %get3A_2152 = arith.constant 23 : i32
    %get3A_2153 = arith.index_cast %get3A_2152 : i32 to index
    %get3A_2154 = arith.constant 176 : index
    %get3A_2155 = tpu.vector_load %arg10[%get3A_2153, %get3A_2154] {strides = array<i32>} : memref<32x256xf32, #tpu.memory_space<vmem>>, vector<16xf32>,
    %add3A_2156 = arith.addf %add3A_2151, %get3A_2155 : vector<16xf32>
    %swap3A_2157 = arith.constant 5 : i32
    %swap3A_2158 = arith.index_cast %swap3A_2157 : i32 to index
    %swap3A_2159 = arith.constant 176 : index
    %swap3A_2160 = tpu.vector_load %arg12[%swap3A_2158, %swap3A_2159] {strides = array<i32>} : memref<8x256xf32, #tpu.memory_space<vmem>>, vector<16xf32>,
    tpu.vector_store %arg12[%swap3A_2158, %swap3A_2159], %add3A_2156 {strides = array<i32>} : memref<8x256xf32, #tpu.memory_space<vmem>>, vector<16xf32>,
    %get3A_2161 = arith.constant 20 : i32
    %get3A_2162 = arith.index_cast %get3A_2161 : i32 to index
    %get3A_2163 = arith.constant 192 : index
    %get3A_2164 = tpu.vector_load %arg10[%get3A_2162, %get3A_2163] {strides = array<i32>} : memref<32x256xf32, #tpu.memory_space<vmem>>, vector<16xf32>,
    %get3A_2165 = arith.constant 21 : i32
    %get3A_2166 = arith.index_cast %get3A_2165 : i32 to index
    %get3A_2167 = arith.constant 192 : index
    %get3A_2168 = tpu.vector_load %arg10[%get3A_2166, %get3A_2167] {strides = array<i32>} : memref<32x256xf32, #tpu.memory_space<vmem>>, vector<16xf32>,
    %add3A_2169 = arith.addf %get3A_2164, %get3A_2168 : vector<16xf32>
    %get3A_2170 = arith.constant 22 : i32
    %get3A_2171 = arith.index_cast %get3A_2170 : i32 to index
    %get3A_2172 = arith.constant 192 : index
    %get3A_2173 = tpu.vector_load %arg10[%get3A_2171, %get3A_2172] {strides = array<i32>} : memref<32x256xf32, #tpu.memory_space<vmem>>, vector<16xf32>,
    %add3A_2174 = arith.addf %add3A_2169, %get3A_2173 : vector<16xf32>
    %get3A_2175 = arith.constant 23 : i32
    %get3A_2176 = arith.index_cast %get3A_2175 : i32 to index
    %get3A_2177 = arith.constant 192 : index
    %get3A_2178 = tpu.vector_load %arg10[%get3A_2176, %get3A_2177] {strides = array<i32>} : memref<32x256xf32, #tpu.memory_space<vmem>>, vector<16xf32>,
    %add3A_2179 = arith.addf %add3A_2174, %get3A_2178 : vector<16xf32>
    %swap3A_2180 = arith.constant 5 : i32
    %swap3A_2181 = arith.index_cast %swap3A_2180 : i32 to index
    %swap3A_2182 = arith.constant 192 : index
    %swap3A_2183 = tpu.vector_load %arg12[%swap3A_2181, %swap3A_2182] {strides = array<i32>} : memref<8x256xf32, #tpu.memory_space<vmem>>, vector<16xf32>,
    tpu.vector_store %arg12[%swap3A_2181, %swap3A_2182], %add3A_2179 {strides = array<i32>} : memref<8x256xf32, #tpu.memory_space<vmem>>, vector<16xf32>,
    %get3A_2184 = arith.constant 20 : i32
    %get3A_2185 = arith.index_cast %get3A_2184 : i32 to index
    %get3A_2186 = arith.constant 208 : index
    %get3A_2187 = tpu.vector_load %arg10[%get3A_2185, %get3A_2186] {strides = array<i32>} : memref<32x256xf32, #tpu.memory_space<vmem>>, vector<16xf32>,
    %get3A_2188 = arith.constant 21 : i32
    %get3A_2189 = arith.index_cast %get3A_2188 : i32 to index
    %get3A_2190 = arith.constant 208 : index
    %get3A_2191 = tpu.vector_load %arg10[%get3A_2189, %get3A_2190] {strides = array<i32>} : memref<32x256xf32, #tpu.memory_space<vmem>>, vector<16xf32>,
    %add3A_2192 = arith.addf %get3A_2187, %get3A_2191 : vector<16xf32>
    %get3A_2193 = arith.constant 22 : i32
    %get3A_2194 = arith.index_cast %get3A_2193 : i32 to index
    %get3A_2195 = arith.constant 208 : index
    %get3A_2196 = tpu.vector_load %arg10[%get3A_2194, %get3A_2195] {strides = array<i32>} : memref<32x256xf32, #tpu.memory_space<vmem>>, vector<16xf32>,
    %add3A_2197 = arith.addf %add3A_2192, %get3A_2196 : vector<16xf32>
    %get3A_2198 = arith.constant 23 : i32
    %get3A_2199 = arith.index_cast %get3A_2198 : i32 to index
    %get3A_2200 = arith.constant 208 : index
    %get3A_2201 = tpu.vector_load %arg10[%get3A_2199, %get3A_2200] {strides = array<i32>} : memref<32x256xf32, #tpu.memory_space<vmem>>, vector<16xf32>,
    %add3A_2202 = arith.addf %add3A_2197, %get3A_2201 : vector<16xf32>
    %swap3A_2203 = arith.constant 5 : i32
    %swap3A_2204 = arith.index_cast %swap3A_2203 : i32 to index
    %swap3A_2205 = arith.constant 208 : index
    %swap3A_2206 = tpu.vector_load %arg12[%swap3A_2204, %swap3A_2205] {strides = array<i32>} : memref<8x256xf32, #tpu.memory_space<vmem>>, vector<16xf32>,
    tpu.vector_store %arg12[%swap3A_2204, %swap3A_2205], %add3A_2202 {strides = array<i32>} : memref<8x256xf32, #tpu.memory_space<vmem>>, vector<16xf32>,
    %get3A_2207 = arith.constant 20 : i32
    %get3A_2208 = arith.index_cast %get3A_2207 : i32 to index
    %get3A_2209 = arith.constant 224 : index
    %get3A_2210 = tpu.vector_load %arg10[%get3A_2208, %get3A_2209] {strides = array<i32>} : memref<32x256xf32, #tpu.memory_space<vmem>>, vector<16xf32>,
    %get3A_2211 = arith.constant 21 : i32
    %get3A_2212 = arith.index_cast %get3A_2211 : i32 to index
    %get3A_2213 = arith.constant 224 : index
    %get3A_2214 = tpu.vector_load %arg10[%get3A_2212, %get3A_2213] {strides = array<i32>} : memref<32x256xf32, #tpu.memory_space<vmem>>, vector<16xf32>,
    %add3A_2215 = arith.addf %get3A_2210, %get3A_2214 : vector<16xf32>
    %get3A_2216 = arith.constant 22 : i32
    %get3A_2217 = arith.index_cast %get3A_2216 : i32 to index
    %get3A_2218 = arith.constant 224 : index
    %get3A_2219 = tpu.vector_load %arg10[%get3A_2217, %get3A_2218] {strides = array<i32>} : memref<32x256xf32, #tpu.memory_space<vmem>>, vector<16xf32>,
    %add3A_2220 = arith.addf %add3A_2215, %get3A_2219 : vector<16xf32>
    %get3A_2221 = arith.constant 23 : i32
    %get3A_2222 = arith.index_cast %get3A_2221 : i32 to index
    %get3A_2223 = arith.constant 224 : index
    %get3A_2224 = tpu.vector_load %arg10[%get3A_2222, %get3A_2223] {strides = array<i32>} : memref<32x256xf32, #tpu.memory_space<vmem>>, vector<16xf32>,
    %add3A_2225 = arith.addf %add3A_2220, %get3A_2224 : vector<16xf32>
    %swap3A_2226 = arith.constant 5 : i32
    %swap3A_2227 = arith.index_cast %swap3A_2226 : i32 to index
    %swap3A_2228 = arith.constant 224 : index
    %swap3A_2229 = tpu.vector_load %arg12[%swap3A_2227, %swap3A_2228] {strides = array<i32>} : memref<8x256xf32, #tpu.memory_space<vmem>>, vector<16xf32>,
    tpu.vector_store %arg12[%swap3A_2227, %swap3A_2228], %add3A_2225 {strides = array<i32>} : memref<8x256xf32, #tpu.memory_space<vmem>>, vector<16xf32>,
    %get3A_2230 = arith.constant 20 : i32
    %get3A_2231 = arith.index_cast %get3A_2230 : i32 to index
    %get3A_2232 = arith.constant 240 : index
    %get3A_2233 = tpu.vector_load %arg10[%get3A_2231, %get3A_2232] {strides = array<i32>} : memref<32x256xf32, #tpu.memory_space<vmem>>, vector<16xf32>,
    %get3A_2234 = arith.constant 21 : i32
    %get3A_2235 = arith.index_cast %get3A_2234 : i32 to index
    %get3A_2236 = arith.constant 240 : index
    %get3A_2237 = tpu.vector_load %arg10[%get3A_2235, %get3A_2236] {strides = array<i32>} : memref<32x256xf32, #tpu.memory_space<vmem>>, vector<16xf32>,
    %add3A_2238 = arith.addf %get3A_2233, %get3A_2237 : vector<16xf32>
    %get3A_2239 = arith.constant 22 : i32
    %get3A_2240 = arith.index_cast %get3A_2239 : i32 to index
    %get3A_2241 = arith.constant 240 : index
    %get3A_2242 = tpu.vector_load %arg10[%get3A_2240, %get3A_2241] {strides = array<i32>} : memref<32x256xf32, #tpu.memory_space<vmem>>, vector<16xf32>,
    %add3A_2243 = arith.addf %add3A_2238, %get3A_2242 : vector<16xf32>
    %get3A_2244 = arith.constant 23 : i32
    %get3A_2245 = arith.index_cast %get3A_2244 : i32 to index
    %get3A_2246 = arith.constant 240 : index
    %get3A_2247 = tpu.vector_load %arg10[%get3A_2245, %get3A_2246] {strides = array<i32>} : memref<32x256xf32, #tpu.memory_space<vmem>>, vector<16xf32>,
    %add3A_2248 = arith.addf %add3A_2243, %get3A_2247 : vector<16xf32>
    %swap3A_2249 = arith.constant 5 : i32
    %swap3A_2250 = arith.index_cast %swap3A_2249 : i32 to index
    %swap3A_2251 = arith.constant 240 : index
    %swap3A_2252 = tpu.vector_load %arg12[%swap3A_2250, %swap3A_2251] {strides = array<i32>} : memref<8x256xf32, #tpu.memory_space<vmem>>, vector<16xf32>,
    tpu.vector_store %arg12[%swap3A_2250, %swap3A_2251], %add3A_2248 {strides = array<i32>} : memref<8x256xf32, #tpu.memory_space<vmem>>, vector<16xf32>,
    %get3A_2253 = arith.constant 24 : i32
    %get3A_2254 = arith.index_cast %get3A_2253 : i32 to index
    %get3A_2255 = arith.constant 0 : index
    %get3A_2256 = tpu.vector_load %arg10[%get3A_2254, %get3A_2255] {strides = array<i32>} : memref<32x256xf32, #tpu.memory_space<vmem>>, vector<16xf32>,
    %get3A_2257 = arith.constant 25 : i32
    %get3A_2258 = arith.index_cast %get3A_2257 : i32 to index
    %get3A_2259 = arith.constant 0 : index
    %get3A_2260 = tpu.vector_load %arg10[%get3A_2258, %get3A_2259] {strides = array<i32>} : memref<32x256xf32, #tpu.memory_space<vmem>>, vector<16xf32>,
    %add3A_2261 = arith.addf %get3A_2256, %get3A_2260 : vector<16xf32>
    %get3A_2262 = arith.constant 26 : i32
    %get3A_2263 = arith.index_cast %get3A_2262 : i32 to index
    %get3A_2264 = arith.constant 0 : index
    %get3A_2265 = tpu.vector_load %arg10[%get3A_2263, %get3A_2264] {strides = array<i32>} : memref<32x256xf32, #tpu.memory_space<vmem>>, vector<16xf32>,
    %add3A_2266 = arith.addf %add3A_2261, %get3A_2265 : vector<16xf32>
    %get3A_2267 = arith.constant 27 : i32
    %get3A_2268 = arith.index_cast %get3A_2267 : i32 to index
    %get3A_2269 = arith.constant 0 : index
    %get3A_2270 = tpu.vector_load %arg10[%get3A_2268, %get3A_2269] {strides = array<i32>} : memref<32x256xf32, #tpu.memory_space<vmem>>, vector<16xf32>,
    %add3A_2271 = arith.addf %add3A_2266, %get3A_2270 : vector<16xf32>
    %swap3A_2272 = arith.constant 6 : i32
    %swap3A_2273 = arith.index_cast %swap3A_2272 : i32 to index
    %swap3A_2274 = arith.constant 0 : index
    %swap3A_2275 = tpu.vector_load %arg12[%swap3A_2273, %swap3A_2274] {strides = array<i32>} : memref<8x256xf32, #tpu.memory_space<vmem>>, vector<16xf32>,
    tpu.vector_store %arg12[%swap3A_2273, %swap3A_2274], %add3A_2271 {strides = array<i32>} : memref<8x256xf32, #tpu.memory_space<vmem>>, vector<16xf32>,
    %get3A_2276 = arith.constant 24 : i32
    %get3A_2277 = arith.index_cast %get3A_2276 : i32 to index
    %get3A_2278 = arith.constant 16 : index
    %get3A_2279 = tpu.vector_load %arg10[%get3A_2277, %get3A_2278] {strides = array<i32>} : memref<32x256xf32, #tpu.memory_space<vmem>>, vector<16xf32>,
    %get3A_2280 = arith.constant 25 : i32
    %get3A_2281 = arith.index_cast %get3A_2280 : i32 to index
    %get3A_2282 = arith.constant 16 : index
    %get3A_2283 = tpu.vector_load %arg10[%get3A_2281, %get3A_2282] {strides = array<i32>} : memref<32x256xf32, #tpu.memory_space<vmem>>, vector<16xf32>,
    %add3A_2284 = arith.addf %get3A_2279, %get3A_2283 : vector<16xf32>
    %get3A_2285 = arith.constant 26 : i32
    %get3A_2286 = arith.index_cast %get3A_2285 : i32 to index
    %get3A_2287 = arith.constant 16 : index
    %get3A_2288 = tpu.vector_load %arg10[%get3A_2286, %get3A_2287] {strides = array<i32>} : memref<32x256xf32, #tpu.memory_space<vmem>>, vector<16xf32>,
    %add3A_2289 = arith.addf %add3A_2284, %get3A_2288 : vector<16xf32>
    %get3A_2290 = arith.constant 27 : i32
    %get3A_2291 = arith.index_cast %get3A_2290 : i32 to index
    %get3A_2292 = arith.constant 16 : index
    %get3A_2293 = tpu.vector_load %arg10[%get3A_2291, %get3A_2292] {strides = array<i32>} : memref<32x256xf32, #tpu.memory_space<vmem>>, vector<16xf32>,
    %add3A_2294 = arith.addf %add3A_2289, %get3A_2293 : vector<16xf32>
    %swap3A_2295 = arith.constant 6 : i32
    %swap3A_2296 = arith.index_cast %swap3A_2295 : i32 to index
    %swap3A_2297 = arith.constant 16 : index
    %swap3A_2298 = tpu.vector_load %arg12[%swap3A_2296, %swap3A_2297] {strides = array<i32>} : memref<8x256xf32, #tpu.memory_space<vmem>>, vector<16xf32>,
    tpu.vector_store %arg12[%swap3A_2296, %swap3A_2297], %add3A_2294 {strides = array<i32>} : memref<8x256xf32, #tpu.memory_space<vmem>>, vector<16xf32>,
    %get3A_2299 = arith.constant 24 : i32
    %get3A_2300 = arith.index_cast %get3A_2299 : i32 to index
    %get3A_2301 = arith.constant 32 : index
    %get3A_2302 = tpu.vector_load %arg10[%get3A_2300, %get3A_2301] {strides = array<i32>} : memref<32x256xf32, #tpu.memory_space<vmem>>, vector<16xf32>,
    %get3A_2303 = arith.constant 25 : i32
    %get3A_2304 = arith.index_cast %get3A_2303 : i32 to index
    %get3A_2305 = arith.constant 32 : index
    %get3A_2306 = tpu.vector_load %arg10[%get3A_2304, %get3A_2305] {strides = array<i32>} : memref<32x256xf32, #tpu.memory_space<vmem>>, vector<16xf32>,
    %add3A_2307 = arith.addf %get3A_2302, %get3A_2306 : vector<16xf32>
    %get3A_2308 = arith.constant 26 : i32
    %get3A_2309 = arith.index_cast %get3A_2308 : i32 to index
    %get3A_2310 = arith.constant 32 : index
    %get3A_2311 = tpu.vector_load %arg10[%get3A_2309, %get3A_2310] {strides = array<i32>} : memref<32x256xf32, #tpu.memory_space<vmem>>, vector<16xf32>,
    %add3A_2312 = arith.addf %add3A_2307, %get3A_2311 : vector<16xf32>
    %get3A_2313 = arith.constant 27 : i32
    %get3A_2314 = arith.index_cast %get3A_2313 : i32 to index
    %get3A_2315 = arith.constant 32 : index
    %get3A_2316 = tpu.vector_load %arg10[%get3A_2314, %get3A_2315] {strides = array<i32>} : memref<32x256xf32, #tpu.memory_space<vmem>>, vector<16xf32>,
    %add3A_2317 = arith.addf %add3A_2312, %get3A_2316 : vector<16xf32>
    %swap3A_2318 = arith.constant 6 : i32
    %swap3A_2319 = arith.index_cast %swap3A_2318 : i32 to index
    %swap3A_2320 = arith.constant 32 : index
    %swap3A_2321 = tpu.vector_load %arg12[%swap3A_2319, %swap3A_2320] {strides = array<i32>} : memref<8x256xf32, #tpu.memory_space<vmem>>, vector<16xf32>,
    tpu.vector_store %arg12[%swap3A_2319, %swap3A_2320], %add3A_2317 {strides = array<i32>} : memref<8x256xf32, #tpu.memory_space<vmem>>, vector<16xf32>,
    %get3A_2322 = arith.constant 24 : i32
    %get3A_2323 = arith.index_cast %get3A_2322 : i32 to index
    %get3A_2324 = arith.constant 48 : index
    %get3A_2325 = tpu.vector_load %arg10[%get3A_2323, %get3A_2324] {strides = array<i32>} : memref<32x256xf32, #tpu.memory_space<vmem>>, vector<16xf32>,
    %get3A_2326 = arith.constant 25 : i32
    %get3A_2327 = arith.index_cast %get3A_2326 : i32 to index
    %get3A_2328 = arith.constant 48 : index
    %get3A_2329 = tpu.vector_load %arg10[%get3A_2327, %get3A_2328] {strides = array<i32>} : memref<32x256xf32, #tpu.memory_space<vmem>>, vector<16xf32>,
    %add3A_2330 = arith.addf %get3A_2325, %get3A_2329 : vector<16xf32>
    %get3A_2331 = arith.constant 26 : i32
    %get3A_2332 = arith.index_cast %get3A_2331 : i32 to index
    %get3A_2333 = arith.constant 48 : index
    %get3A_2334 = tpu.vector_load %arg10[%get3A_2332, %get3A_2333] {strides = array<i32>} : memref<32x256xf32, #tpu.memory_space<vmem>>, vector<16xf32>,
    %add3A_2335 = arith.addf %add3A_2330, %get3A_2334 : vector<16xf32>
    %get3A_2336 = arith.constant 27 : i32
    %get3A_2337 = arith.index_cast %get3A_2336 : i32 to index
    %get3A_2338 = arith.constant 48 : index
    %get3A_2339 = tpu.vector_load %arg10[%get3A_2337, %get3A_2338] {strides = array<i32>} : memref<32x256xf32, #tpu.memory_space<vmem>>, vector<16xf32>,
    %add3A_2340 = arith.addf %add3A_2335, %get3A_2339 : vector<16xf32>
    %swap3A_2341 = arith.constant 6 : i32
    %swap3A_2342 = arith.index_cast %swap3A_2341 : i32 to index
    %swap3A_2343 = arith.constant 48 : index
    %swap3A_2344 = tpu.vector_load %arg12[%swap3A_2342, %swap3A_2343] {strides = array<i32>} : memref<8x256xf32, #tpu.memory_space<vmem>>, vector<16xf32>,
    tpu.vector_store %arg12[%swap3A_2342, %swap3A_2343], %add3A_2340 {strides = array<i32>} : memref<8x256xf32, #tpu.memory_space<vmem>>, vector<16xf32>,
    %get3A_2345 = arith.constant 24 : i32
    %get3A_2346 = arith.index_cast %get3A_2345 : i32 to index
    %get3A_2347 = arith.constant 64 : index
    %get3A_2348 = tpu.vector_load %arg10[%get3A_2346, %get3A_2347] {strides = array<i32>} : memref<32x256xf32, #tpu.memory_space<vmem>>, vector<16xf32>,
    %get3A_2349 = arith.constant 25 : i32
    %get3A_2350 = arith.index_cast %get3A_2349 : i32 to index
    %get3A_2351 = arith.constant 64 : index
    %get3A_2352 = tpu.vector_load %arg10[%get3A_2350, %get3A_2351] {strides = array<i32>} : memref<32x256xf32, #tpu.memory_space<vmem>>, vector<16xf32>,
    %add3A_2353 = arith.addf %get3A_2348, %get3A_2352 : vector<16xf32>
    %get3A_2354 = arith.constant 26 : i32
    %get3A_2355 = arith.index_cast %get3A_2354 : i32 to index
    %get3A_2356 = arith.constant 64 : index
    %get3A_2357 = tpu.vector_load %arg10[%get3A_2355, %get3A_2356] {strides = array<i32>} : memref<32x256xf32, #tpu.memory_space<vmem>>, vector<16xf32>,
    %add3A_2358 = arith.addf %add3A_2353, %get3A_2357 : vector<16xf32>
    %get3A_2359 = arith.constant 27 : i32
    %get3A_2360 = arith.index_cast %get3A_2359 : i32 to index
    %get3A_2361 = arith.constant 64 : index
    %get3A_2362 = tpu.vector_load %arg10[%get3A_2360, %get3A_2361] {strides = array<i32>} : memref<32x256xf32, #tpu.memory_space<vmem>>, vector<16xf32>,
    %add3A_2363 = arith.addf %add3A_2358, %get3A_2362 : vector<16xf32>
    %swap3A_2364 = arith.constant 6 : i32
    %swap3A_2365 = arith.index_cast %swap3A_2364 : i32 to index
    %swap3A_2366 = arith.constant 64 : index
    %swap3A_2367 = tpu.vector_load %arg12[%swap3A_2365, %swap3A_2366] {strides = array<i32>} : memref<8x256xf32, #tpu.memory_space<vmem>>, vector<16xf32>,
    tpu.vector_store %arg12[%swap3A_2365, %swap3A_2366], %add3A_2363 {strides = array<i32>} : memref<8x256xf32, #tpu.memory_space<vmem>>, vector<16xf32>,
    %get3A_2368 = arith.constant 24 : i32
    %get3A_2369 = arith.index_cast %get3A_2368 : i32 to index
    %get3A_2370 = arith.constant 80 : index
    %get3A_2371 = tpu.vector_load %arg10[%get3A_2369, %get3A_2370] {strides = array<i32>} : memref<32x256xf32, #tpu.memory_space<vmem>>, vector<16xf32>,
    %get3A_2372 = arith.constant 25 : i32
    %get3A_2373 = arith.index_cast %get3A_2372 : i32 to index
    %get3A_2374 = arith.constant 80 : index
    %get3A_2375 = tpu.vector_load %arg10[%get3A_2373, %get3A_2374] {strides = array<i32>} : memref<32x256xf32, #tpu.memory_space<vmem>>, vector<16xf32>,
    %add3A_2376 = arith.addf %get3A_2371, %get3A_2375 : vector<16xf32>
    %get3A_2377 = arith.constant 26 : i32
    %get3A_2378 = arith.index_cast %get3A_2377 : i32 to index
    %get3A_2379 = arith.constant 80 : index
    %get3A_2380 = tpu.vector_load %arg10[%get3A_2378, %get3A_2379] {strides = array<i32>} : memref<32x256xf32, #tpu.memory_space<vmem>>, vector<16xf32>,
    %add3A_2381 = arith.addf %add3A_2376, %get3A_2380 : vector<16xf32>
    %get3A_2382 = arith.constant 27 : i32
    %get3A_2383 = arith.index_cast %get3A_2382 : i32 to index
    %get3A_2384 = arith.constant 80 : index
    %get3A_2385 = tpu.vector_load %arg10[%get3A_2383, %get3A_2384] {strides = array<i32>} : memref<32x256xf32, #tpu.memory_space<vmem>>, vector<16xf32>,
    %add3A_2386 = arith.addf %add3A_2381, %get3A_2385 : vector<16xf32>
    %swap3A_2387 = arith.constant 6 : i32
    %swap3A_2388 = arith.index_cast %swap3A_2387 : i32 to index
    %swap3A_2389 = arith.constant 80 : index
    %swap3A_2390 = tpu.vector_load %arg12[%swap3A_2388, %swap3A_2389] {strides = array<i32>} : memref<8x256xf32, #tpu.memory_space<vmem>>, vector<16xf32>,
    tpu.vector_store %arg12[%swap3A_2388, %swap3A_2389], %add3A_2386 {strides = array<i32>} : memref<8x256xf32, #tpu.memory_space<vmem>>, vector<16xf32>,
    %get3A_2391 = arith.constant 24 : i32
    %get3A_2392 = arith.index_cast %get3A_2391 : i32 to index
    %get3A_2393 = arith.constant 96 : index
    %get3A_2394 = tpu.vector_load %arg10[%get3A_2392, %get3A_2393] {strides = array<i32>} : memref<32x256xf32, #tpu.memory_space<vmem>>, vector<16xf32>,
    %get3A_2395 = arith.constant 25 : i32
    %get3A_2396 = arith.index_cast %get3A_2395 : i32 to index
    %get3A_2397 = arith.constant 96 : index
    %get3A_2398 = tpu.vector_load %arg10[%get3A_2396, %get3A_2397] {strides = array<i32>} : memref<32x256xf32, #tpu.memory_space<vmem>>, vector<16xf32>,
    %add3A_2399 = arith.addf %get3A_2394, %get3A_2398 : vector<16xf32>
    %get3A_2400 = arith.constant 26 : i32
    %get3A_2401 = arith.index_cast %get3A_2400 : i32 to index
    %get3A_2402 = arith.constant 96 : index
    %get3A_2403 = tpu.vector_load %arg10[%get3A_2401, %get3A_2402] {strides = array<i32>} : memref<32x256xf32, #tpu.memory_space<vmem>>, vector<16xf32>,
    %add3A_2404 = arith.addf %add3A_2399, %get3A_2403 : vector<16xf32>
    %get3A_2405 = arith.constant 27 : i32
    %get3A_2406 = arith.index_cast %get3A_2405 : i32 to index
    %get3A_2407 = arith.constant 96 : index
    %get3A_2408 = tpu.vector_load %arg10[%get3A_2406, %get3A_2407] {strides = array<i32>} : memref<32x256xf32, #tpu.memory_space<vmem>>, vector<16xf32>,
    %add3A_2409 = arith.addf %add3A_2404, %get3A_2408 : vector<16xf32>
    %swap3A_2410 = arith.constant 6 : i32
    %swap3A_2411 = arith.index_cast %swap3A_2410 : i32 to index
    %swap3A_2412 = arith.constant 96 : index
    %swap3A_2413 = tpu.vector_load %arg12[%swap3A_2411, %swap3A_2412] {strides = array<i32>} : memref<8x256xf32, #tpu.memory_space<vmem>>, vector<16xf32>,
    tpu.vector_store %arg12[%swap3A_2411, %swap3A_2412], %add3A_2409 {strides = array<i32>} : memref<8x256xf32, #tpu.memory_space<vmem>>, vector<16xf32>,
    %get3A_2414 = arith.constant 24 : i32
    %get3A_2415 = arith.index_cast %get3A_2414 : i32 to index
    %get3A_2416 = arith.constant 112 : index
    %get3A_2417 = tpu.vector_load %arg10[%get3A_2415, %get3A_2416] {strides = array<i32>} : memref<32x256xf32, #tpu.memory_space<vmem>>, vector<16xf32>,
    %get3A_2418 = arith.constant 25 : i32
    %get3A_2419 = arith.index_cast %get3A_2418 : i32 to index
    %get3A_2420 = arith.constant 112 : index
    %get3A_2421 = tpu.vector_load %arg10[%get3A_2419, %get3A_2420] {strides = array<i32>} : memref<32x256xf32, #tpu.memory_space<vmem>>, vector<16xf32>,
    %add3A_2422 = arith.addf %get3A_2417, %get3A_2421 : vector<16xf32>
    %get3A_2423 = arith.constant 26 : i32
    %get3A_2424 = arith.index_cast %get3A_2423 : i32 to index
    %get3A_2425 = arith.constant 112 : index
    %get3A_2426 = tpu.vector_load %arg10[%get3A_2424, %get3A_2425] {strides = array<i32>} : memref<32x256xf32, #tpu.memory_space<vmem>>, vector<16xf32>,
    %add3A_2427 = arith.addf %add3A_2422, %get3A_2426 : vector<16xf32>
    %get3A_2428 = arith.constant 27 : i32
    %get3A_2429 = arith.index_cast %get3A_2428 : i32 to index
    %get3A_2430 = arith.constant 112 : index
    %get3A_2431 = tpu.vector_load %arg10[%get3A_2429, %get3A_2430] {strides = array<i32>} : memref<32x256xf32, #tpu.memory_space<vmem>>, vector<16xf32>,
    %add3A_2432 = arith.addf %add3A_2427, %get3A_2431 : vector<16xf32>
    %swap3A_2433 = arith.constant 6 : i32
    %swap3A_2434 = arith.index_cast %swap3A_2433 : i32 to index
    %swap3A_2435 = arith.constant 112 : index
    %swap3A_2436 = tpu.vector_load %arg12[%swap3A_2434, %swap3A_2435] {strides = array<i32>} : memref<8x256xf32, #tpu.memory_space<vmem>>, vector<16xf32>,
    tpu.vector_store %arg12[%swap3A_2434, %swap3A_2435], %add3A_2432 {strides = array<i32>} : memref<8x256xf32, #tpu.memory_space<vmem>>, vector<16xf32>,
    %get3A_2437 = arith.constant 24 : i32
    %get3A_2438 = arith.index_cast %get3A_2437 : i32 to index
    %get3A_2439 = arith.constant 128 : index
    %get3A_2440 = tpu.vector_load %arg10[%get3A_2438, %get3A_2439] {strides = array<i32>} : memref<32x256xf32, #tpu.memory_space<vmem>>, vector<16xf32>,
    %get3A_2441 = arith.constant 25 : i32
    %get3A_2442 = arith.index_cast %get3A_2441 : i32 to index
    %get3A_2443 = arith.constant 128 : index
    %get3A_2444 = tpu.vector_load %arg10[%get3A_2442, %get3A_2443] {strides = array<i32>} : memref<32x256xf32, #tpu.memory_space<vmem>>, vector<16xf32>,
    %add3A_2445 = arith.addf %get3A_2440, %get3A_2444 : vector<16xf32>
    %get3A_2446 = arith.constant 26 : i32
    %get3A_2447 = arith.index_cast %get3A_2446 : i32 to index
    %get3A_2448 = arith.constant 128 : index
    %get3A_2449 = tpu.vector_load %arg10[%get3A_2447, %get3A_2448] {strides = array<i32>} : memref<32x256xf32, #tpu.memory_space<vmem>>, vector<16xf32>,
    %add3A_2450 = arith.addf %add3A_2445, %get3A_2449 : vector<16xf32>
    %get3A_2451 = arith.constant 27 : i32
    %get3A_2452 = arith.index_cast %get3A_2451 : i32 to index
    %get3A_2453 = arith.constant 128 : index
    %get3A_2454 = tpu.vector_load %arg10[%get3A_2452, %get3A_2453] {strides = array<i32>} : memref<32x256xf32, #tpu.memory_space<vmem>>, vector<16xf32>,
    %add3A_2455 = arith.addf %add3A_2450, %get3A_2454 : vector<16xf32>
    %swap3A_2456 = arith.constant 6 : i32
    %swap3A_2457 = arith.index_cast %swap3A_2456 : i32 to index
    %swap3A_2458 = arith.constant 128 : index
    %swap3A_2459 = tpu.vector_load %arg12[%swap3A_2457, %swap3A_2458] {strides = array<i32>} : memref<8x256xf32, #tpu.memory_space<vmem>>, vector<16xf32>,
    tpu.vector_store %arg12[%swap3A_2457, %swap3A_2458], %add3A_2455 {strides = array<i32>} : memref<8x256xf32, #tpu.memory_space<vmem>>, vector<16xf32>,
    %get3A_2460 = arith.constant 24 : i32
    %get3A_2461 = arith.index_cast %get3A_2460 : i32 to index
    %get3A_2462 = arith.constant 144 : index
    %get3A_2463 = tpu.vector_load %arg10[%get3A_2461, %get3A_2462] {strides = array<i32>} : memref<32x256xf32, #tpu.memory_space<vmem>>, vector<16xf32>,
    %get3A_2464 = arith.constant 25 : i32
    %get3A_2465 = arith.index_cast %get3A_2464 : i32 to index
    %get3A_2466 = arith.constant 144 : index
    %get3A_2467 = tpu.vector_load %arg10[%get3A_2465, %get3A_2466] {strides = array<i32>} : memref<32x256xf32, #tpu.memory_space<vmem>>, vector<16xf32>,
    %add3A_2468 = arith.addf %get3A_2463, %get3A_2467 : vector<16xf32>
    %get3A_2469 = arith.constant 26 : i32
    %get3A_2470 = arith.index_cast %get3A_2469 : i32 to index
    %get3A_2471 = arith.constant 144 : index
    %get3A_2472 = tpu.vector_load %arg10[%get3A_2470, %get3A_2471] {strides = array<i32>} : memref<32x256xf32, #tpu.memory_space<vmem>>, vector<16xf32>,
    %add3A_2473 = arith.addf %add3A_2468, %get3A_2472 : vector<16xf32>
    %get3A_2474 = arith.constant 27 : i32
    %get3A_2475 = arith.index_cast %get3A_2474 : i32 to index
    %get3A_2476 = arith.constant 144 : index
    %get3A_2477 = tpu.vector_load %arg10[%get3A_2475, %get3A_2476] {strides = array<i32>} : memref<32x256xf32, #tpu.memory_space<vmem>>, vector<16xf32>,
    %add3A_2478 = arith.addf %add3A_2473, %get3A_2477 : vector<16xf32>
    %swap3A_2479 = arith.constant 6 : i32
    %swap3A_2480 = arith.index_cast %swap3A_2479 : i32 to index
    %swap3A_2481 = arith.constant 144 : index
    %swap3A_2482 = tpu.vector_load %arg12[%swap3A_2480, %swap3A_2481] {strides = array<i32>} : memref<8x256xf32, #tpu.memory_space<vmem>>, vector<16xf32>,
    tpu.vector_store %arg12[%swap3A_2480, %swap3A_2481], %add3A_2478 {strides = array<i32>} : memref<8x256xf32, #tpu.memory_space<vmem>>, vector<16xf32>,
    %get3A_2483 = arith.constant 24 : i32
    %get3A_2484 = arith.index_cast %get3A_2483 : i32 to index
    %get3A_2485 = arith.constant 160 : index
    %get3A_2486 = tpu.vector_load %arg10[%get3A_2484, %get3A_2485] {strides = array<i32>} : memref<32x256xf32, #tpu.memory_space<vmem>>, vector<16xf32>,
    %get3A_2487 = arith.constant 25 : i32
    %get3A_2488 = arith.index_cast %get3A_2487 : i32 to index
    %get3A_2489 = arith.constant 160 : index
    %get3A_2490 = tpu.vector_load %arg10[%get3A_2488, %get3A_2489] {strides = array<i32>} : memref<32x256xf32, #tpu.memory_space<vmem>>, vector<16xf32>,
    %add3A_2491 = arith.addf %get3A_2486, %get3A_2490 : vector<16xf32>
    %get3A_2492 = arith.constant 26 : i32
    %get3A_2493 = arith.index_cast %get3A_2492 : i32 to index
    %get3A_2494 = arith.constant 160 : index
    %get3A_2495 = tpu.vector_load %arg10[%get3A_2493, %get3A_2494] {strides = array<i32>} : memref<32x256xf32, #tpu.memory_space<vmem>>, vector<16xf32>,
    %add3A_2496 = arith.addf %add3A_2491, %get3A_2495 : vector<16xf32>
    %get3A_2497 = arith.constant 27 : i32
    %get3A_2498 = arith.index_cast %get3A_2497 : i32 to index
    %get3A_2499 = arith.constant 160 : index
    %get3A_2500 = tpu.vector_load %arg10[%get3A_2498, %get3A_2499] {strides = array<i32>} : memref<32x256xf32, #tpu.memory_space<vmem>>, vector<16xf32>,
    %add3A_2501 = arith.addf %add3A_2496, %get3A_2500 : vector<16xf32>
    %swap3A_2502 = arith.constant 6 : i32
    %swap3A_2503 = arith.index_cast %swap3A_2502 : i32 to index
    %swap3A_2504 = arith.constant 160 : index
    %swap3A_2505 = tpu.vector_load %arg12[%swap3A_2503, %swap3A_2504] {strides = array<i32>} : memref<8x256xf32, #tpu.memory_space<vmem>>, vector<16xf32>,
    tpu.vector_store %arg12[%swap3A_2503, %swap3A_2504], %add3A_2501 {strides = array<i32>} : memref<8x256xf32, #tpu.memory_space<vmem>>, vector<16xf32>,
    %get3A_2506 = arith.constant 24 : i32
    %get3A_2507 = arith.index_cast %get3A_2506 : i32 to index
    %get3A_2508 = arith.constant 176 : index
    %get3A_2509 = tpu.vector_load %arg10[%get3A_2507, %get3A_2508] {strides = array<i32>} : memref<32x256xf32, #tpu.memory_space<vmem>>, vector<16xf32>,
    %get3A_2510 = arith.constant 25 : i32
    %get3A_2511 = arith.index_cast %get3A_2510 : i32 to index
    %get3A_2512 = arith.constant 176 : index
    %get3A_2513 = tpu.vector_load %arg10[%get3A_2511, %get3A_2512] {strides = array<i32>} : memref<32x256xf32, #tpu.memory_space<vmem>>, vector<16xf32>,
    %add3A_2514 = arith.addf %get3A_2509, %get3A_2513 : vector<16xf32>
    %get3A_2515 = arith.constant 26 : i32
    %get3A_2516 = arith.index_cast %get3A_2515 : i32 to index
    %get3A_2517 = arith.constant 176 : index
    %get3A_2518 = tpu.vector_load %arg10[%get3A_2516, %get3A_2517] {strides = array<i32>} : memref<32x256xf32, #tpu.memory_space<vmem>>, vector<16xf32>,
    %add3A_2519 = arith.addf %add3A_2514, %get3A_2518 : vector<16xf32>
    %get3A_2520 = arith.constant 27 : i32
    %get3A_2521 = arith.index_cast %get3A_2520 : i32 to index
    %get3A_2522 = arith.constant 176 : index
    %get3A_2523 = tpu.vector_load %arg10[%get3A_2521, %get3A_2522] {strides = array<i32>} : memref<32x256xf32, #tpu.memory_space<vmem>>, vector<16xf32>,
    %add3A_2524 = arith.addf %add3A_2519, %get3A_2523 : vector<16xf32>
    %swap3A_2525 = arith.constant 6 : i32
    %swap3A_2526 = arith.index_cast %swap3A_2525 : i32 to index
    %swap3A_2527 = arith.constant 176 : index
    %swap3A_2528 = tpu.vector_load %arg12[%swap3A_2526, %swap3A_2527] {strides = array<i32>} : memref<8x256xf32, #tpu.memory_space<vmem>>, vector<16xf32>,
    tpu.vector_store %arg12[%swap3A_2526, %swap3A_2527], %add3A_2524 {strides = array<i32>} : memref<8x256xf32, #tpu.memory_space<vmem>>, vector<16xf32>,
    %get3A_2529 = arith.constant 24 : i32
    %get3A_2530 = arith.index_cast %get3A_2529 : i32 to index
    %get3A_2531 = arith.constant 192 : index
    %get3A_2532 = tpu.vector_load %arg10[%get3A_2530, %get3A_2531] {strides = array<i32>} : memref<32x256xf32, #tpu.memory_space<vmem>>, vector<16xf32>,
    %get3A_2533 = arith.constant 25 : i32
    %get3A_2534 = arith.index_cast %get3A_2533 : i32 to index
    %get3A_2535 = arith.constant 192 : index
    %get3A_2536 = tpu.vector_load %arg10[%get3A_2534, %get3A_2535] {strides = array<i32>} : memref<32x256xf32, #tpu.memory_space<vmem>>, vector<16xf32>,
    %add3A_2537 = arith.addf %get3A_2532, %get3A_2536 : vector<16xf32>
    %get3A_2538 = arith.constant 26 : i32
    %get3A_2539 = arith.index_cast %get3A_2538 : i32 to index
    %get3A_2540 = arith.constant 192 : index
    %get3A_2541 = tpu.vector_load %arg10[%get3A_2539, %get3A_2540] {strides = array<i32>} : memref<32x256xf32, #tpu.memory_space<vmem>>, vector<16xf32>,
    %add3A_2542 = arith.addf %add3A_2537, %get3A_2541 : vector<16xf32>
    %get3A_2543 = arith.constant 27 : i32
    %get3A_2544 = arith.index_cast %get3A_2543 : i32 to index
    %get3A_2545 = arith.constant 192 : index
    %get3A_2546 = tpu.vector_load %arg10[%get3A_2544, %get3A_2545] {strides = array<i32>} : memref<32x256xf32, #tpu.memory_space<vmem>>, vector<16xf32>,
    %add3A_2547 = arith.addf %add3A_2542, %get3A_2546 : vector<16xf32>
    %swap3A_2548 = arith.constant 6 : i32
    %swap3A_2549 = arith.index_cast %swap3A_2548 : i32 to index
    %swap3A_2550 = arith.constant 192 : index
    %swap3A_2551 = tpu.vector_load %arg12[%swap3A_2549, %swap3A_2550] {strides = array<i32>} : memref<8x256xf32, #tpu.memory_space<vmem>>, vector<16xf32>,
    tpu.vector_store %arg12[%swap3A_2549, %swap3A_2550], %add3A_2547 {strides = array<i32>} : memref<8x256xf32, #tpu.memory_space<vmem>>, vector<16xf32>,
    %get3A_2552 = arith.constant 24 : i32
    %get3A_2553 = arith.index_cast %get3A_2552 : i32 to index
    %get3A_2554 = arith.constant 208 : index
    %get3A_2555 = tpu.vector_load %arg10[%get3A_2553, %get3A_2554] {strides = array<i32>} : memref<32x256xf32, #tpu.memory_space<vmem>>, vector<16xf32>,
    %get3A_2556 = arith.constant 25 : i32
    %get3A_2557 = arith.index_cast %get3A_2556 : i32 to index
    %get3A_2558 = arith.constant 208 : index
    %get3A_2559 = tpu.vector_load %arg10[%get3A_2557, %get3A_2558] {strides = array<i32>} : memref<32x256xf32, #tpu.memory_space<vmem>>, vector<16xf32>,
    %add3A_2560 = arith.addf %get3A_2555, %get3A_2559 : vector<16xf32>
    %get3A_2561 = arith.constant 26 : i32
    %get3A_2562 = arith.index_cast %get3A_2561 : i32 to index
    %get3A_2563 = arith.constant 208 : index
    %get3A_2564 = tpu.vector_load %arg10[%get3A_2562, %get3A_2563] {strides = array<i32>} : memref<32x256xf32, #tpu.memory_space<vmem>>, vector<16xf32>,
    %add3A_2565 = arith.addf %add3A_2560, %get3A_2564 : vector<16xf32>
    %get3A_2566 = arith.constant 27 : i32
    %get3A_2567 = arith.index_cast %get3A_2566 : i32 to index
    %get3A_2568 = arith.constant 208 : index
    %get3A_2569 = tpu.vector_load %arg10[%get3A_2567, %get3A_2568] {strides = array<i32>} : memref<32x256xf32, #tpu.memory_space<vmem>>, vector<16xf32>,
    %add3A_2570 = arith.addf %add3A_2565, %get3A_2569 : vector<16xf32>
    %swap3A_2571 = arith.constant 6 : i32
    %swap3A_2572 = arith.index_cast %swap3A_2571 : i32 to index
    %swap3A_2573 = arith.constant 208 : index
    %swap3A_2574 = tpu.vector_load %arg12[%swap3A_2572, %swap3A_2573] {strides = array<i32>} : memref<8x256xf32, #tpu.memory_space<vmem>>, vector<16xf32>,
    tpu.vector_store %arg12[%swap3A_2572, %swap3A_2573], %add3A_2570 {strides = array<i32>} : memref<8x256xf32, #tpu.memory_space<vmem>>, vector<16xf32>,
    %get3A_2575 = arith.constant 24 : i32
    %get3A_2576 = arith.index_cast %get3A_2575 : i32 to index
    %get3A_2577 = arith.constant 224 : index
    %get3A_2578 = tpu.vector_load %arg10[%get3A_2576, %get3A_2577] {strides = array<i32>} : memref<32x256xf32, #tpu.memory_space<vmem>>, vector<16xf32>,
    %get3A_2579 = arith.constant 25 : i32
    %get3A_2580 = arith.index_cast %get3A_2579 : i32 to index
    %get3A_2581 = arith.constant 224 : index
    %get3A_2582 = tpu.vector_load %arg10[%get3A_2580, %get3A_2581] {strides = array<i32>} : memref<32x256xf32, #tpu.memory_space<vmem>>, vector<16xf32>,
    %add3A_2583 = arith.addf %get3A_2578, %get3A_2582 : vector<16xf32>
    %get3A_2584 = arith.constant 26 : i32
    %get3A_2585 = arith.index_cast %get3A_2584 : i32 to index
    %get3A_2586 = arith.constant 224 : index
    %get3A_2587 = tpu.vector_load %arg10[%get3A_2585, %get3A_2586] {strides = array<i32>} : memref<32x256xf32, #tpu.memory_space<vmem>>, vector<16xf32>,
    %add3A_2588 = arith.addf %add3A_2583, %get3A_2587 : vector<16xf32>
    %get3A_2589 = arith.constant 27 : i32
    %get3A_2590 = arith.index_cast %get3A_2589 : i32 to index
    %get3A_2591 = arith.constant 224 : index
    %get3A_2592 = tpu.vector_load %arg10[%get3A_2590, %get3A_2591] {strides = array<i32>} : memref<32x256xf32, #tpu.memory_space<vmem>>, vector<16xf32>,
    %add3A_2593 = arith.addf %add3A_2588, %get3A_2592 : vector<16xf32>
    %swap3A_2594 = arith.constant 6 : i32
    %swap3A_2595 = arith.index_cast %swap3A_2594 : i32 to index
    %swap3A_2596 = arith.constant 224 : index
    %swap3A_2597 = tpu.vector_load %arg12[%swap3A_2595, %swap3A_2596] {strides = array<i32>} : memref<8x256xf32, #tpu.memory_space<vmem>>, vector<16xf32>,
    tpu.vector_store %arg12[%swap3A_2595, %swap3A_2596], %add3A_2593 {strides = array<i32>} : memref<8x256xf32, #tpu.memory_space<vmem>>, vector<16xf32>,
    %get3A_2598 = arith.constant 24 : i32
    %get3A_2599 = arith.index_cast %get3A_2598 : i32 to index
    %get3A_2600 = arith.constant 240 : index
    %get3A_2601 = tpu.vector_load %arg10[%get3A_2599, %get3A_2600] {strides = array<i32>} : memref<32x256xf32, #tpu.memory_space<vmem>>, vector<16xf32>,
    %get3A_2602 = arith.constant 25 : i32
    %get3A_2603 = arith.index_cast %get3A_2602 : i32 to index
    %get3A_2604 = arith.constant 240 : index
    %get3A_2605 = tpu.vector_load %arg10[%get3A_2603, %get3A_2604] {strides = array<i32>} : memref<32x256xf32, #tpu.memory_space<vmem>>, vector<16xf32>,
    %add3A_2606 = arith.addf %get3A_2601, %get3A_2605 : vector<16xf32>
    %get3A_2607 = arith.constant 26 : i32
    %get3A_2608 = arith.index_cast %get3A_2607 : i32 to index
    %get3A_2609 = arith.constant 240 : index
    %get3A_2610 = tpu.vector_load %arg10[%get3A_2608, %get3A_2609] {strides = array<i32>} : memref<32x256xf32, #tpu.memory_space<vmem>>, vector<16xf32>,
    %add3A_2611 = arith.addf %add3A_2606, %get3A_2610 : vector<16xf32>
    %get3A_2612 = arith.constant 27 : i32
    %get3A_2613 = arith.index_cast %get3A_2612 : i32 to index
    %get3A_2614 = arith.constant 240 : index
    %get3A_2615 = tpu.vector_load %arg10[%get3A_2613, %get3A_2614] {strides = array<i32>} : memref<32x256xf32, #tpu.memory_space<vmem>>, vector<16xf32>,
    %add3A_2616 = arith.addf %add3A_2611, %get3A_2615 : vector<16xf32>
    %swap3A_2617 = arith.constant 6 : i32
    %swap3A_2618 = arith.index_cast %swap3A_2617 : i32 to index
    %swap3A_2619 = arith.constant 240 : index
    %swap3A_2620 = tpu.vector_load %arg12[%swap3A_2618, %swap3A_2619] {strides = array<i32>} : memref<8x256xf32, #tpu.memory_space<vmem>>, vector<16xf32>,
    tpu.vector_store %arg12[%swap3A_2618, %swap3A_2619], %add3A_2616 {strides = array<i32>} : memref<8x256xf32, #tpu.memory_space<vmem>>, vector<16xf32>,
    %get3A_2621 = arith.constant 28 : i32
    %get3A_2622 = arith.index_cast %get3A_2621 : i32 to index
    %get3A_2623 = arith.constant 0 : index
    %get3A_2624 = tpu.vector_load %arg10[%get3A_2622, %get3A_2623] {strides = array<i32>} : memref<32x256xf32, #tpu.memory_space<vmem>>, vector<16xf32>,
    %get3A_2625 = arith.constant 29 : i32
    %get3A_2626 = arith.index_cast %get3A_2625 : i32 to index
    %get3A_2627 = arith.constant 0 : index
    %get3A_2628 = tpu.vector_load %arg10[%get3A_2626, %get3A_2627] {strides = array<i32>} : memref<32x256xf32, #tpu.memory_space<vmem>>, vector<16xf32>,
    %add3A_2629 = arith.addf %get3A_2624, %get3A_2628 : vector<16xf32>
    %get3A_2630 = arith.constant 30 : i32
    %get3A_2631 = arith.index_cast %get3A_2630 : i32 to index
    %get3A_2632 = arith.constant 0 : index
    %get3A_2633 = tpu.vector_load %arg10[%get3A_2631, %get3A_2632] {strides = array<i32>} : memref<32x256xf32, #tpu.memory_space<vmem>>, vector<16xf32>,
    %add3A_2634 = arith.addf %add3A_2629, %get3A_2633 : vector<16xf32>
    %get3A_2635 = arith.constant 31 : i32
    %get3A_2636 = arith.index_cast %get3A_2635 : i32 to index
    %get3A_2637 = arith.constant 0 : index
    %get3A_2638 = tpu.vector_load %arg10[%get3A_2636, %get3A_2637] {strides = array<i32>} : memref<32x256xf32, #tpu.memory_space<vmem>>, vector<16xf32>,
    %add3A_2639 = arith.addf %add3A_2634, %get3A_2638 : vector<16xf32>
    %swap3A_2640 = arith.constant 7 : i32
    %swap3A_2641 = arith.index_cast %swap3A_2640 : i32 to index
    %swap3A_2642 = arith.constant 0 : index
    %swap3A_2643 = tpu.vector_load %arg12[%swap3A_2641, %swap3A_2642] {strides = array<i32>} : memref<8x256xf32, #tpu.memory_space<vmem>>, vector<16xf32>,
    tpu.vector_store %arg12[%swap3A_2641, %swap3A_2642], %add3A_2639 {strides = array<i32>} : memref<8x256xf32, #tpu.memory_space<vmem>>, vector<16xf32>,
    %get3A_2644 = arith.constant 28 : i32
    %get3A_2645 = arith.index_cast %get3A_2644 : i32 to index
    %get3A_2646 = arith.constant 16 : index
    %get3A_2647 = tpu.vector_load %arg10[%get3A_2645, %get3A_2646] {strides = array<i32>} : memref<32x256xf32, #tpu.memory_space<vmem>>, vector<16xf32>,
    %get3A_2648 = arith.constant 29 : i32
    %get3A_2649 = arith.index_cast %get3A_2648 : i32 to index
    %get3A_2650 = arith.constant 16 : index
    %get3A_2651 = tpu.vector_load %arg10[%get3A_2649, %get3A_2650] {strides = array<i32>} : memref<32x256xf32, #tpu.memory_space<vmem>>, vector<16xf32>,
    %add3A_2652 = arith.addf %get3A_2647, %get3A_2651 : vector<16xf32>
    %get3A_2653 = arith.constant 30 : i32
    %get3A_2654 = arith.index_cast %get3A_2653 : i32 to index
    %get3A_2655 = arith.constant 16 : index
    %get3A_2656 = tpu.vector_load %arg10[%get3A_2654, %get3A_2655] {strides = array<i32>} : memref<32x256xf32, #tpu.memory_space<vmem>>, vector<16xf32>,
    %add3A_2657 = arith.addf %add3A_2652, %get3A_2656 : vector<16xf32>
    %get3A_2658 = arith.constant 31 : i32
    %get3A_2659 = arith.index_cast %get3A_2658 : i32 to index
    %get3A_2660 = arith.constant 16 : index
    %get3A_2661 = tpu.vector_load %arg10[%get3A_2659, %get3A_2660] {strides = array<i32>} : memref<32x256xf32, #tpu.memory_space<vmem>>, vector<16xf32>,
    %add3A_2662 = arith.addf %add3A_2657, %get3A_2661 : vector<16xf32>
    %swap3A_2663 = arith.constant 7 : i32
    %swap3A_2664 = arith.index_cast %swap3A_2663 : i32 to index
    %swap3A_2665 = arith.constant 16 : index
    %swap3A_2666 = tpu.vector_load %arg12[%swap3A_2664, %swap3A_2665] {strides = array<i32>} : memref<8x256xf32, #tpu.memory_space<vmem>>, vector<16xf32>,
    tpu.vector_store %arg12[%swap3A_2664, %swap3A_2665], %add3A_2662 {strides = array<i32>} : memref<8x256xf32, #tpu.memory_space<vmem>>, vector<16xf32>,
    %get3A_2667 = arith.constant 28 : i32
    %get3A_2668 = arith.index_cast %get3A_2667 : i32 to index
    %get3A_2669 = arith.constant 32 : index
    %get3A_2670 = tpu.vector_load %arg10[%get3A_2668, %get3A_2669] {strides = array<i32>} : memref<32x256xf32, #tpu.memory_space<vmem>>, vector<16xf32>,
    %get3A_2671 = arith.constant 29 : i32
    %get3A_2672 = arith.index_cast %get3A_2671 : i32 to index
    %get3A_2673 = arith.constant 32 : index
    %get3A_2674 = tpu.vector_load %arg10[%get3A_2672, %get3A_2673] {strides = array<i32>} : memref<32x256xf32, #tpu.memory_space<vmem>>, vector<16xf32>,
    %add3A_2675 = arith.addf %get3A_2670, %get3A_2674 : vector<16xf32>
    %get3A_2676 = arith.constant 30 : i32
    %get3A_2677 = arith.index_cast %get3A_2676 : i32 to index
    %get3A_2678 = arith.constant 32 : index
    %get3A_2679 = tpu.vector_load %arg10[%get3A_2677, %get3A_2678] {strides = array<i32>} : memref<32x256xf32, #tpu.memory_space<vmem>>, vector<16xf32>,
    %add3A_2680 = arith.addf %add3A_2675, %get3A_2679 : vector<16xf32>
    %get3A_2681 = arith.constant 31 : i32
    %get3A_2682 = arith.index_cast %get3A_2681 : i32 to index
    %get3A_2683 = arith.constant 32 : index
    %get3A_2684 = tpu.vector_load %arg10[%get3A_2682, %get3A_2683] {strides = array<i32>} : memref<32x256xf32, #tpu.memory_space<vmem>>, vector<16xf32>,
    %add3A_2685 = arith.addf %add3A_2680, %get3A_2684 : vector<16xf32>
    %swap3A_2686 = arith.constant 7 : i32
    %swap3A_2687 = arith.index_cast %swap3A_2686 : i32 to index
    %swap3A_2688 = arith.constant 32 : index
    %swap3A_2689 = tpu.vector_load %arg12[%swap3A_2687, %swap3A_2688] {strides = array<i32>} : memref<8x256xf32, #tpu.memory_space<vmem>>, vector<16xf32>,
    tpu.vector_store %arg12[%swap3A_2687, %swap3A_2688], %add3A_2685 {strides = array<i32>} : memref<8x256xf32, #tpu.memory_space<vmem>>, vector<16xf32>,
    %get3A_2690 = arith.constant 28 : i32
    %get3A_2691 = arith.index_cast %get3A_2690 : i32 to index
    %get3A_2692 = arith.constant 48 : index
    %get3A_2693 = tpu.vector_load %arg10[%get3A_2691, %get3A_2692] {strides = array<i32>} : memref<32x256xf32, #tpu.memory_space<vmem>>, vector<16xf32>,
    %get3A_2694 = arith.constant 29 : i32
    %get3A_2695 = arith.index_cast %get3A_2694 : i32 to index
    %get3A_2696 = arith.constant 48 : index
    %get3A_2697 = tpu.vector_load %arg10[%get3A_2695, %get3A_2696] {strides = array<i32>} : memref<32x256xf32, #tpu.memory_space<vmem>>, vector<16xf32>,
    %add3A_2698 = arith.addf %get3A_2693, %get3A_2697 : vector<16xf32>
    %get3A_2699 = arith.constant 30 : i32
    %get3A_2700 = arith.index_cast %get3A_2699 : i32 to index
    %get3A_2701 = arith.constant 48 : index
    %get3A_2702 = tpu.vector_load %arg10[%get3A_2700, %get3A_2701] {strides = array<i32>} : memref<32x256xf32, #tpu.memory_space<vmem>>, vector<16xf32>,
    %add3A_2703 = arith.addf %add3A_2698, %get3A_2702 : vector<16xf32>
    %get3A_2704 = arith.constant 31 : i32
    %get3A_2705 = arith.index_cast %get3A_2704 : i32 to index
    %get3A_2706 = arith.constant 48 : index
    %get3A_2707 = tpu.vector_load %arg10[%get3A_2705, %get3A_2706] {strides = array<i32>} : memref<32x256xf32, #tpu.memory_space<vmem>>, vector<16xf32>,
    %add3A_2708 = arith.addf %add3A_2703, %get3A_2707 : vector<16xf32>
    %swap3A_2709 = arith.constant 7 : i32
    %swap3A_2710 = arith.index_cast %swap3A_2709 : i32 to index
    %swap3A_2711 = arith.constant 48 : index
    %swap3A_2712 = tpu.vector_load %arg12[%swap3A_2710, %swap3A_2711] {strides = array<i32>} : memref<8x256xf32, #tpu.memory_space<vmem>>, vector<16xf32>,
    tpu.vector_store %arg12[%swap3A_2710, %swap3A_2711], %add3A_2708 {strides = array<i32>} : memref<8x256xf32, #tpu.memory_space<vmem>>, vector<16xf32>,
    %get3A_2713 = arith.constant 28 : i32
    %get3A_2714 = arith.index_cast %get3A_2713 : i32 to index
    %get3A_2715 = arith.constant 64 : index
    %get3A_2716 = tpu.vector_load %arg10[%get3A_2714, %get3A_2715] {strides = array<i32>} : memref<32x256xf32, #tpu.memory_space<vmem>>, vector<16xf32>,
    %get3A_2717 = arith.constant 29 : i32
    %get3A_2718 = arith.index_cast %get3A_2717 : i32 to index
    %get3A_2719 = arith.constant 64 : index
    %get3A_2720 = tpu.vector_load %arg10[%get3A_2718, %get3A_2719] {strides = array<i32>} : memref<32x256xf32, #tpu.memory_space<vmem>>, vector<16xf32>,
    %add3A_2721 = arith.addf %get3A_2716, %get3A_2720 : vector<16xf32>
    %get3A_2722 = arith.constant 30 : i32
    %get3A_2723 = arith.index_cast %get3A_2722 : i32 to index
    %get3A_2724 = arith.constant 64 : index
    %get3A_2725 = tpu.vector_load %arg10[%get3A_2723, %get3A_2724] {strides = array<i32>} : memref<32x256xf32, #tpu.memory_space<vmem>>, vector<16xf32>,
    %add3A_2726 = arith.addf %add3A_2721, %get3A_2725 : vector<16xf32>
    %get3A_2727 = arith.constant 31 : i32
    %get3A_2728 = arith.index_cast %get3A_2727 : i32 to index
    %get3A_2729 = arith.constant 64 : index
    %get3A_2730 = tpu.vector_load %arg10[%get3A_2728, %get3A_2729] {strides = array<i32>} : memref<32x256xf32, #tpu.memory_space<vmem>>, vector<16xf32>,
    %add3A_2731 = arith.addf %add3A_2726, %get3A_2730 : vector<16xf32>
    %swap3A_2732 = arith.constant 7 : i32
    %swap3A_2733 = arith.index_cast %swap3A_2732 : i32 to index
    %swap3A_2734 = arith.constant 64 : index
    %swap3A_2735 = tpu.vector_load %arg12[%swap3A_2733, %swap3A_2734] {strides = array<i32>} : memref<8x256xf32, #tpu.memory_space<vmem>>, vector<16xf32>,
    tpu.vector_store %arg12[%swap3A_2733, %swap3A_2734], %add3A_2731 {strides = array<i32>} : memref<8x256xf32, #tpu.memory_space<vmem>>, vector<16xf32>,
    %get3A_2736 = arith.constant 28 : i32
    %get3A_2737 = arith.index_cast %get3A_2736 : i32 to index
    %get3A_2738 = arith.constant 80 : index
    %get3A_2739 = tpu.vector_load %arg10[%get3A_2737, %get3A_2738] {strides = array<i32>} : memref<32x256xf32, #tpu.memory_space<vmem>>, vector<16xf32>,
    %get3A_2740 = arith.constant 29 : i32
    %get3A_2741 = arith.index_cast %get3A_2740 : i32 to index
    %get3A_2742 = arith.constant 80 : index
    %get3A_2743 = tpu.vector_load %arg10[%get3A_2741, %get3A_2742] {strides = array<i32>} : memref<32x256xf32, #tpu.memory_space<vmem>>, vector<16xf32>,
    %add3A_2744 = arith.addf %get3A_2739, %get3A_2743 : vector<16xf32>
    %get3A_2745 = arith.constant 30 : i32
    %get3A_2746 = arith.index_cast %get3A_2745 : i32 to index
    %get3A_2747 = arith.constant 80 : index
    %get3A_2748 = tpu.vector_load %arg10[%get3A_2746, %get3A_2747] {strides = array<i32>} : memref<32x256xf32, #tpu.memory_space<vmem>>, vector<16xf32>,
    %add3A_2749 = arith.addf %add3A_2744, %get3A_2748 : vector<16xf32>
    %get3A_2750 = arith.constant 31 : i32
    %get3A_2751 = arith.index_cast %get3A_2750 : i32 to index
    %get3A_2752 = arith.constant 80 : index
    %get3A_2753 = tpu.vector_load %arg10[%get3A_2751, %get3A_2752] {strides = array<i32>} : memref<32x256xf32, #tpu.memory_space<vmem>>, vector<16xf32>,
    %add3A_2754 = arith.addf %add3A_2749, %get3A_2753 : vector<16xf32>
    %swap3A_2755 = arith.constant 7 : i32
    %swap3A_2756 = arith.index_cast %swap3A_2755 : i32 to index
    %swap3A_2757 = arith.constant 80 : index
    %swap3A_2758 = tpu.vector_load %arg12[%swap3A_2756, %swap3A_2757] {strides = array<i32>} : memref<8x256xf32, #tpu.memory_space<vmem>>, vector<16xf32>,
    tpu.vector_store %arg12[%swap3A_2756, %swap3A_2757], %add3A_2754 {strides = array<i32>} : memref<8x256xf32, #tpu.memory_space<vmem>>, vector<16xf32>,
    %get3A_2759 = arith.constant 28 : i32
    %get3A_2760 = arith.index_cast %get3A_2759 : i32 to index
    %get3A_2761 = arith.constant 96 : index
    %get3A_2762 = tpu.vector_load %arg10[%get3A_2760, %get3A_2761] {strides = array<i32>} : memref<32x256xf32, #tpu.memory_space<vmem>>, vector<16xf32>,
    %get3A_2763 = arith.constant 29 : i32
    %get3A_2764 = arith.index_cast %get3A_2763 : i32 to index
    %get3A_2765 = arith.constant 96 : index
    %get3A_2766 = tpu.vector_load %arg10[%get3A_2764, %get3A_2765] {strides = array<i32>} : memref<32x256xf32, #tpu.memory_space<vmem>>, vector<16xf32>,
    %add3A_2767 = arith.addf %get3A_2762, %get3A_2766 : vector<16xf32>
    %get3A_2768 = arith.constant 30 : i32
    %get3A_2769 = arith.index_cast %get3A_2768 : i32 to index
    %get3A_2770 = arith.constant 96 : index
    %get3A_2771 = tpu.vector_load %arg10[%get3A_2769, %get3A_2770] {strides = array<i32>} : memref<32x256xf32, #tpu.memory_space<vmem>>, vector<16xf32>,
    %add3A_2772 = arith.addf %add3A_2767, %get3A_2771 : vector<16xf32>
    %get3A_2773 = arith.constant 31 : i32
    %get3A_2774 = arith.index_cast %get3A_2773 : i32 to index
    %get3A_2775 = arith.constant 96 : index
    %get3A_2776 = tpu.vector_load %arg10[%get3A_2774, %get3A_2775] {strides = array<i32>} : memref<32x256xf32, #tpu.memory_space<vmem>>, vector<16xf32>,
    %add3A_2777 = arith.addf %add3A_2772, %get3A_2776 : vector<16xf32>
    %swap3A_2778 = arith.constant 7 : i32
    %swap3A_2779 = arith.index_cast %swap3A_2778 : i32 to index
    %swap3A_2780 = arith.constant 96 : index
    %swap3A_2781 = tpu.vector_load %arg12[%swap3A_2779, %swap3A_2780] {strides = array<i32>} : memref<8x256xf32, #tpu.memory_space<vmem>>, vector<16xf32>,
    tpu.vector_store %arg12[%swap3A_2779, %swap3A_2780], %add3A_2777 {strides = array<i32>} : memref<8x256xf32, #tpu.memory_space<vmem>>, vector<16xf32>,
    %get3A_2782 = arith.constant 28 : i32
    %get3A_2783 = arith.index_cast %get3A_2782 : i32 to index
    %get3A_2784 = arith.constant 112 : index
    %get3A_2785 = tpu.vector_load %arg10[%get3A_2783, %get3A_2784] {strides = array<i32>} : memref<32x256xf32, #tpu.memory_space<vmem>>, vector<16xf32>,
    %get3A_2786 = arith.constant 29 : i32
    %get3A_2787 = arith.index_cast %get3A_2786 : i32 to index
    %get3A_2788 = arith.constant 112 : index
    %get3A_2789 = tpu.vector_load %arg10[%get3A_2787, %get3A_2788] {strides = array<i32>} : memref<32x256xf32, #tpu.memory_space<vmem>>, vector<16xf32>,
    %add3A_2790 = arith.addf %get3A_2785, %get3A_2789 : vector<16xf32>
    %get3A_2791 = arith.constant 30 : i32
    %get3A_2792 = arith.index_cast %get3A_2791 : i32 to index
    %get3A_2793 = arith.constant 112 : index
    %get3A_2794 = tpu.vector_load %arg10[%get3A_2792, %get3A_2793] {strides = array<i32>} : memref<32x256xf32, #tpu.memory_space<vmem>>, vector<16xf32>,
    %add3A_2795 = arith.addf %add3A_2790, %get3A_2794 : vector<16xf32>
    %get3A_2796 = arith.constant 31 : i32
    %get3A_2797 = arith.index_cast %get3A_2796 : i32 to index
    %get3A_2798 = arith.constant 112 : index
    %get3A_2799 = tpu.vector_load %arg10[%get3A_2797, %get3A_2798] {strides = array<i32>} : memref<32x256xf32, #tpu.memory_space<vmem>>, vector<16xf32>,
    %add3A_2800 = arith.addf %add3A_2795, %get3A_2799 : vector<16xf32>
    %swap3A_2801 = arith.constant 7 : i32
    %swap3A_2802 = arith.index_cast %swap3A_2801 : i32 to index
    %swap3A_2803 = arith.constant 112 : index
    %swap3A_2804 = tpu.vector_load %arg12[%swap3A_2802, %swap3A_2803] {strides = array<i32>} : memref<8x256xf32, #tpu.memory_space<vmem>>, vector<16xf32>,
    tpu.vector_store %arg12[%swap3A_2802, %swap3A_2803], %add3A_2800 {strides = array<i32>} : memref<8x256xf32, #tpu.memory_space<vmem>>, vector<16xf32>,
    %get3A_2805 = arith.constant 28 : i32
    %get3A_2806 = arith.index_cast %get3A_2805 : i32 to index
    %get3A_2807 = arith.constant 128 : index
    %get3A_2808 = tpu.vector_load %arg10[%get3A_2806, %get3A_2807] {strides = array<i32>} : memref<32x256xf32, #tpu.memory_space<vmem>>, vector<16xf32>,
    %get3A_2809 = arith.constant 29 : i32
    %get3A_2810 = arith.index_cast %get3A_2809 : i32 to index
    %get3A_2811 = arith.constant 128 : index
    %get3A_2812 = tpu.vector_load %arg10[%get3A_2810, %get3A_2811] {strides = array<i32>} : memref<32x256xf32, #tpu.memory_space<vmem>>, vector<16xf32>,
    %add3A_2813 = arith.addf %get3A_2808, %get3A_2812 : vector<16xf32>
    %get3A_2814 = arith.constant 30 : i32
    %get3A_2815 = arith.index_cast %get3A_2814 : i32 to index
    %get3A_2816 = arith.constant 128 : index
    %get3A_2817 = tpu.vector_load %arg10[%get3A_2815, %get3A_2816] {strides = array<i32>} : memref<32x256xf32, #tpu.memory_space<vmem>>, vector<16xf32>,
    %add3A_2818 = arith.addf %add3A_2813, %get3A_2817 : vector<16xf32>
    %get3A_2819 = arith.constant 31 : i32
    %get3A_2820 = arith.index_cast %get3A_2819 : i32 to index
    %get3A_2821 = arith.constant 128 : index
    %get3A_2822 = tpu.vector_load %arg10[%get3A_2820, %get3A_2821] {strides = array<i32>} : memref<32x256xf32, #tpu.memory_space<vmem>>, vector<16xf32>,
    %add3A_2823 = arith.addf %add3A_2818, %get3A_2822 : vector<16xf32>
    %swap3A_2824 = arith.constant 7 : i32
    %swap3A_2825 = arith.index_cast %swap3A_2824 : i32 to index
    %swap3A_2826 = arith.constant 128 : index
    %swap3A_2827 = tpu.vector_load %arg12[%swap3A_2825, %swap3A_2826] {strides = array<i32>} : memref<8x256xf32, #tpu.memory_space<vmem>>, vector<16xf32>,
    tpu.vector_store %arg12[%swap3A_2825, %swap3A_2826], %add3A_2823 {strides = array<i32>} : memref<8x256xf32, #tpu.memory_space<vmem>>, vector<16xf32>,
    %get3A_2828 = arith.constant 28 : i32
    %get3A_2829 = arith.index_cast %get3A_2828 : i32 to index
    %get3A_2830 = arith.constant 144 : index
    %get3A_2831 = tpu.vector_load %arg10[%get3A_2829, %get3A_2830] {strides = array<i32>} : memref<32x256xf32, #tpu.memory_space<vmem>>, vector<16xf32>,
    %get3A_2832 = arith.constant 29 : i32
    %get3A_2833 = arith.index_cast %get3A_2832 : i32 to index
    %get3A_2834 = arith.constant 144 : index
    %get3A_2835 = tpu.vector_load %arg10[%get3A_2833, %get3A_2834] {strides = array<i32>} : memref<32x256xf32, #tpu.memory_space<vmem>>, vector<16xf32>,
    %add3A_2836 = arith.addf %get3A_2831, %get3A_2835 : vector<16xf32>
    %get3A_2837 = arith.constant 30 : i32
    %get3A_2838 = arith.index_cast %get3A_2837 : i32 to index
    %get3A_2839 = arith.constant 144 : index
    %get3A_2840 = tpu.vector_load %arg10[%get3A_2838, %get3A_2839] {strides = array<i32>} : memref<32x256xf32, #tpu.memory_space<vmem>>, vector<16xf32>,
    %add3A_2841 = arith.addf %add3A_2836, %get3A_2840 : vector<16xf32>
    %get3A_2842 = arith.constant 31 : i32
    %get3A_2843 = arith.index_cast %get3A_2842 : i32 to index
    %get3A_2844 = arith.constant 144 : index
    %get3A_2845 = tpu.vector_load %arg10[%get3A_2843, %get3A_2844] {strides = array<i32>} : memref<32x256xf32, #tpu.memory_space<vmem>>, vector<16xf32>,
    %add3A_2846 = arith.addf %add3A_2841, %get3A_2845 : vector<16xf32>
    %swap3A_2847 = arith.constant 7 : i32
    %swap3A_2848 = arith.index_cast %swap3A_2847 : i32 to index
    %swap3A_2849 = arith.constant 144 : index
    %swap3A_2850 = tpu.vector_load %arg12[%swap3A_2848, %swap3A_2849] {strides = array<i32>} : memref<8x256xf32, #tpu.memory_space<vmem>>, vector<16xf32>,
    tpu.vector_store %arg12[%swap3A_2848, %swap3A_2849], %add3A_2846 {strides = array<i32>} : memref<8x256xf32, #tpu.memory_space<vmem>>, vector<16xf32>,
    %get3A_2851 = arith.constant 28 : i32
    %get3A_2852 = arith.index_cast %get3A_2851 : i32 to index
    %get3A_2853 = arith.constant 160 : index
    %get3A_2854 = tpu.vector_load %arg10[%get3A_2852, %get3A_2853] {strides = array<i32>} : memref<32x256xf32, #tpu.memory_space<vmem>>, vector<16xf32>,
    %get3A_2855 = arith.constant 29 : i32
    %get3A_2856 = arith.index_cast %get3A_2855 : i32 to index
    %get3A_2857 = arith.constant 160 : index
    %get3A_2858 = tpu.vector_load %arg10[%get3A_2856, %get3A_2857] {strides = array<i32>} : memref<32x256xf32, #tpu.memory_space<vmem>>, vector<16xf32>,
    %add3A_2859 = arith.addf %get3A_2854, %get3A_2858 : vector<16xf32>
    %get3A_2860 = arith.constant 30 : i32
    %get3A_2861 = arith.index_cast %get3A_2860 : i32 to index
    %get3A_2862 = arith.constant 160 : index
    %get3A_2863 = tpu.vector_load %arg10[%get3A_2861, %get3A_2862] {strides = array<i32>} : memref<32x256xf32, #tpu.memory_space<vmem>>, vector<16xf32>,
    %add3A_2864 = arith.addf %add3A_2859, %get3A_2863 : vector<16xf32>
    %get3A_2865 = arith.constant 31 : i32
    %get3A_2866 = arith.index_cast %get3A_2865 : i32 to index
    %get3A_2867 = arith.constant 160 : index
    %get3A_2868 = tpu.vector_load %arg10[%get3A_2866, %get3A_2867] {strides = array<i32>} : memref<32x256xf32, #tpu.memory_space<vmem>>, vector<16xf32>,
    %add3A_2869 = arith.addf %add3A_2864, %get3A_2868 : vector<16xf32>
    %swap3A_2870 = arith.constant 7 : i32
    %swap3A_2871 = arith.index_cast %swap3A_2870 : i32 to index
    %swap3A_2872 = arith.constant 160 : index
    %swap3A_2873 = tpu.vector_load %arg12[%swap3A_2871, %swap3A_2872] {strides = array<i32>} : memref<8x256xf32, #tpu.memory_space<vmem>>, vector<16xf32>,
    tpu.vector_store %arg12[%swap3A_2871, %swap3A_2872], %add3A_2869 {strides = array<i32>} : memref<8x256xf32, #tpu.memory_space<vmem>>, vector<16xf32>,
    %get3A_2874 = arith.constant 28 : i32
    %get3A_2875 = arith.index_cast %get3A_2874 : i32 to index
    %get3A_2876 = arith.constant 176 : index
    %get3A_2877 = tpu.vector_load %arg10[%get3A_2875, %get3A_2876] {strides = array<i32>} : memref<32x256xf32, #tpu.memory_space<vmem>>, vector<16xf32>,
    %get3A_2878 = arith.constant 29 : i32
    %get3A_2879 = arith.index_cast %get3A_2878 : i32 to index
    %get3A_2880 = arith.constant 176 : index
    %get3A_2881 = tpu.vector_load %arg10[%get3A_2879, %get3A_2880] {strides = array<i32>} : memref<32x256xf32, #tpu.memory_space<vmem>>, vector<16xf32>,
    %add3A_2882 = arith.addf %get3A_2877, %get3A_2881 : vector<16xf32>
    %get3A_2883 = arith.constant 30 : i32
    %get3A_2884 = arith.index_cast %get3A_2883 : i32 to index
    %get3A_2885 = arith.constant 176 : index
    %get3A_2886 = tpu.vector_load %arg10[%get3A_2884, %get3A_2885] {strides = array<i32>} : memref<32x256xf32, #tpu.memory_space<vmem>>, vector<16xf32>,
    %add3A_2887 = arith.addf %add3A_2882, %get3A_2886 : vector<16xf32>
    %get3A_2888 = arith.constant 31 : i32
    %get3A_2889 = arith.index_cast %get3A_2888 : i32 to index
    %get3A_2890 = arith.constant 176 : index
    %get3A_2891 = tpu.vector_load %arg10[%get3A_2889, %get3A_2890] {strides = array<i32>} : memref<32x256xf32, #tpu.memory_space<vmem>>, vector<16xf32>,
    %add3A_2892 = arith.addf %add3A_2887, %get3A_2891 : vector<16xf32>
    %swap3A_2893 = arith.constant 7 : i32
    %swap3A_2894 = arith.index_cast %swap3A_2893 : i32 to index
    %swap3A_2895 = arith.constant 176 : index
    %swap3A_2896 = tpu.vector_load %arg12[%swap3A_2894, %swap3A_2895] {strides = array<i32>} : memref<8x256xf32, #tpu.memory_space<vmem>>, vector<16xf32>,
    tpu.vector_store %arg12[%swap3A_2894, %swap3A_2895], %add3A_2892 {strides = array<i32>} : memref<8x256xf32, #tpu.memory_space<vmem>>, vector<16xf32>,
    %get3A_2897 = arith.constant 28 : i32
    %get3A_2898 = arith.index_cast %get3A_2897 : i32 to index
    %get3A_2899 = arith.constant 192 : index
    %get3A_2900 = tpu.vector_load %arg10[%get3A_2898, %get3A_2899] {strides = array<i32>} : memref<32x256xf32, #tpu.memory_space<vmem>>, vector<16xf32>,
    %get3A_2901 = arith.constant 29 : i32
    %get3A_2902 = arith.index_cast %get3A_2901 : i32 to index
    %get3A_2903 = arith.constant 192 : index
    %get3A_2904 = tpu.vector_load %arg10[%get3A_2902, %get3A_2903] {strides = array<i32>} : memref<32x256xf32, #tpu.memory_space<vmem>>, vector<16xf32>,
    %add3A_2905 = arith.addf %get3A_2900, %get3A_2904 : vector<16xf32>
    %get3A_2906 = arith.constant 30 : i32
    %get3A_2907 = arith.index_cast %get3A_2906 : i32 to index
    %get3A_2908 = arith.constant 192 : index
    %get3A_2909 = tpu.vector_load %arg10[%get3A_2907, %get3A_2908] {strides = array<i32>} : memref<32x256xf32, #tpu.memory_space<vmem>>, vector<16xf32>,
    %add3A_2910 = arith.addf %add3A_2905, %get3A_2909 : vector<16xf32>
    %get3A_2911 = arith.constant 31 : i32
    %get3A_2912 = arith.index_cast %get3A_2911 : i32 to index
    %get3A_2913 = arith.constant 192 : index
    %get3A_2914 = tpu.vector_load %arg10[%get3A_2912, %get3A_2913] {strides = array<i32>} : memref<32x256xf32, #tpu.memory_space<vmem>>, vector<16xf32>,
    %add3A_2915 = arith.addf %add3A_2910, %get3A_2914 : vector<16xf32>
    %swap3A_2916 = arith.constant 7 : i32
    %swap3A_2917 = arith.index_cast %swap3A_2916 : i32 to index
    %swap3A_2918 = arith.constant 192 : index
    %swap3A_2919 = tpu.vector_load %arg12[%swap3A_2917, %swap3A_2918] {strides = array<i32>} : memref<8x256xf32, #tpu.memory_space<vmem>>, vector<16xf32>,
    tpu.vector_store %arg12[%swap3A_2917, %swap3A_2918], %add3A_2915 {strides = array<i32>} : memref<8x256xf32, #tpu.memory_space<vmem>>, vector<16xf32>,
    %get3A_2920 = arith.constant 28 : i32
    %get3A_2921 = arith.index_cast %get3A_2920 : i32 to index
    %get3A_2922 = arith.constant 208 : index
    %get3A_2923 = tpu.vector_load %arg10[%get3A_2921, %get3A_2922] {strides = array<i32>} : memref<32x256xf32, #tpu.memory_space<vmem>>, vector<16xf32>,
    %get3A_2924 = arith.constant 29 : i32
    %get3A_2925 = arith.index_cast %get3A_2924 : i32 to index
    %get3A_2926 = arith.constant 208 : index
    %get3A_2927 = tpu.vector_load %arg10[%get3A_2925, %get3A_2926] {strides = array<i32>} : memref<32x256xf32, #tpu.memory_space<vmem>>, vector<16xf32>,
    %add3A_2928 = arith.addf %get3A_2923, %get3A_2927 : vector<16xf32>
    %get3A_2929 = arith.constant 30 : i32
    %get3A_2930 = arith.index_cast %get3A_2929 : i32 to index
    %get3A_2931 = arith.constant 208 : index
    %get3A_2932 = tpu.vector_load %arg10[%get3A_2930, %get3A_2931] {strides = array<i32>} : memref<32x256xf32, #tpu.memory_space<vmem>>, vector<16xf32>,
    %add3A_2933 = arith.addf %add3A_2928, %get3A_2932 : vector<16xf32>
    %get3A_2934 = arith.constant 31 : i32
    %get3A_2935 = arith.index_cast %get3A_2934 : i32 to index
    %get3A_2936 = arith.constant 208 : index
    %get3A_2937 = tpu.vector_load %arg10[%get3A_2935, %get3A_2936] {strides = array<i32>} : memref<32x256xf32, #tpu.memory_space<vmem>>, vector<16xf32>,
    %add3A_2938 = arith.addf %add3A_2933, %get3A_2937 : vector<16xf32>
    %swap3A_2939 = arith.constant 7 : i32
    %swap3A_2940 = arith.index_cast %swap3A_2939 : i32 to index
    %swap3A_2941 = arith.constant 208 : index
    %swap3A_2942 = tpu.vector_load %arg12[%swap3A_2940, %swap3A_2941] {strides = array<i32>} : memref<8x256xf32, #tpu.memory_space<vmem>>, vector<16xf32>,
    tpu.vector_store %arg12[%swap3A_2940, %swap3A_2941], %add3A_2938 {strides = array<i32>} : memref<8x256xf32, #tpu.memory_space<vmem>>, vector<16xf32>,
    %get3A_2943 = arith.constant 28 : i32
    %get3A_2944 = arith.index_cast %get3A_2943 : i32 to index
    %get3A_2945 = arith.constant 224 : index
    %get3A_2946 = tpu.vector_load %arg10[%get3A_2944, %get3A_2945] {strides = array<i32>} : memref<32x256xf32, #tpu.memory_space<vmem>>, vector<16xf32>,
    %get3A_2947 = arith.constant 29 : i32
    %get3A_2948 = arith.index_cast %get3A_2947 : i32 to index
    %get3A_2949 = arith.constant 224 : index
    %get3A_2950 = tpu.vector_load %arg10[%get3A_2948, %get3A_2949] {strides = array<i32>} : memref<32x256xf32, #tpu.memory_space<vmem>>, vector<16xf32>,
    %add3A_2951 = arith.addf %get3A_2946, %get3A_2950 : vector<16xf32>
    %get3A_2952 = arith.constant 30 : i32
    %get3A_2953 = arith.index_cast %get3A_2952 : i32 to index
    %get3A_2954 = arith.constant 224 : index
    %get3A_2955 = tpu.vector_load %arg10[%get3A_2953, %get3A_2954] {strides = array<i32>} : memref<32x256xf32, #tpu.memory_space<vmem>>, vector<16xf32>,
    %add3A_2956 = arith.addf %add3A_2951, %get3A_2955 : vector<16xf32>
    %get3A_2957 = arith.constant 31 : i32
    %get3A_2958 = arith.index_cast %get3A_2957 : i32 to index
    %get3A_2959 = arith.constant 224 : index
    %get3A_2960 = tpu.vector_load %arg10[%get3A_2958, %get3A_2959] {strides = array<i32>} : memref<32x256xf32, #tpu.memory_space<vmem>>, vector<16xf32>,
    %add3A_2961 = arith.addf %add3A_2956, %get3A_2960 : vector<16xf32>
    %swap3A_2962 = arith.constant 7 : i32
    %swap3A_2963 = arith.index_cast %swap3A_2962 : i32 to index
    %swap3A_2964 = arith.constant 224 : index
    %swap3A_2965 = tpu.vector_load %arg12[%swap3A_2963, %swap3A_2964] {strides = array<i32>} : memref<8x256xf32, #tpu.memory_space<vmem>>, vector<16xf32>,
    tpu.vector_store %arg12[%swap3A_2963, %swap3A_2964], %add3A_2961 {strides = array<i32>} : memref<8x256xf32, #tpu.memory_space<vmem>>, vector<16xf32>,
    %get3A_2966 = arith.constant 28 : i32
    %get3A_2967 = arith.index_cast %get3A_2966 : i32 to index
    %get3A_2968 = arith.constant 240 : index
    %get3A_2969 = tpu.vector_load %arg10[%get3A_2967, %get3A_2968] {strides = array<i32>} : memref<32x256xf32, #tpu.memory_space<vmem>>, vector<16xf32>,
    %get3A_2970 = arith.constant 29 : i32
    %get3A_2971 = arith.index_cast %get3A_2970 : i32 to index
    %get3A_2972 = arith.constant 240 : index
    %get3A_2973 = tpu.vector_load %arg10[%get3A_2971, %get3A_2972] {strides = array<i32>} : memref<32x256xf32, #tpu.memory_space<vmem>>, vector<16xf32>,
    %add3A_2974 = arith.addf %get3A_2969, %get3A_2973 : vector<16xf32>
    %get3A_2975 = arith.constant 30 : i32
    %get3A_2976 = arith.index_cast %get3A_2975 : i32 to index
    %get3A_2977 = arith.constant 240 : index
    %get3A_2978 = tpu.vector_load %arg10[%get3A_2976, %get3A_2977] {strides = array<i32>} : memref<32x256xf32, #tpu.memory_space<vmem>>, vector<16xf32>,
    %add3A_2979 = arith.addf %add3A_2974, %get3A_2978 : vector<16xf32>
    %get3A_2980 = arith.constant 31 : i32
    %get3A_2981 = arith.index_cast %get3A_2980 : i32 to index
    %get3A_2982 = arith.constant 240 : index
    %get3A_2983 = tpu.vector_load %arg10[%get3A_2981, %get3A_2982] {strides = array<i32>} : memref<32x256xf32, #tpu.memory_space<vmem>>, vector<16xf32>,
    %add3A_2984 = arith.addf %add3A_2979, %get3A_2983 : vector<16xf32>
    %swap3A_2985 = arith.constant 7 : i32
    %swap3A_2986 = arith.index_cast %swap3A_2985 : i32 to index
    %swap3A_2987 = arith.constant 240 : index
    %swap3A_2988 = tpu.vector_load %arg12[%swap3A_2986, %swap3A_2987] {strides = array<i32>} : memref<8x256xf32, #tpu.memory_space<vmem>>, vector<16xf32>,
    tpu.vector_store %arg12[%swap3A_2986, %swap3A_2987], %add3A_2984 {strides = array<i32>} : memref<8x256xf32, #tpu.memory_space<vmem>>, vector<16xf32>,
    %mul3A_2989 = arith.constant 8 : i32
    %mul3A_2990 = arith.muli %add3A, %mul3A_2989 : i32
    "tpu.region"() ({
      %run_scoped3A = tpu.sem_alloc : memref<!tpu.dma_semaphore, #tpu.memory_space<semaphore_mem>>
      %dma_start3A_2993 = arith.constant 0 : i32
      %dma_start3A_2994 = tpu.memref_slice %arg6[%mul3A_2990, %dma_start3A_2993] : memref<256x256xf32, #tpu.memory_space<hbm>> -> memref<8x256xf32, #tpu.memory_space<hbm>>
      %dma_start3A_2995 = arith.constant 0 : i32
      %dma_start3A_2996 = tpu.memref_slice %arg6[%mul3A_2990, %dma_start3A_2995] : memref<256x256xf32, #tpu.memory_space<hbm>> -> memref<8x256xf32, #tpu.memory_space<hbm>>
      tpu.enqueue_dma source(%arg11 : memref<8x256xf32, #tpu.memory_space<vmem>>) target(%dma_start3A_2996 : memref<8x256xf32, #tpu.memory_space<hbm>>) target_semaphore(%run_scoped3A : memref<!tpu.dma_semaphore, #tpu.memory_space<semaphore_mem>>)
      %dma_wait3A_2997 = arith.constant 0 : i32
      %dma_wait3A_2998 = tpu.memref_slice %arg6[%mul3A_2990, %dma_wait3A_2997] : memref<256x256xf32, #tpu.memory_space<hbm>> -> memref<8x256xf32, #tpu.memory_space<hbm>>
      %dma_wait3A_2999 = arith.constant 0 : i32
      %dma_wait3A_3000 = tpu.memref_slice %arg6[%mul3A_2990, %dma_wait3A_2999] : memref<256x256xf32, #tpu.memory_space<hbm>> -> memref<8x256xf32, #tpu.memory_space<hbm>>
      tpu.wait_dma2 semaphore(%run_scoped3A : memref<!tpu.dma_semaphore, #tpu.memory_space<semaphore_mem>>) src(%arg11 : memref<8x256xf32, #tpu.memory_space<vmem>>) dst(%dma_wait3A_3000 : memref<8x256xf32, #tpu.memory_space<hbm>>)
      tpu.yield
    }) : () -> ()
    %mul3A_2991 = arith.constant 8 : i32
    %mul3A_2992 = arith.muli %add3A, %mul3A_2991 : i32
    "tpu.region"() ({
      %run_scoped3A = tpu.sem_alloc : memref<!tpu.dma_semaphore, #tpu.memory_space<semaphore_mem>>
      %dma_start3A_2993 = arith.constant 0 : i32
      %dma_start3A_2994 = tpu.memref_slice %arg7[%mul3A_2992, %dma_start3A_2993] : memref<256x256xf32, #tpu.memory_space<hbm>> -> memref<8x256xf32, #tpu.memory_space<hbm>>
      %dma_start3A_2995 = arith.constant 0 : i32
      %dma_start3A_2996 = tpu.memref_slice %arg7[%mul3A_2992, %dma_start3A_2995] : memref<256x256xf32, #tpu.memory_space<hbm>> -> memref<8x256xf32, #tpu.memory_space<hbm>>
      tpu.enqueue_dma source(%arg12 : memref<8x256xf32, #tpu.memory_space<vmem>>) target(%dma_start3A_2996 : memref<8x256xf32, #tpu.memory_space<hbm>>) target_semaphore(%run_scoped3A : memref<!tpu.dma_semaphore, #tpu.memory_space<semaphore_mem>>)
      %dma_wait3A_2997 = arith.constant 0 : i32
      %dma_wait3A_2998 = tpu.memref_slice %arg7[%mul3A_2992, %dma_wait3A_2997] : memref<256x256xf32, #tpu.memory_space<hbm>> -> memref<8x256xf32, #tpu.memory_space<hbm>>
      %dma_wait3A_2999 = arith.constant 0 : i32
      %dma_wait3A_3000 = tpu.memref_slice %arg7[%mul3A_2992, %dma_wait3A_2999] : memref<256x256xf32, #tpu.memory_space<hbm>> -> memref<8x256xf32, #tpu.memory_space<hbm>>
      tpu.wait_dma2 semaphore(%run_scoped3A : memref<!tpu.dma_semaphore, #tpu.memory_space<semaphore_mem>>) src(%arg12 : memref<8x256xf32, #tpu.memory_space<vmem>>) dst(%dma_wait3A_3000 : memref<8x256xf32, #tpu.memory_space<hbm>>)
      tpu.yield
    }) : () -> ()
    return
  }
}

module attributes {stable_mosaic.version = 14 : i64} {
  func.func @_dense_body(%arg0: memref<1024x16xf32, #tpu.memory_space<vmem>>, %arg1: memref<1024x3xf32, #tpu.memory_space<vmem>>, %arg2: memref<16x256xf32, #tpu.memory_space<vmem>>, %arg3: memref<1x256xf32, #tpu.memory_space<vmem>>, %arg4: memref<3x256xf32, #tpu.memory_space<vmem>>, %arg5: memref<256x256xf32, #tpu.memory_space<vmem>>, %arg6: memref<256x256xf32, #tpu.memory_space<vmem>>, %arg7: memref<1024x256xf32, #tpu.memory_space<vmem>>) attributes {dimension_semantics = [], scalar_prefetch = 0 : i64, scratch_operands = 0 : i64, tpu.core_type = #tpu.core_type<tc>} {
    %get3A = arith.constant 0 : index
    %get3A_0 = arith.constant 0 : index
    %get3A_1 = vector.load %arg0[%get3A, %get3A_0] : memref<1024x16xf32, #tpu.memory_space<vmem>>, vector<1024x16xf32>
    %get3A_2 = arith.constant 0 : index
    %get3A_3 = arith.constant 0 : index
    %get3A_4 = vector.load %arg2[%get3A_2, %get3A_3] : memref<16x256xf32, #tpu.memory_space<vmem>>, vector<16x256xf32>
    %dot_general3A = arith.constant dense<0.000000e+00> : vector<1024x256xf32>
    %dot_general3A_5 = tpu.matmul %get3A_1, %get3A_4, %dot_general3A {dimension_numbers = #tpu.dot_dimension_numbers<[1], [0], [0], [1], [0, 0, 1, 1], [], []>, transpose_lhs_hint = false} : vector<1024x16xf32>, vector<16x256xf32>, vector<1024x256xf32> -> vector<1024x256xf32>
    %get3A_6 = arith.constant 0 : index
    %get3A_7 = arith.constant 0 : index
    %get3A_8 = vector.load %arg3[%get3A_6, %get3A_7] : memref<1x256xf32, #tpu.memory_space<vmem>>, vector<1x256xf32>
    %add3A = vector.broadcast %get3A_8 : vector<1x256xf32> to vector<1024x256xf32>
    %add3A_9 = arith.addf %dot_general3A_5, %add3A : vector<1024x256xf32>
    %get3A_10 = arith.constant 0 : index
    %get3A_11 = arith.constant 0 : index
    %get3A_12 = vector.load %arg1[%get3A_10, %get3A_11] : memref<1024x3xf32, #tpu.memory_space<vmem>>, vector<1024x3xf32>
    %get3A_13 = arith.constant 0 : index
    %get3A_14 = arith.constant 0 : index
    %get3A_15 = vector.load %arg4[%get3A_13, %get3A_14] : memref<3x256xf32, #tpu.memory_space<vmem>>, vector<3x256xf32>
    %dot_general3A_16 = arith.constant dense<0.000000e+00> : vector<1024x256xf32>
    %dot_general3A_17 = tpu.matmul %get3A_12, %get3A_15, %dot_general3A_16 {dimension_numbers = #tpu.dot_dimension_numbers<[1], [0], [0], [1], [0, 0, 1, 1], [], []>, transpose_lhs_hint = false} : vector<1024x3xf32>, vector<3x256xf32>, vector<1024x256xf32> -> vector<1024x256xf32>
    %add3A_18 = arith.addf %add3A_9, %dot_general3A_17 : vector<1024x256xf32>
    %get3A_19 = arith.constant 0 : index
    %get3A_20 = arith.constant 0 : index
    %get3A_21 = vector.load %arg5[%get3A_19, %get3A_20] : memref<256x256xf32, #tpu.memory_space<vmem>>, vector<256x256xf32>
    %dot_general3A_22 = arith.constant dense<0.000000e+00> : vector<1024x256xf32>
    %dot_general3A_23 = tpu.matmul %add3A_18, %get3A_21, %dot_general3A_22 {dimension_numbers = #tpu.dot_dimension_numbers<[1], [0], [0], [1], [0, 0, 1, 1], [], []>, transpose_lhs_hint = false} : vector<1024x256xf32>, vector<256x256xf32>, vector<1024x256xf32> -> vector<1024x256xf32>
    %max3A = arith.constant 0.000000e+00 : f32
    %max3A_24 = vector.broadcast %max3A : f32 to vector<1024x256xf32>
    %max3A_25 = arith.maximumf %dot_general3A_23, %max3A_24 : vector<1024x256xf32>
    %get3A_26 = arith.constant 0 : index
    %get3A_27 = arith.constant 0 : index
    %get3A_28 = vector.load %arg6[%get3A_26, %get3A_27] : memref<256x256xf32, #tpu.memory_space<vmem>>, vector<256x256xf32>
    %dot_general3A_29 = arith.constant dense<0.000000e+00> : vector<1024x256xf32>
    %dot_general3A_30 = tpu.matmul %max3A_25, %get3A_28, %dot_general3A_29 {dimension_numbers = #tpu.dot_dimension_numbers<[1], [0], [0], [1], [0, 0, 1, 1], [], []>, transpose_lhs_hint = false} : vector<1024x256xf32>, vector<256x256xf32>, vector<1024x256xf32> -> vector<1024x256xf32>
    %add3A_31 = arith.addf %add3A_18, %dot_general3A_30 : vector<1024x256xf32>
    %swap3A = arith.constant 0 : index
    %swap3A_32 = arith.constant 0 : index
    %swap3A_33 = vector.load %arg7[%swap3A, %swap3A_32] : memref<1024x256xf32, #tpu.memory_space<vmem>>, vector<1024x256xf32>
    tpu.vector_store %arg7[%swap3A, %swap3A_32], %add3A_31 {strides = array<i32>} : memref<1024x256xf32, #tpu.memory_space<vmem>>, vector<1024x256xf32>,
    return
  }
}

module attributes {stable_mosaic.version = 14 : i64} {
  func.func @_logit_body(%arg0: memref<256x256xf32, #tpu.memory_space<vmem>>, %arg1: memref<256x256xf32, #tpu.memory_space<vmem>>, %arg2: memref<256x1xf32, #tpu.memory_space<vmem>>, %arg3: memref<256x1xf32, #tpu.memory_space<vmem>>, %arg4: memref<256x1xf32, #tpu.memory_space<vmem>>) attributes {dimension_semantics = [], scalar_prefetch = 0 : i64, scratch_operands = 0 : i64, tpu.core_type = #tpu.core_type<tc>} {
    %get3A = arith.constant 0 : index
    %get3A_0 = arith.constant 0 : index
    %get3A_1 = vector.load %arg0[%get3A, %get3A_0] : memref<256x256xf32, #tpu.memory_space<vmem>>, vector<256x256xf32>
    %get3A_2 = arith.constant 0 : index
    %get3A_3 = arith.constant 0 : index
    %get3A_4 = vector.load %arg2[%get3A_2, %get3A_3] : memref<256x1xf32, #tpu.memory_space<vmem>>, vector<256x1xf32>
    %dot_general3A = arith.constant dense<0.000000e+00> : vector<256x1xf32>
    %dot_general3A_5 = tpu.matmul %get3A_1, %get3A_4, %dot_general3A {dimension_numbers = #tpu.dot_dimension_numbers<[1], [0], [0], [1], [0, 0, 1, 1], [], []>, transpose_lhs_hint = false} : vector<256x256xf32>, vector<256x1xf32>, vector<256x1xf32> -> vector<256x1xf32>
    %get3A_6 = arith.constant 0 : index
    %get3A_7 = arith.constant 0 : index
    %get3A_8 = vector.load %arg1[%get3A_6, %get3A_7] : memref<256x256xf32, #tpu.memory_space<vmem>>, vector<256x256xf32>
    %get3A_9 = arith.constant 0 : index
    %get3A_10 = arith.constant 0 : index
    %get3A_11 = vector.load %arg3[%get3A_9, %get3A_10] : memref<256x1xf32, #tpu.memory_space<vmem>>, vector<256x1xf32>
    %dot_general3A_12 = arith.constant dense<0.000000e+00> : vector<256x1xf32>
    %dot_general3A_13 = tpu.matmul %get3A_8, %get3A_11, %dot_general3A_12 {dimension_numbers = #tpu.dot_dimension_numbers<[1], [0], [0], [1], [0, 0, 1, 1], [], []>, transpose_lhs_hint = false} : vector<256x256xf32>, vector<256x1xf32>, vector<256x1xf32> -> vector<256x1xf32>
    %add3A = arith.addf %dot_general3A_5, %dot_general3A_13 : vector<256x1xf32>
    %swap3A = arith.constant 0 : index
    %swap3A_14 = arith.constant 0 : index
    %swap3A_15 = vector.load %arg4[%swap3A, %swap3A_14] : memref<256x1xf32, #tpu.memory_space<vmem>>, vector<256x1xf32>
    tpu.vector_store %arg4[%swap3A, %swap3A_14], %add3A {strides = array<i32>} : memref<256x1xf32, #tpu.memory_space<vmem>>, vector<256x1xf32>,
    return
  }
}

module attributes {stable_mosaic.version = 14 : i64} {
  func.func @_order_body(%arg0: memref<16x16xf32, #tpu.memory_space<vmem>>, %arg1: memref<16x16xf32, #tpu.memory_space<vmem>>, %arg2: memref<16x16xi32, #tpu.memory_space<vmem>>) attributes {dimension_semantics = [], scalar_prefetch = 0 : i64, scratch_operands = 0 : i64, tpu.core_type = #tpu.core_type<tc>} {
    %get3A = arith.constant 0 : index
    %get3A_0 = arith.constant 0 : index
    %get3A_1 = vector.load %arg0[%get3A, %get3A_0] : memref<16x16xf32, #tpu.memory_space<vmem>>, vector<16x16xf32>
    %reduce_max3A = arith.constant dense<0xFF800000> : vector<16xf32>
    %reduce_max3A_2 = vector.multi_reduction <maximumf>, %get3A_1, %reduce_max3A [1] : vector<16x16xf32> to vector<16xf32>
    %broadcast_in_dim3A = vector.shape_cast %reduce_max3A_2 : vector<16xf32> to vector<16x1xf32>
    %sub3A = vector.broadcast %broadcast_in_dim3A : vector<16x1xf32> to vector<16x16xf32>
    %sub3A_3 = arith.subf %get3A_1, %sub3A : vector<16x16xf32>
    %exp3A = math.exp %sub3A_3 : vector<16x16xf32>
    %reduce_sum3A = arith.constant dense<0.000000e+00> : vector<16xf32>
    %reduce_sum3A_4 = vector.multi_reduction <add>, %exp3A, %reduce_sum3A [1] : vector<16x16xf32> to vector<16xf32>
    %broadcast_in_dim3A_5 = vector.shape_cast %reduce_sum3A_4 : vector<16xf32> to vector<16x1xf32>
    %div3A = vector.broadcast %broadcast_in_dim3A_5 : vector<16x1xf32> to vector<16x16xf32>
    %div3A_6 = arith.divf %exp3A, %div3A : vector<16x16xf32>
    %iota3A = tpu.iota {dimensions = array<i32: 1>} : vector<16x16xi32>
    %broadcast_in_dim3A_7 = arith.constant 0 : i32
    %broadcast_in_dim3A_8 = vector.broadcast %broadcast_in_dim3A_7 : i32 to vector<16x16xi32>
    %slice3A = vector.extract_strided_slice %get3A_1 {offsets = [0, 0], sizes = [16, 1], strides = [1, 1]} : vector<16x16xf32> to vector<16x1xf32>
    %gt3A = vector.broadcast %slice3A : vector<16x1xf32> to vector<16x16xf32>
    %gt3A_9 = arith.cmpf ogt, %gt3A, %get3A_1 : vector<16x16xf32>
    %eq3A = vector.broadcast %slice3A : vector<16x1xf32> to vector<16x16xf32>
    %eq3A_10 = arith.cmpf oeq, %eq3A, %get3A_1 : vector<16x16xf32>
    %gt3A_11 = arith.constant 0 : i32
    %gt3A_12 = vector.broadcast %gt3A_11 : i32 to vector<16x16xi32>
    %gt3A_13 = arith.cmpi sgt, %iota3A, %gt3A_12 : vector<16x16xi32>
    %and3A = arith.andi %eq3A_10, %gt3A_13 : vector<16x16xi1>
    %or3A = arith.ori %gt3A_9, %and3A : vector<16x16xi1>
    %convert_element_type3A = arith.extui %or3A : vector<16x16xi1> to vector<16x16xi32>
    %add3A = arith.addi %broadcast_in_dim3A_8, %convert_element_type3A : vector<16x16xi32>
    %slice3A_14 = vector.extract_strided_slice %get3A_1 {offsets = [0, 1], sizes = [16, 1], strides = [1, 1]} : vector<16x16xf32> to vector<16x1xf32>
    %gt3A_15 = vector.broadcast %slice3A_14 : vector<16x1xf32> to vector<16x16xf32>
    %gt3A_16 = arith.cmpf ogt, %gt3A_15, %get3A_1 : vector<16x16xf32>
    %eq3A_17 = vector.broadcast %slice3A_14 : vector<16x1xf32> to vector<16x16xf32>
    %eq3A_18 = arith.cmpf oeq, %eq3A_17, %get3A_1 : vector<16x16xf32>
    %gt3A_19 = arith.constant 1 : i32
    %gt3A_20 = vector.broadcast %gt3A_19 : i32 to vector<16x16xi32>
    %gt3A_21 = arith.cmpi sgt, %iota3A, %gt3A_20 : vector<16x16xi32>
    %and3A_22 = arith.andi %eq3A_18, %gt3A_21 : vector<16x16xi1>
    %or3A_23 = arith.ori %gt3A_16, %and3A_22 : vector<16x16xi1>
    %convert_element_type3A_24 = arith.extui %or3A_23 : vector<16x16xi1> to vector<16x16xi32>
    %add3A_25 = arith.addi %add3A, %convert_element_type3A_24 : vector<16x16xi32>
    %slice3A_26 = vector.extract_strided_slice %get3A_1 {offsets = [0, 2], sizes = [16, 1], strides = [1, 1]} : vector<16x16xf32> to vector<16x1xf32>
    %gt3A_27 = vector.broadcast %slice3A_26 : vector<16x1xf32> to vector<16x16xf32>
    %gt3A_28 = arith.cmpf ogt, %gt3A_27, %get3A_1 : vector<16x16xf32>
    %eq3A_29 = vector.broadcast %slice3A_26 : vector<16x1xf32> to vector<16x16xf32>
    %eq3A_30 = arith.cmpf oeq, %eq3A_29, %get3A_1 : vector<16x16xf32>
    %gt3A_31 = arith.constant 2 : i32
    %gt3A_32 = vector.broadcast %gt3A_31 : i32 to vector<16x16xi32>
    %gt3A_33 = arith.cmpi sgt, %iota3A, %gt3A_32 : vector<16x16xi32>
    %and3A_34 = arith.andi %eq3A_30, %gt3A_33 : vector<16x16xi1>
    %or3A_35 = arith.ori %gt3A_28, %and3A_34 : vector<16x16xi1>
    %convert_element_type3A_36 = arith.extui %or3A_35 : vector<16x16xi1> to vector<16x16xi32>
    %add3A_37 = arith.addi %add3A_25, %convert_element_type3A_36 : vector<16x16xi32>
    %slice3A_38 = vector.extract_strided_slice %get3A_1 {offsets = [0, 3], sizes = [16, 1], strides = [1, 1]} : vector<16x16xf32> to vector<16x1xf32>
    %gt3A_39 = vector.broadcast %slice3A_38 : vector<16x1xf32> to vector<16x16xf32>
    %gt3A_40 = arith.cmpf ogt, %gt3A_39, %get3A_1 : vector<16x16xf32>
    %eq3A_41 = vector.broadcast %slice3A_38 : vector<16x1xf32> to vector<16x16xf32>
    %eq3A_42 = arith.cmpf oeq, %eq3A_41, %get3A_1 : vector<16x16xf32>
    %gt3A_43 = arith.constant 3 : i32
    %gt3A_44 = vector.broadcast %gt3A_43 : i32 to vector<16x16xi32>
    %gt3A_45 = arith.cmpi sgt, %iota3A, %gt3A_44 : vector<16x16xi32>
    %and3A_46 = arith.andi %eq3A_42, %gt3A_45 : vector<16x16xi1>
    %or3A_47 = arith.ori %gt3A_40, %and3A_46 : vector<16x16xi1>
    %convert_element_type3A_48 = arith.extui %or3A_47 : vector<16x16xi1> to vector<16x16xi32>
    %add3A_49 = arith.addi %add3A_37, %convert_element_type3A_48 : vector<16x16xi32>
    %slice3A_50 = vector.extract_strided_slice %get3A_1 {offsets = [0, 4], sizes = [16, 1], strides = [1, 1]} : vector<16x16xf32> to vector<16x1xf32>
    %gt3A_51 = vector.broadcast %slice3A_50 : vector<16x1xf32> to vector<16x16xf32>
    %gt3A_52 = arith.cmpf ogt, %gt3A_51, %get3A_1 : vector<16x16xf32>
    %eq3A_53 = vector.broadcast %slice3A_50 : vector<16x1xf32> to vector<16x16xf32>
    %eq3A_54 = arith.cmpf oeq, %eq3A_53, %get3A_1 : vector<16x16xf32>
    %gt3A_55 = arith.constant 4 : i32
    %gt3A_56 = vector.broadcast %gt3A_55 : i32 to vector<16x16xi32>
    %gt3A_57 = arith.cmpi sgt, %iota3A, %gt3A_56 : vector<16x16xi32>
    %and3A_58 = arith.andi %eq3A_54, %gt3A_57 : vector<16x16xi1>
    %or3A_59 = arith.ori %gt3A_52, %and3A_58 : vector<16x16xi1>
    %convert_element_type3A_60 = arith.extui %or3A_59 : vector<16x16xi1> to vector<16x16xi32>
    %add3A_61 = arith.addi %add3A_49, %convert_element_type3A_60 : vector<16x16xi32>
    %slice3A_62 = vector.extract_strided_slice %get3A_1 {offsets = [0, 5], sizes = [16, 1], strides = [1, 1]} : vector<16x16xf32> to vector<16x1xf32>
    %gt3A_63 = vector.broadcast %slice3A_62 : vector<16x1xf32> to vector<16x16xf32>
    %gt3A_64 = arith.cmpf ogt, %gt3A_63, %get3A_1 : vector<16x16xf32>
    %eq3A_65 = vector.broadcast %slice3A_62 : vector<16x1xf32> to vector<16x16xf32>
    %eq3A_66 = arith.cmpf oeq, %eq3A_65, %get3A_1 : vector<16x16xf32>
    %gt3A_67 = arith.constant 5 : i32
    %gt3A_68 = vector.broadcast %gt3A_67 : i32 to vector<16x16xi32>
    %gt3A_69 = arith.cmpi sgt, %iota3A, %gt3A_68 : vector<16x16xi32>
    %and3A_70 = arith.andi %eq3A_66, %gt3A_69 : vector<16x16xi1>
    %or3A_71 = arith.ori %gt3A_64, %and3A_70 : vector<16x16xi1>
    %convert_element_type3A_72 = arith.extui %or3A_71 : vector<16x16xi1> to vector<16x16xi32>
    %add3A_73 = arith.addi %add3A_61, %convert_element_type3A_72 : vector<16x16xi32>
    %slice3A_74 = vector.extract_strided_slice %get3A_1 {offsets = [0, 6], sizes = [16, 1], strides = [1, 1]} : vector<16x16xf32> to vector<16x1xf32>
    %gt3A_75 = vector.broadcast %slice3A_74 : vector<16x1xf32> to vector<16x16xf32>
    %gt3A_76 = arith.cmpf ogt, %gt3A_75, %get3A_1 : vector<16x16xf32>
    %eq3A_77 = vector.broadcast %slice3A_74 : vector<16x1xf32> to vector<16x16xf32>
    %eq3A_78 = arith.cmpf oeq, %eq3A_77, %get3A_1 : vector<16x16xf32>
    %gt3A_79 = arith.constant 6 : i32
    %gt3A_80 = vector.broadcast %gt3A_79 : i32 to vector<16x16xi32>
    %gt3A_81 = arith.cmpi sgt, %iota3A, %gt3A_80 : vector<16x16xi32>
    %and3A_82 = arith.andi %eq3A_78, %gt3A_81 : vector<16x16xi1>
    %or3A_83 = arith.ori %gt3A_76, %and3A_82 : vector<16x16xi1>
    %convert_element_type3A_84 = arith.extui %or3A_83 : vector<16x16xi1> to vector<16x16xi32>
    %add3A_85 = arith.addi %add3A_73, %convert_element_type3A_84 : vector<16x16xi32>
    %slice3A_86 = vector.extract_strided_slice %get3A_1 {offsets = [0, 7], sizes = [16, 1], strides = [1, 1]} : vector<16x16xf32> to vector<16x1xf32>
    %gt3A_87 = vector.broadcast %slice3A_86 : vector<16x1xf32> to vector<16x16xf32>
    %gt3A_88 = arith.cmpf ogt, %gt3A_87, %get3A_1 : vector<16x16xf32>
    %eq3A_89 = vector.broadcast %slice3A_86 : vector<16x1xf32> to vector<16x16xf32>
    %eq3A_90 = arith.cmpf oeq, %eq3A_89, %get3A_1 : vector<16x16xf32>
    %gt3A_91 = arith.constant 7 : i32
    %gt3A_92 = vector.broadcast %gt3A_91 : i32 to vector<16x16xi32>
    %gt3A_93 = arith.cmpi sgt, %iota3A, %gt3A_92 : vector<16x16xi32>
    %and3A_94 = arith.andi %eq3A_90, %gt3A_93 : vector<16x16xi1>
    %or3A_95 = arith.ori %gt3A_88, %and3A_94 : vector<16x16xi1>
    %convert_element_type3A_96 = arith.extui %or3A_95 : vector<16x16xi1> to vector<16x16xi32>
    %add3A_97 = arith.addi %add3A_85, %convert_element_type3A_96 : vector<16x16xi32>
    %slice3A_98 = vector.extract_strided_slice %get3A_1 {offsets = [0, 8], sizes = [16, 1], strides = [1, 1]} : vector<16x16xf32> to vector<16x1xf32>
    %gt3A_99 = vector.broadcast %slice3A_98 : vector<16x1xf32> to vector<16x16xf32>
    %gt3A_100 = arith.cmpf ogt, %gt3A_99, %get3A_1 : vector<16x16xf32>
    %eq3A_101 = vector.broadcast %slice3A_98 : vector<16x1xf32> to vector<16x16xf32>
    %eq3A_102 = arith.cmpf oeq, %eq3A_101, %get3A_1 : vector<16x16xf32>
    %gt3A_103 = arith.constant 8 : i32
    %gt3A_104 = vector.broadcast %gt3A_103 : i32 to vector<16x16xi32>
    %gt3A_105 = arith.cmpi sgt, %iota3A, %gt3A_104 : vector<16x16xi32>
    %and3A_106 = arith.andi %eq3A_102, %gt3A_105 : vector<16x16xi1>
    %or3A_107 = arith.ori %gt3A_100, %and3A_106 : vector<16x16xi1>
    %convert_element_type3A_108 = arith.extui %or3A_107 : vector<16x16xi1> to vector<16x16xi32>
    %add3A_109 = arith.addi %add3A_97, %convert_element_type3A_108 : vector<16x16xi32>
    %slice3A_110 = vector.extract_strided_slice %get3A_1 {offsets = [0, 9], sizes = [16, 1], strides = [1, 1]} : vector<16x16xf32> to vector<16x1xf32>
    %gt3A_111 = vector.broadcast %slice3A_110 : vector<16x1xf32> to vector<16x16xf32>
    %gt3A_112 = arith.cmpf ogt, %gt3A_111, %get3A_1 : vector<16x16xf32>
    %eq3A_113 = vector.broadcast %slice3A_110 : vector<16x1xf32> to vector<16x16xf32>
    %eq3A_114 = arith.cmpf oeq, %eq3A_113, %get3A_1 : vector<16x16xf32>
    %gt3A_115 = arith.constant 9 : i32
    %gt3A_116 = vector.broadcast %gt3A_115 : i32 to vector<16x16xi32>
    %gt3A_117 = arith.cmpi sgt, %iota3A, %gt3A_116 : vector<16x16xi32>
    %and3A_118 = arith.andi %eq3A_114, %gt3A_117 : vector<16x16xi1>
    %or3A_119 = arith.ori %gt3A_112, %and3A_118 : vector<16x16xi1>
    %convert_element_type3A_120 = arith.extui %or3A_119 : vector<16x16xi1> to vector<16x16xi32>
    %add3A_121 = arith.addi %add3A_109, %convert_element_type3A_120 : vector<16x16xi32>
    %slice3A_122 = vector.extract_strided_slice %get3A_1 {offsets = [0, 10], sizes = [16, 1], strides = [1, 1]} : vector<16x16xf32> to vector<16x1xf32>
    %gt3A_123 = vector.broadcast %slice3A_122 : vector<16x1xf32> to vector<16x16xf32>
    %gt3A_124 = arith.cmpf ogt, %gt3A_123, %get3A_1 : vector<16x16xf32>
    %eq3A_125 = vector.broadcast %slice3A_122 : vector<16x1xf32> to vector<16x16xf32>
    %eq3A_126 = arith.cmpf oeq, %eq3A_125, %get3A_1 : vector<16x16xf32>
    %gt3A_127 = arith.constant 10 : i32
    %gt3A_128 = vector.broadcast %gt3A_127 : i32 to vector<16x16xi32>
    %gt3A_129 = arith.cmpi sgt, %iota3A, %gt3A_128 : vector<16x16xi32>
    %and3A_130 = arith.andi %eq3A_126, %gt3A_129 : vector<16x16xi1>
    %or3A_131 = arith.ori %gt3A_124, %and3A_130 : vector<16x16xi1>
    %convert_element_type3A_132 = arith.extui %or3A_131 : vector<16x16xi1> to vector<16x16xi32>
    %add3A_133 = arith.addi %add3A_121, %convert_element_type3A_132 : vector<16x16xi32>
    %slice3A_134 = vector.extract_strided_slice %get3A_1 {offsets = [0, 11], sizes = [16, 1], strides = [1, 1]} : vector<16x16xf32> to vector<16x1xf32>
    %gt3A_135 = vector.broadcast %slice3A_134 : vector<16x1xf32> to vector<16x16xf32>
    %gt3A_136 = arith.cmpf ogt, %gt3A_135, %get3A_1 : vector<16x16xf32>
    %eq3A_137 = vector.broadcast %slice3A_134 : vector<16x1xf32> to vector<16x16xf32>
    %eq3A_138 = arith.cmpf oeq, %eq3A_137, %get3A_1 : vector<16x16xf32>
    %gt3A_139 = arith.constant 11 : i32
    %gt3A_140 = vector.broadcast %gt3A_139 : i32 to vector<16x16xi32>
    %gt3A_141 = arith.cmpi sgt, %iota3A, %gt3A_140 : vector<16x16xi32>
    %and3A_142 = arith.andi %eq3A_138, %gt3A_141 : vector<16x16xi1>
    %or3A_143 = arith.ori %gt3A_136, %and3A_142 : vector<16x16xi1>
    %convert_element_type3A_144 = arith.extui %or3A_143 : vector<16x16xi1> to vector<16x16xi32>
    %add3A_145 = arith.addi %add3A_133, %convert_element_type3A_144 : vector<16x16xi32>
    %slice3A_146 = vector.extract_strided_slice %get3A_1 {offsets = [0, 12], sizes = [16, 1], strides = [1, 1]} : vector<16x16xf32> to vector<16x1xf32>
    %gt3A_147 = vector.broadcast %slice3A_146 : vector<16x1xf32> to vector<16x16xf32>
    %gt3A_148 = arith.cmpf ogt, %gt3A_147, %get3A_1 : vector<16x16xf32>
    %eq3A_149 = vector.broadcast %slice3A_146 : vector<16x1xf32> to vector<16x16xf32>
    %eq3A_150 = arith.cmpf oeq, %eq3A_149, %get3A_1 : vector<16x16xf32>
    %gt3A_151 = arith.constant 12 : i32
    %gt3A_152 = vector.broadcast %gt3A_151 : i32 to vector<16x16xi32>
    %gt3A_153 = arith.cmpi sgt, %iota3A, %gt3A_152 : vector<16x16xi32>
    %and3A_154 = arith.andi %eq3A_150, %gt3A_153 : vector<16x16xi1>
    %or3A_155 = arith.ori %gt3A_148, %and3A_154 : vector<16x16xi1>
    %convert_element_type3A_156 = arith.extui %or3A_155 : vector<16x16xi1> to vector<16x16xi32>
    %add3A_157 = arith.addi %add3A_145, %convert_element_type3A_156 : vector<16x16xi32>
    %slice3A_158 = vector.extract_strided_slice %get3A_1 {offsets = [0, 13], sizes = [16, 1], strides = [1, 1]} : vector<16x16xf32> to vector<16x1xf32>
    %gt3A_159 = vector.broadcast %slice3A_158 : vector<16x1xf32> to vector<16x16xf32>
    %gt3A_160 = arith.cmpf ogt, %gt3A_159, %get3A_1 : vector<16x16xf32>
    %eq3A_161 = vector.broadcast %slice3A_158 : vector<16x1xf32> to vector<16x16xf32>
    %eq3A_162 = arith.cmpf oeq, %eq3A_161, %get3A_1 : vector<16x16xf32>
    %gt3A_163 = arith.constant 13 : i32
    %gt3A_164 = vector.broadcast %gt3A_163 : i32 to vector<16x16xi32>
    %gt3A_165 = arith.cmpi sgt, %iota3A, %gt3A_164 : vector<16x16xi32>
    %and3A_166 = arith.andi %eq3A_162, %gt3A_165 : vector<16x16xi1>
    %or3A_167 = arith.ori %gt3A_160, %and3A_166 : vector<16x16xi1>
    %convert_element_type3A_168 = arith.extui %or3A_167 : vector<16x16xi1> to vector<16x16xi32>
    %add3A_169 = arith.addi %add3A_157, %convert_element_type3A_168 : vector<16x16xi32>
    %slice3A_170 = vector.extract_strided_slice %get3A_1 {offsets = [0, 14], sizes = [16, 1], strides = [1, 1]} : vector<16x16xf32> to vector<16x1xf32>
    %gt3A_171 = vector.broadcast %slice3A_170 : vector<16x1xf32> to vector<16x16xf32>
    %gt3A_172 = arith.cmpf ogt, %gt3A_171, %get3A_1 : vector<16x16xf32>
    %eq3A_173 = vector.broadcast %slice3A_170 : vector<16x1xf32> to vector<16x16xf32>
    %eq3A_174 = arith.cmpf oeq, %eq3A_173, %get3A_1 : vector<16x16xf32>
    %gt3A_175 = arith.constant 14 : i32
    %gt3A_176 = vector.broadcast %gt3A_175 : i32 to vector<16x16xi32>
    %gt3A_177 = arith.cmpi sgt, %iota3A, %gt3A_176 : vector<16x16xi32>
    %and3A_178 = arith.andi %eq3A_174, %gt3A_177 : vector<16x16xi1>
    %or3A_179 = arith.ori %gt3A_172, %and3A_178 : vector<16x16xi1>
    %convert_element_type3A_180 = arith.extui %or3A_179 : vector<16x16xi1> to vector<16x16xi32>
    %add3A_181 = arith.addi %add3A_169, %convert_element_type3A_180 : vector<16x16xi32>
    %slice3A_182 = vector.extract_strided_slice %get3A_1 {offsets = [0, 15], sizes = [16, 1], strides = [1, 1]} : vector<16x16xf32> to vector<16x1xf32>
    %gt3A_183 = vector.broadcast %slice3A_182 : vector<16x1xf32> to vector<16x16xf32>
    %gt3A_184 = arith.cmpf ogt, %gt3A_183, %get3A_1 : vector<16x16xf32>
    %eq3A_185 = vector.broadcast %slice3A_182 : vector<16x1xf32> to vector<16x16xf32>
    %eq3A_186 = arith.cmpf oeq, %eq3A_185, %get3A_1 : vector<16x16xf32>
    %gt3A_187 = arith.constant 15 : i32
    %gt3A_188 = vector.broadcast %gt3A_187 : i32 to vector<16x16xi32>
    %gt3A_189 = arith.cmpi sgt, %iota3A, %gt3A_188 : vector<16x16xi32>
    %and3A_190 = arith.andi %eq3A_186, %gt3A_189 : vector<16x16xi1>
    %or3A_191 = arith.ori %gt3A_184, %and3A_190 : vector<16x16xi1>
    %convert_element_type3A_192 = arith.extui %or3A_191 : vector<16x16xi1> to vector<16x16xi32>
    %add3A_193 = arith.addi %add3A_181, %convert_element_type3A_192 : vector<16x16xi32>
    %eq3A_194 = arith.constant 0 : i32
    %eq3A_195 = vector.broadcast %eq3A_194 : i32 to vector<16x16xi32>
    %eq3A_196 = arith.cmpi eq, %add3A_193, %eq3A_195 : vector<16x16xi32>
    %jit3A = arith.constant 0.000000e+00 : f32
    %broadcast_in_dim3A_197 = vector.broadcast %jit3A : f32 to vector<16x16xf32>
    %select_n3A = arith.select %eq3A_196, %div3A_6, %broadcast_in_dim3A_197 : vector<16x16xi1>, vector<16x16xf32>
    %reduce_sum3A_198 = arith.constant dense<0.000000e+00> : vector<16xf32>
    %reduce_sum3A_199 = vector.multi_reduction <add>, %select_n3A, %reduce_sum3A_198 [1] : vector<16x16xf32> to vector<16xf32>
    %broadcast_in_dim3A_200 = vector.shape_cast %reduce_sum3A_199 : vector<16xf32> to vector<16x1xf32>
    %swap3A = arith.constant 0 : index
    %swap3A_201 = arith.constant 0 : index
    %swap3A_202 = vector.load %arg1[%swap3A, %swap3A_201] : memref<16x16xf32, #tpu.memory_space<vmem>>, vector<16x1xf32>
    tpu.vector_store %arg1[%swap3A, %swap3A_201], %broadcast_in_dim3A_200 {strides = array<i32>} : memref<16x16xf32, #tpu.memory_space<vmem>>, vector<16x1xf32>,
    %jit3A_203 = arith.constant 0 : i32
    %broadcast_in_dim3A_204 = vector.broadcast %jit3A_203 : i32 to vector<16x16xi32>
    %select_n3A_205 = arith.select %eq3A_196, %iota3A, %broadcast_in_dim3A_204 : vector<16x16xi1>, vector<16x16xi32>
    %reduce_sum3A_206 = arith.constant dense<0> : vector<16xi32>
    %reduce_sum3A_207 = vector.multi_reduction <add>, %select_n3A_205, %reduce_sum3A_206 [1] : vector<16x16xi32> to vector<16xi32>
    %broadcast_in_dim3A_208 = vector.shape_cast %reduce_sum3A_207 : vector<16xi32> to vector<16x1xi32>
    %swap3A_209 = arith.constant 0 : index
    %swap3A_210 = arith.constant 0 : index
    %swap3A_211 = vector.load %arg2[%swap3A_209, %swap3A_210] : memref<16x16xi32, #tpu.memory_space<vmem>>, vector<16x1xi32>
    tpu.vector_store %arg2[%swap3A_209, %swap3A_210], %broadcast_in_dim3A_208 {strides = array<i32>} : memref<16x16xi32, #tpu.memory_space<vmem>>, vector<16x1xi32>,
    %eq3A_212 = arith.constant 1 : i32
    %eq3A_213 = vector.broadcast %eq3A_212 : i32 to vector<16x16xi32>
    %eq3A_214 = arith.cmpi eq, %add3A_193, %eq3A_213 : vector<16x16xi32>
    %jit3A_215 = arith.constant 0.000000e+00 : f32
    %broadcast_in_dim3A_216 = vector.broadcast %jit3A_215 : f32 to vector<16x16xf32>
    %select_n3A_217 = arith.select %eq3A_214, %div3A_6, %broadcast_in_dim3A_216 : vector<16x16xi1>, vector<16x16xf32>
    %reduce_sum3A_218 = arith.constant dense<0.000000e+00> : vector<16xf32>
    %reduce_sum3A_219 = vector.multi_reduction <add>, %select_n3A_217, %reduce_sum3A_218 [1] : vector<16x16xf32> to vector<16xf32>
    %broadcast_in_dim3A_220 = vector.shape_cast %reduce_sum3A_219 : vector<16xf32> to vector<16x1xf32>
    %swap3A_221 = arith.constant 0 : index
    %swap3A_222 = arith.constant 1 : index
    %swap3A_223 = vector.load %arg1[%swap3A_221, %swap3A_222] : memref<16x16xf32, #tpu.memory_space<vmem>>, vector<16x1xf32>
    tpu.vector_store %arg1[%swap3A_221, %swap3A_222], %broadcast_in_dim3A_220 {strides = array<i32>} : memref<16x16xf32, #tpu.memory_space<vmem>>, vector<16x1xf32>,
    %jit3A_224 = arith.constant 0 : i32
    %broadcast_in_dim3A_225 = vector.broadcast %jit3A_224 : i32 to vector<16x16xi32>
    %select_n3A_226 = arith.select %eq3A_214, %iota3A, %broadcast_in_dim3A_225 : vector<16x16xi1>, vector<16x16xi32>
    %reduce_sum3A_227 = arith.constant dense<0> : vector<16xi32>
    %reduce_sum3A_228 = vector.multi_reduction <add>, %select_n3A_226, %reduce_sum3A_227 [1] : vector<16x16xi32> to vector<16xi32>
    %broadcast_in_dim3A_229 = vector.shape_cast %reduce_sum3A_228 : vector<16xi32> to vector<16x1xi32>
    %swap3A_230 = arith.constant 0 : index
    %swap3A_231 = arith.constant 1 : index
    %swap3A_232 = vector.load %arg2[%swap3A_230, %swap3A_231] : memref<16x16xi32, #tpu.memory_space<vmem>>, vector<16x1xi32>
    tpu.vector_store %arg2[%swap3A_230, %swap3A_231], %broadcast_in_dim3A_229 {strides = array<i32>} : memref<16x16xi32, #tpu.memory_space<vmem>>, vector<16x1xi32>,
    %eq3A_233 = arith.constant 2 : i32
    %eq3A_234 = vector.broadcast %eq3A_233 : i32 to vector<16x16xi32>
    %eq3A_235 = arith.cmpi eq, %add3A_193, %eq3A_234 : vector<16x16xi32>
    %jit3A_236 = arith.constant 0.000000e+00 : f32
    %broadcast_in_dim3A_237 = vector.broadcast %jit3A_236 : f32 to vector<16x16xf32>
    %select_n3A_238 = arith.select %eq3A_235, %div3A_6, %broadcast_in_dim3A_237 : vector<16x16xi1>, vector<16x16xf32>
    %reduce_sum3A_239 = arith.constant dense<0.000000e+00> : vector<16xf32>
    %reduce_sum3A_240 = vector.multi_reduction <add>, %select_n3A_238, %reduce_sum3A_239 [1] : vector<16x16xf32> to vector<16xf32>
    %broadcast_in_dim3A_241 = vector.shape_cast %reduce_sum3A_240 : vector<16xf32> to vector<16x1xf32>
    %swap3A_242 = arith.constant 0 : index
    %swap3A_243 = arith.constant 2 : index
    %swap3A_244 = vector.load %arg1[%swap3A_242, %swap3A_243] : memref<16x16xf32, #tpu.memory_space<vmem>>, vector<16x1xf32>
    tpu.vector_store %arg1[%swap3A_242, %swap3A_243], %broadcast_in_dim3A_241 {strides = array<i32>} : memref<16x16xf32, #tpu.memory_space<vmem>>, vector<16x1xf32>,
    %jit3A_245 = arith.constant 0 : i32
    %broadcast_in_dim3A_246 = vector.broadcast %jit3A_245 : i32 to vector<16x16xi32>
    %select_n3A_247 = arith.select %eq3A_235, %iota3A, %broadcast_in_dim3A_246 : vector<16x16xi1>, vector<16x16xi32>
    %reduce_sum3A_248 = arith.constant dense<0> : vector<16xi32>
    %reduce_sum3A_249 = vector.multi_reduction <add>, %select_n3A_247, %reduce_sum3A_248 [1] : vector<16x16xi32> to vector<16xi32>
    %broadcast_in_dim3A_250 = vector.shape_cast %reduce_sum3A_249 : vector<16xi32> to vector<16x1xi32>
    %swap3A_251 = arith.constant 0 : index
    %swap3A_252 = arith.constant 2 : index
    %swap3A_253 = vector.load %arg2[%swap3A_251, %swap3A_252] : memref<16x16xi32, #tpu.memory_space<vmem>>, vector<16x1xi32>
    tpu.vector_store %arg2[%swap3A_251, %swap3A_252], %broadcast_in_dim3A_250 {strides = array<i32>} : memref<16x16xi32, #tpu.memory_space<vmem>>, vector<16x1xi32>,
    %eq3A_254 = arith.constant 3 : i32
    %eq3A_255 = vector.broadcast %eq3A_254 : i32 to vector<16x16xi32>
    %eq3A_256 = arith.cmpi eq, %add3A_193, %eq3A_255 : vector<16x16xi32>
    %jit3A_257 = arith.constant 0.000000e+00 : f32
    %broadcast_in_dim3A_258 = vector.broadcast %jit3A_257 : f32 to vector<16x16xf32>
    %select_n3A_259 = arith.select %eq3A_256, %div3A_6, %broadcast_in_dim3A_258 : vector<16x16xi1>, vector<16x16xf32>
    %reduce_sum3A_260 = arith.constant dense<0.000000e+00> : vector<16xf32>
    %reduce_sum3A_261 = vector.multi_reduction <add>, %select_n3A_259, %reduce_sum3A_260 [1] : vector<16x16xf32> to vector<16xf32>
    %broadcast_in_dim3A_262 = vector.shape_cast %reduce_sum3A_261 : vector<16xf32> to vector<16x1xf32>
    %swap3A_263 = arith.constant 0 : index
    %swap3A_264 = arith.constant 3 : index
    %swap3A_265 = vector.load %arg1[%swap3A_263, %swap3A_264] : memref<16x16xf32, #tpu.memory_space<vmem>>, vector<16x1xf32>
    tpu.vector_store %arg1[%swap3A_263, %swap3A_264], %broadcast_in_dim3A_262 {strides = array<i32>} : memref<16x16xf32, #tpu.memory_space<vmem>>, vector<16x1xf32>,
    %jit3A_266 = arith.constant 0 : i32
    %broadcast_in_dim3A_267 = vector.broadcast %jit3A_266 : i32 to vector<16x16xi32>
    %select_n3A_268 = arith.select %eq3A_256, %iota3A, %broadcast_in_dim3A_267 : vector<16x16xi1>, vector<16x16xi32>
    %reduce_sum3A_269 = arith.constant dense<0> : vector<16xi32>
    %reduce_sum3A_270 = vector.multi_reduction <add>, %select_n3A_268, %reduce_sum3A_269 [1] : vector<16x16xi32> to vector<16xi32>
    %broadcast_in_dim3A_271 = vector.shape_cast %reduce_sum3A_270 : vector<16xi32> to vector<16x1xi32>
    %swap3A_272 = arith.constant 0 : index
    %swap3A_273 = arith.constant 3 : index
    %swap3A_274 = vector.load %arg2[%swap3A_272, %swap3A_273] : memref<16x16xi32, #tpu.memory_space<vmem>>, vector<16x1xi32>
    tpu.vector_store %arg2[%swap3A_272, %swap3A_273], %broadcast_in_dim3A_271 {strides = array<i32>} : memref<16x16xi32, #tpu.memory_space<vmem>>, vector<16x1xi32>,
    %eq3A_275 = arith.constant 4 : i32
    %eq3A_276 = vector.broadcast %eq3A_275 : i32 to vector<16x16xi32>
    %eq3A_277 = arith.cmpi eq, %add3A_193, %eq3A_276 : vector<16x16xi32>
    %jit3A_278 = arith.constant 0.000000e+00 : f32
    %broadcast_in_dim3A_279 = vector.broadcast %jit3A_278 : f32 to vector<16x16xf32>
    %select_n3A_280 = arith.select %eq3A_277, %div3A_6, %broadcast_in_dim3A_279 : vector<16x16xi1>, vector<16x16xf32>
    %reduce_sum3A_281 = arith.constant dense<0.000000e+00> : vector<16xf32>
    %reduce_sum3A_282 = vector.multi_reduction <add>, %select_n3A_280, %reduce_sum3A_281 [1] : vector<16x16xf32> to vector<16xf32>
    %broadcast_in_dim3A_283 = vector.shape_cast %reduce_sum3A_282 : vector<16xf32> to vector<16x1xf32>
    %swap3A_284 = arith.constant 0 : index
    %swap3A_285 = arith.constant 4 : index
    %swap3A_286 = vector.load %arg1[%swap3A_284, %swap3A_285] : memref<16x16xf32, #tpu.memory_space<vmem>>, vector<16x1xf32>
    tpu.vector_store %arg1[%swap3A_284, %swap3A_285], %broadcast_in_dim3A_283 {strides = array<i32>} : memref<16x16xf32, #tpu.memory_space<vmem>>, vector<16x1xf32>,
    %jit3A_287 = arith.constant 0 : i32
    %broadcast_in_dim3A_288 = vector.broadcast %jit3A_287 : i32 to vector<16x16xi32>
    %select_n3A_289 = arith.select %eq3A_277, %iota3A, %broadcast_in_dim3A_288 : vector<16x16xi1>, vector<16x16xi32>
    %reduce_sum3A_290 = arith.constant dense<0> : vector<16xi32>
    %reduce_sum3A_291 = vector.multi_reduction <add>, %select_n3A_289, %reduce_sum3A_290 [1] : vector<16x16xi32> to vector<16xi32>
    %broadcast_in_dim3A_292 = vector.shape_cast %reduce_sum3A_291 : vector<16xi32> to vector<16x1xi32>
    %swap3A_293 = arith.constant 0 : index
    %swap3A_294 = arith.constant 4 : index
    %swap3A_295 = vector.load %arg2[%swap3A_293, %swap3A_294] : memref<16x16xi32, #tpu.memory_space<vmem>>, vector<16x1xi32>
    tpu.vector_store %arg2[%swap3A_293, %swap3A_294], %broadcast_in_dim3A_292 {strides = array<i32>} : memref<16x16xi32, #tpu.memory_space<vmem>>, vector<16x1xi32>,
    %eq3A_296 = arith.constant 5 : i32
    %eq3A_297 = vector.broadcast %eq3A_296 : i32 to vector<16x16xi32>
    %eq3A_298 = arith.cmpi eq, %add3A_193, %eq3A_297 : vector<16x16xi32>
    %jit3A_299 = arith.constant 0.000000e+00 : f32
    %broadcast_in_dim3A_300 = vector.broadcast %jit3A_299 : f32 to vector<16x16xf32>
    %select_n3A_301 = arith.select %eq3A_298, %div3A_6, %broadcast_in_dim3A_300 : vector<16x16xi1>, vector<16x16xf32>
    %reduce_sum3A_302 = arith.constant dense<0.000000e+00> : vector<16xf32>
    %reduce_sum3A_303 = vector.multi_reduction <add>, %select_n3A_301, %reduce_sum3A_302 [1] : vector<16x16xf32> to vector<16xf32>
    %broadcast_in_dim3A_304 = vector.shape_cast %reduce_sum3A_303 : vector<16xf32> to vector<16x1xf32>
    %swap3A_305 = arith.constant 0 : index
    %swap3A_306 = arith.constant 5 : index
    %swap3A_307 = vector.load %arg1[%swap3A_305, %swap3A_306] : memref<16x16xf32, #tpu.memory_space<vmem>>, vector<16x1xf32>
    tpu.vector_store %arg1[%swap3A_305, %swap3A_306], %broadcast_in_dim3A_304 {strides = array<i32>} : memref<16x16xf32, #tpu.memory_space<vmem>>, vector<16x1xf32>,
    %jit3A_308 = arith.constant 0 : i32
    %broadcast_in_dim3A_309 = vector.broadcast %jit3A_308 : i32 to vector<16x16xi32>
    %select_n3A_310 = arith.select %eq3A_298, %iota3A, %broadcast_in_dim3A_309 : vector<16x16xi1>, vector<16x16xi32>
    %reduce_sum3A_311 = arith.constant dense<0> : vector<16xi32>
    %reduce_sum3A_312 = vector.multi_reduction <add>, %select_n3A_310, %reduce_sum3A_311 [1] : vector<16x16xi32> to vector<16xi32>
    %broadcast_in_dim3A_313 = vector.shape_cast %reduce_sum3A_312 : vector<16xi32> to vector<16x1xi32>
    %swap3A_314 = arith.constant 0 : index
    %swap3A_315 = arith.constant 5 : index
    %swap3A_316 = vector.load %arg2[%swap3A_314, %swap3A_315] : memref<16x16xi32, #tpu.memory_space<vmem>>, vector<16x1xi32>
    tpu.vector_store %arg2[%swap3A_314, %swap3A_315], %broadcast_in_dim3A_313 {strides = array<i32>} : memref<16x16xi32, #tpu.memory_space<vmem>>, vector<16x1xi32>,
    %eq3A_317 = arith.constant 6 : i32
    %eq3A_318 = vector.broadcast %eq3A_317 : i32 to vector<16x16xi32>
    %eq3A_319 = arith.cmpi eq, %add3A_193, %eq3A_318 : vector<16x16xi32>
    %jit3A_320 = arith.constant 0.000000e+00 : f32
    %broadcast_in_dim3A_321 = vector.broadcast %jit3A_320 : f32 to vector<16x16xf32>
    %select_n3A_322 = arith.select %eq3A_319, %div3A_6, %broadcast_in_dim3A_321 : vector<16x16xi1>, vector<16x16xf32>
    %reduce_sum3A_323 = arith.constant dense<0.000000e+00> : vector<16xf32>
    %reduce_sum3A_324 = vector.multi_reduction <add>, %select_n3A_322, %reduce_sum3A_323 [1] : vector<16x16xf32> to vector<16xf32>
    %broadcast_in_dim3A_325 = vector.shape_cast %reduce_sum3A_324 : vector<16xf32> to vector<16x1xf32>
    %swap3A_326 = arith.constant 0 : index
    %swap3A_327 = arith.constant 6 : index
    %swap3A_328 = vector.load %arg1[%swap3A_326, %swap3A_327] : memref<16x16xf32, #tpu.memory_space<vmem>>, vector<16x1xf32>
    tpu.vector_store %arg1[%swap3A_326, %swap3A_327], %broadcast_in_dim3A_325 {strides = array<i32>} : memref<16x16xf32, #tpu.memory_space<vmem>>, vector<16x1xf32>,
    %jit3A_329 = arith.constant 0 : i32
    %broadcast_in_dim3A_330 = vector.broadcast %jit3A_329 : i32 to vector<16x16xi32>
    %select_n3A_331 = arith.select %eq3A_319, %iota3A, %broadcast_in_dim3A_330 : vector<16x16xi1>, vector<16x16xi32>
    %reduce_sum3A_332 = arith.constant dense<0> : vector<16xi32>
    %reduce_sum3A_333 = vector.multi_reduction <add>, %select_n3A_331, %reduce_sum3A_332 [1] : vector<16x16xi32> to vector<16xi32>
    %broadcast_in_dim3A_334 = vector.shape_cast %reduce_sum3A_333 : vector<16xi32> to vector<16x1xi32>
    %swap3A_335 = arith.constant 0 : index
    %swap3A_336 = arith.constant 6 : index
    %swap3A_337 = vector.load %arg2[%swap3A_335, %swap3A_336] : memref<16x16xi32, #tpu.memory_space<vmem>>, vector<16x1xi32>
    tpu.vector_store %arg2[%swap3A_335, %swap3A_336], %broadcast_in_dim3A_334 {strides = array<i32>} : memref<16x16xi32, #tpu.memory_space<vmem>>, vector<16x1xi32>,
    %eq3A_338 = arith.constant 7 : i32
    %eq3A_339 = vector.broadcast %eq3A_338 : i32 to vector<16x16xi32>
    %eq3A_340 = arith.cmpi eq, %add3A_193, %eq3A_339 : vector<16x16xi32>
    %jit3A_341 = arith.constant 0.000000e+00 : f32
    %broadcast_in_dim3A_342 = vector.broadcast %jit3A_341 : f32 to vector<16x16xf32>
    %select_n3A_343 = arith.select %eq3A_340, %div3A_6, %broadcast_in_dim3A_342 : vector<16x16xi1>, vector<16x16xf32>
    %reduce_sum3A_344 = arith.constant dense<0.000000e+00> : vector<16xf32>
    %reduce_sum3A_345 = vector.multi_reduction <add>, %select_n3A_343, %reduce_sum3A_344 [1] : vector<16x16xf32> to vector<16xf32>
    %broadcast_in_dim3A_346 = vector.shape_cast %reduce_sum3A_345 : vector<16xf32> to vector<16x1xf32>
    %swap3A_347 = arith.constant 0 : index
    %swap3A_348 = arith.constant 7 : index
    %swap3A_349 = vector.load %arg1[%swap3A_347, %swap3A_348] : memref<16x16xf32, #tpu.memory_space<vmem>>, vector<16x1xf32>
    tpu.vector_store %arg1[%swap3A_347, %swap3A_348], %broadcast_in_dim3A_346 {strides = array<i32>} : memref<16x16xf32, #tpu.memory_space<vmem>>, vector<16x1xf32>,
    %jit3A_350 = arith.constant 0 : i32
    %broadcast_in_dim3A_351 = vector.broadcast %jit3A_350 : i32 to vector<16x16xi32>
    %select_n3A_352 = arith.select %eq3A_340, %iota3A, %broadcast_in_dim3A_351 : vector<16x16xi1>, vector<16x16xi32>
    %reduce_sum3A_353 = arith.constant dense<0> : vector<16xi32>
    %reduce_sum3A_354 = vector.multi_reduction <add>, %select_n3A_352, %reduce_sum3A_353 [1] : vector<16x16xi32> to vector<16xi32>
    %broadcast_in_dim3A_355 = vector.shape_cast %reduce_sum3A_354 : vector<16xi32> to vector<16x1xi32>
    %swap3A_356 = arith.constant 0 : index
    %swap3A_357 = arith.constant 7 : index
    %swap3A_358 = vector.load %arg2[%swap3A_356, %swap3A_357] : memref<16x16xi32, #tpu.memory_space<vmem>>, vector<16x1xi32>
    tpu.vector_store %arg2[%swap3A_356, %swap3A_357], %broadcast_in_dim3A_355 {strides = array<i32>} : memref<16x16xi32, #tpu.memory_space<vmem>>, vector<16x1xi32>,
    %eq3A_359 = arith.constant 8 : i32
    %eq3A_360 = vector.broadcast %eq3A_359 : i32 to vector<16x16xi32>
    %eq3A_361 = arith.cmpi eq, %add3A_193, %eq3A_360 : vector<16x16xi32>
    %jit3A_362 = arith.constant 0.000000e+00 : f32
    %broadcast_in_dim3A_363 = vector.broadcast %jit3A_362 : f32 to vector<16x16xf32>
    %select_n3A_364 = arith.select %eq3A_361, %div3A_6, %broadcast_in_dim3A_363 : vector<16x16xi1>, vector<16x16xf32>
    %reduce_sum3A_365 = arith.constant dense<0.000000e+00> : vector<16xf32>
    %reduce_sum3A_366 = vector.multi_reduction <add>, %select_n3A_364, %reduce_sum3A_365 [1] : vector<16x16xf32> to vector<16xf32>
    %broadcast_in_dim3A_367 = vector.shape_cast %reduce_sum3A_366 : vector<16xf32> to vector<16x1xf32>
    %swap3A_368 = arith.constant 0 : index
    %swap3A_369 = arith.constant 8 : index
    %swap3A_370 = vector.load %arg1[%swap3A_368, %swap3A_369] : memref<16x16xf32, #tpu.memory_space<vmem>>, vector<16x1xf32>
    tpu.vector_store %arg1[%swap3A_368, %swap3A_369], %broadcast_in_dim3A_367 {strides = array<i32>} : memref<16x16xf32, #tpu.memory_space<vmem>>, vector<16x1xf32>,
    %jit3A_371 = arith.constant 0 : i32
    %broadcast_in_dim3A_372 = vector.broadcast %jit3A_371 : i32 to vector<16x16xi32>
    %select_n3A_373 = arith.select %eq3A_361, %iota3A, %broadcast_in_dim3A_372 : vector<16x16xi1>, vector<16x16xi32>
    %reduce_sum3A_374 = arith.constant dense<0> : vector<16xi32>
    %reduce_sum3A_375 = vector.multi_reduction <add>, %select_n3A_373, %reduce_sum3A_374 [1] : vector<16x16xi32> to vector<16xi32>
    %broadcast_in_dim3A_376 = vector.shape_cast %reduce_sum3A_375 : vector<16xi32> to vector<16x1xi32>
    %swap3A_377 = arith.constant 0 : index
    %swap3A_378 = arith.constant 8 : index
    %swap3A_379 = vector.load %arg2[%swap3A_377, %swap3A_378] : memref<16x16xi32, #tpu.memory_space<vmem>>, vector<16x1xi32>
    tpu.vector_store %arg2[%swap3A_377, %swap3A_378], %broadcast_in_dim3A_376 {strides = array<i32>} : memref<16x16xi32, #tpu.memory_space<vmem>>, vector<16x1xi32>,
    %eq3A_380 = arith.constant 9 : i32
    %eq3A_381 = vector.broadcast %eq3A_380 : i32 to vector<16x16xi32>
    %eq3A_382 = arith.cmpi eq, %add3A_193, %eq3A_381 : vector<16x16xi32>
    %jit3A_383 = arith.constant 0.000000e+00 : f32
    %broadcast_in_dim3A_384 = vector.broadcast %jit3A_383 : f32 to vector<16x16xf32>
    %select_n3A_385 = arith.select %eq3A_382, %div3A_6, %broadcast_in_dim3A_384 : vector<16x16xi1>, vector<16x16xf32>
    %reduce_sum3A_386 = arith.constant dense<0.000000e+00> : vector<16xf32>
    %reduce_sum3A_387 = vector.multi_reduction <add>, %select_n3A_385, %reduce_sum3A_386 [1] : vector<16x16xf32> to vector<16xf32>
    %broadcast_in_dim3A_388 = vector.shape_cast %reduce_sum3A_387 : vector<16xf32> to vector<16x1xf32>
    %swap3A_389 = arith.constant 0 : index
    %swap3A_390 = arith.constant 9 : index
    %swap3A_391 = vector.load %arg1[%swap3A_389, %swap3A_390] : memref<16x16xf32, #tpu.memory_space<vmem>>, vector<16x1xf32>
    tpu.vector_store %arg1[%swap3A_389, %swap3A_390], %broadcast_in_dim3A_388 {strides = array<i32>} : memref<16x16xf32, #tpu.memory_space<vmem>>, vector<16x1xf32>,
    %jit3A_392 = arith.constant 0 : i32
    %broadcast_in_dim3A_393 = vector.broadcast %jit3A_392 : i32 to vector<16x16xi32>
    %select_n3A_394 = arith.select %eq3A_382, %iota3A, %broadcast_in_dim3A_393 : vector<16x16xi1>, vector<16x16xi32>
    %reduce_sum3A_395 = arith.constant dense<0> : vector<16xi32>
    %reduce_sum3A_396 = vector.multi_reduction <add>, %select_n3A_394, %reduce_sum3A_395 [1] : vector<16x16xi32> to vector<16xi32>
    %broadcast_in_dim3A_397 = vector.shape_cast %reduce_sum3A_396 : vector<16xi32> to vector<16x1xi32>
    %swap3A_398 = arith.constant 0 : index
    %swap3A_399 = arith.constant 9 : index
    %swap3A_400 = vector.load %arg2[%swap3A_398, %swap3A_399] : memref<16x16xi32, #tpu.memory_space<vmem>>, vector<16x1xi32>
    tpu.vector_store %arg2[%swap3A_398, %swap3A_399], %broadcast_in_dim3A_397 {strides = array<i32>} : memref<16x16xi32, #tpu.memory_space<vmem>>, vector<16x1xi32>,
    %eq3A_401 = arith.constant 10 : i32
    %eq3A_402 = vector.broadcast %eq3A_401 : i32 to vector<16x16xi32>
    %eq3A_403 = arith.cmpi eq, %add3A_193, %eq3A_402 : vector<16x16xi32>
    %jit3A_404 = arith.constant 0.000000e+00 : f32
    %broadcast_in_dim3A_405 = vector.broadcast %jit3A_404 : f32 to vector<16x16xf32>
    %select_n3A_406 = arith.select %eq3A_403, %div3A_6, %broadcast_in_dim3A_405 : vector<16x16xi1>, vector<16x16xf32>
    %reduce_sum3A_407 = arith.constant dense<0.000000e+00> : vector<16xf32>
    %reduce_sum3A_408 = vector.multi_reduction <add>, %select_n3A_406, %reduce_sum3A_407 [1] : vector<16x16xf32> to vector<16xf32>
    %broadcast_in_dim3A_409 = vector.shape_cast %reduce_sum3A_408 : vector<16xf32> to vector<16x1xf32>
    %swap3A_410 = arith.constant 0 : index
    %swap3A_411 = arith.constant 10 : index
    %swap3A_412 = vector.load %arg1[%swap3A_410, %swap3A_411] : memref<16x16xf32, #tpu.memory_space<vmem>>, vector<16x1xf32>
    tpu.vector_store %arg1[%swap3A_410, %swap3A_411], %broadcast_in_dim3A_409 {strides = array<i32>} : memref<16x16xf32, #tpu.memory_space<vmem>>, vector<16x1xf32>,
    %jit3A_413 = arith.constant 0 : i32
    %broadcast_in_dim3A_414 = vector.broadcast %jit3A_413 : i32 to vector<16x16xi32>
    %select_n3A_415 = arith.select %eq3A_403, %iota3A, %broadcast_in_dim3A_414 : vector<16x16xi1>, vector<16x16xi32>
    %reduce_sum3A_416 = arith.constant dense<0> : vector<16xi32>
    %reduce_sum3A_417 = vector.multi_reduction <add>, %select_n3A_415, %reduce_sum3A_416 [1] : vector<16x16xi32> to vector<16xi32>
    %broadcast_in_dim3A_418 = vector.shape_cast %reduce_sum3A_417 : vector<16xi32> to vector<16x1xi32>
    %swap3A_419 = arith.constant 0 : index
    %swap3A_420 = arith.constant 10 : index
    %swap3A_421 = vector.load %arg2[%swap3A_419, %swap3A_420] : memref<16x16xi32, #tpu.memory_space<vmem>>, vector<16x1xi32>
    tpu.vector_store %arg2[%swap3A_419, %swap3A_420], %broadcast_in_dim3A_418 {strides = array<i32>} : memref<16x16xi32, #tpu.memory_space<vmem>>, vector<16x1xi32>,
    %eq3A_422 = arith.constant 11 : i32
    %eq3A_423 = vector.broadcast %eq3A_422 : i32 to vector<16x16xi32>
    %eq3A_424 = arith.cmpi eq, %add3A_193, %eq3A_423 : vector<16x16xi32>
    %jit3A_425 = arith.constant 0.000000e+00 : f32
    %broadcast_in_dim3A_426 = vector.broadcast %jit3A_425 : f32 to vector<16x16xf32>
    %select_n3A_427 = arith.select %eq3A_424, %div3A_6, %broadcast_in_dim3A_426 : vector<16x16xi1>, vector<16x16xf32>
    %reduce_sum3A_428 = arith.constant dense<0.000000e+00> : vector<16xf32>
    %reduce_sum3A_429 = vector.multi_reduction <add>, %select_n3A_427, %reduce_sum3A_428 [1] : vector<16x16xf32> to vector<16xf32>
    %broadcast_in_dim3A_430 = vector.shape_cast %reduce_sum3A_429 : vector<16xf32> to vector<16x1xf32>
    %swap3A_431 = arith.constant 0 : index
    %swap3A_432 = arith.constant 11 : index
    %swap3A_433 = vector.load %arg1[%swap3A_431, %swap3A_432] : memref<16x16xf32, #tpu.memory_space<vmem>>, vector<16x1xf32>
    tpu.vector_store %arg1[%swap3A_431, %swap3A_432], %broadcast_in_dim3A_430 {strides = array<i32>} : memref<16x16xf32, #tpu.memory_space<vmem>>, vector<16x1xf32>,
    %jit3A_434 = arith.constant 0 : i32
    %broadcast_in_dim3A_435 = vector.broadcast %jit3A_434 : i32 to vector<16x16xi32>
    %select_n3A_436 = arith.select %eq3A_424, %iota3A, %broadcast_in_dim3A_435 : vector<16x16xi1>, vector<16x16xi32>
    %reduce_sum3A_437 = arith.constant dense<0> : vector<16xi32>
    %reduce_sum3A_438 = vector.multi_reduction <add>, %select_n3A_436, %reduce_sum3A_437 [1] : vector<16x16xi32> to vector<16xi32>
    %broadcast_in_dim3A_439 = vector.shape_cast %reduce_sum3A_438 : vector<16xi32> to vector<16x1xi32>
    %swap3A_440 = arith.constant 0 : index
    %swap3A_441 = arith.constant 11 : index
    %swap3A_442 = vector.load %arg2[%swap3A_440, %swap3A_441] : memref<16x16xi32, #tpu.memory_space<vmem>>, vector<16x1xi32>
    tpu.vector_store %arg2[%swap3A_440, %swap3A_441], %broadcast_in_dim3A_439 {strides = array<i32>} : memref<16x16xi32, #tpu.memory_space<vmem>>, vector<16x1xi32>,
    %eq3A_443 = arith.constant 12 : i32
    %eq3A_444 = vector.broadcast %eq3A_443 : i32 to vector<16x16xi32>
    %eq3A_445 = arith.cmpi eq, %add3A_193, %eq3A_444 : vector<16x16xi32>
    %jit3A_446 = arith.constant 0.000000e+00 : f32
    %broadcast_in_dim3A_447 = vector.broadcast %jit3A_446 : f32 to vector<16x16xf32>
    %select_n3A_448 = arith.select %eq3A_445, %div3A_6, %broadcast_in_dim3A_447 : vector<16x16xi1>, vector<16x16xf32>
    %reduce_sum3A_449 = arith.constant dense<0.000000e+00> : vector<16xf32>
    %reduce_sum3A_450 = vector.multi_reduction <add>, %select_n3A_448, %reduce_sum3A_449 [1] : vector<16x16xf32> to vector<16xf32>
    %broadcast_in_dim3A_451 = vector.shape_cast %reduce_sum3A_450 : vector<16xf32> to vector<16x1xf32>
    %swap3A_452 = arith.constant 0 : index
    %swap3A_453 = arith.constant 12 : index
    %swap3A_454 = vector.load %arg1[%swap3A_452, %swap3A_453] : memref<16x16xf32, #tpu.memory_space<vmem>>, vector<16x1xf32>
    tpu.vector_store %arg1[%swap3A_452, %swap3A_453], %broadcast_in_dim3A_451 {strides = array<i32>} : memref<16x16xf32, #tpu.memory_space<vmem>>, vector<16x1xf32>,
    %jit3A_455 = arith.constant 0 : i32
    %broadcast_in_dim3A_456 = vector.broadcast %jit3A_455 : i32 to vector<16x16xi32>
    %select_n3A_457 = arith.select %eq3A_445, %iota3A, %broadcast_in_dim3A_456 : vector<16x16xi1>, vector<16x16xi32>
    %reduce_sum3A_458 = arith.constant dense<0> : vector<16xi32>
    %reduce_sum3A_459 = vector.multi_reduction <add>, %select_n3A_457, %reduce_sum3A_458 [1] : vector<16x16xi32> to vector<16xi32>
    %broadcast_in_dim3A_460 = vector.shape_cast %reduce_sum3A_459 : vector<16xi32> to vector<16x1xi32>
    %swap3A_461 = arith.constant 0 : index
    %swap3A_462 = arith.constant 12 : index
    %swap3A_463 = vector.load %arg2[%swap3A_461, %swap3A_462] : memref<16x16xi32, #tpu.memory_space<vmem>>, vector<16x1xi32>
    tpu.vector_store %arg2[%swap3A_461, %swap3A_462], %broadcast_in_dim3A_460 {strides = array<i32>} : memref<16x16xi32, #tpu.memory_space<vmem>>, vector<16x1xi32>,
    %eq3A_464 = arith.constant 13 : i32
    %eq3A_465 = vector.broadcast %eq3A_464 : i32 to vector<16x16xi32>
    %eq3A_466 = arith.cmpi eq, %add3A_193, %eq3A_465 : vector<16x16xi32>
    %jit3A_467 = arith.constant 0.000000e+00 : f32
    %broadcast_in_dim3A_468 = vector.broadcast %jit3A_467 : f32 to vector<16x16xf32>
    %select_n3A_469 = arith.select %eq3A_466, %div3A_6, %broadcast_in_dim3A_468 : vector<16x16xi1>, vector<16x16xf32>
    %reduce_sum3A_470 = arith.constant dense<0.000000e+00> : vector<16xf32>
    %reduce_sum3A_471 = vector.multi_reduction <add>, %select_n3A_469, %reduce_sum3A_470 [1] : vector<16x16xf32> to vector<16xf32>
    %broadcast_in_dim3A_472 = vector.shape_cast %reduce_sum3A_471 : vector<16xf32> to vector<16x1xf32>
    %swap3A_473 = arith.constant 0 : index
    %swap3A_474 = arith.constant 13 : index
    %swap3A_475 = vector.load %arg1[%swap3A_473, %swap3A_474] : memref<16x16xf32, #tpu.memory_space<vmem>>, vector<16x1xf32>
    tpu.vector_store %arg1[%swap3A_473, %swap3A_474], %broadcast_in_dim3A_472 {strides = array<i32>} : memref<16x16xf32, #tpu.memory_space<vmem>>, vector<16x1xf32>,
    %jit3A_476 = arith.constant 0 : i32
    %broadcast_in_dim3A_477 = vector.broadcast %jit3A_476 : i32 to vector<16x16xi32>
    %select_n3A_478 = arith.select %eq3A_466, %iota3A, %broadcast_in_dim3A_477 : vector<16x16xi1>, vector<16x16xi32>
    %reduce_sum3A_479 = arith.constant dense<0> : vector<16xi32>
    %reduce_sum3A_480 = vector.multi_reduction <add>, %select_n3A_478, %reduce_sum3A_479 [1] : vector<16x16xi32> to vector<16xi32>
    %broadcast_in_dim3A_481 = vector.shape_cast %reduce_sum3A_480 : vector<16xi32> to vector<16x1xi32>
    %swap3A_482 = arith.constant 0 : index
    %swap3A_483 = arith.constant 13 : index
    %swap3A_484 = vector.load %arg2[%swap3A_482, %swap3A_483] : memref<16x16xi32, #tpu.memory_space<vmem>>, vector<16x1xi32>
    tpu.vector_store %arg2[%swap3A_482, %swap3A_483], %broadcast_in_dim3A_481 {strides = array<i32>} : memref<16x16xi32, #tpu.memory_space<vmem>>, vector<16x1xi32>,
    %eq3A_485 = arith.constant 14 : i32
    %eq3A_486 = vector.broadcast %eq3A_485 : i32 to vector<16x16xi32>
    %eq3A_487 = arith.cmpi eq, %add3A_193, %eq3A_486 : vector<16x16xi32>
    %jit3A_488 = arith.constant 0.000000e+00 : f32
    %broadcast_in_dim3A_489 = vector.broadcast %jit3A_488 : f32 to vector<16x16xf32>
    %select_n3A_490 = arith.select %eq3A_487, %div3A_6, %broadcast_in_dim3A_489 : vector<16x16xi1>, vector<16x16xf32>
    %reduce_sum3A_491 = arith.constant dense<0.000000e+00> : vector<16xf32>
    %reduce_sum3A_492 = vector.multi_reduction <add>, %select_n3A_490, %reduce_sum3A_491 [1] : vector<16x16xf32> to vector<16xf32>
    %broadcast_in_dim3A_493 = vector.shape_cast %reduce_sum3A_492 : vector<16xf32> to vector<16x1xf32>
    %swap3A_494 = arith.constant 0 : index
    %swap3A_495 = arith.constant 14 : index
    %swap3A_496 = vector.load %arg1[%swap3A_494, %swap3A_495] : memref<16x16xf32, #tpu.memory_space<vmem>>, vector<16x1xf32>
    tpu.vector_store %arg1[%swap3A_494, %swap3A_495], %broadcast_in_dim3A_493 {strides = array<i32>} : memref<16x16xf32, #tpu.memory_space<vmem>>, vector<16x1xf32>,
    %jit3A_497 = arith.constant 0 : i32
    %broadcast_in_dim3A_498 = vector.broadcast %jit3A_497 : i32 to vector<16x16xi32>
    %select_n3A_499 = arith.select %eq3A_487, %iota3A, %broadcast_in_dim3A_498 : vector<16x16xi1>, vector<16x16xi32>
    %reduce_sum3A_500 = arith.constant dense<0> : vector<16xi32>
    %reduce_sum3A_501 = vector.multi_reduction <add>, %select_n3A_499, %reduce_sum3A_500 [1] : vector<16x16xi32> to vector<16xi32>
    %broadcast_in_dim3A_502 = vector.shape_cast %reduce_sum3A_501 : vector<16xi32> to vector<16x1xi32>
    %swap3A_503 = arith.constant 0 : index
    %swap3A_504 = arith.constant 14 : index
    %swap3A_505 = vector.load %arg2[%swap3A_503, %swap3A_504] : memref<16x16xi32, #tpu.memory_space<vmem>>, vector<16x1xi32>
    tpu.vector_store %arg2[%swap3A_503, %swap3A_504], %broadcast_in_dim3A_502 {strides = array<i32>} : memref<16x16xi32, #tpu.memory_space<vmem>>, vector<16x1xi32>,
    %eq3A_506 = arith.constant 15 : i32
    %eq3A_507 = vector.broadcast %eq3A_506 : i32 to vector<16x16xi32>
    %eq3A_508 = arith.cmpi eq, %add3A_193, %eq3A_507 : vector<16x16xi32>
    %jit3A_509 = arith.constant 0.000000e+00 : f32
    %broadcast_in_dim3A_510 = vector.broadcast %jit3A_509 : f32 to vector<16x16xf32>
    %select_n3A_511 = arith.select %eq3A_508, %div3A_6, %broadcast_in_dim3A_510 : vector<16x16xi1>, vector<16x16xf32>
    %reduce_sum3A_512 = arith.constant dense<0.000000e+00> : vector<16xf32>
    %reduce_sum3A_513 = vector.multi_reduction <add>, %select_n3A_511, %reduce_sum3A_512 [1] : vector<16x16xf32> to vector<16xf32>
    %broadcast_in_dim3A_514 = vector.shape_cast %reduce_sum3A_513 : vector<16xf32> to vector<16x1xf32>
    %swap3A_515 = arith.constant 0 : index
    %swap3A_516 = arith.constant 15 : index
    %swap3A_517 = vector.load %arg1[%swap3A_515, %swap3A_516] : memref<16x16xf32, #tpu.memory_space<vmem>>, vector<16x1xf32>
    tpu.vector_store %arg1[%swap3A_515, %swap3A_516], %broadcast_in_dim3A_514 {strides = array<i32>} : memref<16x16xf32, #tpu.memory_space<vmem>>, vector<16x1xf32>,
    %jit3A_518 = arith.constant 0 : i32
    %broadcast_in_dim3A_519 = vector.broadcast %jit3A_518 : i32 to vector<16x16xi32>
    %select_n3A_520 = arith.select %eq3A_508, %iota3A, %broadcast_in_dim3A_519 : vector<16x16xi1>, vector<16x16xi32>
    %reduce_sum3A_521 = arith.constant dense<0> : vector<16xi32>
    %reduce_sum3A_522 = vector.multi_reduction <add>, %select_n3A_520, %reduce_sum3A_521 [1] : vector<16x16xi32> to vector<16xi32>
    %broadcast_in_dim3A_523 = vector.shape_cast %reduce_sum3A_522 : vector<16xi32> to vector<16x1xi32>
    %swap3A_524 = arith.constant 0 : index
    %swap3A_525 = arith.constant 15 : index
    %swap3A_526 = vector.load %arg2[%swap3A_524, %swap3A_525] : memref<16x16xi32, #tpu.memory_space<vmem>>, vector<16x1xi32>
    tpu.vector_store %arg2[%swap3A_524, %swap3A_525], %broadcast_in_dim3A_523 {strides = array<i32>} : memref<16x16xi32, #tpu.memory_space<vmem>>, vector<16x1xi32>,
    return
  }
}

</mosaic_0001>

<sc_bundles>
// kernel: kernel.6.cloned.1.call-start
scs
__scs_entry_jumppad:
0x0: {  	(pc) =	sbr.rel $0x88, $3  }
0x1: {  	(tag) =	ssettag $0x0;
	lr =	simm.s32 $0x1  }
0x2: {  	[smem:$0x3F96] =	sst lr;
	_ =	strace $0xD0000000  }
0x3: {  	_ = 	snop  }
0x4: {  	_ = 	snop  }
0x5: {  	_ = 	snop  }
0x6: {  	_ = 	snop  }
0x7: {  	_ = 	snop  }
__scs_overlays_trampoline_lowered:
0x8: {  	[smem:$0x3FA5] =	sst s0  }
0x9: {  	[smem:$0x3FA6] =	sst s1  }
0xa: {  	[smem:$0x3FA7] =	sst s2  }
0xb: {  	[smem:$0x3FA8] =	sst s3  }
0xc: {  	[smem:$0x3FA9] =	sst s4  }
0xd: {  	[smem:$0x3FAA] =	sst s5  }
0xe: {  	[smem:$0x3FAB] =	sst s6  }
0xf: {  	[smem:$0x3FAC] =	sst s7  }
0x10: {  	[smem:$0x3FAD] =	sst s8  }
0x11: {  	[smem:$0x3FAE] =	sst s9;
	s0 =	simm.s32 @!p0 $0x0  }
0x12: {  	s1 =	sld [smem:$0x3F94];
	s0 =	simm.s32 @p0 $0x1  }
0x13: {  	[smem:$0x3FAF] =	sst s0;
	s0 =	simm.s32 @!p1 $0x0  }
0x14: {  	s2 =	sld [smem:$0x3F93];
	s0 =	simm.s32 @p1 $0x1  }
0x15: {  	[smem:$0x3FB0] =	sst s0;
	s0 =	simm.s32 @!p2 $0x0  }
0x16: {  	s3 =	sld [smem:$0x3FDB];
	s0 =	simm.s32 @p2 $0x1  }
0x17: {  	s4 =	simm.s32 $0x1BF5;
	[smem:$0x3FB2] =	sst s0  }
0x18: {  	s0 =	sld [smem:$0x3F95];
	_ =	swait.ge [sflag:s4], $0x0  }
0x19: {  	s7 =	sld [smem:$0x3F96]  }
0x1a: {  	s8 =	sadd.s32 $0xFFFFE003, lr  }
0x1b: {  	s9 =	sadd.s32 $0xFFFFFEF7, lr;
	s5 =	simm.s32 $0xFFFFFFFF;
	p2 =	slt.u32 s8, $0xFFFFF086  }
0x1c: {  	p1 =	slt.u32 s9, $0xF7A;
	s5 =	simm.s32 @!p2 $0x0  }
0x1d: {  	s5 =	simm.s32 @p1 $0x1;
	p0 =	seq.s32 s7, s2  }
0x1e: {  	s7 =	smul.u32 @!p0 $0xF7A, s2;
	p2 =	seq.s32 @!p0 s5, $0x0  }
0x1f: {  	s9 =	smul.u32 $0xF7A, s1;
	s8 =	simm.s32 @!p0 $0x1BF5;
	p2 =	por !p2, p0  }
0x20: {  	[sflag:s8] =	ssyncset.s32 @!p0 $0xFFFFF086;
	s6 =	sadd.s32 @!p0 s3, s7;
	s7 =	simm.s32 @!p0 $0x108  }
0x21: {  	s3 =	sadd.s32 s3, s9;
	s6 =	sadd.s32 @!p0 $0x88, s6;
	s7 =	simm.s32 @p2 $0x1082  }
0x22: {  	[simem:s7], [sflag:s8] =	dma.local @!p0 [hbm:s6], $0xF7A  }
0x23: {  	s9 =	sor.u32 $0xD0000000, s2;
	s6 =	simm.s32 $0x108;
	_ =	swait.ge @!p0 [sflag:s8], $0x0  }
0x24: {  	s3 =	sadd.s32 $0x88, s3;
	s6 =	simm.s32 @!p1 $0x1082;
	[sflag:s4] =	ssyncset.s32 $0xFFFFF086  }
0x25: {  	[simem:s6], [sflag:s4] =	dma.local [hbm:s3], $0xF7A  }
0x26: {  	[smem:$0x3F96] =	sst s1;
	(tag) =	ssettag s2;
	_ =	strace s9  }
0x27: {  	s1 =	sld [smem:$0x3FA6]  }
0x28: {  	s2 =	sld [smem:$0x3FA7]  }
0x29: {  	s4 =	sld [smem:$0x3FA9]  }
0x2a: {  	p0 =	seq.s32 s5, $0x0;
	s5 =	sld [smem:$0x3FAA]  }
0x2b: {  	s6 =	sld [smem:$0x3FAB]  }
0x2c: {  	s7 =	sld [smem:$0x3FAC]  }
0x2d: {  	s3 =	simm.s32 $0x108;
	s8 =	sld [smem:$0x3FAD]  }
0x2e: {  	s3 =	simm.s32 @!p0 $0x1082;
	s9 =	sld [smem:$0x3FAE]  }
0x2f: {  	lr =	sadd.s32 s0, s3;
	s0 =	sld [smem:$0x3FA5]  }
0x30: {  	s3 =	sld [smem:$0x3FA8]  }
0x31: {  	[smem:$0x3FB1] =	sst s10  }
0x32: {  	s10 =	sld [smem:$0x3FAF];
	_ =	sdelay $0x3  }
0x33: {  	p0 =	seq.s32 s10, $0x1;
	s10 =	sld [smem:$0x3FB1];
	_ =	sdelay $0x3  }
0x34: {  	[smem:$0x3FB1] =	sst s10  }
0x35: {  	s10 =	sld [smem:$0x3FB0];
	_ =	sdelay $0x3  }
0x36: {  	p1 =	seq.s32 s10, $0x1;
	s10 =	sld [smem:$0x3FB1];
	_ =	sdelay $0x3  }
0x37: {  	[smem:$0x3FB1] =	sst s10  }
0x38: {  	s10 =	sld [smem:$0x3FB2]  }
0x39: {  	_ = 	snop;
	(pc) =	sbr.ind lr, $3  }
0x3a: {  	_ = 	snop  }
0x3b: {  	_ = 	snop  }
0x3c: {  	p2 =	seq.s32 s10, $0x1;
	s10 =	sld [smem:$0x3FB1]  }
0x3d: {  	_ =	shalt  }
0x3e: {  	_ =	shalt  }
0x3f: {  	_ =	shalt  }
0x40: {  	_ =	shalt  }
0x41: {  	_ =	shalt  }
0x42: {  	_ =	shalt  }
0x43: {  	_ =	shalt  }
0x44: {  	_ =	shalt  }
0x45: {  	_ =	shalt  }
0x46: {  	_ =	shalt  }
0x47: {  	_ =	shalt  }
0x48: {  	_ =	shalt  }
0x49: {  	_ =	shalt  }
0x4a: {  	_ =	shalt  }
0x4b: {  	_ =	shalt  }
0x4c: {  	_ =	shalt  }
0x4d: {  	_ =	shalt  }
0x4e: {  	_ =	shalt  }
0x4f: {  	_ =	shalt  }
0x50: {  	_ =	shalt  }
0x51: {  	_ =	shalt  }
0x52: {  	_ =	shalt  }
0x53: {  	_ =	shalt  }
0x54: {  	_ =	shalt  }
0x55: {  	_ =	shalt  }
0x56: {  	_ =	shalt  }
0x57: {  	_ =	shalt  }
0x58: {  	_ =	shalt  }
0x59: {  	_ =	shalt  }
0x5a: {  	_ =	shalt  }
0x5b: {  	_ =	shalt  }
0x5c: {  	_ =	shalt  }
0x5d: {  	_ =	shalt  }
0x5e: {  	_ =	shalt  }
0x5f: {  	_ =	shalt  }
0x60: {  	_ =	shalt  }
0x61: {  	_ =	shalt  }
0x62: {  	_ =	shalt  }
0x63: {  	_ =	shalt  }
0x64: {  	_ =	shalt  }
0x65: {  	_ =	shalt  }
0x66: {  	_ =	shalt  }
0x67: {  	_ =	shalt  }
0x68: {  	_ =	shalt  }
0x69: {  	_ =	shalt  }
0x6a: {  	_ =	shalt  }
0x6b: {  	_ =	shalt  }
0x6c: {  	_ =	shalt  }
0x6d: {  	_ =	shalt  }
0x6e: {  	_ =	shalt  }
0x6f: {  	_ =	shalt  }
0x70: {  	_ =	shalt  }
0x71: {  	_ =	shalt  }
0x72: {  	_ =	shalt  }
0x73: {  	_ =	shalt  }
0x74: {  	_ =	shalt  }
0x75: {  	_ =	shalt  }
0x76: {  	_ =	shalt  }
0x77: {  	_ =	shalt  }
0x78: {  	_ =	shalt  }
0x79: {  	_ =	shalt  }
0x7a: {  	_ =	shalt  }
0x7b: {  	_ =	shalt  }
0x7c: {  	_ =	shalt  }
0x7d: {  	_ =	shalt  }
0x7e: {  	_ =	shalt  }
0x7f: {  	_ =	shalt  }
0x80: {  	_ =	shalt  }
0x81: {  	_ =	shalt  }
0x82: {  	_ =	shalt  }
0x83: {  	_ =	shalt  }
0x84: {  	_ =	shalt  }
0x85: {  	_ =	shalt  }
0x86: {  	_ =	shalt  }
0x87: {  	_ =	shalt  }
.Lfunc_end0:
.L_simem_size_0:
called_computation_lowered:
.L_overlay_start_0:
0x88: {  	s2 =	sld [smem:$0x3FD9]  }
0x89: {  	s3 =	sld [smem:$0x3FFE];
	_ =	sdelay $0x1  }
0x8a: {  	s1 =	srdreg.scid  }
0x8b: {  	s0 =	sand.u32 $0x1, s1  }
0x8c: {  	s17 =	sshll.u32 s0, $0xA;
	s2 =	sadd.s32 s3, s2  }
0x8d: {  	s2 =	sadd.s32 s2, s17  }
0x8e: {  	[smem:$0x3FBD] =	sst s2  }
0x8f: {  	_ = 	snop  }
0x90: {  	s2 =	sld [smem:$0x3FC7]  }
0x91: {  	s18 =	sld [smem:$0x3FC6]  }
0x92: {  	s4 =	sld [smem:$0x3FC2];
	(tm) =	ssettm $0x1  }
0x93: {  	s5 =	sld [smem:$0x3FFB];
	_ =	sdelay $0x3  }
0x94: {  	_ =	strace s5  }
0x95: {  	s5 =	sld [smem:$0x3FFC];
	_ =	sdelay $0x3  }
0x96: {  	_ =	strace s5  }
0x97: {  	s5 =	sld [smem:$0x3FFD];
	_ =	sdelay $0x3  }
0x98: {  	_ =	strace s5  }
0x99: {  	_ =	strace $0x8FFFFFFF  }
0x9a: {  	s19 =	sld [smem:$0x3FDB];
	_ =	sdelay $0x1  }
0x9b: {  	s6 =	simm.s32 $_scs_section_size  }
0x9c: {  	s7 =	simm.s32 $_size__tile_overlayer_lowered;
	s8 =	simm.s32 $_tile_overlayer_lowered  }
0x9d: {  	s22 =	simm.s32 $0x1BFF;
	s21 =	sshll.u32 s8, $0x1;
	s5 =	sadd.s32 s6, s19  }
0x9e: {  	s9 =	simm.s32 $0x0;
	s20 =	sshll.u32 s7, $0x1;
	s7 =	sadd.s32 s21, s5  }
0x9f: {  	[timem:s9], [sflag:s22] =	dma.local [hbm:s7], s20  }
0xa0: {  	_ =	swait.ge [sflag:s22], s20  }
0xa1: {  	s6 =	ssub.s32 $0x0, s20;
	[sflag:s22] =	ssyncset.done $0x0  }
0xa2: {  	[sflag:s22] =	ssyncadd.s32 s6;
	_ =	sdelay $0x1  }
0xa3: {  	s23 =	simm.s32 $0x1B8B  }
0xa4: {  	_ =	swait.ge [sflag:s23], $0x1  }
0xa5: {  	[sflag:s23] =	ssyncset.done $0x0  }
0xa6: {  	s25 =	simm.s32 $0x1B8E;
	s24 =	sld [smem:$0x3FFE];
	[sflag:s23] =	ssyncadd.s32 $0xFFFFFFFF  }
0xa7: {  	s26 =	simm.s32 $execute0_lowered;
	[smem:$0x3FD2] =	sst s25  }
0xa8: {  	s7 =	sshll.u32 s26, $0x1;
	_ =	strace $0x80000046;
	[dreg:$0x1] =	wrdreg $0xFFFFFFFF  }
0xa9: {  	s28 =	simm.s32 $_size_execute0_lowered;
	s5 =	sadd.s32 s5, s7;
	[dreg:$0x0] =	wrdreg $0x0  }
0xaa: {  	s7 =	sshll.u32 s28, $0x1;
	[dreg:$0x2] =	wrdreg s5  }
0xab: {  	[dreg:$0x3] =	wrdreg s7  }
0xac: {  	[dreg:$0x4] =	wrdreg $0xC0  }
0xad: {  	_ =	task [dreg:s9], $0x5FFFF  }
0xae: {  	[dreg:$0x1] =	wrdreg $0xFFFFFFFF  }
0xaf: {  	[dreg:$0x0] =	wrdreg $0x60  }
0xb0: {  	[dreg:$0x2] =	wrdreg s24  }
0xb1: {  	[dreg:$0x3] =	wrdreg s4  }
0xb2: {  	[dreg:$0x4] =	wrdreg s2  }
0xb3: {  	[dreg:$0x5] =	wrdreg s18  }
0xb4: {  	[dreg:$0x6] =	wrdreg $0x9  }
0xb5: {  	_ =	task.clear_ibuf [dreg:s9], $0x7FFFF;
	_ =	strace $0x90000046  }
0xb6: {  	s29 =	simm.s32 $0x9;
	_ =	strace $0x80000048  }
0xb7: {  	_ =	swait.ge [sflag:s29], $0x1  }
0xb8: {  	[sflag:s29] =	ssyncadd.s32 $0xFFFFFFFF  }
0xb9: {  	_ =	strace $0x90000048  }
0xba: {  	_ =	sfence  }
0xbb: {  	s30 =	sld [smem:$0x0];
	_ =	sdelay $0x2  }
0xbc: {  	s31 =	sshll.u32 s1, $0xD;
	s1 =	sshrl.u32 s1, $0x2  }
0xbd: {  	s3 =	sand.u32 $0x4000, s31;
	s1 =	sadd.s32 s1, s30  }
0xbe: {  	s0 =	sor.u32 s3, s0;
	s1 =	sshll.u32 s1, $0x11  }
0xbf: {  	s0 =	sor.u32 s1, s0  }
0xc0: {  	s0 =	sadd.s32 $0x8F2B, s0  }
0xc1: {  	[sflag:s0] =	ssyncadd.remote.s32 $0x1  }
0xc2: {  	_ =	sfence.sel $0xFFFF  }
0xc3: {  	[dreg:$0x0] =	wrdreg $0xFFFFFFFF;
	(pc) =	sbr.abs _section_cstart, $3  }
0xc4: {  	[dreg:$0x1] =	wrdreg $0xFFFFFFFF  }
0xc5: {  	_ =	task.clear_ibuf [dreg:s9], $0x2FFFF;
	_ =	strace $0x9FFFFFFF  }
0xc6: {  	(tm) =	ssettm $0x7FFFFFFF  }
0xc7: {  	_ =	shalt  }
tec
execute0_lowered:
.L_overlay_start_1:
0x0: {  	(tag) =	ssettag $0x1  }
0x1: {  	s5 =	rddreg [dreg:$0x0]  }
0x2: {  	s1 =	rddreg [dreg:$0x1]  }
0x3: {  	s7 =	rddreg [dreg:$0x2]  }
0x4: {  	s6 =	rddreg [dreg:$0x3]  }
0x5: {  	s0 =	rddreg [dreg:$0x4]  }
0x6: {  	s4 =	srdreg.scid;
	s2 =	stileid.u32  }
0x7: {  	s3 =	simm.s32 $0x0;
	s8 =	sand.u32 $0x1, s4;
	s29 =	sshll.u32 s2, $0x1  }
0x8: {  	s12 =	simm.s32 $0x1;
	s13 =	simm.s32 $0x100;
	s9 =	sor.u32 s8, s29  }
0x9: {  	s15 =	simm.s32 $0x1100;
	p1 =	seq.s32 s8, $0x1;
	p0 =	seq.s32 s9, $0x0  }
0xa: {  	s16 =	simm.s32 $0x1900;
	s17 =	simm.s32 $0x2100;
	p0 =	por !p0, !p1  }
0xb: {  	s18 =	simm.s32 $0x2;
	s19 =	simm.s32 $0x2900;
	p0 =	por !p0, !p0  }
0xc: {  	[smem:$0x7FF] =	sst s3;
	s4 =	sadd.s32 $0x1A00, s5;
	s12 =	simm.s32 @!p0 $0x0  }
0xd: {  	v0 =	vlaneseq.u32;
	_ =	strace $0x80000047;
	s8 =	ssub.s32 $0x2, s8;
	s30 =	ssub.s32 s2, s12  }
0xe: {  	v62 =	vand.u32 $0x7, v0;
	s10 =	sshll.u32 s9, $0x8;
	s11 =	sshrl.u32 s8, $0x1;
	s14 =	sshll.u32 s30, $0x6  }
0xf: {  	v63 =	vshrl.u32 v0, $0x3;
	[tilespmem:$0x1FFD0] =	vst v62;
	s31 =	sshll.u32 s9, $0x2;
	s7 =	sadd.s32 s7, s9;
	s10 =	sadd.s32 s10, s5;
	v1 =	vmov s14  }
0x10: {  	v0 =	vor.u32 $0x8, v0;
	s11 =	ssub.s32 s8, s11;
	s5 =	simm.s32 $0x1;
	s6 =	sadd.s32 s6, s31;
	[tilespmem:$0x1FFC0] =	vst v1;
	v1 =	vmul.u32 $0x8, v63  }
0x11: {  	[tilespmem:$0x1FFF0] =	vst v0;
	s8 =	sadd.s32 $0x9A00, s10;
	s9 =	sadd.s32 $0xBA00, s10;
	s10 =	smax.u32 s11, $0x1  }
0x12: {  	vm0 =	vmmov $0xffff;
	s11 =	simm.s32 $0x3;
	s12 =	simm.s32 $0x80;
	s14 =	simm.s32 $0x900;
	[tilespmem:$0x1FFE0] =	vst v1  }
.LBB2_1:
0x13: {  	[tilespmem:s3], [sflag:$0x3] =	stream.linear.gather [hbm4b:s6+s3], $0x20, $0x38;
	[tilespmem:$0x3100] =	vst v63  }
0x14: {  	_ =	swait.ge [sflag:s11], $0x20  }
0x15: {  	[sflag:s11] =	ssyncset.done $0x0  }
0x16: {  	[sflag:s11] =	ssyncadd.s32 $0xFFFFFFE0  }
0x17: {  	[tilespmem:s12], [sflag:$0x3] =	stream.linear.gather [hbm4b:s7+s3], $0x8, $0x38;
	[tilespmem:$0x3100] =	vst v63  }
0x18: {  	_ =	swait.ge [sflag:s11], $0x8  }
0x19: {  	[sflag:s11] =	ssyncset.done $0x0  }
0x1a: {  	v4 =	vld [tilespmem:$0x1FFC0];
	[sflag:s11] =	ssyncadd.s32 $0xFFFFFFF8  }
0x1b: {  	v0 =	vld [tilespmem:$0x0];
	_ =	sdelay $0x3  }
0x1c: {  	v5 =	vld [tilespmem:$0x1FFD0]  }
0x1d: {  	v6 =	vld [tilespmem:$0x1FFE0];
	v1 =	vadd.s32 v4, v0  }
0x1e: {  	v7 =	vld [tilespmem:$0x1FFF0];
	v2 =	vshll.u32 v1, $0x1  }
0x1f: {  	v0 =	vand.u32 $0x7, v0;
	v2 =	vand.u32 $0xFFFFFFF0, v2  }
0x20: {  	v0 =	vor.u32 v0, v2  }
0x21: {  	v55 =	vld [tilespmem:$0x10];
	v3 =	vperm.xlane v0, v5;
	_ =	sdelay $0x1  }
0x22: {  	v0 =	vperm.xlane v0, v7;
	v3 =	vadd.s32 v6, v3;
	_ =	sdelay $0x1  }
0x23: {  	v0 =	vadd.s32 v6, v0  }
0x24: {  	v56 =	vadd.s32 v4, v55;
	[tilespmem:$0x0] =	vst v1  }
0x25: {  	[tilespmem:$0x10] =	vst v56  }
0x26: {  	[tilespmem:s13], [sflag:$0x1] =	stream.indirect_vreg.gather [hbm4b:s4+s3], $0x80, v3, vm0, $0xb8;
	[tilespmem:$0x3100] =	vst v63  }
0x27: {  	_ = 	snop  }
0x28: {  	[tilespmem:s14], [sflag:$0x1] =	stream.indirect_vreg.gather [hbm4b:s4+s3], $0x80, v0, vm0, $0xb8;
	[tilespmem:$0x3100] =	vst v63  }
0x29: {  	v0 =	vld [tilespmem:$0x10];
	_ =	sdelay $0x4  }
0x2a: {  	v57 =	vshll.u32 v0, $0x1  }
0x2b: {  	v0 =	vand.u32 $0x7, v0;
	v1 =	vand.u32 $0xFFFFFFF0, v57  }
0x2c: {  	v0 =	vor.u32 v0, v1  }
0x2d: {  	v1 =	vperm.xlane v0, v5;
	_ =	sdelay $0x1  }
0x2e: {  	v0 =	vperm.xlane v0, v7;
	v1 =	vadd.s32 v6, v1;
	_ =	sdelay $0x1  }
0x2f: {  	v0 =	vadd.s32 v6, v0;
	_ =	sdelay $0x2  }
0x30: {  	[tilespmem:s15], [sflag:$0x1] =	stream.indirect_vreg.gather [hbm4b:s4+s3], $0x80, v1, vm0, $0xb8;
	[tilespmem:$0x3100] =	vst v63  }
0x31: {  	_ = 	snop  }
0x32: {  	[tilespmem:s16], [sflag:$0x1] =	stream.indirect_vreg.gather [hbm4b:s4+s3], $0x80, v0, vm0, $0xb8;
	[tilespmem:$0x3100] =	vst v63  }
0x33: {  	_ =	swait.ge [sflag:s5], $0x2000  }
0x34: {  	[sflag:s5] =	ssyncset.done $0x0  }
0x35: {  	[sflag:s5] =	ssyncadd.s32 $0xFFFFE000  }
0x36: {  	v58 =	vld.msk [tilespmem:$0x80], $0xff;
	_ =	sdelay $0x4  }
0x37: {  	v59 =	vshll.u32 v58, $0x1  }
0x38: {  	v0 =	vand.u32 $0x7, v58;
	v1 =	vand.u32 $0xFFFFFFF0, v59  }
0x39: {  	v0 =	vor.u32 v0, v1  }
0x3a: {  	v0 =	vperm.xlane v0, v5;
	_ =	sdelay $0x1  }
0x3b: {  	v0 =	vadd.s32 v6, v0;
	_ =	sdelay $0x4  }
0x3c: {  	[tilespmem:s17], [sflag:$0x2] =	stream.indirect_vreg.gather [hbm4b:s1+s3], $0x80, v0, vm0, $0xb8;
	[tilespmem:$0x3100] =	vst v63  }
0x3d: {  	_ =	swait.ge [sflag:s18], $0x800  }
0x3e: {  	[sflag:s18] =	ssyncset.done $0x0  }
0x3f: {  	[sflag:s18] =	ssyncadd.s32 $0xFFFFF800  }
0x40: {  	v0 =	vld [tilespmem:$0x100]  }
0x41: {  	v1 =	vld [tilespmem:$0x180]  }
0x42: {  	v2 =	vld [tilespmem:$0x200]  }
0x43: {  	v3 =	vld [tilespmem:$0x280]  }
0x44: {  	v4 =	vld [tilespmem:$0x110]  }
0x45: {  	v5 =	vld [tilespmem:$0x190]  }
0x46: {  	v6 =	vld [tilespmem:$0x210]  }
0x47: {  	v27 =	vld [tilespmem:$0x290]  }
0x48: {  	v8 =	vld [tilespmem:$0x120]  }
0x49: {  	v9 =	vld [tilespmem:$0x1A0]  }
0x4a: {  	v10 =	vld [tilespmem:$0x220]  }
0x4b: {  	v11 =	vld [tilespmem:$0x2A0]  }
0x4c: {  	v12 =	vld [tilespmem:$0x130]  }
0x4d: {  	v13 =	vld [tilespmem:$0x1B0]  }
0x4e: {  	v14 =	vld [tilespmem:$0x230]  }
0x4f: {  	v15 =	vld [tilespmem:$0x2B0]  }
0x50: {  	v16 =	vld [tilespmem:$0x140]  }
0x51: {  	v17 =	vld [tilespmem:$0x1C0]  }
0x52: {  	v18 =	vld [tilespmem:$0x240]  }
0x53: {  	v19 =	vld [tilespmem:$0x2C0]  }
0x54: {  	v20 =	vld [tilespmem:$0x150]  }
0x55: {  	v21 =	vld [tilespmem:$0x1D0]  }
0x56: {  	v22 =	vld [tilespmem:$0x250]  }
0x57: {  	v43 =	vld [tilespmem:$0x2D0]  }
0x58: {  	v24 =	vld [tilespmem:$0x160]  }
0x59: {  	v25 =	vld [tilespmem:$0x1E0]  }
0x5a: {  	v26 =	vld [tilespmem:$0x260]  }
0x5b: {  	v39 =	vld [tilespmem:$0x2E0]  }
0x5c: {  	v28 =	vld [tilespmem:$0x170]  }
0x5d: {  	v29 =	vld [tilespmem:$0x1F0]  }
0x5e: {  	v30 =	vld [tilespmem:$0x270]  }
0x5f: {  	v31 =	vld [tilespmem:$0x2F0]  }
0x60: {  	v32 =	vld [tilespmem:$0x500]  }
0x61: {  	v33 =	vld [tilespmem:$0x580]  }
0x62: {  	v34 =	vld [tilespmem:$0x600]  }
0x63: {  	v35 =	vld [tilespmem:$0x680]  }
0x64: {  	v36 =	vld [tilespmem:$0x510]  }
0x65: {  	v37 =	vld [tilespmem:$0x590]  }
0x66: {  	v38 =	vld [tilespmem:$0x610]  }
0x67: {  	v54 =	vld [tilespmem:$0x690]  }
0x68: {  	v40 =	vld [tilespmem:$0x520]  }
0x69: {  	v41 =	vld [tilespmem:$0x5A0]  }
0x6a: {  	v42 =	vld [tilespmem:$0x620]  }
0x6b: {  	v55 =	vld [tilespmem:$0x6A0]  }
0x6c: {  	v44 =	vld [tilespmem:$0x530]  }
0x6d: {  	v45 =	vld [tilespmem:$0x5B0]  }
0x6e: {  	v46 =	vld [tilespmem:$0x630]  }
0x6f: {  	v47 =	vld [tilespmem:$0x6B0]  }
0x70: {  	v48 =	vld [tilespmem:$0x540]  }
0x71: {  	v49 =	vld [tilespmem:$0x5C0]  }
0x72: {  	v50 =	vld [tilespmem:$0x640]  }
0x73: {  	v51 =	vld [tilespmem:$0x6C0]  }
0x74: {  	v52 =	vld [tilespmem:$0x550]  }
0x75: {  	v53 =	vld [tilespmem:$0x5D0]  }
0x76: {  	v59 =	vld [tilespmem:$0x650]  }
0x77: {  	v60 =	vld [tilespmem:$0x6D0]  }
0x78: {  	v56 =	vld [tilespmem:$0x560]  }
0x79: {  	v57 =	vld [tilespmem:$0x5E0]  }
0x7a: {  	v58 =	vld [tilespmem:$0x660]  }
0x7b: {  	v61 =	vld [tilespmem:$0x6E0]  }
0x7c: {  	v62 =	vld [tilespmem:$0x670]  }
0x7d: {  	v63 =	vld [tilespmem:$0x6F0]  }
0x7e: {  	v23 =	vld [tilespmem:$0x300]  }
0x7f: {  	v7 =	vld [tilespmem:$0x380]  }
0x80: {  	[tilespmem:$0x1EF50] =	vst v60;
	v60 =	vld [tilespmem:$0x570]  }
0x81: {  	[tilespmem:$0x1EF70] =	vst v61;
	v61 =	vld [tilespmem:$0x5F0]  }
0x82: {  	[tilespmem:$0x1EF80] =	vst v63;
	v63 =	vld [tilespmem:$0x400]  }
0x83: {  	[tilespmem:$0x1EF60] =	vst v62;
	v62 =	vld [tilespmem:$0x480]  }
0x84: {  	v0 =	vadd.f32 v1, v0;
	v1 =	vld [tilespmem:$0x420]  }
0x85: {  	v4 =	vadd.f32 v5, v4;
	v5 =	vld [tilespmem:$0x3B0]  }
0x86: {  	v29 =	vadd.f32 v29, v28;
	v28 =	vld [tilespmem:$0x460]  }
0x87: {  	v33 =	vadd.f32 v33, v32;
	v32 =	vld [tilespmem:$0x370]  }
0x88: {  	v7 =	vadd.f32 v7, v23;
	v23 =	vld [tilespmem:$0x800]  }
0x89: {  	v0 =	vadd.f32 v2, v0;
	v2 =	vld [tilespmem:$0x330]  }
0x8a: {  	v4 =	vadd.f32 v6, v4;
	v6 =	vadd.f32 v13, v12;
	v12 =	vld [tilespmem:$0x340]  }
0x8b: {  	v13 =	vld [tilespmem:$0x3C0]  }
0x8c: {  	v21 =	vadd.f32 v21, v20;
	v20 =	vadd.f32 v34, v33;
	v33 =	vld [tilespmem:$0x3F0]  }
0x8d: {  	v34 =	vld [tilespmem:$0x4F0]  }
0x8e: {  	v0 =	vadd.f32 v3, v0;
	v3 =	vadd.f32 v9, v8;
	v8 =	vld [tilespmem:$0x430]  }
0x8f: {  	v9 =	vld [tilespmem:$0x4B0]  }
0x90: {  	v6 =	vadd.f32 v14, v6;
	v14 =	vadd.f32 v22, v21;
	v21 =	vld [tilespmem:$0x450]  }
0x91: {  	v22 =	vld [tilespmem:$0x4D0]  }
0x92: {  	v4 =	vadd.f32 v27, v4;
	v27 =	vadd.f32 v25, v24;
	v24 =	vld [tilespmem:$0x360]  }
0x93: {  	v20 =	vadd.f32 v35, v20;
	v35 =	vld [tilespmem:$0x700]  }
0x94: {  	v17 =	vadd.f32 v17, v16;
	[tilespmem:$0x1EFB0] =	vst v62;
	v62 =	vld [tilespmem:$0x310]  }
0x95: {  	v40 =	vadd.f32 v41, v40;
	v6 =	vadd.f32 v15, v6;
	v15 =	vld [tilespmem:$0x4C0]  }
0x96: {  	v3 =	vadd.f32 v10, v3;
	v10 =	vadd.f32 v18, v17;
	v17 =	vld [tilespmem:$0x350]  }
0x97: {  	v41 =	vadd.f32 v45, v44;
	v16 =	vadd.f32 v26, v27;
	v26 =	vld [tilespmem:$0x3E0]  }
0x98: {  	v18 =	vadd.f32 v30, v29;
	v30 =	vld [tilespmem:$0x4E0];
	v27 =	vadd.f32 v42, v40  }
0x99: {  	v29 =	vadd.f32 v46, v41;
	v46 =	vadd.f32 v53, v52;
	v53 =	vld [tilespmem:$0x1EF50]  }
0x9a: {  	v42 =	vadd.f32 v49, v48;
	v48 =	vadd.f32 v57, v56;
	v56 =	vld [tilespmem:$0x1EF80]  }
0x9b: {  	v41 =	vld [tilespmem:$0x7A0]  }
0x9c: {  	[tilespmem:$0x1EF90] =	vst v62;
	v62 =	vld [tilespmem:$0x390]  }
0x9d: {  	v2 =	vadd.f32 v5, v2;
	v5 =	vld [tilespmem:$0x890]  }
0x9e: {  	v3 =	vadd.f32 v11, v3;
	v11 =	vld [tilespmem:$0x440]  }
0x9f: {  	v10 =	vadd.f32 v19, v10;
	v19 =	vld [tilespmem:$0x3D0]  }
0xa0: {  	v18 =	vadd.f32 v31, v18;
	v31 =	vld [tilespmem:$0x470]  }
0xa1: {  	[tilespmem:$0x1EFA0] =	vst v62;
	v62 =	vld [tilespmem:$0x410]  }
0xa2: {  	v14 =	vadd.f32 v43, v14;
	v43 =	vadd.f32 v55, v27;
	v55 =	vld [tilespmem:$0x1EF70]  }
0xa3: {  	v45 =	vadd.f32 v47, v29;
	v29 =	vld [tilespmem:$0x790]  }
0xa4: {  	v49 =	vadd.f32 v59, v46;
	v59 =	vld [tilespmem:$0x1EFB0]  }
0xa5: {  	[tilespmem:$0x2900] =	vst v0;
	v16 =	vadd.f32 v39, v16;
	v39 =	vadd.f32 v37, v36;
	v37 =	vld [tilespmem:$0x810]  }
0xa6: {  	[tilespmem:$0x1EFE0] =	vst v62;
	v62 =	vld [tilespmem:$0x490]  }
0xa7: {  	[tilespmem:$0x2910] =	vst v4;
	v44 =	vadd.f32 v50, v42;
	v46 =	vld [tilespmem:$0x730]  }
0xa8: {  	[tilespmem:$0x2D00] =	vst v20;
	v52 =	vadd.f32 v58, v48;
	v48 =	vld [tilespmem:$0x7B0];
	v25 =	vadd.f32 v38, v39  }
0xa9: {  	[tilespmem:$0x2930] =	vst v6;
	v47 =	vadd.f32 v51, v44;
	v51 =	vld [tilespmem:$0x780]  }
0xaa: {  	[tilespmem:$0x2950] =	vst v14;
	v25 =	vadd.f32 v54, v25;
	v54 =	vld [tilespmem:$0x1EF60]  }
0xab: {  	[tilespmem:$0x1EFF0] =	vst v62;
	v62 =	vld [tilespmem:$0x320]  }
0xac: {  	[tilespmem:$0x2960] =	vst v16;
	v16 =	vld [tilespmem:$0x710]  }
0xad: {  	v50 =	vadd.f32 v61, v60;
	[tilespmem:$0x2920] =	vst v3;
	v57 =	vld [tilespmem:$0x1EF90]  }
0xae: {  	v7 =	vadd.f32 v63, v7;
	v2 =	vadd.f32 v8, v2;
	[tilespmem:$0x2940] =	vst v10;
	v58 =	vld [tilespmem:$0x1EFA0]  }
0xaf: {  	[tilespmem:$0x2970] =	vst v18;
	v14 =	vadd.f32 v54, v50;
	v50 =	vadd.f32 v51, v35;
	v51 =	vld [tilespmem:$0x740]  }
0xb0: {  	v38 =	vadd.f32 v13, v12;
	v6 =	vadd.f32 v53, v49;
	[tilespmem:$0x1EFC0] =	vst v62;
	v62 =	vld [tilespmem:$0x3A0]  }
0xb1: {  	[tilespmem:$0x2D30] =	vst v45;
	v2 =	vadd.f32 v9, v2;
	v45 =	vadd.f32 v26, v24;
	v54 =	vld [tilespmem:$0x7C0]  }
0xb2: {  	[tilespmem:$0x2D40] =	vst v47;
	v47 =	vadd.f32 v33, v32;
	v10 =	vadd.f32 v55, v52;
	v63 =	vld [tilespmem:$0x1EFE0]  }
0xb3: {  	[tilespmem:$0x2D20] =	vst v43;
	v43 =	vadd.f32 v19, v17;
	v18 =	vadd.f32 v58, v57;
	v57 =	vld [tilespmem:$0x830]  }
0xb4: {  	v7 =	vadd.f32 v59, v7;
	[tilespmem:$0x2D50] =	vst v6;
	v49 =	vadd.f32 v28, v45;
	v40 =	vld [tilespmem:$0x1EFF0]  }
0xb5: {  	v53 =	vadd.f32 v31, v47;
	v6 =	vadd.f32 v21, v43;
	v60 =	vld [tilespmem:$0x1EFC0];
	[tilespmem:$0x1EFD0] =	vst v62  }
0xb6: {  	[tilespmem:$0x29B0] =	vst v2;
	v55 =	vadd.f32 v30, v49;
	v14 =	vadd.f32 v56, v14;
	v61 =	vld [tilespmem:$0x1EFD0]  }
0xb7: {  	[tilespmem:$0x2D10] =	vst v25;
	v59 =	vadd.f32 v29, v16;
	v18 =	vadd.f32 v63, v18;
	v63 =	vld [tilespmem:$0x8B0]  }
0xb8: {  	v27 =	vld [tilespmem:$0x880];
	v52 =	vadd.f32 v22, v6;
	[tilespmem:$0x2D70] =	vst v14;
	v14 =	vadd.f32 v48, v46  }
0xb9: {  	v39 =	vld [tilespmem:$0x720];
	[tilespmem:$0x2D60] =	vst v10;
	v12 =	vadd.f32 v37, v59;
	v56 =	vadd.f32 v23, v50  }
0xba: {  	[tilespmem:$0x2980] =	vst v7;
	v58 =	vadd.f32 v34, v53;
	v21 =	vadd.f32 v57, v14;
	v62 =	vld [tilespmem:$0x4A0]  }
0xbb: {  	[tilespmem:$0x29E0] =	vst v55;
	v19 =	vadd.f32 v54, v51;
	v20 =	vadd.f32 v61, v60;
	v60 =	vld [tilespmem:$0x840]  }
0xbc: {  	v42 =	vld [tilespmem:$0x820];
	[tilespmem:$0x29D0] =	vst v52;
	v4 =	vadd.f32 v40, v18;
	v23 =	vadd.f32 v63, v21  }
0xbd: {  	v17 =	vld [tilespmem:$0x8C0];
	[tilespmem:$0x29F0] =	vst v58;
	v61 =	vadd.f32 v27, v56;
	v25 =	vadd.f32 v1, v20  }
0xbe: {  	v44 =	vld [tilespmem:$0x8A0];
	[tilespmem:$0x2990] =	vst v4;
	v1 =	vadd.f32 v11, v38;
	v20 =	vadd.f32 v5, v12  }
0xbf: {  	[tilespmem:$0x2DB0] =	vst v23;
	v0 =	vadd.f32 v62, v25;
	v62 =	vadd.f32 v41, v39  }
0xc0: {  	[tilespmem:$0x2D80] =	vst v61;
	v22 =	vadd.f32 v60, v19  }
0xc1: {  	v8 =	vld [tilespmem:$0x7D0];
	v1 =	vadd.f32 v15, v1;
	[tilespmem:$0x2D90] =	vst v20;
	v18 =	vadd.f32 v42, v62  }
0xc2: {  	v6 =	vld [tilespmem:$0x760];
	[tilespmem:$0x29A0] =	vst v0;
	v24 =	vadd.f32 v17, v22  }
0xc3: {  	v48 =	vld [tilespmem:$0x8D0];
	[tilespmem:$0x29C0] =	vst v1;
	v0 =	vadd.f32 v44, v18  }
0xc4: {  	v12 =	vld [tilespmem:$0x750];
	[tilespmem:$0x2DC0] =	vst v24  }
0xc5: {  	v24 =	vld [tilespmem:$0x850];
	[tilespmem:$0x2DA0] =	vst v0  }
0xc6: {  	v3 =	vld [tilespmem:$0x7E0]  }
0xc7: {  	v63 =	vld [tilespmem:$0xEF0];
	_ =	sdelay $0x4  }
0xc8: {  	[tilespmem:$0x1F140] =	vst v63;
	v63 =	vld [tilespmem:$0xC10];
	_ =	sdelay $0x4  }
0xc9: {  	[tilespmem:$0x1F170] =	vst v63;
	v63 =	vld [tilespmem:$0xC70];
	_ =	sdelay $0x4  }
0xca: {  	[tilespmem:$0x1F2A0] =	vst v63;
	v63 =	vld [tilespmem:$0xCF0];
	_ =	sdelay $0x4  }
0xcb: {  	[tilespmem:$0x1F2E0] =	vst v63;
	v63 =	vld [tilespmem:$0xF00];
	_ =	sdelay $0x4  }
0xcc: {  	[tilespmem:$0x1F2C0] =	vst v63;
	v63 =	vld [tilespmem:$0xF80];
	_ =	sdelay $0x4  }
0xcd: {  	[tilespmem:$0x1F2D0] =	vst v63;
	v63 =	vld [tilespmem:$0x1000];
	_ =	sdelay $0x4  }
0xce: {  	[tilespmem:$0x1F310] =	vst v63;
	v63 =	vld [tilespmem:$0x1080];
	_ =	sdelay $0x4  }
0xcf: {  	[tilespmem:$0x1F370] =	vst v63;
	v63 =	vld [tilespmem:$0xF10];
	_ =	sdelay $0x4  }
0xd0: {  	[tilespmem:$0x1F2F0] =	vst v63;
	v63 =	vld [tilespmem:$0xF90];
	_ =	sdelay $0x4  }
0xd1: {  	[tilespmem:$0x1F300] =	vst v63;
	v63 =	vld [tilespmem:$0x1010];
	_ =	sdelay $0x4  }
0xd2: {  	[tilespmem:$0x1F340] =	vst v63;
	v63 =	vld [tilespmem:$0x1090];
	_ =	sdelay $0x4  }
0xd3: {  	[tilespmem:$0x1F390] =	vst v63;
	v63 =	vld [tilespmem:$0xF20];
	_ =	sdelay $0x4  }
0xd4: {  	[tilespmem:$0x1F320] =	vst v63;
	v63 =	vld [tilespmem:$0xFA0];
	_ =	sdelay $0x4  }
0xd5: {  	[tilespmem:$0x1F330] =	vst v63;
	v63 =	vld [tilespmem:$0x1020];
	_ =	sdelay $0x4  }
0xd6: {  	[tilespmem:$0x1F380] =	vst v63;
	v63 =	vld [tilespmem:$0x10A0];
	_ =	sdelay $0x4  }
0xd7: {  	[tilespmem:$0x1F3B0] =	vst v63;
	v63 =	vld [tilespmem:$0xF30];
	_ =	sdelay $0x4  }
0xd8: {  	[tilespmem:$0x1F350] =	vst v63;
	v63 =	vld [tilespmem:$0xFB0];
	_ =	sdelay $0x4  }
0xd9: {  	[tilespmem:$0x1F360] =	vst v63;
	v63 =	vld [tilespmem:$0x1030];
	_ =	sdelay $0x4  }
0xda: {  	[tilespmem:$0x1F3A0] =	vst v63;
	v63 =	vld [tilespmem:$0x10B0];
	_ =	sdelay $0x4  }
0xdb: {  	[tilespmem:$0x1F3E0] =	vst v63;
	v63 =	vld [tilespmem:$0xF40];
	_ =	sdelay $0x4  }
0xdc: {  	[tilespmem:$0x1F3C0] =	vst v63;
	v63 =	vld [tilespmem:$0xFC0];
	_ =	sdelay $0x4  }
0xdd: {  	[tilespmem:$0x1F3D0] =	vst v63;
	v63 =	vld [tilespmem:$0x1040];
	_ =	sdelay $0x4  }
0xde: {  	[tilespmem:$0x1F410] =	vst v63;
	v63 =	vld [tilespmem:$0x10C0];
	_ =	sdelay $0x4  }
0xdf: {  	[tilespmem:$0x1F470] =	vst v63;
	v63 =	vld [tilespmem:$0xF50];
	_ =	sdelay $0x4  }
0xe0: {  	[tilespmem:$0x1F3F0] =	vst v63;
	v63 =	vld [tilespmem:$0xFD0];
	_ =	sdelay $0x4  }
0xe1: {  	[tilespmem:$0x1F400] =	vst v63;
	v63 =	vld [tilespmem:$0x1050];
	_ =	sdelay $0x4  }
0xe2: {  	[tilespmem:$0x1F440] =	vst v63;
	v63 =	vld [tilespmem:$0x10D0];
	_ =	sdelay $0x4  }
0xe3: {  	[tilespmem:$0x1F490] =	vst v63;
	v63 =	vld [tilespmem:$0xF60];
	_ =	sdelay $0x4  }
0xe4: {  	[tilespmem:$0x1F420] =	vst v63;
	v63 =	vld [tilespmem:$0xFE0];
	_ =	sdelay $0x4  }
0xe5: {  	[tilespmem:$0x1F430] =	vst v63;
	v63 =	vld [tilespmem:$0x1060];
	_ =	sdelay $0x4  }
0xe6: {  	[tilespmem:$0x1F480] =	vst v63;
	v63 =	vld [tilespmem:$0x10E0];
	_ =	sdelay $0x4  }
0xe7: {  	[tilespmem:$0x1F4B0] =	vst v63;
	v63 =	vld [tilespmem:$0xF70];
	_ =	sdelay $0x4  }
0xe8: {  	[tilespmem:$0x1F450] =	vst v63;
	v63 =	vld [tilespmem:$0xFF0];
	_ =	sdelay $0x4  }
0xe9: {  	[tilespmem:$0x1F460] =	vst v63;
	v63 =	vld [tilespmem:$0x1070];
	_ =	sdelay $0x4  }
0xea: {  	[tilespmem:$0x1F4A0] =	vst v63;
	v63 =	vld [tilespmem:$0x10F0];
	_ =	sdelay $0x4  }
0xeb: {  	[tilespmem:$0x1F4E0] =	vst v63;
	v63 =	vld [tilespmem:$0x1100];
	_ =	sdelay $0x4  }
0xec: {  	[tilespmem:$0x1F4C0] =	vst v63;
	v63 =	vld [tilespmem:$0x1180];
	_ =	sdelay $0x4  }
0xed: {  	[tilespmem:$0x1F4D0] =	vst v63;
	v63 =	vld [tilespmem:$0x1200];
	_ =	sdelay $0x4  }
0xee: {  	[tilespmem:$0x1F510] =	vst v63;
	v63 =	vld [tilespmem:$0x1280];
	_ =	sdelay $0x4  }
0xef: {  	[tilespmem:$0x1F570] =	vst v63;
	v63 =	vld [tilespmem:$0x1110];
	_ =	sdelay $0x4  }
0xf0: {  	[tilespmem:$0x1F4F0] =	vst v63;
	v63 =	vld [tilespmem:$0x1190];
	_ =	sdelay $0x4  }
0xf1: {  	[tilespmem:$0x1F500] =	vst v63;
	v63 =	vld [tilespmem:$0x1210];
	_ =	sdelay $0x4  }
0xf2: {  	[tilespmem:$0x1F540] =	vst v63;
	v63 =	vld [tilespmem:$0x1290];
	_ =	sdelay $0x4  }
0xf3: {  	[tilespmem:$0x1F590] =	vst v63;
	v63 =	vld [tilespmem:$0x1120];
	_ =	sdelay $0x4  }
0xf4: {  	[tilespmem:$0x1F520] =	vst v63;
	v63 =	vld [tilespmem:$0x11A0];
	_ =	sdelay $0x4  }
0xf5: {  	[tilespmem:$0x1F530] =	vst v63;
	v63 =	vld [tilespmem:$0x1220];
	_ =	sdelay $0x4  }
0xf6: {  	[tilespmem:$0x1F580] =	vst v63;
	v63 =	vld [tilespmem:$0x12A0];
	_ =	sdelay $0x4  }
0xf7: {  	[tilespmem:$0x1F5B0] =	vst v63;
	v63 =	vld [tilespmem:$0x1130];
	_ =	sdelay $0x4  }
0xf8: {  	[tilespmem:$0x1F550] =	vst v63;
	v63 =	vld [tilespmem:$0x11B0];
	_ =	sdelay $0x4  }
0xf9: {  	[tilespmem:$0x1F560] =	vst v63;
	v63 =	vld [tilespmem:$0x1230];
	_ =	sdelay $0x4  }
0xfa: {  	[tilespmem:$0x1F5A0] =	vst v63;
	v63 =	vld [tilespmem:$0x12B0];
	_ =	sdelay $0x4  }
0xfb: {  	[tilespmem:$0x1F5E0] =	vst v63;
	v63 =	vld [tilespmem:$0x1140];
	_ =	sdelay $0x4  }
0xfc: {  	[tilespmem:$0x1F5C0] =	vst v63;
	v63 =	vld [tilespmem:$0x11C0];
	_ =	sdelay $0x4  }
0xfd: {  	[tilespmem:$0x1F5D0] =	vst v63;
	v63 =	vld [tilespmem:$0x1240];
	_ =	sdelay $0x4  }
0xfe: {  	[tilespmem:$0x1F610] =	vst v63;
	v63 =	vld [tilespmem:$0x12C0];
	_ =	sdelay $0x4  }
0xff: {  	[tilespmem:$0x1F670] =	vst v63;
	v63 =	vld [tilespmem:$0x1150];
	_ =	sdelay $0x4  }
0x100: {  	[tilespmem:$0x1F5F0] =	vst v63;
	v63 =	vld [tilespmem:$0x11D0];
	_ =	sdelay $0x4  }
0x101: {  	[tilespmem:$0x1F600] =	vst v63;
	v63 =	vld [tilespmem:$0x1250];
	_ =	sdelay $0x4  }
0x102: {  	[tilespmem:$0x1F640] =	vst v63;
	v63 =	vld [tilespmem:$0x12D0];
	_ =	sdelay $0x4  }
0x103: {  	[tilespmem:$0x1F690] =	vst v63;
	v63 =	vld [tilespmem:$0x1160];
	_ =	sdelay $0x4  }
0x104: {  	[tilespmem:$0x1F620] =	vst v63;
	v63 =	vld [tilespmem:$0x11E0];
	_ =	sdelay $0x4  }
0x105: {  	[tilespmem:$0x1F630] =	vst v63;
	v63 =	vld [tilespmem:$0x1260];
	_ =	sdelay $0x4  }
0x106: {  	[tilespmem:$0x1F680] =	vst v63;
	v63 =	vld [tilespmem:$0x12E0];
	_ =	sdelay $0x4  }
0x107: {  	[tilespmem:$0x1F6B0] =	vst v63;
	v63 =	vld [tilespmem:$0x1170];
	_ =	sdelay $0x4  }
0x108: {  	[tilespmem:$0x1F650] =	vst v63;
	v63 =	vld [tilespmem:$0x11F0];
	_ =	sdelay $0x4  }
0x109: {  	[tilespmem:$0x1F660] =	vst v63;
	v63 =	vld [tilespmem:$0x1270];
	_ =	sdelay $0x4  }
0x10a: {  	[tilespmem:$0x1F6A0] =	vst v63;
	v63 =	vld [tilespmem:$0x12F0];
	_ =	sdelay $0x4  }
0x10b: {  	[tilespmem:$0x1F6E0] =	vst v63;
	v63 =	vld [tilespmem:$0x1500];
	_ =	sdelay $0x4  }
0x10c: {  	[tilespmem:$0x1F6C0] =	vst v63;
	v63 =	vld [tilespmem:$0x1580];
	_ =	sdelay $0x4  }
0x10d: {  	[tilespmem:$0x1F6D0] =	vst v63;
	v63 =	vld [tilespmem:$0x1600];
	_ =	sdelay $0x4  }
0x10e: {  	[tilespmem:$0x1F710] =	vst v63;
	v63 =	vld [tilespmem:$0x1680];
	_ =	sdelay $0x4  }
0x10f: {  	[tilespmem:$0x1F770] =	vst v63;
	v63 =	vld [tilespmem:$0x1510];
	_ =	sdelay $0x4  }
0x110: {  	[tilespmem:$0x1F6F0] =	vst v63;
	v63 =	vld [tilespmem:$0x1590];
	_ =	sdelay $0x4  }
0x111: {  	[tilespmem:$0x1F700] =	vst v63;
	v63 =	vld [tilespmem:$0x1610];
	_ =	sdelay $0x4  }
0x112: {  	[tilespmem:$0x1F740] =	vst v63;
	v63 =	vld [tilespmem:$0x1690];
	_ =	sdelay $0x4  }
0x113: {  	[tilespmem:$0x1F790] =	vst v63;
	v63 =	vld [tilespmem:$0x1520];
	_ =	sdelay $0x4  }
0x114: {  	[tilespmem:$0x1F720] =	vst v63;
	v63 =	vld [tilespmem:$0x15A0];
	_ =	sdelay $0x4  }
0x115: {  	[tilespmem:$0x1F730] =	vst v63;
	v63 =	vld [tilespmem:$0x1620];
	_ =	sdelay $0x4  }
0x116: {  	[tilespmem:$0x1F780] =	vst v63;
	v63 =	vld [tilespmem:$0x16A0];
	_ =	sdelay $0x4  }
0x117: {  	[tilespmem:$0x1F7B0] =	vst v63;
	v63 =	vld [tilespmem:$0x1530];
	_ =	sdelay $0x4  }
0x118: {  	[tilespmem:$0x1F750] =	vst v63;
	v63 =	vld [tilespmem:$0x15B0];
	_ =	sdelay $0x4  }
0x119: {  	[tilespmem:$0x1F760] =	vst v63;
	v63 =	vld [tilespmem:$0x1630];
	_ =	sdelay $0x4  }
0x11a: {  	[tilespmem:$0x1F7A0] =	vst v63;
	v63 =	vld [tilespmem:$0x16B0];
	_ =	sdelay $0x4  }
0x11b: {  	[tilespmem:$0x1F7E0] =	vst v63;
	v63 =	vld [tilespmem:$0x1540];
	_ =	sdelay $0x4  }
0x11c: {  	[tilespmem:$0x1F7C0] =	vst v63;
	v63 =	vld [tilespmem:$0x15C0];
	_ =	sdelay $0x4  }
0x11d: {  	[tilespmem:$0x1F7D0] =	vst v63;
	v63 =	vld [tilespmem:$0x1640];
	_ =	sdelay $0x4  }
0x11e: {  	[tilespmem:$0x1F810] =	vst v63;
	v63 =	vld [tilespmem:$0x16C0];
	_ =	sdelay $0x4  }
0x11f: {  	[tilespmem:$0x1F870] =	vst v63;
	v63 =	vld [tilespmem:$0x1550];
	_ =	sdelay $0x4  }
0x120: {  	[tilespmem:$0x1F7F0] =	vst v63;
	v63 =	vld [tilespmem:$0x15D0];
	_ =	sdelay $0x4  }
0x121: {  	[tilespmem:$0x1F800] =	vst v63;
	v63 =	vld [tilespmem:$0x1650];
	_ =	sdelay $0x4  }
0x122: {  	[tilespmem:$0x1F840] =	vst v63;
	v63 =	vld [tilespmem:$0x16D0];
	_ =	sdelay $0x4  }
0x123: {  	[tilespmem:$0x1F890] =	vst v63;
	v63 =	vld [tilespmem:$0x1560];
	_ =	sdelay $0x4  }
0x124: {  	[tilespmem:$0x1F820] =	vst v63;
	v63 =	vld [tilespmem:$0x15E0];
	_ =	sdelay $0x4  }
0x125: {  	[tilespmem:$0x1F830] =	vst v63;
	v63 =	vld [tilespmem:$0x1660];
	_ =	sdelay $0x4  }
0x126: {  	[tilespmem:$0x1F880] =	vst v63;
	v63 =	vld [tilespmem:$0x16E0];
	_ =	sdelay $0x4  }
0x127: {  	[tilespmem:$0x1F8B0] =	vst v63;
	v63 =	vld [tilespmem:$0x1570];
	_ =	sdelay $0x4  }
0x128: {  	[tilespmem:$0x1F850] =	vst v63;
	v63 =	vld [tilespmem:$0x15F0];
	_ =	sdelay $0x4  }
0x129: {  	[tilespmem:$0x1F860] =	vst v63;
	v63 =	vld [tilespmem:$0x1670];
	_ =	sdelay $0x4  }
0x12a: {  	[tilespmem:$0x1F8A0] =	vst v63;
	v63 =	vld [tilespmem:$0x16F0];
	_ =	sdelay $0x4  }
0x12b: {  	[tilespmem:$0x1F8E0] =	vst v63;
	v63 =	vld [tilespmem:$0x1300];
	_ =	sdelay $0x4  }
0x12c: {  	[tilespmem:$0x1F8C0] =	vst v63;
	v63 =	vld [tilespmem:$0x1380];
	_ =	sdelay $0x4  }
0x12d: {  	[tilespmem:$0x1F8D0] =	vst v63;
	v63 =	vld [tilespmem:$0x1400];
	_ =	sdelay $0x4  }
0x12e: {  	[tilespmem:$0x1F910] =	vst v63;
	v63 =	vld [tilespmem:$0x1480];
	_ =	sdelay $0x4  }
0x12f: {  	[tilespmem:$0x1F970] =	vst v63;
	v63 =	vld [tilespmem:$0x1310];
	_ =	sdelay $0x4  }
0x130: {  	[tilespmem:$0x1F8F0] =	vst v63;
	v63 =	vld [tilespmem:$0x1390];
	_ =	sdelay $0x4  }
0x131: {  	[tilespmem:$0x1F900] =	vst v63;
	v63 =	vld [tilespmem:$0x1410];
	_ =	sdelay $0x4  }
0x132: {  	[tilespmem:$0x1F940] =	vst v63;
	v63 =	vld [tilespmem:$0x1490];
	_ =	sdelay $0x4  }
0x133: {  	[tilespmem:$0x1F990] =	vst v63;
	v63 =	vld [tilespmem:$0x1320];
	_ =	sdelay $0x4  }
0x134: {  	[tilespmem:$0x1F920] =	vst v63;
	v63 =	vld [tilespmem:$0x13A0];
	_ =	sdelay $0x4  }
0x135: {  	[tilespmem:$0x1F930] =	vst v63;
	v63 =	vld [tilespmem:$0x1420];
	_ =	sdelay $0x4  }
0x136: {  	[tilespmem:$0x1F980] =	vst v63;
	v63 =	vld [tilespmem:$0x14A0];
	_ =	sdelay $0x4  }
0x137: {  	[tilespmem:$0x1F9B0] =	vst v63;
	v63 =	vld [tilespmem:$0x1330];
	_ =	sdelay $0x4  }
0x138: {  	[tilespmem:$0x1F950] =	vst v63;
	v63 =	vld [tilespmem:$0x13B0];
	_ =	sdelay $0x4  }
0x139: {  	[tilespmem:$0x1F960] =	vst v63;
	v63 =	vld [tilespmem:$0x1430];
	_ =	sdelay $0x4  }
0x13a: {  	[tilespmem:$0x1F9A0] =	vst v63;
	v63 =	vld [tilespmem:$0x14B0];
	_ =	sdelay $0x4  }
0x13b: {  	[tilespmem:$0x1F9E0] =	vst v63;
	v63 =	vld [tilespmem:$0x1340];
	_ =	sdelay $0x4  }
0x13c: {  	[tilespmem:$0x1F9C0] =	vst v63;
	v63 =	vld [tilespmem:$0x13C0];
	_ =	sdelay $0x3  }
0x13d: {  	v20 =	vld [tilespmem:$0x860]  }
0x13e: {  	[tilespmem:$0x1F9D0] =	vst v63;
	v63 =	vld [tilespmem:$0x1440]  }
0x13f: {  	v42 =	vld [tilespmem:$0x8E0]  }
0x140: {  	v1 =	vld [tilespmem:$0x770]  }
0x141: {  	v0 =	vld [tilespmem:$0x7F0]  }
0x142: {  	v13 =	vld [tilespmem:$0x870]  }
0x143: {  	[tilespmem:$0x1FA10] =	vst v63;
	v63 =	vld [tilespmem:$0x14C0]  }
0x144: {  	v35 =	vld [tilespmem:$0x8F0]  }
0x145: {  	v21 =	vld [tilespmem:$0x900]  }
0x146: {  	v14 =	vld [tilespmem:$0x980]  }
0x147: {  	v36 =	vld [tilespmem:$0xA00]  }
0x148: {  	[tilespmem:$0x1FA70] =	vst v63;
	v63 =	vld [tilespmem:$0x1350]  }
0x149: {  	v25 =	vld [tilespmem:$0xA80]  }
0x14a: {  	v15 =	vld [tilespmem:$0x910]  }
0x14b: {  	v9 =	vld [tilespmem:$0x990]  }
0x14c: {  	v30 =	vld [tilespmem:$0xA10]  }
0x14d: {  	[tilespmem:$0x1F9F0] =	vst v63;
	v63 =	vld [tilespmem:$0x13D0]  }
0x14e: {  	v26 =	vld [tilespmem:$0xA90]  }
0x14f: {  	v10 =	vld [tilespmem:$0x920]  }
0x150: {  	v4 =	vld [tilespmem:$0x9A0]  }
0x151: {  	v31 =	vld [tilespmem:$0xA20]  }
0x152: {  	[tilespmem:$0x1FA00] =	vst v63;
	v63 =	vld [tilespmem:$0x1450]  }
0x153: {  	v56 =	vld [tilespmem:$0xAA0]  }
0x154: {  	v5 =	vld [tilespmem:$0x930]  }
0x155: {  	v2 =	vld [tilespmem:$0x9B0]  }
0x156: {  	v49 =	vld [tilespmem:$0xAB0]  }
0x157: {  	[tilespmem:$0x1FA40] =	vst v63;
	v63 =	vld [tilespmem:$0x14D0]  }
0x158: {  	v32 =	vld [tilespmem:$0x940]  }
0x159: {  	v50 =	vld [tilespmem:$0xA40]  }
0x15a: {  	v27 =	vld [tilespmem:$0xAC0]  }
0x15b: {  	v17 =	vld [tilespmem:$0x9D0]  }
0x15c: {  	[tilespmem:$0x1FA90] =	vst v63;
	v63 =	vld [tilespmem:$0x1360]  }
0x15d: {  	v43 =	vld [tilespmem:$0xA50]  }
0x15e: {  	v28 =	vld [tilespmem:$0xAD0]  }
0x15f: {  	v18 =	vld [tilespmem:$0x960]  }
0x160: {  	v16 =	vld [tilespmem:$0x9E0]  }
0x161: {  	[tilespmem:$0x1FA20] =	vst v63;
	v63 =	vld [tilespmem:$0x13E0]  }
0x162: {  	v44 =	vld [tilespmem:$0xA60]  }
0x163: {  	v29 =	vld [tilespmem:$0xAE0]  }
0x164: {  	v11 =	vld [tilespmem:$0x970]  }
0x165: {  	v7 =	vld [tilespmem:$0x9F0]  }
0x166: {  	[tilespmem:$0x1FA30] =	vst v63;
	v63 =	vld [tilespmem:$0x1460]  }
0x167: {  	v37 =	vld [tilespmem:$0xA70]  }
0x168: {  	v33 =	vld [tilespmem:$0xAF0]  }
0x169: {  	v45 =	vld [tilespmem:$0xD00]  }
0x16a: {  	v38 =	vld [tilespmem:$0xD80]  }
0x16b: {  	[tilespmem:$0x1FA80] =	vst v63;
	v63 =	vld [tilespmem:$0x14E0]  }
0x16c: {  	v34 =	vld [tilespmem:$0xE00]  }
0x16d: {  	v39 =	vld [tilespmem:$0xE80]  }
0x16e: {  	v57 =	vld [tilespmem:$0xE10]  }
0x16f: {  	v40 =	vld [tilespmem:$0xE90]  }
0x170: {  	[tilespmem:$0x1FAB0] =	vst v63;
	v63 =	vld [tilespmem:$0x1370]  }
0x171: {  	v22 =	vld [tilespmem:$0xDA0]  }
0x172: {  	v58 =	vld [tilespmem:$0xE20]  }
0x173: {  	v41 =	vld [tilespmem:$0xEA0]  }
0x174: {  	v62 =	vld [tilespmem:$0xE70]  }
0x175: {  	[tilespmem:$0x1FA50] =	vst v63;
	v63 =	vld [tilespmem:$0x13F0]  }
0x176: {  	v23 =	vld [tilespmem:$0xD30]  }
0x177: {  	v19 =	vld [tilespmem:$0xDB0]  }
0x178: {  	v51 =	vld [tilespmem:$0xE30]  }
0x179: {  	[tilespmem:$0x1F100] =	vst v62;
	v62 =	vld [tilespmem:$0xB10]  }
0x17a: {  	[tilespmem:$0x1FA60] =	vst v63;
	v63 =	vld [tilespmem:$0x1470]  }
0x17b: {  	v46 =	vld [tilespmem:$0xEB0]  }
0x17c: {  	v59 =	vld [tilespmem:$0xD40]  }
0x17d: {  	v52 =	vld [tilespmem:$0xDC0]  }
0x17e: {  	[tilespmem:$0x1F150] =	vst v62;
	v62 =	vld [tilespmem:$0xCA0]  }
0x17f: {  	[tilespmem:$0x1FAA0] =	vst v63;
	v63 =	vld [tilespmem:$0x14F0]  }
0x180: {  	v47 =	vld [tilespmem:$0xE40]  }
0x181: {  	v53 =	vld [tilespmem:$0xEC0]  }
0x182: {  	v54 =	vld [tilespmem:$0xE50]  }
0x183: {  	[tilespmem:$0x1F1C0] =	vst v62;
	v62 =	vld [tilespmem:$0xC30]  }
0x184: {  	[tilespmem:$0x1FAE0] =	vst v63;
	v63 =	vld [tilespmem:$0x1700]  }
0x185: {  	v55 =	vld [tilespmem:$0xED0]  }
0x186: {  	v60 =	vld [tilespmem:$0xE60]  }
0x187: {  	v61 =	vld [tilespmem:$0xEE0]  }
0x188: {  	[tilespmem:$0x1F1B0] =	vst v62;
	v62 =	vld [tilespmem:$0xCB0]  }
0x189: {  	[tilespmem:$0x1FAC0] =	vst v63;
	v63 =	vld [tilespmem:$0x1780]  }
0x18a: {  	v8 =	vadd.f32 v8, v12;
	v12 =	vld [tilespmem:$0x18B0]  }
0x18b: {  	[tilespmem:$0x1F000] =	vst v25;
	v25 =	vld [tilespmem:$0xA30]  }
0x18c: {  	[tilespmem:$0x1F010] =	vst v26;
	v26 =	vld [tilespmem:$0x9C0]  }
0x18d: {  	[tilespmem:$0x1F1F0] =	vst v62;
	v62 =	vld [tilespmem:$0xB40]  }
0x18e: {  	[tilespmem:$0x1FAD0] =	vst v63;
	v63 =	vld [tilespmem:$0x1800]  }
0x18f: {  	[tilespmem:$0x1F020] =	vst v27;
	v27 =	vld [tilespmem:$0x950]  }
0x190: {  	[tilespmem:$0x1F070] =	vst v39;
	v39 =	vld [tilespmem:$0xD10]  }
0x191: {  	[tilespmem:$0x1F050] =	vst v33;
	v33 =	vld [tilespmem:$0xD90]  }
0x192: {  	[tilespmem:$0x1F1D0] =	vst v62;
	v62 =	vld [tilespmem:$0xBC0]  }
0x193: {  	[tilespmem:$0x1FB10] =	vst v63;
	v63 =	vld [tilespmem:$0x1880]  }
0x194: {  	[tilespmem:$0x1F030] =	vst v28;
	v28 =	vld [tilespmem:$0xD20]  }
0x195: {  	[tilespmem:$0x1F0D0] =	vst v53;
	v53 =	vld [tilespmem:$0xD50]  }
0x196: {  	[tilespmem:$0x1F0A0] =	vst v46;
	v46 =	vld [tilespmem:$0xDD0]  }
0x197: {  	[tilespmem:$0x1F1E0] =	vst v62;
	v62 =	vld [tilespmem:$0xC40]  }
0x198: {  	[tilespmem:$0x1FB70] =	vst v63;
	v63 =	vld [tilespmem:$0x1710]  }
0x199: {  	[tilespmem:$0x1F0B0] =	vst v47;
	v47 =	vld [tilespmem:$0xD60]  }
0x19a: {  	[tilespmem:$0x1F080] =	vst v40;
	v40 =	vld [tilespmem:$0xDE0]  }
0x19b: {  	[tilespmem:$0x1F060] =	vst v34;
	v34 =	vld [tilespmem:$0xD70]  }
0x19c: {  	[tilespmem:$0x1F220] =	vst v62;
	v62 =	vld [tilespmem:$0xCC0]  }
0x19d: {  	[tilespmem:$0x1FAF0] =	vst v63;
	v63 =	vld [tilespmem:$0x1790]  }
0x19e: {  	[tilespmem:$0x1F040] =	vst v29;
	v29 =	vld [tilespmem:$0xDF0]  }
0x19f: {  	[tilespmem:$0x1F0C0] =	vst v54;
	v54 =	vld [tilespmem:$0xB00]  }
0x1a0: {  	[tilespmem:$0x1F0F0] =	vst v55;
	v55 =	vld [tilespmem:$0xB80]  }
0x1a1: {  	[tilespmem:$0x1F270] =	vst v62;
	v62 =	vld [tilespmem:$0xB50]  }
0x1a2: {  	[tilespmem:$0x1FB00] =	vst v63;
	v63 =	vld [tilespmem:$0x1810]  }
0x1a3: {  	[tilespmem:$0x1F0E0] =	vst v60;
	v60 =	vld [tilespmem:$0xC00]  }
0x1a4: {  	[tilespmem:$0x1F110] =	vst v61;
	v61 =	vld [tilespmem:$0xC80]  }
0x1a5: {  	[tilespmem:$0x1F090] =	vst v41;
	v41 =	vld [tilespmem:$0xBB0]  }
0x1a6: {  	[tilespmem:$0x1F200] =	vst v62;
	v62 =	vld [tilespmem:$0xBD0]  }
0x1a7: {  	[tilespmem:$0x1FB40] =	vst v63;
	v63 =	vld [tilespmem:$0x1890]  }
0x1a8: {  	v3 =	vadd.f32 v3, v6;
	v6 =	vadd.f32 v24, v8;
	v24 =	vld [tilespmem:$0x1740]  }
0x1a9: {  	[tilespmem:$0x1FBE0] =	vst v12;
	v12 =	vld [tilespmem:$0x17C0]  }
0x1aa: {  	v14 =	vadd.f32 v14, v21;
	v21 =	vld [tilespmem:$0x18C0]  }
0x1ab: {  	[tilespmem:$0x1F210] =	vst v62;
	v62 =	vld [tilespmem:$0xC50]  }
0x1ac: {  	[tilespmem:$0x1FB90] =	vst v63;
	v63 =	vld [tilespmem:$0x1720]  }
0x1ad: {  	v0 =	vadd.f32 v0, v1;
	v8 =	vld [tilespmem:$0x1850]  }
0x1ae: {  	v2 =	vadd.f32 v2, v5;
	v5 =	vld [tilespmem:$0x1910]  }
0x1af: {  	v0 =	vadd.f32 v13, v0;
	v13 =	vld [tilespmem:$0x1840]  }
0x1b0: {  	v6 =	vadd.f32 v48, v6;
	v48 =	vadd.f32 v4, v10;
	[tilespmem:$0x1F250] =	vst v62;
	v62 =	vld [tilespmem:$0xCD0]  }
0x1b1: {  	[tilespmem:$0x1FB20] =	vst v63;
	v63 =	vld [tilespmem:$0x17A0]  }
0x1b2: {  	v10 =	vadd.f32 v31, v48;
	v48 =	vld [tilespmem:$0x17E0]  }
0x1b3: {  	[tilespmem:$0x1F160] =	vst v60;
	v60 =	vld [tilespmem:$0xB90]  }
0x1b4: {  	[tilespmem:$0x1F120] =	vst v54;
	v54 =	vld [tilespmem:$0xC90]  }
0x1b5: {  	[tilespmem:$0x1F290] =	vst v62;
	v62 =	vld [tilespmem:$0xB60]  }
0x1b6: {  	[tilespmem:$0x1FB30] =	vst v63;
	v63 =	vld [tilespmem:$0x1820]  }
0x1b7: {  	[tilespmem:$0x1F180] =	vst v61;
	v61 =	vld [tilespmem:$0xB20]  }
0x1b8: {  	[tilespmem:$0x1F130] =	vst v55;
	v55 =	vld [tilespmem:$0xC20]  }
0x1b9: {  	[tilespmem:$0x1FBC0] =	vst v24;
	v24 =	vadd.f32 v35, v0;
	v35 =	vld [tilespmem:$0x1750]  }
0x1ba: {  	[tilespmem:$0x1F230] =	vst v62;
	v62 =	vld [tilespmem:$0xBE0]  }
0x1bb: {  	[tilespmem:$0x1FB80] =	vst v63;
	v63 =	vld [tilespmem:$0x18A0]  }
0x1bc: {  	[tilespmem:$0x1FBD0] =	vst v12;
	v12 =	vld [tilespmem:$0x18D0]  }
0x1bd: {  	v1 =	vadd.f32 v36, v14;
	[tilespmem:$0x1FC40] =	vst v8;
	v8 =	vld [tilespmem:$0x18E0]  }
0x1be: {  	v14 =	vadd.f32 v25, v2;
	v25 =	vadd.f32 v33, v39;
	v33 =	vld [tilespmem:$0x1900]  }
0x1bf: {  	[tilespmem:$0x1F240] =	vst v62;
	v62 =	vld [tilespmem:$0xC60]  }
0x1c0: {  	[tilespmem:$0x1FBB0] =	vst v63;
	v63 =	vld [tilespmem:$0x1730]  }
0x1c1: {  	v39 =	vadd.f32 v22, v28;
	v22 =	vld [tilespmem:$0x1A00]  }
0x1c2: {  	v31 =	vadd.f32 v56, v10;
	v10 =	vld [tilespmem:$0x1770]  }
0x1c3: {  	v56 =	vadd.f32 v17, v27;
	v27 =	vld [tilespmem:$0x1870]  }
0x1c4: {  	[tilespmem:$0x1F280] =	vst v62;
	v62 =	vld [tilespmem:$0xCE0]  }
0x1c5: {  	[tilespmem:$0x1FB50] =	vst v63;
	v63 =	vld [tilespmem:$0x17B0]  }
0x1c6: {  	v17 =	vadd.f32 v38, v45;
	v38 =	vld [tilespmem:$0x1F060]  }
0x1c7: {  	[tilespmem:$0x1FC10] =	vst v13;
	v13 =	vld [tilespmem:$0x1F010]  }
0x1c8: {  	[tilespmem:$0x1FC30] =	vst v48;
	v48 =	vld [tilespmem:$0x1980]  }
0x1c9: {  	[tilespmem:$0x1F2B0] =	vst v62;
	v62 =	vld [tilespmem:$0xB70]  }
0x1ca: {  	[tilespmem:$0x1FB60] =	vst v63;
	v63 =	vld [tilespmem:$0x1830]  }
0x1cb: {  	[tilespmem:$0x1F1A0] =	vst v54;
	v54 =	vld [tilespmem:$0xBA0]  }
0x1cc: {  	[tilespmem:$0x1F190] =	vst v55;
	v55 =	vld [tilespmem:$0xB30]  }
0x1cd: {  	[tilespmem:$0x1FC50] =	vst v10;
	v10 =	vld [tilespmem:$0x1F0A0]  }
0x1ce: {  	[tilespmem:$0x1F260] =	vst v62;
	v62 =	vld [tilespmem:$0xBF0]  }
0x1cf: {  	[tilespmem:$0x1FBA0] =	vst v63;
	v63 =	vadd.f32 v20, v3;
	v20 =	vadd.f32 v9, v15;
	v9 =	vld [tilespmem:$0x1F000]  }
0x1d0: {  	v15 =	vld [tilespmem:$0x1760]  }
0x1d1: {  	v42 =	vadd.f32 v42, v63;
	v63 =	vld [tilespmem:$0x17D0]  }
0x1d2: {  	v0 =	vadd.f32 v30, v20;
	v20 =	vadd.f32 v26, v32;
	v26 =	vld [tilespmem:$0x1860]  }
0x1d3: {  	v30 =	vadd.f32 v49, v14;
	v14 =	vld [tilespmem:$0x1F030]  }
0x1d4: {  	[tilespmem:$0x1FBF0] =	vst v35;
	v35 =	vadd.f32 v13, v0;
	v13 =	vld [tilespmem:$0x17F0]  }
0x1d5: {  	v0 =	vadd.f32 v43, v56;
	v56 =	vld [tilespmem:$0x1F070]  }
0x1d6: {  	v36 =	vadd.f32 v9, v1;
	v9 =	vadd.f32 v7, v11;
	v11 =	vld [tilespmem:$0x1F020]  }
0x1d7: {  	v1 =	vadd.f32 v50, v20;
	v20 =	vld [tilespmem:$0x1F050]  }
0x1d8: {  	[tilespmem:$0x1FCC0] =	vst v5;
	v7 =	vld [tilespmem:$0x1F090]  }
0x1d9: {  	[tilespmem:$0x1FC70] =	vst v12;
	v50 =	vadd.f32 v19, v23;
	v19 =	vld [tilespmem:$0x1F0D0]  }
0x1da: {  	[tilespmem:$0x1FC80] =	vst v8;
	v23 =	vld [tilespmem:$0x19A0]  }
0x1db: {  	[tilespmem:$0x1FC00] =	vst v63;
	v63 =	vadd.f32 v16, v18;
	v16 =	vld [tilespmem:$0x1F040]  }
0x1dc: {  	[tilespmem:$0x1FC20] =	vst v15;
	v43 =	vadd.f32 v14, v0;
	v15 =	vadd.f32 v37, v9;
	v18 =	vld [tilespmem:$0x18F0]  }
0x1dd: {  	[tilespmem:$0x1FC90] =	vst v33;
	v0 =	vadd.f32 v57, v25;
	v57 =	vadd.f32 v58, v39;
	v58 =	vld [tilespmem:$0x1A80]  }
0x1de: {  	[tilespmem:$0x1FCA0] =	vst v48;
	v9 =	vld [tilespmem:$0x1990];
	v12 =	vadd.f32 v44, v63  }
0x1df: {  	[tilespmem:$0x1FC60] =	vst v13;
	v32 =	vadd.f32 v20, v15;
	v15 =	vld [tilespmem:$0x1A90]  }
0x1e0: {  	[tilespmem:$0x1FCF0] =	vst v23;
	v37 =	vadd.f32 v16, v12;
	v12 =	vld [tilespmem:$0x1A10]  }
0x1e1: {  	[tilespmem:$0x1FCB0] =	vst v18;
	v18 =	vld [tilespmem:$0x1920]  }
0x1e2: {  	v25 =	vld [tilespmem:$0x1F0F0];
	[tilespmem:$0x1FD30] =	vst v58  }
0x1e3: {  	v63 =	vld [tilespmem:$0x1F080];
	[tilespmem:$0x1FCD0] =	vst v9  }
0x1e4: {  	v13 =	vld [tilespmem:$0x1F0B0];
	[tilespmem:$0x1FD50] =	vst v15  }
0x1e5: {  	v20 =	vld [tilespmem:$0x1F0E0];
	[tilespmem:$0x1FD00] =	vst v12  }
0x1e6: {  	v16 =	vld [tilespmem:$0x1F0C0];
	[tilespmem:$0x1FCE0] =	vst v18  }
0x1e7: {  	v28 =	vld [tilespmem:$0x1F100]  }
0x1e8: {  	v49 =	vadd.f32 v11, v1;
	v33 =	vld [tilespmem:$0x1A20]  }
0x1e9: {  	v1 =	vadd.f32 v38, v17;
	v17 =	vadd.f32 v29, v34;
	v34 =	vld [tilespmem:$0x1F110]  }
0x1ea: {  	v14 =	vadd.f32 v40, v47;
	v40 =	vld [tilespmem:$0x1F120]  }
0x1eb: {  	v48 =	vld [tilespmem:$0x1F130]  }
0x1ec: {  	v4 =	vadd.f32 v51, v50;
	v50 =	vld [tilespmem:$0x1AA0]  }
0x1ed: {  	v51 =	vld [tilespmem:$0x1F140]  }
0x1ee: {  	v8 =	vadd.f32 v52, v59;
	v52 =	vld [tilespmem:$0x1F150]  }
0x1ef: {  	v45 =	vadd.f32 v56, v1;
	v56 =	vld [tilespmem:$0x1930]  }
0x1f0: {  	v39 =	vadd.f32 v7, v57;
	v57 =	vld [tilespmem:$0x1F160]  }
0x1f1: {  	v59 =	vld [tilespmem:$0x19B0]  }
0x1f2: {  	v44 =	vadd.f32 v63, v0;
	v63 =	vld [tilespmem:$0x1A30]  }
0x1f3: {  	v5 =	vld [tilespmem:$0x1F180]  }
0x1f4: {  	v7 =	vld [tilespmem:$0x1F190]  }
0x1f5: {  	v9 =	vld [tilespmem:$0x1AB0]  }
0x1f6: {  	v38 =	vadd.f32 v10, v4;
	v1 =	vadd.f32 v13, v8;
	v10 =	vld [tilespmem:$0x1F1A0]  }
0x1f7: {  	v11 =	vadd.f32 v46, v53;
	v12 =	vld [tilespmem:$0x1F1B0]  }
0x1f8: {  	v47 =	vadd.f32 v19, v1;
	v1 =	vadd.f32 v20, v14;
	v14 =	vld [tilespmem:$0x1940]  }
0x1f9: {  	v15 =	vld [tilespmem:$0x1F1C0]  }
0x1fa: {  	v0 =	vadd.f32 v16, v11;
	v16 =	vld [tilespmem:$0x1F1D0]  }
0x1fb: {  	v18 =	vld [tilespmem:$0x19C0]  }
0x1fc: {  	v19 =	vld [tilespmem:$0x1F1F0]  }
0x1fd: {  	v20 =	vld [tilespmem:$0x1F200]  }
0x1fe: {  	v23 =	vld [tilespmem:$0x1F210]  }
0x1ff: {  	v58 =	vadd.f32 v54, v61;
	v61 =	vadd.f32 v41, v55;
	v41 =	vld [tilespmem:$0x1F250]  }
0x200: {  	v4 =	vld [tilespmem:$0x1F3A0]  }
0x201: {  	[tilespmem:$0x2DF0] =	vst v24;
	v24 =	vld [tilespmem:$0x1F590]  }
0x202: {  	[tilespmem:$0x2A20] =	vst v31;
	v31 =	vld [tilespmem:$0x1F5C0]  }
0x203: {  	[tilespmem:$0x2A10] =	vst v35;
	v35 =	vld [tilespmem:$0x1DA0]  }
0x204: {  	[tilespmem:$0x2A00] =	vst v36;
	v36 =	vld [tilespmem:$0x1F5E0]  }
0x205: {  	[tilespmem:$0x2A60] =	vst v37;
	v37 =	vld [tilespmem:$0x1DB0]  }
0x206: {  	[tilespmem:$0x2A50] =	vst v43;
	v43 =	vld [tilespmem:$0x1F690]  }
0x207: {  	[tilespmem:$0x2A40] =	vst v49;
	v49 =	vld [tilespmem:$0x1F6A0]  }
0x208: {  	[tilespmem:$0x2A70] =	vst v32;
	v32 =	vld [tilespmem:$0x1F720]  }
0x209: {  	[tilespmem:$0x2E30] =	vst v38;
	v38 =	vld [tilespmem:$0x1F760]  }
0x20a: {  	[tilespmem:$0x2E00] =	vst v45;
	v45 =	vld [tilespmem:$0x1E40]  }
0x20b: {  	[tilespmem:$0x2E40] =	vst v47;
	v47 =	vld [tilespmem:$0x1F770];
	v11 =	vadd.f32 v25, v0  }
0x20c: {  	v25 =	vld [tilespmem:$0x1A40]  }
0x20d: {  	[tilespmem:$0x2E50] =	vst v11;
	v11 =	vld [tilespmem:$0x1F880]  }
0x20e: {  	v53 =	vadd.f32 v60, v52;
	v60 =	vld [tilespmem:$0x1F170]  }
0x20f: {  	v29 =	vadd.f32 v28, v17;
	v17 =	vld [tilespmem:$0x1F1E0]  }
0x210: {  	v28 =	vld [tilespmem:$0x1F220]  }
0x211: {  	[tilespmem:$0x1FD40] =	vst v33;
	v33 =	vld [tilespmem:$0x1F240]  }
0x212: {  	v46 =	vadd.f32 v34, v1;
	v34 =	vld [tilespmem:$0x1AC0]  }
0x213: {  	v1 =	vadd.f32 v48, v40;
	v48 =	vld [tilespmem:$0x1F260]  }
0x214: {  	v8 =	vadd.f32 v7, v58;
	v58 =	vld [tilespmem:$0x1F270]  }
0x215: {  	[tilespmem:$0x1FD20] =	vst v59;
	v59 =	vld [tilespmem:$0x1F280]  }
0x216: {  	v13 =	vadd.f32 v12, v61;
	v61 =	vld [tilespmem:$0x1F290]  }
0x217: {  	v7 =	vld [tilespmem:$0x1F2B0]  }
0x218: {  	[tilespmem:$0x1FDA0] =	vst v9;
	v9 =	vld [tilespmem:$0x1F2D0]  }
0x219: {  	v12 =	vld [tilespmem:$0x1AD0]  }
0x21a: {  	[tilespmem:$0x1FD80] =	vst v14;
	v14 =	vld [tilespmem:$0x1F2F0]  }
0x21b: {  	[tilespmem:$0x1FD90] =	vst v18;
	v18 =	vld [tilespmem:$0x1F310]  }
0x21c: {  	[tilespmem:$0x1FF20] =	vst v37;
	v37 =	vld [tilespmem:$0x1F750]  }
0x21d: {  	[tilespmem:$0x1FFA0] =	vst v45;
	v45 =	vld [tilespmem:$0x1D60]  }
0x21e: {  	[tilespmem:$0x1FDD0] =	vst v25;
	v25 =	vld [tilespmem:$0x19E0]  }
0x21f: {  	v40 =	vadd.f32 v51, v29;
	v29 =	vld [tilespmem:$0x1F230]  }
0x220: {  	v1 =	vadd.f32 v57, v1;
	v57 =	vld [tilespmem:$0x1950]  }
0x221: {  	v51 =	vadd.f32 v15, v8;
	v8 =	vld [tilespmem:$0x1F2C0]  }
0x222: {  	[tilespmem:$0x1FD70] =	vst v50;
	v50 =	vadd.f32 v19, v13;
	v13 =	vld [tilespmem:$0x1F2E0]  }
0x223: {  	v15 =	vld [tilespmem:$0x1F300]  }
0x224: {  	v19 =	vld [tilespmem:$0x1F320]  }
0x225: {  	[tilespmem:$0x2E60] =	vst v46;
	v46 =	vld [tilespmem:$0x1E60]  }
0x226: {  	v54 =	vadd.f32 v5, v1;
	v5 =	vld [tilespmem:$0x1A50]  }
0x227: {  	[tilespmem:$0x2E70] =	vst v40;
	v40 =	vld [tilespmem:$0x1ED0]  }
0x228: {  	[tilespmem:$0x2AB0] =	vst v50;
	v50 =	vld [tilespmem:$0x1E70]  }
0x229: {  	v2 =	vadd.f32 v60, v53;
	v60 =	vld [tilespmem:$0x19D0]  }
0x22a: {  	v53 =	vadd.f32 v62, v48;
	v62 =	vld [tilespmem:$0x1F2A0]  }
0x22b: {  	v1 =	vadd.f32 v17, v16;
	v17 =	vld [tilespmem:$0x1960]  }
0x22c: {  	[tilespmem:$0x1FE50] =	vst v12;
	v12 =	vld [tilespmem:$0x1F3D0]  }
0x22d: {  	[tilespmem:$0x2E20] =	vst v39;
	v39 =	vadd.f32 v38, v37;
	v37 =	vld [tilespmem:$0x1F840]  }
0x22e: {  	[tilespmem:$0x1FDF0] =	vst v25;
	v25 =	vld [tilespmem:$0x1F430]  }
0x22f: {  	[tilespmem:$0x2A80] =	vst v54;
	v54 =	vld [tilespmem:$0x1F850]  }
0x230: {  	v52 =	vadd.f32 v10, v2;
	v2 =	vadd.f32 v23, v20;
	v20 =	vld [tilespmem:$0x1F330]  }
0x231: {  	v1 =	vadd.f32 v28, v1;
	v28 =	vld [tilespmem:$0x1F340]  }
0x232: {  	v3 =	vadd.f32 v33, v29;
	v29 =	vld [tilespmem:$0x1F350]  }
0x233: {  	v33 =	vld [tilespmem:$0x1F360]  }
0x234: {  	[tilespmem:$0x1FDB0] =	vst v57;
	v57 =	vld [tilespmem:$0x1F370]  }
0x235: {  	v10 =	vadd.f32 v9, v8;
	v8 =	vld [tilespmem:$0x1970]  }
0x236: {  	v9 =	vld [tilespmem:$0x1F3B0]  }
0x237: {  	v16 =	vadd.f32 v15, v14;
	v14 =	vld [tilespmem:$0x19F0]  }
0x238: {  	v15 =	vld [tilespmem:$0x1F3E0]  }
0x239: {  	v2 =	vadd.f32 v41, v2;
	v41 =	vld [tilespmem:$0x1A60]  }
0x23a: {  	v48 =	vadd.f32 v58, v1;
	v58 =	vld [tilespmem:$0x1F380]  }
0x23b: {  	[tilespmem:$0x2A90] =	vst v52;
	v52 =	vld [tilespmem:$0x1DF0]  }
0x23c: {  	[tilespmem:$0x1FD60] =	vst v63;
	v3 =	vadd.f32 v59, v3;
	v63 =	vadd.f32 v62, v53;
	v62 =	vld [tilespmem:$0x1AE0]  }
0x23d: {  	[tilespmem:$0x1FDE0] =	vst v17;
	v17 =	vld [tilespmem:$0x1F400]  }
0x23e: {  	v55 =	vadd.f32 v7, v3;
	v3 =	vadd.f32 v18, v10;
	v10 =	vld [tilespmem:$0x1F3C0]  }
0x23f: {  	v53 =	vadd.f32 v13, v63;
	v63 =	vld [tilespmem:$0x1F390]  }
0x240: {  	[tilespmem:$0x1FD10] =	vst v56;
	v56 =	vadd.f32 v61, v2;
	v2 =	vadd.f32 v28, v16;
	v16 =	vld [tilespmem:$0x1F3F0]  }
0x241: {  	v23 =	vadd.f32 v20, v19;
	v19 =	vld [tilespmem:$0x1A70]  }
0x242: {  	v20 =	vld [tilespmem:$0x1F410]  }
0x243: {  	[tilespmem:$0x1FE30] =	vst v34;
	v34 =	vadd.f32 v33, v29;
	v29 =	vld [tilespmem:$0x1AF0]  }
0x244: {  	v33 =	vld [tilespmem:$0x1F440]  }
0x245: {  	[tilespmem:$0x1FE10] =	vst v8;
	v8 =	vld [tilespmem:$0x1D80]  }
0x246: {  	[tilespmem:$0x1FE20] =	vst v14;
	v14 =	vld [tilespmem:$0x1F4C0]  }
0x247: {  	[tilespmem:$0x2AE0] =	vst v55;
	v55 =	vld [tilespmem:$0x1F910]  }
0x248: {  	[tilespmem:$0x2AD0] =	vst v56;
	v56 =	vld [tilespmem:$0x1F920]  }
0x249: {  	v59 =	vadd.f32 v58, v23;
	v23 =	vld [tilespmem:$0x1F420]  }
0x24a: {  	v7 =	vadd.f32 v4, v34;
	v34 =	vld [tilespmem:$0x1F450]  }
0x24b: {  	[tilespmem:$0x1FE40] =	vst v41;
	v41 =	vld [tilespmem:$0x1F460]  }
0x24c: {  	[tilespmem:$0x2AF0] =	vst v53;
	v53 =	vld [tilespmem:$0x1B00]  }
0x24d: {  	[tilespmem:$0x1FE70] =	vst v62;
	v62 =	vld [tilespmem:$0x1D00]  }
0x24e: {  	v58 =	vadd.f32 v15, v7;
	v7 =	vld [tilespmem:$0x1F480]  }
0x24f: {  	v59 =	vadd.f32 v9, v59;
	v9 =	vld [tilespmem:$0x1F490]  }
0x250: {  	v13 =	vadd.f32 v12, v10;
	v10 =	vld [tilespmem:$0x1F4A0]  }
0x251: {  	v12 =	vld [tilespmem:$0x1E00]  }
0x252: {  	v15 =	vld [tilespmem:$0x1F4D0]  }
0x253: {  	[tilespmem:$0x1FDC0] =	vst v60;
	v60 =	vadd.f32 v63, v2;
	v63 =	vld [tilespmem:$0x1F470]  }
0x254: {  	[tilespmem:$0x1FEA0] =	vst v29;
	v29 =	vld [tilespmem:$0x1D10]  }
0x255: {  	[tilespmem:$0x1FE90] =	vst v8;
	v8 =	vld [tilespmem:$0x1F550]  }
0x256: {  	v61 =	vadd.f32 v57, v3;
	v3 =	vadd.f32 v20, v13;
	v13 =	vld [tilespmem:$0x1F4B0]  }
0x257: {  	v20 =	vld [tilespmem:$0x1F4E0]  }
0x258: {  	v18 =	vadd.f32 v17, v16;
	[tilespmem:$0x2EB0] =	vst v58;
	v58 =	vld [tilespmem:$0x1FA60]  }
0x259: {  	[tilespmem:$0x2EA0] =	vst v59;
	v59 =	vld [tilespmem:$0x1C10]  }
0x25a: {  	v2 =	vadd.f32 v33, v18;
	v18 =	vld [tilespmem:$0x1E80]  }
0x25b: {  	v28 =	vadd.f32 v25, v23;
	v23 =	vld [tilespmem:$0x1F4F0]  }
0x25c: {  	v25 =	vld [tilespmem:$0x1F500]  }
0x25d: {  	v33 =	vld [tilespmem:$0x1F510]  }
0x25e: {  	v57 =	vadd.f32 v41, v34;
	v34 =	vld [tilespmem:$0x1F520]  }
0x25f: {  	v41 =	vld [tilespmem:$0x1F530]  }
0x260: {  	[tilespmem:$0x2E90] =	vst v60;
	v60 =	vld [tilespmem:$0x1FA70]  }
0x261: {  	[tilespmem:$0x1FE00] =	vst v5;
	v5 =	vadd.f32 v10, v57;
	v57 =	vld [tilespmem:$0x1D90]  }
0x262: {  	v4 =	vadd.f32 v7, v28;
	v7 =	vld [tilespmem:$0x1F540]  }
0x263: {  	[tilespmem:$0x1FE60] =	vst v19;
	v19 =	vadd.f32 v9, v2;
	v9 =	vld [tilespmem:$0x1F560]  }
0x264: {  	[tilespmem:$0x1FEB0] =	vst v29;
	v29 =	vld [tilespmem:$0x1F5B0]  }
0x265: {  	v16 =	vadd.f32 v63, v3;
	v63 =	vadd.f32 v20, v5;
	v20 =	vld [tilespmem:$0x1F580]  }
0x266: {  	[tilespmem:$0x1FE80] =	vst v62;
	v17 =	vadd.f32 v15, v14;
	v62 =	vadd.f32 v13, v4;
	v13 =	vld [tilespmem:$0x1F620]  }
0x267: {  	[tilespmem:$0x2ED0] =	vst v19;
	v19 =	vld [tilespmem:$0x1FB20]  }
0x268: {  	v4 =	vadd.f32 v33, v17;
	v17 =	vld [tilespmem:$0x1E10]  }
0x269: {  	[tilespmem:$0x1FF30] =	vst v18;
	v18 =	vld [tilespmem:$0x1F570]  }
0x26a: {  	v28 =	vadd.f32 v25, v23;
	v23 =	vld [tilespmem:$0x1E90]  }
0x26b: {  	v25 =	vld [tilespmem:$0x1F5A0]  }
0x26c: {  	v33 =	vld [tilespmem:$0x1F5D0]  }
0x26d: {  	[tilespmem:$0x2DE0] =	vst v42;
	v42 =	vadd.f32 v41, v34;
	v41 =	vld [tilespmem:$0x1F5F0]  }
0x26e: {  	[tilespmem:$0x2EC0] =	vst v16;
	v16 =	vld [tilespmem:$0x1FB10]  }
0x26f: {  	[tilespmem:$0x2EE0] =	vst v62;
	v62 =	vld [tilespmem:$0x1FA80]  }
0x270: {  	v5 =	vadd.f32 v7, v28;
	v28 =	vld [tilespmem:$0x1D20]  }
0x271: {  	v10 =	vadd.f32 v9, v8;
	v9 =	vld [tilespmem:$0x1E20]  }
0x272: {  	v8 =	vld [tilespmem:$0x1F6B0]  }
0x273: {  	[tilespmem:$0x2DD0] =	vst v6;
	v6 =	vadd.f32 v20, v42;
	v42 =	vld [tilespmem:$0x1F600]  }
0x274: {  	v15 =	vadd.f32 v24, v5;
	v24 =	vld [tilespmem:$0x1EA0]  }
0x275: {  	v5 =	vld [tilespmem:$0x1F790]  }
0x276: {  	v7 =	vadd.f32 v25, v10;
	v10 =	vld [tilespmem:$0x1F610]  }
0x277: {  	[tilespmem:$0x1FF00] =	vst v17;
	v17 =	vld [tilespmem:$0x1F630]  }
0x278: {  	v25 =	vld [tilespmem:$0x1F640]  }
0x279: {  	v34 =	vadd.f32 v33, v31;
	v31 =	vld [tilespmem:$0x1D30]  }
0x27a: {  	v33 =	vld [tilespmem:$0x1F670]  }
0x27b: {  	v14 =	vadd.f32 v18, v4;
	v4 =	vld [tilespmem:$0x1EC0]  }
0x27c: {  	[tilespmem:$0x1FF50] =	vst v23;
	v23 =	vadd.f32 v29, v6;
	v29 =	vld [tilespmem:$0x1F660]  }
0x27d: {  	v6 =	vld [tilespmem:$0x1E30]  }
0x27e: {  	[tilespmem:$0x1FEE0] =	vst v28;
	v28 =	vld [tilespmem:$0x1F650]  }
0x27f: {  	v18 =	vadd.f32 v36, v7;
	v36 =	vld [tilespmem:$0x1F680]  }
0x280: {  	[tilespmem:$0x1FF40] =	vst v9;
	v9 =	vld [tilespmem:$0x1F6C0]  }
0x281: {  	[tilespmem:$0x2B20] =	vst v23;
	v23 =	vld [tilespmem:$0x1FB30]  }
0x282: {  	[tilespmem:$0x1FF70] =	vst v24;
	v24 =	vld [tilespmem:$0x1F6F0]  }
0x283: {  	[tilespmem:$0x2B30] =	vst v18;
	v18 =	vld [tilespmem:$0x1FC20]  }
0x284: {  	[tilespmem:$0x1FED0] =	vst v12;
	v12 =	vadd.f32 v10, v34;
	v10 =	vld [tilespmem:$0x1F6D0]  }
0x285: {  	v20 =	vadd.f32 v17, v13;
	v17 =	vld [tilespmem:$0x1EB0]  }
0x286: {  	[tilespmem:$0x1FF10] =	vst v31;
	v31 =	vld [tilespmem:$0x1F710]  }
0x287: {  	[tilespmem:$0x1FFB0] =	vst v4;
	v4 =	vld [tilespmem:$0x1F860]  }
0x288: {  	[tilespmem:$0x1FF60] =	vst v6;
	v6 =	vld [tilespmem:$0x1F7A0]  }
0x289: {  	[tilespmem:$0x1FEF0] =	vst v35;
	v35 =	vadd.f32 v36, v20;
	v20 =	vld [tilespmem:$0x1F6E0]  }
0x28a: {  	[tilespmem:$0x2A30] =	vst v30;
	v30 =	vadd.f32 v29, v28;
	v28 =	vld [tilespmem:$0x1F700]  }
0x28b: {  	[tilespmem:$0x1FEC0] =	vst v57;
	v57 =	vadd.f32 v42, v41;
	v42 =	vadd.f32 v33, v12;
	v33 =	vld [tilespmem:$0x1F730]  }
0x28c: {  	v36 =	vld [tilespmem:$0x1F740]  }
0x28d: {  	v7 =	vadd.f32 v25, v57;
	v57 =	vadd.f32 v49, v30;
	v30 =	vld [tilespmem:$0x1D40]  }
0x28e: {  	v49 =	vld [tilespmem:$0x1F780]  }
0x28f: {  	v12 =	vadd.f32 v10, v9;
	v10 =	vld [tilespmem:$0x1F7B0]  }
0x290: {  	v9 =	vld [tilespmem:$0x1F870]  }
0x291: {  	v13 =	vadd.f32 v43, v7;
	v7 =	vadd.f32 v6, v39;
	v39 =	vld [tilespmem:$0x1E50]  }
0x292: {  	v6 =	vld [tilespmem:$0x1F940]  }
0x293: {  	v2 =	vadd.f32 v20, v57;
	v57 =	vld [tilespmem:$0x1DC0]  }
0x294: {  	v25 =	vadd.f32 v8, v35;
	v35 =	vadd.f32 v31, v12;
	v12 =	vld [tilespmem:$0x1F7C0]  }
0x295: {  	v29 =	vadd.f32 v28, v24;
	v24 =	vld [tilespmem:$0x1F7D0]  }
0x296: {  	v31 =	vld [tilespmem:$0x1F800]  }
0x297: {  	v34 =	vadd.f32 v33, v32;
	v33 =	vld [tilespmem:$0x1F810]  }
0x298: {  	v41 =	vadd.f32 v36, v29;
	v29 =	vld [tilespmem:$0x1F7E0]  }
0x299: {  	[tilespmem:$0x1FF80] =	vst v30;
	v30 =	vld [tilespmem:$0x1F7F0]  }
0x29a: {  	v43 =	vadd.f32 v49, v34;
	v34 =	vld [tilespmem:$0x1F820]  }
0x29b: {  	[tilespmem:$0x1FF90] =	vst v17;
	v17 =	vadd.f32 v47, v35;
	v35 =	vld [tilespmem:$0x1F830]  }
0x29c: {  	v47 =	vld [tilespmem:$0x1DE0]  }
0x29d: {  	v49 =	vld [tilespmem:$0x1D70]  }
0x29e: {  	v20 =	vadd.f32 v5, v41;
	v41 =	vld [tilespmem:$0x1D50]  }
0x29f: {  	v10 =	vadd.f32 v10, v43;
	v43 =	vld [tilespmem:$0x1DD0]  }
0x2a0: {  	v5 =	vadd.f32 v4, v54;
	v4 =	vld [tilespmem:$0x1F930];
	v28 =	vadd.f32 v24, v12  }
0x2a1: {  	[tilespmem:$0x2F00] =	vst v17;
	v17 =	vld [tilespmem:$0x1FC10]  }
0x2a2: {  	[tilespmem:$0x2E10] =	vst v44;
	v44 =	vadd.f32 v33, v28;
	v28 =	vld [tilespmem:$0x1F890]  }
0x2a3: {  	v12 =	vadd.f32 v29, v7;
	v29 =	vld [tilespmem:$0x1F8A0]  }
0x2a4: {  	v32 =	vadd.f32 v31, v30;
	v31 =	vld [tilespmem:$0x1F8B0]  }
0x2a5: {  	v33 =	vld [tilespmem:$0x1F8D0]  }
0x2a6: {  	v36 =	vadd.f32 v35, v34;
	v35 =	vld [tilespmem:$0x1F8E0]  }
0x2a7: {  	v38 =	vadd.f32 v37, v32;
	v32 =	vld [tilespmem:$0x1F8C0]  }
0x2a8: {  	[tilespmem:$0x2AA0] =	vst v51;
	v51 =	vadd.f32 v9, v44;
	v44 =	vld [tilespmem:$0x1EE0]  }
0x2a9: {  	v24 =	vadd.f32 v11, v36;
	v36 =	vld [tilespmem:$0x1F8F0]  }
0x2aa: {  	v37 =	vld [tilespmem:$0x1F900]  }
0x2ab: {  	v9 =	vadd.f32 v31, v24;
	v24 =	vld [tilespmem:$0x1F950]  }
0x2ac: {  	v8 =	vadd.f32 v28, v38;
	v30 =	vadd.f32 v29, v5;
	v28 =	vld [tilespmem:$0x1F960]  }
0x2ad: {  	v31 =	vld [tilespmem:$0x1F980]  }
0x2ae: {  	v11 =	vadd.f32 v35, v30;
	v30 =	vld [tilespmem:$0x1F970]  }
0x2af: {  	v34 =	vadd.f32 v33, v32;
	v32 =	vld [tilespmem:$0x1F990]  }
0x2b0: {  	v33 =	vld [tilespmem:$0x1F9A0]  }
0x2b1: {  	v35 =	vld [tilespmem:$0x1F9B0]  }
0x2b2: {  	v38 =	vadd.f32 v37, v36;
	v36 =	vld [tilespmem:$0x1F9C0]  }
0x2b3: {  	v37 =	vld [tilespmem:$0x1F9D0]  }
0x2b4: {  	[tilespmem:$0x2AC0] =	vst v48;
	v48 =	vadd.f32 v55, v34;
	v55 =	vld [tilespmem:$0x1B80]  }
0x2b5: {  	v5 =	vadd.f32 v4, v56;
	v29 =	vadd.f32 v28, v24;
	v24 =	vld [tilespmem:$0x1F9F0]  }
0x2b6: {  	v7 =	vadd.f32 v6, v38;
	v28 =	vld [tilespmem:$0x1FA00]  }
0x2b7: {  	v54 =	vadd.f32 v31, v5;
	v56 =	vadd.f32 v30, v48;
	v48 =	vld [tilespmem:$0x1EF0]  }
0x2b8: {  	[tilespmem:$0x2E80] =	vst v61;
	v61 =	vadd.f32 v32, v7;
	v7 =	vld [tilespmem:$0x1F9E0]  }
0x2b9: {  	v6 =	vadd.f32 v35, v54;
	v54 =	vld [tilespmem:$0x1C00]  }
0x2ba: {  	v30 =	vld [tilespmem:$0x1FA10]  }
0x2bb: {  	v32 =	vld [tilespmem:$0x1FA20]  }
0x2bc: {  	v34 =	vadd.f32 v33, v29;
	v33 =	vld [tilespmem:$0x1FA30]  }
0x2bd: {  	v35 =	vld [tilespmem:$0x1FA40]  }
0x2be: {  	v38 =	vadd.f32 v37, v36;
	v37 =	vld [tilespmem:$0x1FA50]  }
0x2bf: {  	[tilespmem:$0x2B80] =	vst v56;
	v56 =	vld [tilespmem:$0x1CD0]  }
0x2c0: {  	[tilespmem:$0x2B90] =	vst v61;
	v61 =	vld [tilespmem:$0x1B60]  }
0x2c1: {  	v29 =	vadd.f32 v28, v24;
	v24 =	vld [tilespmem:$0x1FA90]  }
0x2c2: {  	v28 =	vld [tilespmem:$0x1FAA0]  }
0x2c3: {  	v31 =	vadd.f32 v30, v38;
	v38 =	vld [tilespmem:$0x1C80]  }
0x2c4: {  	v0 =	vadd.f32 v58, v37;
	v58 =	vld [tilespmem:$0x1B10]  }
0x2c5: {  	v36 =	vadd.f32 v35, v29;
	v29 =	vld [tilespmem:$0x1FAB0]  }
0x2c6: {  	v30 =	vld [tilespmem:$0x1FAC0]  }
0x2c7: {  	v37 =	vld [tilespmem:$0x1C90]  }
0x2c8: {  	v7 =	vadd.f32 v7, v34;
	v34 =	vadd.f32 v33, v32;
	v33 =	vld [tilespmem:$0x1FAE0]  }
0x2c9: {  	v35 =	vld [tilespmem:$0x1FB00]  }
0x2ca: {  	v5 =	vadd.f32 v60, v31;
	v60 =	vld [tilespmem:$0x1B90]  }
0x2cb: {  	v31 =	vld [tilespmem:$0x1FAD0]  }
0x2cc: {  	v4 =	vadd.f32 v62, v34;
	v34 =	vld [tilespmem:$0x1FAF0]  }
0x2cd: {  	v62 =	vld [tilespmem:$0x1B20]  }
0x2ce: {  	v0 =	vadd.f32 v28, v0;
	v28 =	vld [tilespmem:$0x1FB40]  }
0x2cf: {  	[tilespmem:$0x2EF0] =	vst v63;
	v63 =	vadd.f32 v24, v36;
	v24 =	vadd.f32 v23, v19;
	v19 =	vld [tilespmem:$0x1FB80]  }
0x2d0: {  	v23 =	vld [tilespmem:$0x1FC40]  }
0x2d1: {  	[tilespmem:$0x2BC0] =	vst v5;
	v5 =	vld [tilespmem:$0x1FDD0]  }
0x2d2: {  	[tilespmem:$0x2B00] =	vst v14;
	v14 =	vadd.f32 v29, v4;
	v29 =	vld [tilespmem:$0x1FB50]  }
0x2d3: {  	v4 =	vadd.f32 v33, v0;
	v33 =	vld [tilespmem:$0x1FBE0]  }
0x2d4: {  	[tilespmem:$0x2BD0] =	vst v63;
	v63 =	vld [tilespmem:$0x1FE20]  }
0x2d5: {  	v36 =	vadd.f32 v35, v34;
	v34 =	vld [tilespmem:$0x1BA0]  }
0x2d6: {  	v32 =	vadd.f32 v31, v30;
	v30 =	vld [tilespmem:$0x1FB60]  }
0x2d7: {  	v35 =	vld [tilespmem:$0x1C20]  }
0x2d8: {  	[tilespmem:$0x2BE0] =	vst v14;
	v14 =	vld [tilespmem:$0x1FE30]  }
0x2d9: {  	v0 =	vadd.f32 v16, v32;
	v16 =	vld [tilespmem:$0x1FB70]  }
0x2da: {  	[tilespmem:$0x2B10] =	vst v15;
	v15 =	vadd.f32 v28, v36;
	v36 =	vld [tilespmem:$0x1CA0]  }
0x2db: {  	v28 =	vld [tilespmem:$0x1FBA0]  }
0x2dc: {  	v32 =	vld [tilespmem:$0x1B30]  }
0x2dd: {  	v31 =	vadd.f32 v30, v29;
	v29 =	vld [tilespmem:$0x1FBB0]  }
0x2de: {  	v30 =	vld [tilespmem:$0x1FBC0]  }
0x2df: {  	[tilespmem:$0x2B40] =	vst v42;
	v42 =	vadd.f32 v16, v0;
	v0 =	vadd.f32 v19, v24;
	v24 =	vld [tilespmem:$0x1FB90]  }
0x2e0: {  	v1 =	vadd.f32 v28, v31;
	v31 =	vld [tilespmem:$0x1FBD0]  }
0x2e1: {  	v28 =	vld [tilespmem:$0x1BB0]  }
0x2e2: {  	v16 =	vld [tilespmem:$0x1FC00]  }
0x2e3: {  	v19 =	vld [tilespmem:$0x1FC30]  }
0x2e4: {  	v3 =	vadd.f32 v33, v1;
	v33 =	vld [tilespmem:$0x1CB0]  }
0x2e5: {  	[tilespmem:$0x2F80] =	vst v42;
	v42 =	vld [tilespmem:$0x1FE90]  }
0x2e6: {  	[tilespmem:$0x2B60] =	vst v25;
	v25 =	vadd.f32 v29, v0;
	v29 =	vld [tilespmem:$0x1FC60]  }
0x2e7: {  	[tilespmem:$0x2B50] =	vst v13;
	v13 =	vadd.f32 v24, v15;
	v15 =	vld [tilespmem:$0x1FBF0]  }
0x2e8: {  	v0 =	vadd.f32 v31, v30;
	v31 =	vld [tilespmem:$0x1C30]  }
0x2e9: {  	v24 =	vld [tilespmem:$0x1FC50]  }
0x2ea: {  	[tilespmem:$0x2B70] =	vst v2;
	v2 =	vadd.f32 v19, v18;
	v18 =	vld [tilespmem:$0x1FC90]  }
0x2eb: {  	v19 =	vld [tilespmem:$0x1FCA0]  }
0x2ec: {  	[tilespmem:$0x2FA0] =	vst v25;
	v25 =	vld [tilespmem:$0x1FED0]  }
0x2ed: {  	v30 =	vadd.f32 v26, v2;
	v26 =	vld [tilespmem:$0x1BC0]  }
0x2ee: {  	v0 =	vadd.f32 v17, v0;
	v17 =	vld [tilespmem:$0x1FC80]  }
0x2ef: {  	[tilespmem:$0x2F90] =	vst v13;
	v13 =	vld [tilespmem:$0x1FEA0]  }
0x2f0: {  	v2 =	vld [tilespmem:$0x1FF00]  }
0x2f1: {  	[tilespmem:$0x2F20] =	vst v10;
	v10 =	vadd.f32 v21, v0;
	v21 =	vld [tilespmem:$0x1FCB0]  }
0x2f2: {  	v1 =	vadd.f32 v16, v15;
	v15 =	vld [tilespmem:$0x1FC70]  }
0x2f3: {  	v0 =	vadd.f32 v19, v18;
	v19 =	vld [tilespmem:$0x1FD00]  }
0x2f4: {  	v18 =	vld [tilespmem:$0x1FD60]  }
0x2f5: {  	[tilespmem:$0x2FC0] =	vst v10;
	v10 =	vld [tilespmem:$0x1FF30]  }
0x2f6: {  	[tilespmem:$0x2F10] =	vst v20;
	v20 =	vadd.f32 v23, v1;
	v1 =	vadd.f32 v29, v24;
	v29 =	vld [tilespmem:$0x1B40]  }
0x2f7: {  	[tilespmem:$0x2F40] =	vst v51;
	v51 =	vadd.f32 v17, v30;
	v30 =	vld [tilespmem:$0x1CC0]  }
0x2f8: {  	v23 =	vld [tilespmem:$0x1FCC0]  }
0x2f9: {  	v24 =	vld [tilespmem:$0x1FCD0]  }
0x2fa: {  	v0 =	vadd.f32 v22, v0;
	v22 =	vld [tilespmem:$0x1BD0]  }
0x2fb: {  	v16 =	vadd.f32 v27, v1;
	v27 =	vld [tilespmem:$0x1C40]  }
0x2fc: {  	[tilespmem:$0x2F30] =	vst v12;
	v12 =	vadd.f32 v15, v20;
	v15 =	vld [tilespmem:$0x1FCE0]  }
0x2fd: {  	[tilespmem:$0x2F50] =	vst v8;
	v8 =	vadd.f32 v21, v16;
	v16 =	vld [tilespmem:$0x1FCF0]  }
0x2fe: {  	v1 =	vld [tilespmem:$0x1FEE0]  }
0x2ff: {  	[tilespmem:$0x2FE0] =	vst v51;
	v51 =	vld [tilespmem:$0x1FF70]  }
0x300: {  	v21 =	vld [tilespmem:$0x1FD10]  }
0x301: {  	v20 =	vadd.f32 v24, v23;
	v23 =	vld [tilespmem:$0x1FD20]  }
0x302: {  	v17 =	vadd.f32 v16, v15;
	v16 =	vld [tilespmem:$0x1FD40]  }
0x303: {  	v24 =	vld [tilespmem:$0x1B50]  }
0x304: {  	[tilespmem:$0x2F70] =	vst v11;
	v11 =	vadd.f32 v19, v20;
	v19 =	vld [tilespmem:$0x1FD70]  }
0x305: {  	[tilespmem:$0x2FD0] =	vst v12;
	v12 =	vld [tilespmem:$0x1FF50]  }
0x306: {  	v15 =	vld [tilespmem:$0x1FD30]  }
0x307: {  	[tilespmem:$0x2F60] =	vst v9;
	v20 =	vadd.f32 v23, v21;
	v21 =	vld [tilespmem:$0x1FD80];
	v9 =	vadd.f32 v16, v17  }
0x308: {  	v17 =	vld [tilespmem:$0x1FD50]  }
0x309: {  	[tilespmem:$0x2BA0] =	vst v6;
	v6 =	vadd.f32 v19, v9;
	v19 =	vld [tilespmem:$0x1FDA0]  }
0x30a: {  	v9 =	vld [tilespmem:$0x1FD90]  }
0x30b: {  	v55 =	vadd.f32 v55, v53;
	v53 =	vadd.f32 v26, v29;
	v29 =	vld [tilespmem:$0x1FD0]  }
0x30c: {  	v20 =	vadd.f32 v18, v20;
	v16 =	vld [tilespmem:$0x1FE00]  }
0x30d: {  	v11 =	vadd.f32 v17, v11;
	v17 =	vld [tilespmem:$0x1FE10]  }
0x30e: {  	[tilespmem:$0x2BB0] =	vst v7;
	v7 =	vadd.f32 v19, v20;
	v20 =	vld [tilespmem:$0x1FDB0]  }
0x30f: {  	v0 =	vadd.f32 v15, v0;
	v15 =	vadd.f32 v9, v21;
	v21 =	vld [tilespmem:$0x1FDC0]  }
0x310: {  	v9 =	vld [tilespmem:$0x1FDE0]  }
0x311: {  	v5 =	vadd.f32 v5, v15;
	v15 =	vld [tilespmem:$0x1FDF0]  }
0x312: {  	v18 =	vld [tilespmem:$0x1BE0]  }
0x313: {  	v63 =	vadd.f32 v63, v17;
	v17 =	vld [tilespmem:$0x1FE50]  }
0x314: {  	[tilespmem:$0x2FF0] =	vst v8;
	v8 =	vld [tilespmem:$0x1FF90];
	v20 =	vadd.f32 v21, v20  }
0x315: {  	v23 =	vld [tilespmem:$0x1C50]  }
0x316: {  	v9 =	vadd.f32 v15, v9;
	v20 =	vadd.f32 v16, v20;
	v15 =	vld [tilespmem:$0x1FE40]  }
0x317: {  	v18 =	vadd.f32 v18, v61;
	v61 =	vld [tilespmem:$0x20C0]  }
0x318: {  	[tilespmem:$0x2BF0] =	vst v4;
	v4 =	vadd.f32 v17, v20;
	v20 =	vld [tilespmem:$0x1FE60]  }
0x319: {  	[tilespmem:$0x2C20] =	vst v6;
	v6 =	vadd.f32 v54, v55;
	v54 =	vld [tilespmem:$0x1FC0]  }
0x31a: {  	v17 =	vld [tilespmem:$0x1FE80]  }
0x31b: {  	v9 =	vadd.f32 v15, v9;
	v15 =	vld [tilespmem:$0x1FE70]  }
0x31c: {  	v19 =	vld [tilespmem:$0x1C60]  }
0x31d: {  	v5 =	vadd.f32 v14, v5;
	v14 =	vld [tilespmem:$0x1BF0];
	v20 =	vadd.f32 v20, v63  }
0x31e: {  	v21 =	vld [tilespmem:$0x1CE0]  }
0x31f: {  	v13 =	vadd.f32 v13, v20;
	v20 =	vld [tilespmem:$0x1FEC0]  }
0x320: {  	v42 =	vadd.f32 v42, v17;
	v9 =	vadd.f32 v15, v9;
	v15 =	vld [tilespmem:$0x1FEB0]  }
0x321: {  	v16 =	vld [tilespmem:$0x1B70]  }
0x322: {  	v25 =	vadd.f32 v25, v42;
	v42 =	vld [tilespmem:$0x1FEF0]  }
0x323: {  	v63 =	vld [tilespmem:$0x1C70]  }
0x324: {  	v10 =	vadd.f32 v10, v25;
	v25 =	vld [tilespmem:$0x1FF40]  }
0x325: {  	v17 =	vld [tilespmem:$0x1CF0];
	v20 =	vadd.f32 v20, v15  }
0x326: {  	[tilespmem:$0x3000] =	vst v10;
	v10 =	vld [tilespmem:$0x20B0]  }
0x327: {  	[tilespmem:$0x2FB0] =	vst v3;
	v42 =	vadd.f32 v42, v1;
	v3 =	vadd.f32 v2, v20;
	v2 =	vld [tilespmem:$0x1FF10]  }
0x328: {  	v20 =	vld [tilespmem:$0x1FF20]  }
0x329: {  	v1 =	vld [tilespmem:$0x1F80];
	v25 =	vadd.f32 v25, v42  }
0x32a: {  	v3 =	vadd.f32 v12, v3;
	v12 =	vld [tilespmem:$0x1FF60]  }
0x32b: {  	v25 =	vadd.f32 v51, v25;
	v51 =	vld [tilespmem:$0x1FF80]  }
0x32c: {  	v15 =	vld [tilespmem:$0x1F00]  }
0x32d: {  	v42 =	vld [tilespmem:$0x2080];
	v20 =	vadd.f32 v20, v2  }
0x32e: {  	[tilespmem:$0x3020] =	vst v25;
	v25 =	vld [tilespmem:$0x1F50]  }
0x32f: {  	v2 =	vld [tilespmem:$0x2000];
	v12 =	vadd.f32 v12, v20  }
0x330: {  	v51 =	vadd.f32 v57, v51;
	v57 =	vld [tilespmem:$0x1F90]  }
0x331: {  	v8 =	vadd.f32 v8, v12;
	v12 =	vadd.f32 v43, v41;
	v43 =	vld [tilespmem:$0x1FFA0]  }
0x332: {  	v60 =	vadd.f32 v60, v58;
	v1 =	vadd.f32 v1, v15;
	v20 =	vld [tilespmem:$0x1F10]  }
0x333: {  	v58 =	vadd.f32 v22, v24;
	[tilespmem:$0x2C10] =	vst v11;
	v41 =	vld [tilespmem:$0x2010];
	v11 =	vadd.f32 v39, v12  }
0x334: {  	[tilespmem:$0x2C00] =	vst v0;
	v6 =	vadd.f32 v38, v6;
	v1 =	vadd.f32 v2, v1;
	v39 =	vld [tilespmem:$0x1F20]  }
0x335: {  	[tilespmem:$0x2C30] =	vst v7;
	v12 =	vld [tilespmem:$0x2020];
	v7 =	vadd.f32 v40, v11;
	v11 =	vadd.f32 v59, v60  }
0x336: {  	[tilespmem:$0x2C80] =	vst v6;
	v40 =	vld [tilespmem:$0x20A0];
	v0 =	vadd.f32 v43, v51;
	v51 =	vadd.f32 v47, v45  }
0x337: {  	[tilespmem:$0x2C40] =	vst v5;
	v59 =	vld [tilespmem:$0x2040];
	v60 =	vadd.f32 v27, v53;
	v47 =	vadd.f32 v52, v49  }
0x338: {  	[tilespmem:$0x2C50] =	vst v4;
	v27 =	vadd.f32 v19, v18;
	v49 =	vld [tilespmem:$0x1FFB0];
	v51 =	vadd.f32 v46, v51  }
0x339: {  	[tilespmem:$0x2C70] =	vst v13;
	v43 =	vld [tilespmem:$0x1FA0];
	v52 =	vadd.f32 v50, v47;
	v46 =	vadd.f32 v34, v62  }
0x33a: {  	[tilespmem:$0x2C60] =	vst v9;
	v45 =	vld [tilespmem:$0x2090];
	v50 =	vadd.f32 v37, v11;
	v62 =	vadd.f32 v23, v58  }
0x33b: {  	[tilespmem:$0x3010] =	vst v3;
	v47 =	vld [tilespmem:$0x1FB0];
	v23 =	vadd.f32 v14, v16;
	v5 =	vadd.f32 v44, v51  }
0x33c: {  	[tilespmem:$0x3030] =	vst v8;
	v37 =	vld [tilespmem:$0x1F60];
	v4 =	vadd.f32 v48, v52;
	v48 =	vadd.f32 v28, v32  }
0x33d: {  	[tilespmem:$0x3050] =	vst v7;
	v44 =	vld [tilespmem:$0x1F30];
	v9 =	vadd.f32 v35, v46;
	v0 =	vadd.f32 v49, v0  }
0x33e: {  	v52 =	vld [tilespmem:$0x1F40];
	[tilespmem:$0x2C90] =	vst v50;
	v38 =	vadd.f32 v43, v39;
	v51 =	vadd.f32 v31, v48  }
0x33f: {  	v32 =	vld [tilespmem:$0x2050];
	v9 =	vadd.f32 v36, v9;
	[tilespmem:$0x3060] =	vst v5;
	v31 =	vadd.f32 v63, v23  }
0x340: {  	v50 =	vld [tilespmem:$0x2060];
	[tilespmem:$0x3070] =	vst v4;
	v5 =	vadd.f32 v21, v27;
	v36 =	vadd.f32 v57, v20  }
0x341: {  	v49 =	vld [tilespmem:$0x2030];
	[tilespmem:$0x3040] =	vst v0;
	v0 =	vadd.f32 v30, v60;
	v30 =	vadd.f32 v56, v62  }
0x342: {  	v39 =	vld [tilespmem:$0x1FE0];
	v46 =	vadd.f32 v12, v38;
	v55 =	vadd.f32 v33, v51;
	[tilespmem:$0x2CA0] =	vst v9  }
0x343: {  	v43 =	vld [tilespmem:$0x1F70];
	v35 =	vadd.f32 v17, v31;
	v7 =	vadd.f32 v41, v36;
	[tilespmem:$0x2CE0] =	vst v5  }
0x344: {  	v41 =	vadd.f32 v47, v44;
	[tilespmem:$0x2CC0] =	vst v0;
	v44 =	vadd.f32 v42, v1;
	v47 =	vld [tilespmem:$0x1FF0]  }
0x345: {  	v33 =	vld [tilespmem:$0x20D0];
	[tilespmem:$0x2CD0] =	vst v30;
	v1 =	vadd.f32 v40, v46;
	v51 =	vadd.f32 v54, v52  }
0x346: {  	v52 =	vld [tilespmem:$0x2070];
	v54 =	vadd.f32 v29, v25;
	[tilespmem:$0x2CB0] =	vst v55;
	v48 =	vadd.f32 v45, v7  }
0x347: {  	[tilespmem:$0x2CF0] =	vst v35;
	v55 =	vld [tilespmem:$0x20E0];
	v57 =	vadd.f32 v39, v37;
	v49 =	vadd.f32 v49, v41  }
0x348: {  	v58 =	vld [tilespmem:$0x20F0];
	[tilespmem:$0x3080] =	vst v44;
	v56 =	vadd.f32 v59, v51;
	v59 =	vadd.f32 v32, v54  }
0x349: {  	[tilespmem:$0x30A0] =	vst v1;
	v53 =	vadd.f32 v10, v49;
	v2 =	vadd.f32 v47, v43  }
0x34a: {  	[tilespmem:$0x3090] =	vst v48;
	v60 =	vadd.f32 v50, v57;
	v0 =	vadd.f32 v61, v56  }
0x34b: {  	v61 =	vadd.f32 v33, v59;
	[tilespmem:$0x30B0] =	vst v53;
	v2 =	vadd.f32 v52, v2  }
0x34c: {  	[tilespmem:$0x30C0] =	vst v0;
	v62 =	vadd.f32 v55, v60  }
0x34d: {  	[tilespmem:$0x30D0] =	vst v61;
	v63 =	vadd.f32 v58, v2  }
0x34e: {  	[tilespmem:$0x30E0] =	vst v62  }
0x34f: {  	[tilespmem:$0x30F0] =	vst v63  }
0x350: {  	[hbm4b:s8+s3] =	stream.linear.scatter [tilespmem:s17], [sflag:$0x3], $0x800, $0x38;
	[tilespmem:$0x3100] =	vst v63  }
0x351: {  	_ =	swait.ge [sflag:s11], $0x800  }
0x352: {  	p0 =	sne.s32 s10, $0x1;
	[sflag:s11] =	ssyncset.done $0x0  }
.Ltmp0:
0x353: {  	[sflag:s11] =	ssyncadd.s32 $0xFFFFF800;
	(pc) =	sbr.rel @p0 .LBB2_1-.Ltmp0, $4  }
0x354: {  	[hbm4b:s9+s3] =	stream.linear.scatter [tilespmem:s19], [sflag:$0x3], $0x800, $0x38;
	[tilespmem:$0x3100] =	vst v63  }
0x355: {  	_ =	swait.ge [sflag:s11], $0x800  }
0x356: {  	[sflag:s11] =	ssyncset.done $0x0  }
0x357: {  	s10 =	sadd.s32 $0xFFFFFFFF, s10;
	[sflag:s11] =	ssyncadd.s32 $0xFFFFF800  }
0x358: {  	_ =	sfence.sel $0x180000  }
0x359: {  	[bflag:$0x0] =	sbarrier.arrive $0xFFFF  }
0x35a: {  	p0 =	sne.s32 s2, $0x0;
	_ =	strace $0x90000047  }
0x35b: {  	s0 =	sadd.s32 @!p0 $0x100000, s0;
	[bflag:$0x2] =	sbarrier.arrive $0xFFFF  }
0x35c: {  	[sflag:s0] =	ssyncadd.tile.s32 @!p0 $0x1;
	_ =	shalt  }
.Lfunc_end2:
_tile_overlayer_lowered:
.L_overlay_start_2:
0x35d: {  	(tag) =	ssettag $0x2  }
0x35e: {  	s0 =	rddreg [dreg:$0x0];
	s2 =	stileid.u32  }
0x35f: {  	s1 =	rddreg [dreg:$0x1];
	p0 =	sne.s32 s2, $0x0  }
0x360: {  	s3 =	rddreg [dreg:$0x2];
	[bflag:$0x3] =	sbarrier.arrive $0xFFFF;
	s2 =	simm.s32 @!p0 $0x1C03  }
0x361: {  	[timem:s3], [sflag:s2] =	dma.local @!p0 [hbm:s0], s1  }
0x362: {  	s0 =	simm.s32 @!p0 $0x3  }
0x363: {  	_ =	swait.ge @!p0 [sflag:s0], s1  }
0x364: {  	s1 =	ssub.s32 @!p0 $0x0, s1;
	[sflag:s0] =	ssyncset.done @!p0 $0x0  }
0x365: {  	[sflag:s0] =	ssyncadd.s32 @!p0 s1  }
0x366: {  	[bflag:$0x3] =	sbarrier.arrive $0xFFFF  }
0x367: {  	_ =	shalt  }

</sc_bundles>
